<compile_context>
chip_gen: v7x
topology: tpu7x:2x2x1
jax: 0.10.2.dev20260603
libtpu: 0.0.44.dev20260713+nightly
codegen_flags: <defaults>
</compile_context>

<pallas_src>
import functools

import jax
import jax.numpy as jnp
from jax import lax
from jax.experimental import pallas as pl
from jax.experimental.pallas import tpu as pltpu
from jax.experimental.pallas import tpu_sc as plsc

N = 10000
D = 256
E = 160000

NUM_TILES = 16
CHUNK = 112
EPAD = 161280
EDGES_PER_TILE = EPAD // NUM_TILES
CHUNKS_PER_TILE = EDGES_PER_TILE // CHUNK
TW = 128
NPAD = 10240
ROWS_PER_TILE = NPAD // NUM_TILES
ZROWS = 80


def _sc_aggregate(h, src_r, dst_r):
  mesh = plsc.VectorSubcoreMesh(core_axis_name="c", subcore_axis_name="s")

  @functools.partial(
      pl.kernel,
      mesh=mesh,
      compiler_params=pltpu.CompilerParams(needs_layout_passes=False),
      out_type=[
          jax.ShapeDtypeStruct((NPAD, TW), jnp.float32),
          jax.ShapeDtypeStruct((NPAD, TW), jnp.float32),
          jax.ShapeDtypeStruct((2 * NUM_TILES, NPAD), jnp.float32),
      ],
      scratch_types=[
          pltpu.VMEM((CHUNK,), jnp.int32),
          pltpu.VMEM((CHUNK,), jnp.int32),
          pltpu.VMEM((CHUNK,), jnp.int32),
          pltpu.VMEM((CHUNK,), jnp.int32),
          pltpu.VMEM((CHUNK, TW), jnp.float32),
          pltpu.VMEM((CHUNK, TW), jnp.float32),
          pltpu.VMEM((NPAD,), jnp.float32),
          pltpu.VMEM_SHARED((NPAD, TW), jnp.float32),
          pltpu.SemaphoreType.DMA,
          pltpu.SemaphoreType.DMA,
          pltpu.SemaphoreType.DMA,
          pltpu.SemaphoreType.DMA,
          pltpu.SemaphoreType.DMA,
          pltpu.SemaphoreType.DMA,
      ],
  )
  def agg_kernel(h_hbm, src_hbm, dst_hbm,
                 out0_hbm, out1_hbm, parts_hbm,
                 src0_v, dst0_v, src1_v, dst1_v, rows0_v, rows1_v,
                 deg_v, acc_sh, semg0, semg1, semi0, semi1, sems0, sems1):
    c = lax.axis_index("c")
    s = lax.axis_index("s")

    zvec = jnp.zeros((16,), jnp.float32)
    ones16 = jnp.ones((16,), jnp.float32)

    def zrow(r, _):
      for j in range(TW // 16):
        rows0_v[r, pl.ds(j * 16, 16)] = zvec
      return _

    lax.fori_loop(0, ZROWS, zrow, 0)

    def zdeg(r, _):
      deg_v[pl.ds(r * 16, 16)] = zvec
      return _

    lax.fori_loop(0, NPAD // 16, zdeg, 0)

    for z in range(ROWS_PER_TILE // ZROWS):
      pltpu.sync_copy(
          rows0_v.at[pl.ds(0, ZROWS)],
          acc_sh.at[pl.ds(s * ROWS_PER_TILE + z * ZROWS, ZROWS)])

    plsc.subcore_barrier()

    def run_core(t_hbm, coff, out_hbm, parity, prow):
      bufs = ((src0_v, dst0_v, rows0_v, semg0, semi0, sems0),
              (src1_v, dst1_v, rows1_v, semg1, semi1, sems1))

      def fire_idx(j, b):
        srcb, dstb, _, _, semi, _ = bufs[b]
        row = s * CHUNKS_PER_TILE + j
        pltpu.async_copy(src_hbm.at[row], srcb, semi)
        pltpu.async_copy(dst_hbm.at[row], dstb, semi)

      def wait_idx(b):
        srcb, dstb, _, _, semi, _ = bufs[b]
        pltpu.make_async_copy(src_hbm.at[0], srcb, semi).wait()
        pltpu.make_async_copy(dst_hbm.at[0], dstb, semi).wait()

      def fire_gather(b):
        srcb, _, rows, semg, _, _ = bufs[b]
        pltpu.async_copy(t_hbm.at[srcb, pl.ds(coff, TW)], rows, semg)

      def wait_gather(b):
        srcb, _, rows, semg, _, _ = bufs[b]
        pltpu.make_async_copy(t_hbm.at[srcb, pl.ds(coff, TW)], rows,
                              semg).wait()

      def fire_scatter(b):
        _, dstb, rows, _, _, sems = bufs[b]
        pltpu.async_copy(rows, acc_sh.at[dstb], sems, add=True)

      def wait_scatter(b):
        _, dstb, rows, _, _, sems = bufs[b]
        pltpu.make_async_copy(rows, acc_sh.at[dstb], sems).wait()

      def count(b):
        if b == parity:
          dstb = bufs[b][1]
          for g in range(CHUNK // 16):
            dvec = dstb[pl.ds(g * 16, 16)]
            plsc.addupdate_scatter(deg_v, [dvec], ones16)

      fire_idx(0, 0)
      fire_idx(1, 1)
      wait_idx(0)
      fire_gather(0)

      def body(j2, _):
        j = 2 * j2
        wait_gather(0)
        count(0)
        fire_scatter(0)
        wait_idx(1)
        fire_gather(1)
        wait_scatter(0)
        fire_idx(j + 2, 0)
        wait_gather(1)
        count(1)
        fire_scatter(1)
        wait_idx(0)
        fire_gather(0)
        wait_scatter(1)
        fire_idx(j + 3, 1)
        return _

      lax.fori_loop(0, CHUNKS_PER_TILE // 2 - 1, body, 0)
      wait_gather(0)
      count(0)
      fire_scatter(0)
      wait_idx(1)
      fire_gather(1)
      wait_scatter(0)
      wait_gather(1)
      count(1)
      fire_scatter(1)
      wait_scatter(1)
      pltpu.sync_copy(deg_v, parts_hbm.at[prow])
      plsc.subcore_barrier()
      base = s * ROWS_PER_TILE
      pltpu.sync_copy(acc_sh.at[pl.ds(base, ROWS_PER_TILE)],
                      out_hbm.at[pl.ds(base, ROWS_PER_TILE)])

    @pl.when(c == 0)
    def _():
      run_core(h_hbm, 0, out0_hbm, 0, s)

    @pl.when(c == 1)
    def _():
      run_core(h_hbm, TW, out1_hbm, 1, NUM_TILES + s)

  return agg_kernel(h, src_r, dst_r)


def _layernorm(x, g, b, eps=1e-5):
  mu = jnp.mean(x, axis=-1, keepdims=True)
  var = jnp.mean((x - mu) ** 2, axis=-1, keepdims=True)
  return (x - mu) * jax.lax.rsqrt(var + eps) * g + b


ROW_BLK = 2000


def _dense_body(h_ref, a0_ref, a1_ref, deg_ref, A0_ref, A1_ref, bm_ref,
                WsT_ref, bs_ref, W1T_ref, bf1_ref, W2T_ref, bf2_ref,
                g1_ref, b1_ref, g2_ref, b2_ref, out_ref):
  h = h_ref[...]
  deg = jnp.sum(deg_ref[...], axis=1, keepdims=True)

  def dot(x, w_ref):
    return jnp.dot(x, w_ref[...], preferred_element_type=jnp.float32)

  pre = dot(a0_ref[...], A0_ref) + dot(a1_ref[...], A1_ref)
  pre = pre + bm_ref[...] * deg
  agg = pre / jnp.maximum(deg, 1.0)
  x = h + jnp.maximum(dot(h, WsT_ref) + bs_ref[...] + agg, 0.0)
  h1 = _layernorm(x, g1_ref[...], b1_ref[...])
  hid = dot(h1, W1T_ref) + bf1_ref[...]
  hid = hid * 0.5 * (1.0 + lax.erf(hid * (2.0 ** -0.5)))
  ffn = dot(hid, W2T_ref) + bf2_ref[...]
  out_ref[...] = _layernorm(h1 + ffn, g2_ref[...], b2_ref[...])


def _tc_dense(h, acc0, acc1, deg, A0, A1, bm, WsT, bs, W1T, bf1, W2T, bf2,
              g1, b1, g2, b2):
  grid = (N // ROW_BLK,)
  row_spec = lambda w: pl.BlockSpec((ROW_BLK, w), lambda i: (i, 0))
  full = lambda a: pl.BlockSpec(a.shape, lambda i: (0,) * a.ndim)
  return pl.pallas_call(
      _dense_body,
      grid=grid,
      in_specs=[
          row_spec(D), row_spec(TW), row_spec(TW), row_spec(2 * NUM_TILES),
          full(A0), full(A1), full(bm), full(WsT), full(bs),
          full(W1T), full(bf1), full(W2T), full(bf2),
          full(g1), full(b1), full(g2), full(b2),
      ],
      out_specs=row_spec(D),
      out_shape=jax.ShapeDtypeStruct((N, D), jnp.float32),
  )(h, acc0, acc1, deg, A0, A1, bm, WsT, bs, W1T, bf1, W2T, bf2,
    g1, b1, g2, b2)


@jax.jit
def kernel(h, edge_index, Wm, bm, Ws, bs, g1, beta1, W1, bf1, W2, bf2,
           g2, beta2):
  pad = jnp.stack(
      [jnp.zeros((EPAD - E,), jnp.int32),
       N + jax.lax.rem(jnp.arange(EPAD - E, dtype=jnp.int32),
                       jnp.int32(NPAD - N))])
  ei = jnp.concatenate([edge_index.astype(jnp.int32), pad], axis=1)
  src = ei[0].reshape(EPAD // CHUNK, CHUNK)
  dst = ei[1].reshape(EPAD // CHUNK, CHUNK)

  acc0, acc1, parts = _sc_aggregate(h, src, dst)
  deg = parts.T

  WmT = Wm.T
  A0 = WmT[: D // 2]
  A1 = WmT[D // 2 :]

  return _tc_dense(
      h, acc0, acc1, deg, A0, A1, bm[None, :], Ws.T, bs[None, :],
      W1.T, bf1[None, :], W2.T, bf2[None, :], g1[None, :], beta1[None, :],
      g2[None, :], beta2[None, :])

# --- scband reference (transcript-rebuilt; emitter-appended) ---
"""Pipeline reference for scband-phys-graph-mean-layer-48086453846270 (READ-ONLY COPY).

The authoritative reference and input builder live on the scoring server;
editing this copy changes nothing except your own understanding.
"""

import jax, jax.numpy as jnp
import numpy as np

D = 256
N = 10000
E = 160000

def _layernorm(x, g, b, eps=1e-5):
    mu = jnp.mean(x, axis=-1, keepdims=True)
    var = jnp.mean((x - mu) ** 2, axis=-1, keepdims=True)
    return (x - mu) / jnp.sqrt(var + eps) * g + b

def setup_inputs(seed: int = 0) -> dict:
    key = jax.random.key(seed)
    ks = jax.random.split(key, 12)
    h = jax.random.normal(ks[0], (N, D), dtype=jnp.float32)
    edge_index = jax.random.randint(ks[1], (2, E), 0, N, dtype=jnp.int64)
    s = 1.0 / np.sqrt(D)
    s4 = 1.0 / np.sqrt(4 * D)
    Wm = jax.random.uniform(ks[2], (D, D), minval=-s, maxval=s, dtype=jnp.float32)
    bm = jax.random.uniform(ks[3], (D,), minval=-s, maxval=s, dtype=jnp.float32)
    Ws = jax.random.uniform(ks[4], (D, D), minval=-s, maxval=s, dtype=jnp.float32)
    bs = jax.random.uniform(ks[5], (D,), minval=-s, maxval=s, dtype=jnp.float32)
    g1 = jnp.ones((D,), dtype=jnp.float32)
    beta1 = jnp.zeros((D,), dtype=jnp.float32)
    W1 = jax.random.uniform(ks[6], (4 * D, D), minval=-s, maxval=s, dtype=jnp.float32)
    bf1 = jax.random.uniform(ks[7], (4 * D,), minval=-s, maxval=s, dtype=jnp.float32)
    W2 = jax.random.uniform(ks[8], (D, 4 * D), minval=-s4, maxval=s4, dtype=jnp.float32)
    bf2 = jax.random.uniform(ks[9], (D,), minval=-s4, maxval=s4, dtype=jnp.float32)
    g2 = jnp.ones((D,), dtype=jnp.float32)
    beta2 = jnp.zeros((D,), dtype=jnp.float32)
    return {"h": h, "edge_index": edge_index, "Wm": Wm, "bm": bm, "Ws": Ws, "bs": bs, "g1": g1, "beta1": beta1, "W1": W1, "bf1": bf1, "W2": W2, "bf2": bf2, "g2": g2, "beta2": beta2}

def reference(h, edge_index, Wm, bm, Ws, bs, g1, beta1, W1, bf1, W2, bf2, g2, beta2):
    src = edge_index[0]
    dst = edge_index[1]
    msg = h[src] @ Wm.T + bm
    agg = jnp.zeros_like(h).at[dst].add(msg)
    deg = jnp.zeros((h.shape[0], 1), dtype=h.dtype).at[dst].add(jnp.ones((dst.shape[0], 1), dtype=h.dtype))
    agg = agg / jnp.maximum(deg, 1.0)
    h = _layernorm(h + jax.nn.relu(h @ Ws.T + bs + agg), g1, beta1)
    ffn = jax.nn.gelu(h @ W1.T + bf1, approximate=False) @ W2.T + bf2
    h = _layernorm(h + ffn, g2, beta2)
    return h

if __name__ == "__main__":
    import jax
    _d = setup_inputs()
    print(jax.jit(kernel)(*tuple(_d.values())))

</pallas_src>

<mosaic_0001>
#map = affine_map<(d0, d1) -> (0, 0)>
module attributes {stable_mosaic.version = 14 : i64} {
  func.func @agg_kernel(%arg0: i32, %arg1: i32, %arg2: memref<10000x256xf32, #tpu.memory_space<hbm>>, %arg3: memref<1440x112xi32, #tpu.memory_space<hbm>>, %arg4: memref<1440x112xi32, #tpu.memory_space<hbm>>, %arg5: memref<10240x128xf32, #tpu.memory_space<hbm>>, %arg6: memref<10240x128xf32, #tpu.memory_space<hbm>>, %arg7: memref<32x10240xf32, #tpu.memory_space<hbm>>, %arg8: memref<112xi32, #tpu.memory_space<vmem>>, %arg9: memref<112xi32, #tpu.memory_space<vmem>>, %arg10: memref<112xi32, #tpu.memory_space<vmem>>, %arg11: memref<112xi32, #tpu.memory_space<vmem>>, %arg12: memref<112x128xf32, #tpu.memory_space<vmem>>, %arg13: memref<112x128xf32, #tpu.memory_space<vmem>>, %arg14: memref<10240xf32, #tpu.memory_space<vmem>>, %arg15: memref<10240x128xf32, #tpu.memory_space<vmem_shared>>, %arg16: memref<!tpu.dma_semaphore, #tpu.memory_space<semaphore_mem>>, %arg17: memref<!tpu.dma_semaphore, #tpu.memory_space<semaphore_mem>>, %arg18: memref<!tpu.dma_semaphore, #tpu.memory_space<semaphore_mem>>, %arg19: memref<!tpu.dma_semaphore, #tpu.memory_space<semaphore_mem>>, %arg20: memref<!tpu.dma_semaphore, #tpu.memory_space<semaphore_mem>>, %arg21: memref<!tpu.dma_semaphore, #tpu.memory_space<semaphore_mem>>) attributes {dimension_semantics = [#tpu.dimension_semantics<core_parallel>, #tpu.dimension_semantics<subcore_parallel>], iteration_bounds = array<i64: 2, 16>, scalar_prefetch = 0 : i64, scratch_operands = 14 : i64, tpu.core_type = #tpu.core_type<sc_vector_subcore>, window_params = [{transform_indices = #map}, {transform_indices = #map}, {transform_indices = #map}, {transform_indices = #map}, {transform_indices = #map}, {transform_indices = #map}]} {
    %broadcast_in_dim3A = arith.constant 0.000000e+00 : f32
    %broadcast_in_dim3A_0 = vector.broadcast %broadcast_in_dim3A : f32 to vector<16xf32>
    %broadcast_in_dim3A_1 = arith.constant 1.000000e+00 : f32
    %broadcast_in_dim3A_2 = vector.broadcast %broadcast_in_dim3A_1 : f32 to vector<16xf32>
    %scan3A = arith.constant 0 : i32
    %scan3A_3 = arith.constant 0 : i32
    %scan3A_4 = arith.constant 80 : i32
    %scan3A_5 = arith.addi %scan3A_3, %scan3A_4 : i32
    %scan3A_6 = arith.constant 1 : i32
    scf.for %scan3A_51 = %scan3A_3 to %scan3A_5 step %scan3A_6  : i32 {
      %swap3A = arith.index_cast %scan3A_51 : i32 to index
      %swap3A_52 = arith.constant 0 : index
      %swap3A_53 = tpu.vector_load %arg12[%swap3A, %swap3A_52] {strides = array<i32>} : memref<112x128xf32, #tpu.memory_space<vmem>>, vector<16xf32>,
      tpu.vector_store %arg12[%swap3A, %swap3A_52], %broadcast_in_dim3A_0 {strides = array<i32>} : memref<112x128xf32, #tpu.memory_space<vmem>>, vector<16xf32>,
      %swap3A_54 = arith.index_cast %scan3A_51 : i32 to index
      %swap3A_55 = arith.constant 16 : index
      %swap3A_56 = tpu.vector_load %arg12[%swap3A_54, %swap3A_55] {strides = array<i32>} : memref<112x128xf32, #tpu.memory_space<vmem>>, vector<16xf32>,
      tpu.vector_store %arg12[%swap3A_54, %swap3A_55], %broadcast_in_dim3A_0 {strides = array<i32>} : memref<112x128xf32, #tpu.memory_space<vmem>>, vector<16xf32>,
      %swap3A_57 = arith.index_cast %scan3A_51 : i32 to index
      %swap3A_58 = arith.constant 32 : index
      %swap3A_59 = tpu.vector_load %arg12[%swap3A_57, %swap3A_58] {strides = array<i32>} : memref<112x128xf32, #tpu.memory_space<vmem>>, vector<16xf32>,
      tpu.vector_store %arg12[%swap3A_57, %swap3A_58], %broadcast_in_dim3A_0 {strides = array<i32>} : memref<112x128xf32, #tpu.memory_space<vmem>>, vector<16xf32>,
      %swap3A_60 = arith.index_cast %scan3A_51 : i32 to index
      %swap3A_61 = arith.constant 48 : index
      %swap3A_62 = tpu.vector_load %arg12[%swap3A_60, %swap3A_61] {strides = array<i32>} : memref<112x128xf32, #tpu.memory_space<vmem>>, vector<16xf32>,
      tpu.vector_store %arg12[%swap3A_60, %swap3A_61], %broadcast_in_dim3A_0 {strides = array<i32>} : memref<112x128xf32, #tpu.memory_space<vmem>>, vector<16xf32>,
      %swap3A_63 = arith.index_cast %scan3A_51 : i32 to index
      %swap3A_64 = arith.constant 64 : index
      %swap3A_65 = tpu.vector_load %arg12[%swap3A_63, %swap3A_64] {strides = array<i32>} : memref<112x128xf32, #tpu.memory_space<vmem>>, vector<16xf32>,
      tpu.vector_store %arg12[%swap3A_63, %swap3A_64], %broadcast_in_dim3A_0 {strides = array<i32>} : memref<112x128xf32, #tpu.memory_space<vmem>>, vector<16xf32>,
      %swap3A_66 = arith.index_cast %scan3A_51 : i32 to index
      %swap3A_67 = arith.constant 80 : index
      %swap3A_68 = tpu.vector_load %arg12[%swap3A_66, %swap3A_67] {strides = array<i32>} : memref<112x128xf32, #tpu.memory_space<vmem>>, vector<16xf32>,
      tpu.vector_store %arg12[%swap3A_66, %swap3A_67], %broadcast_in_dim3A_0 {strides = array<i32>} : memref<112x128xf32, #tpu.memory_space<vmem>>, vector<16xf32>,
      %swap3A_69 = arith.index_cast %scan3A_51 : i32 to index
      %swap3A_70 = arith.constant 96 : index
      %swap3A_71 = tpu.vector_load %arg12[%swap3A_69, %swap3A_70] {strides = array<i32>} : memref<112x128xf32, #tpu.memory_space<vmem>>, vector<16xf32>,
      tpu.vector_store %arg12[%swap3A_69, %swap3A_70], %broadcast_in_dim3A_0 {strides = array<i32>} : memref<112x128xf32, #tpu.memory_space<vmem>>, vector<16xf32>,
      %swap3A_72 = arith.index_cast %scan3A_51 : i32 to index
      %swap3A_73 = arith.constant 112 : index
      %swap3A_74 = tpu.vector_load %arg12[%swap3A_72, %swap3A_73] {strides = array<i32>} : memref<112x128xf32, #tpu.memory_space<vmem>>, vector<16xf32>,
      tpu.vector_store %arg12[%swap3A_72, %swap3A_73], %broadcast_in_dim3A_0 {strides = array<i32>} : memref<112x128xf32, #tpu.memory_space<vmem>>, vector<16xf32>,
    }
    %scan3A_7 = arith.constant 80 : i32
    %scan3A_8 = arith.constant 0 : i32
    %scan3A_9 = arith.constant 0 : i32
    %scan3A_10 = arith.constant 640 : i32
    %scan3A_11 = arith.addi %scan3A_9, %scan3A_10 : i32
    %scan3A_12 = arith.constant 1 : i32
    scf.for %scan3A_51 = %scan3A_9 to %scan3A_11 step %scan3A_12  : i32 {
      %mul3A_52 = arith.constant 16 : i32
      %mul3A_53 = arith.muli %scan3A_51, %mul3A_52 : i32
      %swap3A = arith.index_cast %mul3A_53 : i32 to index
      %swap3A_54 = tpu.vector_load %arg14[%swap3A] {strides = array<i32>} : memref<10240xf32, #tpu.memory_space<vmem>>, vector<16xf32>,
      tpu.vector_store %arg14[%swap3A], %broadcast_in_dim3A_0 {strides = array<i32>} : memref<10240xf32, #tpu.memory_space<vmem>>, vector<16xf32>,
    }
    %scan3A_13 = arith.constant 640 : i32
    %mul3A = arith.constant 640 : i32
    %mul3A_14 = arith.muli %arg1, %mul3A : i32
    %add3A = arith.constant 0 : i32
    %add3A_15 = arith.addi %mul3A_14, %add3A : i32
    "tpu.region"() ({
      %run_scoped3A = tpu.sem_alloc : memref<!tpu.dma_semaphore, #tpu.memory_space<semaphore_mem>>
      %dma_start3A = arith.constant 0 : i32
      %dma_start3A_51 = arith.constant 0 : i32
      %dma_start3A_52 = tpu.memref_slice %arg12[%dma_start3A, %dma_start3A_51] : memref<112x128xf32, #tpu.memory_space<vmem>> -> memref<80x128xf32, #tpu.memory_space<vmem>>
      %dma_start3A_53 = arith.constant 0 : i32
      %dma_start3A_54 = tpu.memref_slice %arg15[%add3A_15, %dma_start3A_53] : memref<10240x128xf32, #tpu.memory_space<vmem_shared>> -> memref<80x128xf32, #tpu.memory_space<vmem_shared>>
      %dma_start3A_55 = arith.constant 0 : i32
      %dma_start3A_56 = tpu.memref_slice %arg15[%add3A_15, %dma_start3A_55] : memref<10240x128xf32, #tpu.memory_space<vmem_shared>> -> memref<80x128xf32, #tpu.memory_space<vmem_shared>>
      %dma_start3A_57 = arith.constant 0 : i32
      %dma_start3A_58 = arith.constant 0 : i32
      %dma_start3A_59 = tpu.memref_slice %arg12[%dma_start3A_57, %dma_start3A_58] : memref<112x128xf32, #tpu.memory_space<vmem>> -> memref<80x128xf32, #tpu.memory_space<vmem>>
      tpu.enqueue_dma source(%dma_start3A_59 : memref<80x128xf32, #tpu.memory_space<vmem>>) target(%dma_start3A_56 : memref<80x128xf32, #tpu.memory_space<vmem_shared>>) target_semaphore(%run_scoped3A : memref<!tpu.dma_semaphore, #tpu.memory_space<semaphore_mem>>)
      %dma_wait3A = arith.constant 0 : i32
      %dma_wait3A_60 = arith.constant 0 : i32
      %dma_wait3A_61 = tpu.memref_slice %arg12[%dma_wait3A, %dma_wait3A_60] : memref<112x128xf32, #tpu.memory_space<vmem>> -> memref<80x128xf32, #tpu.memory_space<vmem>>
      %dma_wait3A_62 = arith.constant 0 : i32
      %dma_wait3A_63 = tpu.memref_slice %arg15[%add3A_15, %dma_wait3A_62] : memref<10240x128xf32, #tpu.memory_space<vmem_shared>> -> memref<80x128xf32, #tpu.memory_space<vmem_shared>>
      %dma_wait3A_64 = arith.constant 0 : i32
      %dma_wait3A_65 = tpu.memref_slice %arg15[%add3A_15, %dma_wait3A_64] : memref<10240x128xf32, #tpu.memory_space<vmem_shared>> -> memref<80x128xf32, #tpu.memory_space<vmem_shared>>
      %dma_wait3A_66 = arith.constant 0 : i32
      %dma_wait3A_67 = arith.constant 0 : i32
      %dma_wait3A_68 = tpu.memref_slice %arg12[%dma_wait3A_66, %dma_wait3A_67] : memref<112x128xf32, #tpu.memory_space<vmem>> -> memref<80x128xf32, #tpu.memory_space<vmem>>
      tpu.wait_dma2 semaphore(%run_scoped3A : memref<!tpu.dma_semaphore, #tpu.memory_space<semaphore_mem>>) src(%dma_wait3A_68 : memref<80x128xf32, #tpu.memory_space<vmem>>) dst(%dma_wait3A_65 : memref<80x128xf32, #tpu.memory_space<vmem_shared>>)
      tpu.yield
    }) : () -> ()
    %mul3A_16 = arith.constant 640 : i32
    %mul3A_17 = arith.muli %arg1, %mul3A_16 : i32
    %add3A_18 = arith.constant 80 : i32
    %add3A_19 = arith.addi %mul3A_17, %add3A_18 : i32
    "tpu.region"() ({
      %run_scoped3A = tpu.sem_alloc : memref<!tpu.dma_semaphore, #tpu.memory_space<semaphore_mem>>
      %dma_start3A = arith.constant 0 : i32
      %dma_start3A_51 = arith.constant 0 : i32
      %dma_start3A_52 = tpu.memref_slice %arg12[%dma_start3A, %dma_start3A_51] : memref<112x128xf32, #tpu.memory_space<vmem>> -> memref<80x128xf32, #tpu.memory_space<vmem>>
      %dma_start3A_53 = arith.constant 0 : i32
      %dma_start3A_54 = tpu.memref_slice %arg15[%add3A_19, %dma_start3A_53] : memref<10240x128xf32, #tpu.memory_space<vmem_shared>> -> memref<80x128xf32, #tpu.memory_space<vmem_shared>>
      %dma_start3A_55 = arith.constant 0 : i32
      %dma_start3A_56 = tpu.memref_slice %arg15[%add3A_19, %dma_start3A_55] : memref<10240x128xf32, #tpu.memory_space<vmem_shared>> -> memref<80x128xf32, #tpu.memory_space<vmem_shared>>
      %dma_start3A_57 = arith.constant 0 : i32
      %dma_start3A_58 = arith.constant 0 : i32
      %dma_start3A_59 = tpu.memref_slice %arg12[%dma_start3A_57, %dma_start3A_58] : memref<112x128xf32, #tpu.memory_space<vmem>> -> memref<80x128xf32, #tpu.memory_space<vmem>>
      tpu.enqueue_dma source(%dma_start3A_59 : memref<80x128xf32, #tpu.memory_space<vmem>>) target(%dma_start3A_56 : memref<80x128xf32, #tpu.memory_space<vmem_shared>>) target_semaphore(%run_scoped3A : memref<!tpu.dma_semaphore, #tpu.memory_space<semaphore_mem>>)
      %dma_wait3A = arith.constant 0 : i32
      %dma_wait3A_60 = arith.constant 0 : i32
      %dma_wait3A_61 = tpu.memref_slice %arg12[%dma_wait3A, %dma_wait3A_60] : memref<112x128xf32, #tpu.memory_space<vmem>> -> memref<80x128xf32, #tpu.memory_space<vmem>>
      %dma_wait3A_62 = arith.constant 0 : i32
      %dma_wait3A_63 = tpu.memref_slice %arg15[%add3A_19, %dma_wait3A_62] : memref<10240x128xf32, #tpu.memory_space<vmem_shared>> -> memref<80x128xf32, #tpu.memory_space<vmem_shared>>
      %dma_wait3A_64 = arith.constant 0 : i32
      %dma_wait3A_65 = tpu.memref_slice %arg15[%add3A_19, %dma_wait3A_64] : memref<10240x128xf32, #tpu.memory_space<vmem_shared>> -> memref<80x128xf32, #tpu.memory_space<vmem_shared>>
      %dma_wait3A_66 = arith.constant 0 : i32
      %dma_wait3A_67 = arith.constant 0 : i32
      %dma_wait3A_68 = tpu.memref_slice %arg12[%dma_wait3A_66, %dma_wait3A_67] : memref<112x128xf32, #tpu.memory_space<vmem>> -> memref<80x128xf32, #tpu.memory_space<vmem>>
      tpu.wait_dma2 semaphore(%run_scoped3A : memref<!tpu.dma_semaphore, #tpu.memory_space<semaphore_mem>>) src(%dma_wait3A_68 : memref<80x128xf32, #tpu.memory_space<vmem>>) dst(%dma_wait3A_65 : memref<80x128xf32, #tpu.memory_space<vmem_shared>>)
      tpu.yield
    }) : () -> ()
    %mul3A_20 = arith.constant 640 : i32
    %mul3A_21 = arith.muli %arg1, %mul3A_20 : i32
    %add3A_22 = arith.constant 160 : i32
    %add3A_23 = arith.addi %mul3A_21, %add3A_22 : i32
    "tpu.region"() ({
      %run_scoped3A = tpu.sem_alloc : memref<!tpu.dma_semaphore, #tpu.memory_space<semaphore_mem>>
      %dma_start3A = arith.constant 0 : i32
      %dma_start3A_51 = arith.constant 0 : i32
      %dma_start3A_52 = tpu.memref_slice %arg12[%dma_start3A, %dma_start3A_51] : memref<112x128xf32, #tpu.memory_space<vmem>> -> memref<80x128xf32, #tpu.memory_space<vmem>>
      %dma_start3A_53 = arith.constant 0 : i32
      %dma_start3A_54 = tpu.memref_slice %arg15[%add3A_23, %dma_start3A_53] : memref<10240x128xf32, #tpu.memory_space<vmem_shared>> -> memref<80x128xf32, #tpu.memory_space<vmem_shared>>
      %dma_start3A_55 = arith.constant 0 : i32
      %dma_start3A_56 = tpu.memref_slice %arg15[%add3A_23, %dma_start3A_55] : memref<10240x128xf32, #tpu.memory_space<vmem_shared>> -> memref<80x128xf32, #tpu.memory_space<vmem_shared>>
      %dma_start3A_57 = arith.constant 0 : i32
      %dma_start3A_58 = arith.constant 0 : i32
      %dma_start3A_59 = tpu.memref_slice %arg12[%dma_start3A_57, %dma_start3A_58] : memref<112x128xf32, #tpu.memory_space<vmem>> -> memref<80x128xf32, #tpu.memory_space<vmem>>
      tpu.enqueue_dma source(%dma_start3A_59 : memref<80x128xf32, #tpu.memory_space<vmem>>) target(%dma_start3A_56 : memref<80x128xf32, #tpu.memory_space<vmem_shared>>) target_semaphore(%run_scoped3A : memref<!tpu.dma_semaphore, #tpu.memory_space<semaphore_mem>>)
      %dma_wait3A = arith.constant 0 : i32
      %dma_wait3A_60 = arith.constant 0 : i32
      %dma_wait3A_61 = tpu.memref_slice %arg12[%dma_wait3A, %dma_wait3A_60] : memref<112x128xf32, #tpu.memory_space<vmem>> -> memref<80x128xf32, #tpu.memory_space<vmem>>
      %dma_wait3A_62 = arith.constant 0 : i32
      %dma_wait3A_63 = tpu.memref_slice %arg15[%add3A_23, %dma_wait3A_62] : memref<10240x128xf32, #tpu.memory_space<vmem_shared>> -> memref<80x128xf32, #tpu.memory_space<vmem_shared>>
      %dma_wait3A_64 = arith.constant 0 : i32
      %dma_wait3A_65 = tpu.memref_slice %arg15[%add3A_23, %dma_wait3A_64] : memref<10240x128xf32, #tpu.memory_space<vmem_shared>> -> memref<80x128xf32, #tpu.memory_space<vmem_shared>>
      %dma_wait3A_66 = arith.constant 0 : i32
      %dma_wait3A_67 = arith.constant 0 : i32
      %dma_wait3A_68 = tpu.memref_slice %arg12[%dma_wait3A_66, %dma_wait3A_67] : memref<112x128xf32, #tpu.memory_space<vmem>> -> memref<80x128xf32, #tpu.memory_space<vmem>>
      tpu.wait_dma2 semaphore(%run_scoped3A : memref<!tpu.dma_semaphore, #tpu.memory_space<semaphore_mem>>) src(%dma_wait3A_68 : memref<80x128xf32, #tpu.memory_space<vmem>>) dst(%dma_wait3A_65 : memref<80x128xf32, #tpu.memory_space<vmem_shared>>)
      tpu.yield
    }) : () -> ()
    %mul3A_24 = arith.constant 640 : i32
    %mul3A_25 = arith.muli %arg1, %mul3A_24 : i32
    %add3A_26 = arith.constant 240 : i32
    %add3A_27 = arith.addi %mul3A_25, %add3A_26 : i32
    "tpu.region"() ({
      %run_scoped3A = tpu.sem_alloc : memref<!tpu.dma_semaphore, #tpu.memory_space<semaphore_mem>>
      %dma_start3A = arith.constant 0 : i32
      %dma_start3A_51 = arith.constant 0 : i32
      %dma_start3A_52 = tpu.memref_slice %arg12[%dma_start3A, %dma_start3A_51] : memref<112x128xf32, #tpu.memory_space<vmem>> -> memref<80x128xf32, #tpu.memory_space<vmem>>
      %dma_start3A_53 = arith.constant 0 : i32
      %dma_start3A_54 = tpu.memref_slice %arg15[%add3A_27, %dma_start3A_53] : memref<10240x128xf32, #tpu.memory_space<vmem_shared>> -> memref<80x128xf32, #tpu.memory_space<vmem_shared>>
      %dma_start3A_55 = arith.constant 0 : i32
      %dma_start3A_56 = tpu.memref_slice %arg15[%add3A_27, %dma_start3A_55] : memref<10240x128xf32, #tpu.memory_space<vmem_shared>> -> memref<80x128xf32, #tpu.memory_space<vmem_shared>>
      %dma_start3A_57 = arith.constant 0 : i32
      %dma_start3A_58 = arith.constant 0 : i32
      %dma_start3A_59 = tpu.memref_slice %arg12[%dma_start3A_57, %dma_start3A_58] : memref<112x128xf32, #tpu.memory_space<vmem>> -> memref<80x128xf32, #tpu.memory_space<vmem>>
      tpu.enqueue_dma source(%dma_start3A_59 : memref<80x128xf32, #tpu.memory_space<vmem>>) target(%dma_start3A_56 : memref<80x128xf32, #tpu.memory_space<vmem_shared>>) target_semaphore(%run_scoped3A : memref<!tpu.dma_semaphore, #tpu.memory_space<semaphore_mem>>)
      %dma_wait3A = arith.constant 0 : i32
      %dma_wait3A_60 = arith.constant 0 : i32
      %dma_wait3A_61 = tpu.memref_slice %arg12[%dma_wait3A, %dma_wait3A_60] : memref<112x128xf32, #tpu.memory_space<vmem>> -> memref<80x128xf32, #tpu.memory_space<vmem>>
      %dma_wait3A_62 = arith.constant 0 : i32
      %dma_wait3A_63 = tpu.memref_slice %arg15[%add3A_27, %dma_wait3A_62] : memref<10240x128xf32, #tpu.memory_space<vmem_shared>> -> memref<80x128xf32, #tpu.memory_space<vmem_shared>>
      %dma_wait3A_64 = arith.constant 0 : i32
      %dma_wait3A_65 = tpu.memref_slice %arg15[%add3A_27, %dma_wait3A_64] : memref<10240x128xf32, #tpu.memory_space<vmem_shared>> -> memref<80x128xf32, #tpu.memory_space<vmem_shared>>
      %dma_wait3A_66 = arith.constant 0 : i32
      %dma_wait3A_67 = arith.constant 0 : i32
      %dma_wait3A_68 = tpu.memref_slice %arg12[%dma_wait3A_66, %dma_wait3A_67] : memref<112x128xf32, #tpu.memory_space<vmem>> -> memref<80x128xf32, #tpu.memory_space<vmem>>
      tpu.wait_dma2 semaphore(%run_scoped3A : memref<!tpu.dma_semaphore, #tpu.memory_space<semaphore_mem>>) src(%dma_wait3A_68 : memref<80x128xf32, #tpu.memory_space<vmem>>) dst(%dma_wait3A_65 : memref<80x128xf32, #tpu.memory_space<vmem_shared>>)
      tpu.yield
    }) : () -> ()
    %mul3A_28 = arith.constant 640 : i32
    %mul3A_29 = arith.muli %arg1, %mul3A_28 : i32
    %add3A_30 = arith.constant 320 : i32
    %add3A_31 = arith.addi %mul3A_29, %add3A_30 : i32
    "tpu.region"() ({
      %run_scoped3A = tpu.sem_alloc : memref<!tpu.dma_semaphore, #tpu.memory_space<semaphore_mem>>
      %dma_start3A = arith.constant 0 : i32
      %dma_start3A_51 = arith.constant 0 : i32
      %dma_start3A_52 = tpu.memref_slice %arg12[%dma_start3A, %dma_start3A_51] : memref<112x128xf32, #tpu.memory_space<vmem>> -> memref<80x128xf32, #tpu.memory_space<vmem>>
      %dma_start3A_53 = arith.constant 0 : i32
      %dma_start3A_54 = tpu.memref_slice %arg15[%add3A_31, %dma_start3A_53] : memref<10240x128xf32, #tpu.memory_space<vmem_shared>> -> memref<80x128xf32, #tpu.memory_space<vmem_shared>>
      %dma_start3A_55 = arith.constant 0 : i32
      %dma_start3A_56 = tpu.memref_slice %arg15[%add3A_31, %dma_start3A_55] : memref<10240x128xf32, #tpu.memory_space<vmem_shared>> -> memref<80x128xf32, #tpu.memory_space<vmem_shared>>
      %dma_start3A_57 = arith.constant 0 : i32
      %dma_start3A_58 = arith.constant 0 : i32
      %dma_start3A_59 = tpu.memref_slice %arg12[%dma_start3A_57, %dma_start3A_58] : memref<112x128xf32, #tpu.memory_space<vmem>> -> memref<80x128xf32, #tpu.memory_space<vmem>>
      tpu.enqueue_dma source(%dma_start3A_59 : memref<80x128xf32, #tpu.memory_space<vmem>>) target(%dma_start3A_56 : memref<80x128xf32, #tpu.memory_space<vmem_shared>>) target_semaphore(%run_scoped3A : memref<!tpu.dma_semaphore, #tpu.memory_space<semaphore_mem>>)
      %dma_wait3A = arith.constant 0 : i32
      %dma_wait3A_60 = arith.constant 0 : i32
      %dma_wait3A_61 = tpu.memref_slice %arg12[%dma_wait3A, %dma_wait3A_60] : memref<112x128xf32, #tpu.memory_space<vmem>> -> memref<80x128xf32, #tpu.memory_space<vmem>>
      %dma_wait3A_62 = arith.constant 0 : i32
      %dma_wait3A_63 = tpu.memref_slice %arg15[%add3A_31, %dma_wait3A_62] : memref<10240x128xf32, #tpu.memory_space<vmem_shared>> -> memref<80x128xf32, #tpu.memory_space<vmem_shared>>
      %dma_wait3A_64 = arith.constant 0 : i32
      %dma_wait3A_65 = tpu.memref_slice %arg15[%add3A_31, %dma_wait3A_64] : memref<10240x128xf32, #tpu.memory_space<vmem_shared>> -> memref<80x128xf32, #tpu.memory_space<vmem_shared>>
      %dma_wait3A_66 = arith.constant 0 : i32
      %dma_wait3A_67 = arith.constant 0 : i32
      %dma_wait3A_68 = tpu.memref_slice %arg12[%dma_wait3A_66, %dma_wait3A_67] : memref<112x128xf32, #tpu.memory_space<vmem>> -> memref<80x128xf32, #tpu.memory_space<vmem>>
      tpu.wait_dma2 semaphore(%run_scoped3A : memref<!tpu.dma_semaphore, #tpu.memory_space<semaphore_mem>>) src(%dma_wait3A_68 : memref<80x128xf32, #tpu.memory_space<vmem>>) dst(%dma_wait3A_65 : memref<80x128xf32, #tpu.memory_space<vmem_shared>>)
      tpu.yield
    }) : () -> ()
    %mul3A_32 = arith.constant 640 : i32
    %mul3A_33 = arith.muli %arg1, %mul3A_32 : i32
    %add3A_34 = arith.constant 400 : i32
    %add3A_35 = arith.addi %mul3A_33, %add3A_34 : i32
    "tpu.region"() ({
      %run_scoped3A = tpu.sem_alloc : memref<!tpu.dma_semaphore, #tpu.memory_space<semaphore_mem>>
      %dma_start3A = arith.constant 0 : i32
      %dma_start3A_51 = arith.constant 0 : i32
      %dma_start3A_52 = tpu.memref_slice %arg12[%dma_start3A, %dma_start3A_51] : memref<112x128xf32, #tpu.memory_space<vmem>> -> memref<80x128xf32, #tpu.memory_space<vmem>>
      %dma_start3A_53 = arith.constant 0 : i32
      %dma_start3A_54 = tpu.memref_slice %arg15[%add3A_35, %dma_start3A_53] : memref<10240x128xf32, #tpu.memory_space<vmem_shared>> -> memref<80x128xf32, #tpu.memory_space<vmem_shared>>
      %dma_start3A_55 = arith.constant 0 : i32
      %dma_start3A_56 = tpu.memref_slice %arg15[%add3A_35, %dma_start3A_55] : memref<10240x128xf32, #tpu.memory_space<vmem_shared>> -> memref<80x128xf32, #tpu.memory_space<vmem_shared>>
      %dma_start3A_57 = arith.constant 0 : i32
      %dma_start3A_58 = arith.constant 0 : i32
      %dma_start3A_59 = tpu.memref_slice %arg12[%dma_start3A_57, %dma_start3A_58] : memref<112x128xf32, #tpu.memory_space<vmem>> -> memref<80x128xf32, #tpu.memory_space<vmem>>
      tpu.enqueue_dma source(%dma_start3A_59 : memref<80x128xf32, #tpu.memory_space<vmem>>) target(%dma_start3A_56 : memref<80x128xf32, #tpu.memory_space<vmem_shared>>) target_semaphore(%run_scoped3A : memref<!tpu.dma_semaphore, #tpu.memory_space<semaphore_mem>>)
      %dma_wait3A = arith.constant 0 : i32
      %dma_wait3A_60 = arith.constant 0 : i32
      %dma_wait3A_61 = tpu.memref_slice %arg12[%dma_wait3A, %dma_wait3A_60] : memref<112x128xf32, #tpu.memory_space<vmem>> -> memref<80x128xf32, #tpu.memory_space<vmem>>
      %dma_wait3A_62 = arith.constant 0 : i32
      %dma_wait3A_63 = tpu.memref_slice %arg15[%add3A_35, %dma_wait3A_62] : memref<10240x128xf32, #tpu.memory_space<vmem_shared>> -> memref<80x128xf32, #tpu.memory_space<vmem_shared>>
      %dma_wait3A_64 = arith.constant 0 : i32
      %dma_wait3A_65 = tpu.memref_slice %arg15[%add3A_35, %dma_wait3A_64] : memref<10240x128xf32, #tpu.memory_space<vmem_shared>> -> memref<80x128xf32, #tpu.memory_space<vmem_shared>>
      %dma_wait3A_66 = arith.constant 0 : i32
      %dma_wait3A_67 = arith.constant 0 : i32
      %dma_wait3A_68 = tpu.memref_slice %arg12[%dma_wait3A_66, %dma_wait3A_67] : memref<112x128xf32, #tpu.memory_space<vmem>> -> memref<80x128xf32, #tpu.memory_space<vmem>>
      tpu.wait_dma2 semaphore(%run_scoped3A : memref<!tpu.dma_semaphore, #tpu.memory_space<semaphore_mem>>) src(%dma_wait3A_68 : memref<80x128xf32, #tpu.memory_space<vmem>>) dst(%dma_wait3A_65 : memref<80x128xf32, #tpu.memory_space<vmem_shared>>)
      tpu.yield
    }) : () -> ()
    %mul3A_36 = arith.constant 640 : i32
    %mul3A_37 = arith.muli %arg1, %mul3A_36 : i32
    %add3A_38 = arith.constant 480 : i32
    %add3A_39 = arith.addi %mul3A_37, %add3A_38 : i32
    "tpu.region"() ({
      %run_scoped3A = tpu.sem_alloc : memref<!tpu.dma_semaphore, #tpu.memory_space<semaphore_mem>>
      %dma_start3A = arith.constant 0 : i32
      %dma_start3A_51 = arith.constant 0 : i32
      %dma_start3A_52 = tpu.memref_slice %arg12[%dma_start3A, %dma_start3A_51] : memref<112x128xf32, #tpu.memory_space<vmem>> -> memref<80x128xf32, #tpu.memory_space<vmem>>
      %dma_start3A_53 = arith.constant 0 : i32
      %dma_start3A_54 = tpu.memref_slice %arg15[%add3A_39, %dma_start3A_53] : memref<10240x128xf32, #tpu.memory_space<vmem_shared>> -> memref<80x128xf32, #tpu.memory_space<vmem_shared>>
      %dma_start3A_55 = arith.constant 0 : i32
      %dma_start3A_56 = tpu.memref_slice %arg15[%add3A_39, %dma_start3A_55] : memref<10240x128xf32, #tpu.memory_space<vmem_shared>> -> memref<80x128xf32, #tpu.memory_space<vmem_shared>>
      %dma_start3A_57 = arith.constant 0 : i32
      %dma_start3A_58 = arith.constant 0 : i32
      %dma_start3A_59 = tpu.memref_slice %arg12[%dma_start3A_57, %dma_start3A_58] : memref<112x128xf32, #tpu.memory_space<vmem>> -> memref<80x128xf32, #tpu.memory_space<vmem>>
      tpu.enqueue_dma source(%dma_start3A_59 : memref<80x128xf32, #tpu.memory_space<vmem>>) target(%dma_start3A_56 : memref<80x128xf32, #tpu.memory_space<vmem_shared>>) target_semaphore(%run_scoped3A : memref<!tpu.dma_semaphore, #tpu.memory_space<semaphore_mem>>)
      %dma_wait3A = arith.constant 0 : i32
      %dma_wait3A_60 = arith.constant 0 : i32
      %dma_wait3A_61 = tpu.memref_slice %arg12[%dma_wait3A, %dma_wait3A_60] : memref<112x128xf32, #tpu.memory_space<vmem>> -> memref<80x128xf32, #tpu.memory_space<vmem>>
      %dma_wait3A_62 = arith.constant 0 : i32
      %dma_wait3A_63 = tpu.memref_slice %arg15[%add3A_39, %dma_wait3A_62] : memref<10240x128xf32, #tpu.memory_space<vmem_shared>> -> memref<80x128xf32, #tpu.memory_space<vmem_shared>>
      %dma_wait3A_64 = arith.constant 0 : i32
      %dma_wait3A_65 = tpu.memref_slice %arg15[%add3A_39, %dma_wait3A_64] : memref<10240x128xf32, #tpu.memory_space<vmem_shared>> -> memref<80x128xf32, #tpu.memory_space<vmem_shared>>
      %dma_wait3A_66 = arith.constant 0 : i32
      %dma_wait3A_67 = arith.constant 0 : i32
      %dma_wait3A_68 = tpu.memref_slice %arg12[%dma_wait3A_66, %dma_wait3A_67] : memref<112x128xf32, #tpu.memory_space<vmem>> -> memref<80x128xf32, #tpu.memory_space<vmem>>
      tpu.wait_dma2 semaphore(%run_scoped3A : memref<!tpu.dma_semaphore, #tpu.memory_space<semaphore_mem>>) src(%dma_wait3A_68 : memref<80x128xf32, #tpu.memory_space<vmem>>) dst(%dma_wait3A_65 : memref<80x128xf32, #tpu.memory_space<vmem_shared>>)
      tpu.yield
    }) : () -> ()
    %mul3A_40 = arith.constant 640 : i32
    %mul3A_41 = arith.muli %arg1, %mul3A_40 : i32
    %add3A_42 = arith.constant 560 : i32
    %add3A_43 = arith.addi %mul3A_41, %add3A_42 : i32
    "tpu.region"() ({
      %run_scoped3A = tpu.sem_alloc : memref<!tpu.dma_semaphore, #tpu.memory_space<semaphore_mem>>
      %dma_start3A = arith.constant 0 : i32
      %dma_start3A_51 = arith.constant 0 : i32
      %dma_start3A_52 = tpu.memref_slice %arg12[%dma_start3A, %dma_start3A_51] : memref<112x128xf32, #tpu.memory_space<vmem>> -> memref<80x128xf32, #tpu.memory_space<vmem>>
      %dma_start3A_53 = arith.constant 0 : i32
      %dma_start3A_54 = tpu.memref_slice %arg15[%add3A_43, %dma_start3A_53] : memref<10240x128xf32, #tpu.memory_space<vmem_shared>> -> memref<80x128xf32, #tpu.memory_space<vmem_shared>>
      %dma_start3A_55 = arith.constant 0 : i32
      %dma_start3A_56 = tpu.memref_slice %arg15[%add3A_43, %dma_start3A_55] : memref<10240x128xf32, #tpu.memory_space<vmem_shared>> -> memref<80x128xf32, #tpu.memory_space<vmem_shared>>
      %dma_start3A_57 = arith.constant 0 : i32
      %dma_start3A_58 = arith.constant 0 : i32
      %dma_start3A_59 = tpu.memref_slice %arg12[%dma_start3A_57, %dma_start3A_58] : memref<112x128xf32, #tpu.memory_space<vmem>> -> memref<80x128xf32, #tpu.memory_space<vmem>>
      tpu.enqueue_dma source(%dma_start3A_59 : memref<80x128xf32, #tpu.memory_space<vmem>>) target(%dma_start3A_56 : memref<80x128xf32, #tpu.memory_space<vmem_shared>>) target_semaphore(%run_scoped3A : memref<!tpu.dma_semaphore, #tpu.memory_space<semaphore_mem>>)
      %dma_wait3A = arith.constant 0 : i32
      %dma_wait3A_60 = arith.constant 0 : i32
      %dma_wait3A_61 = tpu.memref_slice %arg12[%dma_wait3A, %dma_wait3A_60] : memref<112x128xf32, #tpu.memory_space<vmem>> -> memref<80x128xf32, #tpu.memory_space<vmem>>
      %dma_wait3A_62 = arith.constant 0 : i32
      %dma_wait3A_63 = tpu.memref_slice %arg15[%add3A_43, %dma_wait3A_62] : memref<10240x128xf32, #tpu.memory_space<vmem_shared>> -> memref<80x128xf32, #tpu.memory_space<vmem_shared>>
      %dma_wait3A_64 = arith.constant 0 : i32
      %dma_wait3A_65 = tpu.memref_slice %arg15[%add3A_43, %dma_wait3A_64] : memref<10240x128xf32, #tpu.memory_space<vmem_shared>> -> memref<80x128xf32, #tpu.memory_space<vmem_shared>>
      %dma_wait3A_66 = arith.constant 0 : i32
      %dma_wait3A_67 = arith.constant 0 : i32
      %dma_wait3A_68 = tpu.memref_slice %arg12[%dma_wait3A_66, %dma_wait3A_67] : memref<112x128xf32, #tpu.memory_space<vmem>> -> memref<80x128xf32, #tpu.memory_space<vmem>>
      tpu.wait_dma2 semaphore(%run_scoped3A : memref<!tpu.dma_semaphore, #tpu.memory_space<semaphore_mem>>) src(%dma_wait3A_68 : memref<80x128xf32, #tpu.memory_space<vmem>>) dst(%dma_wait3A_65 : memref<80x128xf32, #tpu.memory_space<vmem_shared>>)
      tpu.yield
    }) : () -> ()
    %barrier3A = arith.constant 0 : index
    tpu.barrier barrier_id(%barrier3A)
    %eq3A = arith.constant 0 : i32
    %eq3A_44 = arith.cmpi eq, %arg0, %eq3A : i32
    %convert_element_type3A = arith.extui %eq3A_44 : i1 to i32
    %cond3A = arith.constant 0 : i32
    %cond3A_45 = arith.cmpi ne, %convert_element_type3A, %cond3A : i32
    scf.if %cond3A_45 {
      %mul3A_51 = arith.constant 90 : i32
      %mul3A_52 = arith.muli %arg1, %mul3A_51 : i32
      %add3A_53 = arith.constant 0 : i32
      %add3A_54 = arith.addi %mul3A_52, %add3A_53 : i32
      %dma_start3A = arith.constant 0 : i32
      %dma_start3A_55 = tpu.memref_slice %arg3[%add3A_54, %dma_start3A] : memref<1440x112xi32, #tpu.memory_space<hbm>> -> memref<1x112xi32, #tpu.memory_space<hbm>>
      %dma_start3A_56 = tpu.memref_squeeze %dma_start3A_55 : memref<1x112xi32, #tpu.memory_space<hbm>> -> memref<112xi32, #tpu.memory_space<hbm>>
      %dma_start3A_57 = arith.constant 0 : i32
      %dma_start3A_58 = tpu.memref_slice %arg3[%add3A_54, %dma_start3A_57] : memref<1440x112xi32, #tpu.memory_space<hbm>> -> memref<1x112xi32, #tpu.memory_space<hbm>>
      %dma_start3A_59 = tpu.memref_squeeze %dma_start3A_58 : memref<1x112xi32, #tpu.memory_space<hbm>> -> memref<112xi32, #tpu.memory_space<hbm>>
      tpu.enqueue_dma source(%dma_start3A_59 : memref<112xi32, #tpu.memory_space<hbm>>) target(%arg8 : memref<112xi32, #tpu.memory_space<vmem>>) target_semaphore(%arg18 : memref<!tpu.dma_semaphore, #tpu.memory_space<semaphore_mem>>)
      %dma_start3A_60 = arith.constant 0 : i32
      %dma_start3A_61 = tpu.memref_slice %arg4[%add3A_54, %dma_start3A_60] : memref<1440x112xi32, #tpu.memory_space<hbm>> -> memref<1x112xi32, #tpu.memory_space<hbm>>
      %dma_start3A_62 = tpu.memref_squeeze %dma_start3A_61 : memref<1x112xi32, #tpu.memory_space<hbm>> -> memref<112xi32, #tpu.memory_space<hbm>>
      %dma_start3A_63 = arith.constant 0 : i32
      %dma_start3A_64 = tpu.memref_slice %arg4[%add3A_54, %dma_start3A_63] : memref<1440x112xi32, #tpu.memory_space<hbm>> -> memref<1x112xi32, #tpu.memory_space<hbm>>
      %dma_start3A_65 = tpu.memref_squeeze %dma_start3A_64 : memref<1x112xi32, #tpu.memory_space<hbm>> -> memref<112xi32, #tpu.memory_space<hbm>>
      tpu.enqueue_dma source(%dma_start3A_65 : memref<112xi32, #tpu.memory_space<hbm>>) target(%arg9 : memref<112xi32, #tpu.memory_space<vmem>>) target_semaphore(%arg18 : memref<!tpu.dma_semaphore, #tpu.memory_space<semaphore_mem>>)
      %mul3A_66 = arith.constant 90 : i32
      %mul3A_67 = arith.muli %arg1, %mul3A_66 : i32
      %add3A_68 = arith.constant 1 : i32
      %add3A_69 = arith.addi %mul3A_67, %add3A_68 : i32
      %dma_start3A_70 = arith.constant 0 : i32
      %dma_start3A_71 = tpu.memref_slice %arg3[%add3A_69, %dma_start3A_70] : memref<1440x112xi32, #tpu.memory_space<hbm>> -> memref<1x112xi32, #tpu.memory_space<hbm>>
      %dma_start3A_72 = tpu.memref_squeeze %dma_start3A_71 : memref<1x112xi32, #tpu.memory_space<hbm>> -> memref<112xi32, #tpu.memory_space<hbm>>
      %dma_start3A_73 = arith.constant 0 : i32
      %dma_start3A_74 = tpu.memref_slice %arg3[%add3A_69, %dma_start3A_73] : memref<1440x112xi32, #tpu.memory_space<hbm>> -> memref<1x112xi32, #tpu.memory_space<hbm>>
      %dma_start3A_75 = tpu.memref_squeeze %dma_start3A_74 : memref<1x112xi32, #tpu.memory_space<hbm>> -> memref<112xi32, #tpu.memory_space<hbm>>
      tpu.enqueue_dma source(%dma_start3A_75 : memref<112xi32, #tpu.memory_space<hbm>>) target(%arg10 : memref<112xi32, #tpu.memory_space<vmem>>) target_semaphore(%arg19 : memref<!tpu.dma_semaphore, #tpu.memory_space<semaphore_mem>>)
      %dma_start3A_76 = arith.constant 0 : i32
      %dma_start3A_77 = tpu.memref_slice %arg4[%add3A_69, %dma_start3A_76] : memref<1440x112xi32, #tpu.memory_space<hbm>> -> memref<1x112xi32, #tpu.memory_space<hbm>>
      %dma_start3A_78 = tpu.memref_squeeze %dma_start3A_77 : memref<1x112xi32, #tpu.memory_space<hbm>> -> memref<112xi32, #tpu.memory_space<hbm>>
      %dma_start3A_79 = arith.constant 0 : i32
      %dma_start3A_80 = tpu.memref_slice %arg4[%add3A_69, %dma_start3A_79] : memref<1440x112xi32, #tpu.memory_space<hbm>> -> memref<1x112xi32, #tpu.memory_space<hbm>>
      %dma_start3A_81 = tpu.memref_squeeze %dma_start3A_80 : memref<1x112xi32, #tpu.memory_space<hbm>> -> memref<112xi32, #tpu.memory_space<hbm>>
      tpu.enqueue_dma source(%dma_start3A_81 : memref<112xi32, #tpu.memory_space<hbm>>) target(%arg11 : memref<112xi32, #tpu.memory_space<vmem>>) target_semaphore(%arg19 : memref<!tpu.dma_semaphore, #tpu.memory_space<semaphore_mem>>)
      %dma_wait3A = arith.constant 0 : i32
      %dma_wait3A_82 = arith.constant 0 : i32
      %dma_wait3A_83 = tpu.memref_slice %arg3[%dma_wait3A, %dma_wait3A_82] : memref<1440x112xi32, #tpu.memory_space<hbm>> -> memref<1x112xi32, #tpu.memory_space<hbm>>
      %dma_wait3A_84 = tpu.memref_squeeze %dma_wait3A_83 : memref<1x112xi32, #tpu.memory_space<hbm>> -> memref<112xi32, #tpu.memory_space<hbm>>
      %dma_wait3A_85 = arith.constant 0 : i32
      %dma_wait3A_86 = tpu.memref_slice %arg3[%dma_wait3A, %dma_wait3A_85] : memref<1440x112xi32, #tpu.memory_space<hbm>> -> memref<1x112xi32, #tpu.memory_space<hbm>>
      %dma_wait3A_87 = tpu.memref_squeeze %dma_wait3A_86 : memref<1x112xi32, #tpu.memory_space<hbm>> -> memref<112xi32, #tpu.memory_space<hbm>>
      tpu.wait_dma2 semaphore(%arg18 : memref<!tpu.dma_semaphore, #tpu.memory_space<semaphore_mem>>) src(%dma_wait3A_87 : memref<112xi32, #tpu.memory_space<hbm>>) dst(%arg8 : memref<112xi32, #tpu.memory_space<vmem>>)
      %dma_wait3A_88 = arith.constant 0 : i32
      %dma_wait3A_89 = arith.constant 0 : i32
      %dma_wait3A_90 = tpu.memref_slice %arg4[%dma_wait3A_88, %dma_wait3A_89] : memref<1440x112xi32, #tpu.memory_space<hbm>> -> memref<1x112xi32, #tpu.memory_space<hbm>>
      %dma_wait3A_91 = tpu.memref_squeeze %dma_wait3A_90 : memref<1x112xi32, #tpu.memory_space<hbm>> -> memref<112xi32, #tpu.memory_space<hbm>>
      %dma_wait3A_92 = arith.constant 0 : i32
      %dma_wait3A_93 = tpu.memref_slice %arg4[%dma_wait3A_88, %dma_wait3A_92] : memref<1440x112xi32, #tpu.memory_space<hbm>> -> memref<1x112xi32, #tpu.memory_space<hbm>>
      %dma_wait3A_94 = tpu.memref_squeeze %dma_wait3A_93 : memref<1x112xi32, #tpu.memory_space<hbm>> -> memref<112xi32, #tpu.memory_space<hbm>>
      tpu.wait_dma2 semaphore(%arg18 : memref<!tpu.dma_semaphore, #tpu.memory_space<semaphore_mem>>) src(%dma_wait3A_94 : memref<112xi32, #tpu.memory_space<hbm>>) dst(%arg9 : memref<112xi32, #tpu.memory_space<vmem>>)
      %dma_start3A_95 = arith.constant 0 : i32
      %dma_start3A_96 = arith.constant 0 : i32
      %dma_start3A_97 = tpu.memref_slice %arg2[%dma_start3A_95, %dma_start3A_96] : memref<10000x256xf32, #tpu.memory_space<hbm>> -> memref<10000x128xf32, #tpu.memory_space<hbm>>
      tpu.enqueue_indirect_dma source(%dma_start3A_97 : memref<10000x128xf32, #tpu.memory_space<hbm>>) target(%arg12 : memref<112x128xf32, #tpu.memory_space<vmem>>) offsets(%arg8 : memref<112xi32, #tpu.memory_space<vmem>>) semaphore(%arg16 : memref<!tpu.dma_semaphore, #tpu.memory_space<semaphore_mem>>)
      %scan3A_98 = arith.constant 0 : i32
      %scan3A_99 = arith.constant 0 : i32
      %scan3A_100 = arith.constant 44 : i32
      %scan3A_101 = arith.addi %scan3A_99, %scan3A_100 : i32
      %scan3A_102 = arith.constant 1 : i32
      scf.for %scan3A_155 = %scan3A_99 to %scan3A_101 step %scan3A_102  : i32 {
        %mul3A_156 = arith.constant 2 : i32
        %mul3A_157 = arith.muli %mul3A_156, %scan3A_155 : i32
        %dma_wait3A_158 = arith.constant 0 : i32
        %dma_wait3A_159 = arith.constant 0 : i32
        %dma_wait3A_160 = tpu.memref_slice %arg2[%dma_wait3A_158, %dma_wait3A_159] : memref<10000x256xf32, #tpu.memory_space<hbm>> -> memref<10000x128xf32, #tpu.memory_space<hbm>>
        tpu.wait_indirect_dma semaphore(%arg16 : memref<!tpu.dma_semaphore, #tpu.memory_space<semaphore_mem>>) src(%dma_wait3A_160 : memref<10000x128xf32, #tpu.memory_space<hbm>>) dst(%arg12 : memref<112x128xf32, #tpu.memory_space<vmem>>)
        %get3A_161 = arith.constant 0 : index
        %get3A_162 = tpu.vector_load %arg9[%get3A_161] {strides = array<i32>} : memref<112xi32, #tpu.memory_space<vmem>>, vector<16xi32>,
        tpu.vector_store_idx %arg14[%get3A_162], %broadcast_in_dim3A_2 {add = true} : memref<10240xf32, #tpu.memory_space<vmem>>[vector<16xi32>], vector<16xf32>,
        %get3A_163 = arith.constant 16 : index
        %get3A_164 = tpu.vector_load %arg9[%get3A_163] {strides = array<i32>} : memref<112xi32, #tpu.memory_space<vmem>>, vector<16xi32>,
        tpu.vector_store_idx %arg14[%get3A_164], %broadcast_in_dim3A_2 {add = true} : memref<10240xf32, #tpu.memory_space<vmem>>[vector<16xi32>], vector<16xf32>,
        %get3A_165 = arith.constant 32 : index
        %get3A_166 = tpu.vector_load %arg9[%get3A_165] {strides = array<i32>} : memref<112xi32, #tpu.memory_space<vmem>>, vector<16xi32>,
        tpu.vector_store_idx %arg14[%get3A_166], %broadcast_in_dim3A_2 {add = true} : memref<10240xf32, #tpu.memory_space<vmem>>[vector<16xi32>], vector<16xf32>,
        %get3A_167 = arith.constant 48 : index
        %get3A_168 = tpu.vector_load %arg9[%get3A_167] {strides = array<i32>} : memref<112xi32, #tpu.memory_space<vmem>>, vector<16xi32>,
        tpu.vector_store_idx %arg14[%get3A_168], %broadcast_in_dim3A_2 {add = true} : memref<10240xf32, #tpu.memory_space<vmem>>[vector<16xi32>], vector<16xf32>,
        %get3A_169 = arith.constant 64 : index
        %get3A_170 = tpu.vector_load %arg9[%get3A_169] {strides = array<i32>} : memref<112xi32, #tpu.memory_space<vmem>>, vector<16xi32>,
        tpu.vector_store_idx %arg14[%get3A_170], %broadcast_in_dim3A_2 {add = true} : memref<10240xf32, #tpu.memory_space<vmem>>[vector<16xi32>], vector<16xf32>,
        %get3A_171 = arith.constant 80 : index
        %get3A_172 = tpu.vector_load %arg9[%get3A_171] {strides = array<i32>} : memref<112xi32, #tpu.memory_space<vmem>>, vector<16xi32>,
        tpu.vector_store_idx %arg14[%get3A_172], %broadcast_in_dim3A_2 {add = true} : memref<10240xf32, #tpu.memory_space<vmem>>[vector<16xi32>], vector<16xf32>,
        %get3A_173 = arith.constant 96 : index
        %get3A_174 = tpu.vector_load %arg9[%get3A_173] {strides = array<i32>} : memref<112xi32, #tpu.memory_space<vmem>>, vector<16xi32>,
        tpu.vector_store_idx %arg14[%get3A_174], %broadcast_in_dim3A_2 {add = true} : memref<10240xf32, #tpu.memory_space<vmem>>[vector<16xi32>], vector<16xf32>,
        %dma_start3A_175 = arith.constant 0 : i32
        %dma_start3A_176 = arith.constant 0 : i32
        %dma_start3A_177 = tpu.memref_slice %arg15[%dma_start3A_175, %dma_start3A_176] : memref<10240x128xf32, #tpu.memory_space<vmem_shared>> -> memref<10240x128xf32, #tpu.memory_space<vmem_shared>>
        tpu.enqueue_indirect_dma source(%arg12 : memref<112x128xf32, #tpu.memory_space<vmem>>) target(%dma_start3A_177 : memref<10240x128xf32, #tpu.memory_space<vmem_shared>>) offsets(%arg9 : memref<112xi32, #tpu.memory_space<vmem>>) semaphore(%arg20 : memref<!tpu.dma_semaphore, #tpu.memory_space<semaphore_mem>>) {add = true}
        %dma_wait3A_178 = arith.constant 0 : i32
        %dma_wait3A_179 = arith.constant 0 : i32
        %dma_wait3A_180 = tpu.memref_slice %arg3[%dma_wait3A_178, %dma_wait3A_179] : memref<1440x112xi32, #tpu.memory_space<hbm>> -> memref<1x112xi32, #tpu.memory_space<hbm>>
        %dma_wait3A_181 = tpu.memref_squeeze %dma_wait3A_180 : memref<1x112xi32, #tpu.memory_space<hbm>> -> memref<112xi32, #tpu.memory_space<hbm>>
        %dma_wait3A_182 = arith.constant 0 : i32
        %dma_wait3A_183 = tpu.memref_slice %arg3[%dma_wait3A_178, %dma_wait3A_182] : memref<1440x112xi32, #tpu.memory_space<hbm>> -> memref<1x112xi32, #tpu.memory_space<hbm>>
        %dma_wait3A_184 = tpu.memref_squeeze %dma_wait3A_183 : memref<1x112xi32, #tpu.memory_space<hbm>> -> memref<112xi32, #tpu.memory_space<hbm>>
        tpu.wait_dma2 semaphore(%arg19 : memref<!tpu.dma_semaphore, #tpu.memory_space<semaphore_mem>>) src(%dma_wait3A_184 : memref<112xi32, #tpu.memory_space<hbm>>) dst(%arg10 : memref<112xi32, #tpu.memory_space<vmem>>)
        %dma_wait3A_185 = arith.constant 0 : i32
        %dma_wait3A_186 = arith.constant 0 : i32
        %dma_wait3A_187 = tpu.memref_slice %arg4[%dma_wait3A_185, %dma_wait3A_186] : memref<1440x112xi32, #tpu.memory_space<hbm>> -> memref<1x112xi32, #tpu.memory_space<hbm>>
        %dma_wait3A_188 = tpu.memref_squeeze %dma_wait3A_187 : memref<1x112xi32, #tpu.memory_space<hbm>> -> memref<112xi32, #tpu.memory_space<hbm>>
        %dma_wait3A_189 = arith.constant 0 : i32
        %dma_wait3A_190 = tpu.memref_slice %arg4[%dma_wait3A_185, %dma_wait3A_189] : memref<1440x112xi32, #tpu.memory_space<hbm>> -> memref<1x112xi32, #tpu.memory_space<hbm>>
        %dma_wait3A_191 = tpu.memref_squeeze %dma_wait3A_190 : memref<1x112xi32, #tpu.memory_space<hbm>> -> memref<112xi32, #tpu.memory_space<hbm>>
        tpu.wait_dma2 semaphore(%arg19 : memref<!tpu.dma_semaphore, #tpu.memory_space<semaphore_mem>>) src(%dma_wait3A_191 : memref<112xi32, #tpu.memory_space<hbm>>) dst(%arg11 : memref<112xi32, #tpu.memory_space<vmem>>)
        %dma_start3A_192 = arith.constant 0 : i32
        %dma_start3A_193 = arith.constant 0 : i32
        %dma_start3A_194 = tpu.memref_slice %arg2[%dma_start3A_192, %dma_start3A_193] : memref<10000x256xf32, #tpu.memory_space<hbm>> -> memref<10000x128xf32, #tpu.memory_space<hbm>>
        tpu.enqueue_indirect_dma source(%dma_start3A_194 : memref<10000x128xf32, #tpu.memory_space<hbm>>) target(%arg13 : memref<112x128xf32, #tpu.memory_space<vmem>>) offsets(%arg10 : memref<112xi32, #tpu.memory_space<vmem>>) semaphore(%arg17 : memref<!tpu.dma_semaphore, #tpu.memory_space<semaphore_mem>>)
        %dma_wait3A_195 = arith.constant 0 : i32
        %dma_wait3A_196 = arith.constant 0 : i32
        %dma_wait3A_197 = tpu.memref_slice %arg15[%dma_wait3A_195, %dma_wait3A_196] : memref<10240x128xf32, #tpu.memory_space<vmem_shared>> -> memref<10240x128xf32, #tpu.memory_space<vmem_shared>>
        tpu.wait_indirect_dma semaphore(%arg20 : memref<!tpu.dma_semaphore, #tpu.memory_space<semaphore_mem>>) src(%arg12 : memref<112x128xf32, #tpu.memory_space<vmem>>) dst(%dma_wait3A_197 : memref<10240x128xf32, #tpu.memory_space<vmem_shared>>)
        %add3A_198 = arith.constant 2 : i32
        %add3A_199 = arith.addi %mul3A_157, %add3A_198 : i32
        %mul3A_200 = arith.constant 90 : i32
        %mul3A_201 = arith.muli %arg1, %mul3A_200 : i32
        %add3A_202 = arith.addi %mul3A_201, %add3A_199 : i32
        %dma_start3A_203 = arith.constant 0 : i32
        %dma_start3A_204 = tpu.memref_slice %arg3[%add3A_202, %dma_start3A_203] : memref<1440x112xi32, #tpu.memory_space<hbm>> -> memref<1x112xi32, #tpu.memory_space<hbm>>
        %dma_start3A_205 = tpu.memref_squeeze %dma_start3A_204 : memref<1x112xi32, #tpu.memory_space<hbm>> -> memref<112xi32, #tpu.memory_space<hbm>>
        %dma_start3A_206 = arith.constant 0 : i32
        %dma_start3A_207 = tpu.memref_slice %arg3[%add3A_202, %dma_start3A_206] : memref<1440x112xi32, #tpu.memory_space<hbm>> -> memref<1x112xi32, #tpu.memory_space<hbm>>
        %dma_start3A_208 = tpu.memref_squeeze %dma_start3A_207 : memref<1x112xi32, #tpu.memory_space<hbm>> -> memref<112xi32, #tpu.memory_space<hbm>>
        tpu.enqueue_dma source(%dma_start3A_208 : memref<112xi32, #tpu.memory_space<hbm>>) target(%arg8 : memref<112xi32, #tpu.memory_space<vmem>>) target_semaphore(%arg18 : memref<!tpu.dma_semaphore, #tpu.memory_space<semaphore_mem>>)
        %dma_start3A_209 = arith.constant 0 : i32
        %dma_start3A_210 = tpu.memref_slice %arg4[%add3A_202, %dma_start3A_209] : memref<1440x112xi32, #tpu.memory_space<hbm>> -> memref<1x112xi32, #tpu.memory_space<hbm>>
        %dma_start3A_211 = tpu.memref_squeeze %dma_start3A_210 : memref<1x112xi32, #tpu.memory_space<hbm>> -> memref<112xi32, #tpu.memory_space<hbm>>
        %dma_start3A_212 = arith.constant 0 : i32
        %dma_start3A_213 = tpu.memref_slice %arg4[%add3A_202, %dma_start3A_212] : memref<1440x112xi32, #tpu.memory_space<hbm>> -> memref<1x112xi32, #tpu.memory_space<hbm>>
        %dma_start3A_214 = tpu.memref_squeeze %dma_start3A_213 : memref<1x112xi32, #tpu.memory_space<hbm>> -> memref<112xi32, #tpu.memory_space<hbm>>
        tpu.enqueue_dma source(%dma_start3A_214 : memref<112xi32, #tpu.memory_space<hbm>>) target(%arg9 : memref<112xi32, #tpu.memory_space<vmem>>) target_semaphore(%arg18 : memref<!tpu.dma_semaphore, #tpu.memory_space<semaphore_mem>>)
        %dma_wait3A_215 = arith.constant 0 : i32
        %dma_wait3A_216 = arith.constant 0 : i32
        %dma_wait3A_217 = tpu.memref_slice %arg2[%dma_wait3A_215, %dma_wait3A_216] : memref<10000x256xf32, #tpu.memory_space<hbm>> -> memref<10000x128xf32, #tpu.memory_space<hbm>>
        tpu.wait_indirect_dma semaphore(%arg17 : memref<!tpu.dma_semaphore, #tpu.memory_space<semaphore_mem>>) src(%dma_wait3A_217 : memref<10000x128xf32, #tpu.memory_space<hbm>>) dst(%arg13 : memref<112x128xf32, #tpu.memory_space<vmem>>)
        %dma_start3A_218 = arith.constant 0 : i32
        %dma_start3A_219 = arith.constant 0 : i32
        %dma_start3A_220 = tpu.memref_slice %arg15[%dma_start3A_218, %dma_start3A_219] : memref<10240x128xf32, #tpu.memory_space<vmem_shared>> -> memref<10240x128xf32, #tpu.memory_space<vmem_shared>>
        tpu.enqueue_indirect_dma source(%arg13 : memref<112x128xf32, #tpu.memory_space<vmem>>) target(%dma_start3A_220 : memref<10240x128xf32, #tpu.memory_space<vmem_shared>>) offsets(%arg11 : memref<112xi32, #tpu.memory_space<vmem>>) semaphore(%arg21 : memref<!tpu.dma_semaphore, #tpu.memory_space<semaphore_mem>>) {add = true}
        %dma_wait3A_221 = arith.constant 0 : i32
        %dma_wait3A_222 = arith.constant 0 : i32
        %dma_wait3A_223 = tpu.memref_slice %arg3[%dma_wait3A_221, %dma_wait3A_222] : memref<1440x112xi32, #tpu.memory_space<hbm>> -> memref<1x112xi32, #tpu.memory_space<hbm>>
        %dma_wait3A_224 = tpu.memref_squeeze %dma_wait3A_223 : memref<1x112xi32, #tpu.memory_space<hbm>> -> memref<112xi32, #tpu.memory_space<hbm>>
        %dma_wait3A_225 = arith.constant 0 : i32
        %dma_wait3A_226 = tpu.memref_slice %arg3[%dma_wait3A_221, %dma_wait3A_225] : memref<1440x112xi32, #tpu.memory_space<hbm>> -> memref<1x112xi32, #tpu.memory_space<hbm>>
        %dma_wait3A_227 = tpu.memref_squeeze %dma_wait3A_226 : memref<1x112xi32, #tpu.memory_space<hbm>> -> memref<112xi32, #tpu.memory_space<hbm>>
        tpu.wait_dma2 semaphore(%arg18 : memref<!tpu.dma_semaphore, #tpu.memory_space<semaphore_mem>>) src(%dma_wait3A_227 : memref<112xi32, #tpu.memory_space<hbm>>) dst(%arg8 : memref<112xi32, #tpu.memory_space<vmem>>)
        %dma_wait3A_228 = arith.constant 0 : i32
        %dma_wait3A_229 = arith.constant 0 : i32
        %dma_wait3A_230 = tpu.memref_slice %arg4[%dma_wait3A_228, %dma_wait3A_229] : memref<1440x112xi32, #tpu.memory_space<hbm>> -> memref<1x112xi32, #tpu.memory_space<hbm>>
        %dma_wait3A_231 = tpu.memref_squeeze %dma_wait3A_230 : memref<1x112xi32, #tpu.memory_space<hbm>> -> memref<112xi32, #tpu.memory_space<hbm>>
        %dma_wait3A_232 = arith.constant 0 : i32
        %dma_wait3A_233 = tpu.memref_slice %arg4[%dma_wait3A_228, %dma_wait3A_232] : memref<1440x112xi32, #tpu.memory_space<hbm>> -> memref<1x112xi32, #tpu.memory_space<hbm>>
        %dma_wait3A_234 = tpu.memref_squeeze %dma_wait3A_233 : memref<1x112xi32, #tpu.memory_space<hbm>> -> memref<112xi32, #tpu.memory_space<hbm>>
        tpu.wait_dma2 semaphore(%arg18 : memref<!tpu.dma_semaphore, #tpu.memory_space<semaphore_mem>>) src(%dma_wait3A_234 : memref<112xi32, #tpu.memory_space<hbm>>) dst(%arg9 : memref<112xi32, #tpu.memory_space<vmem>>)
        %dma_start3A_235 = arith.constant 0 : i32
        %dma_start3A_236 = arith.constant 0 : i32
        %dma_start3A_237 = tpu.memref_slice %arg2[%dma_start3A_235, %dma_start3A_236] : memref<10000x256xf32, #tpu.memory_space<hbm>> -> memref<10000x128xf32, #tpu.memory_space<hbm>>
        tpu.enqueue_indirect_dma source(%dma_start3A_237 : memref<10000x128xf32, #tpu.memory_space<hbm>>) target(%arg12 : memref<112x128xf32, #tpu.memory_space<vmem>>) offsets(%arg8 : memref<112xi32, #tpu.memory_space<vmem>>) semaphore(%arg16 : memref<!tpu.dma_semaphore, #tpu.memory_space<semaphore_mem>>)
        %dma_wait3A_238 = arith.constant 0 : i32
        %dma_wait3A_239 = arith.constant 0 : i32
        %dma_wait3A_240 = tpu.memref_slice %arg15[%dma_wait3A_238, %dma_wait3A_239] : memref<10240x128xf32, #tpu.memory_space<vmem_shared>> -> memref<10240x128xf32, #tpu.memory_space<vmem_shared>>
        tpu.wait_indirect_dma semaphore(%arg21 : memref<!tpu.dma_semaphore, #tpu.memory_space<semaphore_mem>>) src(%arg13 : memref<112x128xf32, #tpu.memory_space<vmem>>) dst(%dma_wait3A_240 : memref<10240x128xf32, #tpu.memory_space<vmem_shared>>)
        %add3A_241 = arith.constant 3 : i32
        %add3A_242 = arith.addi %mul3A_157, %add3A_241 : i32
        %mul3A_243 = arith.constant 90 : i32
        %mul3A_244 = arith.muli %arg1, %mul3A_243 : i32
        %add3A_245 = arith.addi %mul3A_244, %add3A_242 : i32
        %dma_start3A_246 = arith.constant 0 : i32
        %dma_start3A_247 = tpu.memref_slice %arg3[%add3A_245, %dma_start3A_246] : memref<1440x112xi32, #tpu.memory_space<hbm>> -> memref<1x112xi32, #tpu.memory_space<hbm>>
        %dma_start3A_248 = tpu.memref_squeeze %dma_start3A_247 : memref<1x112xi32, #tpu.memory_space<hbm>> -> memref<112xi32, #tpu.memory_space<hbm>>
        %dma_start3A_249 = arith.constant 0 : i32
        %dma_start3A_250 = tpu.memref_slice %arg3[%add3A_245, %dma_start3A_249] : memref<1440x112xi32, #tpu.memory_space<hbm>> -> memref<1x112xi32, #tpu.memory_space<hbm>>
        %dma_start3A_251 = tpu.memref_squeeze %dma_start3A_250 : memref<1x112xi32, #tpu.memory_space<hbm>> -> memref<112xi32, #tpu.memory_space<hbm>>
        tpu.enqueue_dma source(%dma_start3A_251 : memref<112xi32, #tpu.memory_space<hbm>>) target(%arg10 : memref<112xi32, #tpu.memory_space<vmem>>) target_semaphore(%arg19 : memref<!tpu.dma_semaphore, #tpu.memory_space<semaphore_mem>>)
        %dma_start3A_252 = arith.constant 0 : i32
        %dma_start3A_253 = tpu.memref_slice %arg4[%add3A_245, %dma_start3A_252] : memref<1440x112xi32, #tpu.memory_space<hbm>> -> memref<1x112xi32, #tpu.memory_space<hbm>>
        %dma_start3A_254 = tpu.memref_squeeze %dma_start3A_253 : memref<1x112xi32, #tpu.memory_space<hbm>> -> memref<112xi32, #tpu.memory_space<hbm>>
        %dma_start3A_255 = arith.constant 0 : i32
        %dma_start3A_256 = tpu.memref_slice %arg4[%add3A_245, %dma_start3A_255] : memref<1440x112xi32, #tpu.memory_space<hbm>> -> memref<1x112xi32, #tpu.memory_space<hbm>>
        %dma_start3A_257 = tpu.memref_squeeze %dma_start3A_256 : memref<1x112xi32, #tpu.memory_space<hbm>> -> memref<112xi32, #tpu.memory_space<hbm>>
        tpu.enqueue_dma source(%dma_start3A_257 : memref<112xi32, #tpu.memory_space<hbm>>) target(%arg11 : memref<112xi32, #tpu.memory_space<vmem>>) target_semaphore(%arg19 : memref<!tpu.dma_semaphore, #tpu.memory_space<semaphore_mem>>)
      }
      %scan3A_103 = arith.constant 44 : i32
      %dma_wait3A_104 = arith.constant 0 : i32
      %dma_wait3A_105 = arith.constant 0 : i32
      %dma_wait3A_106 = tpu.memref_slice %arg2[%dma_wait3A_104, %dma_wait3A_105] : memref<10000x256xf32, #tpu.memory_space<hbm>> -> memref<10000x128xf32, #tpu.memory_space<hbm>>
      tpu.wait_indirect_dma semaphore(%arg16 : memref<!tpu.dma_semaphore, #tpu.memory_space<semaphore_mem>>) src(%dma_wait3A_106 : memref<10000x128xf32, #tpu.memory_space<hbm>>) dst(%arg12 : memref<112x128xf32, #tpu.memory_space<vmem>>)
      %get3A = arith.constant 0 : index
      %get3A_107 = tpu.vector_load %arg9[%get3A] {strides = array<i32>} : memref<112xi32, #tpu.memory_space<vmem>>, vector<16xi32>,
      tpu.vector_store_idx %arg14[%get3A_107], %broadcast_in_dim3A_2 {add = true} : memref<10240xf32, #tpu.memory_space<vmem>>[vector<16xi32>], vector<16xf32>,
      %get3A_108 = arith.constant 16 : index
      %get3A_109 = tpu.vector_load %arg9[%get3A_108] {strides = array<i32>} : memref<112xi32, #tpu.memory_space<vmem>>, vector<16xi32>,
      tpu.vector_store_idx %arg14[%get3A_109], %broadcast_in_dim3A_2 {add = true} : memref<10240xf32, #tpu.memory_space<vmem>>[vector<16xi32>], vector<16xf32>,
      %get3A_110 = arith.constant 32 : index
      %get3A_111 = tpu.vector_load %arg9[%get3A_110] {strides = array<i32>} : memref<112xi32, #tpu.memory_space<vmem>>, vector<16xi32>,
      tpu.vector_store_idx %arg14[%get3A_111], %broadcast_in_dim3A_2 {add = true} : memref<10240xf32, #tpu.memory_space<vmem>>[vector<16xi32>], vector<16xf32>,
      %get3A_112 = arith.constant 48 : index
      %get3A_113 = tpu.vector_load %arg9[%get3A_112] {strides = array<i32>} : memref<112xi32, #tpu.memory_space<vmem>>, vector<16xi32>,
      tpu.vector_store_idx %arg14[%get3A_113], %broadcast_in_dim3A_2 {add = true} : memref<10240xf32, #tpu.memory_space<vmem>>[vector<16xi32>], vector<16xf32>,
      %get3A_114 = arith.constant 64 : index
      %get3A_115 = tpu.vector_load %arg9[%get3A_114] {strides = array<i32>} : memref<112xi32, #tpu.memory_space<vmem>>, vector<16xi32>,
      tpu.vector_store_idx %arg14[%get3A_115], %broadcast_in_dim3A_2 {add = true} : memref<10240xf32, #tpu.memory_space<vmem>>[vector<16xi32>], vector<16xf32>,
      %get3A_116 = arith.constant 80 : index
      %get3A_117 = tpu.vector_load %arg9[%get3A_116] {strides = array<i32>} : memref<112xi32, #tpu.memory_space<vmem>>, vector<16xi32>,
      tpu.vector_store_idx %arg14[%get3A_117], %broadcast_in_dim3A_2 {add = true} : memref<10240xf32, #tpu.memory_space<vmem>>[vector<16xi32>], vector<16xf32>,
      %get3A_118 = arith.constant 96 : index
      %get3A_119 = tpu.vector_load %arg9[%get3A_118] {strides = array<i32>} : memref<112xi32, #tpu.memory_space<vmem>>, vector<16xi32>,
      tpu.vector_store_idx %arg14[%get3A_119], %broadcast_in_dim3A_2 {add = true} : memref<10240xf32, #tpu.memory_space<vmem>>[vector<16xi32>], vector<16xf32>,
      %dma_start3A_120 = arith.constant 0 : i32
      %dma_start3A_121 = arith.constant 0 : i32
      %dma_start3A_122 = tpu.memref_slice %arg15[%dma_start3A_120, %dma_start3A_121] : memref<10240x128xf32, #tpu.memory_space<vmem_shared>> -> memref<10240x128xf32, #tpu.memory_space<vmem_shared>>
      tpu.enqueue_indirect_dma source(%arg12 : memref<112x128xf32, #tpu.memory_space<vmem>>) target(%dma_start3A_122 : memref<10240x128xf32, #tpu.memory_space<vmem_shared>>) offsets(%arg9 : memref<112xi32, #tpu.memory_space<vmem>>) semaphore(%arg20 : memref<!tpu.dma_semaphore, #tpu.memory_space<semaphore_mem>>) {add = true}
      %dma_wait3A_123 = arith.constant 0 : i32
      %dma_wait3A_124 = arith.constant 0 : i32
      %dma_wait3A_125 = tpu.memref_slice %arg3[%dma_wait3A_123, %dma_wait3A_124] : memref<1440x112xi32, #tpu.memory_space<hbm>> -> memref<1x112xi32, #tpu.memory_space<hbm>>
      %dma_wait3A_126 = tpu.memref_squeeze %dma_wait3A_125 : memref<1x112xi32, #tpu.memory_space<hbm>> -> memref<112xi32, #tpu.memory_space<hbm>>
      %dma_wait3A_127 = arith.constant 0 : i32
      %dma_wait3A_128 = tpu.memref_slice %arg3[%dma_wait3A_123, %dma_wait3A_127] : memref<1440x112xi32, #tpu.memory_space<hbm>> -> memref<1x112xi32, #tpu.memory_space<hbm>>
      %dma_wait3A_129 = tpu.memref_squeeze %dma_wait3A_128 : memref<1x112xi32, #tpu.memory_space<hbm>> -> memref<112xi32, #tpu.memory_space<hbm>>
      tpu.wait_dma2 semaphore(%arg19 : memref<!tpu.dma_semaphore, #tpu.memory_space<semaphore_mem>>) src(%dma_wait3A_129 : memref<112xi32, #tpu.memory_space<hbm>>) dst(%arg10 : memref<112xi32, #tpu.memory_space<vmem>>)
      %dma_wait3A_130 = arith.constant 0 : i32
      %dma_wait3A_131 = arith.constant 0 : i32
      %dma_wait3A_132 = tpu.memref_slice %arg4[%dma_wait3A_130, %dma_wait3A_131] : memref<1440x112xi32, #tpu.memory_space<hbm>> -> memref<1x112xi32, #tpu.memory_space<hbm>>
      %dma_wait3A_133 = tpu.memref_squeeze %dma_wait3A_132 : memref<1x112xi32, #tpu.memory_space<hbm>> -> memref<112xi32, #tpu.memory_space<hbm>>
      %dma_wait3A_134 = arith.constant 0 : i32
      %dma_wait3A_135 = tpu.memref_slice %arg4[%dma_wait3A_130, %dma_wait3A_134] : memref<1440x112xi32, #tpu.memory_space<hbm>> -> memref<1x112xi32, #tpu.memory_space<hbm>>
      %dma_wait3A_136 = tpu.memref_squeeze %dma_wait3A_135 : memref<1x112xi32, #tpu.memory_space<hbm>> -> memref<112xi32, #tpu.memory_space<hbm>>
      tpu.wait_dma2 semaphore(%arg19 : memref<!tpu.dma_semaphore, #tpu.memory_space<semaphore_mem>>) src(%dma_wait3A_136 : memref<112xi32, #tpu.memory_space<hbm>>) dst(%arg11 : memref<112xi32, #tpu.memory_space<vmem>>)
      %dma_start3A_137 = arith.constant 0 : i32
      %dma_start3A_138 = arith.constant 0 : i32
      %dma_start3A_139 = tpu.memref_slice %arg2[%dma_start3A_137, %dma_start3A_138] : memref<10000x256xf32, #tpu.memory_space<hbm>> -> memref<10000x128xf32, #tpu.memory_space<hbm>>
      tpu.enqueue_indirect_dma source(%dma_start3A_139 : memref<10000x128xf32, #tpu.memory_space<hbm>>) target(%arg13 : memref<112x128xf32, #tpu.memory_space<vmem>>) offsets(%arg10 : memref<112xi32, #tpu.memory_space<vmem>>) semaphore(%arg17 : memref<!tpu.dma_semaphore, #tpu.memory_space<semaphore_mem>>)
      %dma_wait3A_140 = arith.constant 0 : i32
      %dma_wait3A_141 = arith.constant 0 : i32
      %dma_wait3A_142 = tpu.memref_slice %arg15[%dma_wait3A_140, %dma_wait3A_141] : memref<10240x128xf32, #tpu.memory_space<vmem_shared>> -> memref<10240x128xf32, #tpu.memory_space<vmem_shared>>
      tpu.wait_indirect_dma semaphore(%arg20 : memref<!tpu.dma_semaphore, #tpu.memory_space<semaphore_mem>>) src(%arg12 : memref<112x128xf32, #tpu.memory_space<vmem>>) dst(%dma_wait3A_142 : memref<10240x128xf32, #tpu.memory_space<vmem_shared>>)
      %dma_wait3A_143 = arith.constant 0 : i32
      %dma_wait3A_144 = arith.constant 0 : i32
      %dma_wait3A_145 = tpu.memref_slice %arg2[%dma_wait3A_143, %dma_wait3A_144] : memref<10000x256xf32, #tpu.memory_space<hbm>> -> memref<10000x128xf32, #tpu.memory_space<hbm>>
      tpu.wait_indirect_dma semaphore(%arg17 : memref<!tpu.dma_semaphore, #tpu.memory_space<semaphore_mem>>) src(%dma_wait3A_145 : memref<10000x128xf32, #tpu.memory_space<hbm>>) dst(%arg13 : memref<112x128xf32, #tpu.memory_space<vmem>>)
      %dma_start3A_146 = arith.constant 0 : i32
      %dma_start3A_147 = arith.constant 0 : i32
      %dma_start3A_148 = tpu.memref_slice %arg15[%dma_start3A_146, %dma_start3A_147] : memref<10240x128xf32, #tpu.memory_space<vmem_shared>> -> memref<10240x128xf32, #tpu.memory_space<vmem_shared>>
      tpu.enqueue_indirect_dma source(%arg13 : memref<112x128xf32, #tpu.memory_space<vmem>>) target(%dma_start3A_148 : memref<10240x128xf32, #tpu.memory_space<vmem_shared>>) offsets(%arg11 : memref<112xi32, #tpu.memory_space<vmem>>) semaphore(%arg21 : memref<!tpu.dma_semaphore, #tpu.memory_space<semaphore_mem>>) {add = true}
      %dma_wait3A_149 = arith.constant 0 : i32
      %dma_wait3A_150 = arith.constant 0 : i32
      %dma_wait3A_151 = tpu.memref_slice %arg15[%dma_wait3A_149, %dma_wait3A_150] : memref<10240x128xf32, #tpu.memory_space<vmem_shared>> -> memref<10240x128xf32, #tpu.memory_space<vmem_shared>>
      tpu.wait_indirect_dma semaphore(%arg21 : memref<!tpu.dma_semaphore, #tpu.memory_space<semaphore_mem>>) src(%arg13 : memref<112x128xf32, #tpu.memory_space<vmem>>) dst(%dma_wait3A_151 : memref<10240x128xf32, #tpu.memory_space<vmem_shared>>)
      "tpu.region"() ({
        %run_scoped3A = tpu.sem_alloc : memref<!tpu.dma_semaphore, #tpu.memory_space<semaphore_mem>>
        %dma_start3A_155 = arith.constant 0 : i32
        %dma_start3A_156 = tpu.memref_slice %arg7[%arg1, %dma_start3A_155] : memref<32x10240xf32, #tpu.memory_space<hbm>> -> memref<1x10240xf32, #tpu.memory_space<hbm>>
        %dma_start3A_157 = tpu.memref_squeeze %dma_start3A_156 : memref<1x10240xf32, #tpu.memory_space<hbm>> -> memref<10240xf32, #tpu.memory_space<hbm>>
        %dma_start3A_158 = arith.constant 0 : i32
        %dma_start3A_159 = tpu.memref_slice %arg7[%arg1, %dma_start3A_158] : memref<32x10240xf32, #tpu.memory_space<hbm>> -> memref<1x10240xf32, #tpu.memory_space<hbm>>
        %dma_start3A_160 = tpu.memref_squeeze %dma_start3A_159 : memref<1x10240xf32, #tpu.memory_space<hbm>> -> memref<10240xf32, #tpu.memory_space<hbm>>
        tpu.enqueue_dma source(%arg14 : memref<10240xf32, #tpu.memory_space<vmem>>) target(%dma_start3A_160 : memref<10240xf32, #tpu.memory_space<hbm>>) target_semaphore(%run_scoped3A : memref<!tpu.dma_semaphore, #tpu.memory_space<semaphore_mem>>)
        %dma_wait3A_161 = arith.constant 0 : i32
        %dma_wait3A_162 = tpu.memref_slice %arg7[%arg1, %dma_wait3A_161] : memref<32x10240xf32, #tpu.memory_space<hbm>> -> memref<1x10240xf32, #tpu.memory_space<hbm>>
        %dma_wait3A_163 = tpu.memref_squeeze %dma_wait3A_162 : memref<1x10240xf32, #tpu.memory_space<hbm>> -> memref<10240xf32, #tpu.memory_space<hbm>>
        %dma_wait3A_164 = arith.constant 0 : i32
        %dma_wait3A_165 = tpu.memref_slice %arg7[%arg1, %dma_wait3A_164] : memref<32x10240xf32, #tpu.memory_space<hbm>> -> memref<1x10240xf32, #tpu.memory_space<hbm>>
        %dma_wait3A_166 = tpu.memref_squeeze %dma_wait3A_165 : memref<1x10240xf32, #tpu.memory_space<hbm>> -> memref<10240xf32, #tpu.memory_space<hbm>>
        tpu.wait_dma2 semaphore(%run_scoped3A : memref<!tpu.dma_semaphore, #tpu.memory_space<semaphore_mem>>) src(%arg14 : memref<10240xf32, #tpu.memory_space<vmem>>) dst(%dma_wait3A_166 : memref<10240xf32, #tpu.memory_space<hbm>>)
        tpu.yield
      }) : () -> ()
      %barrier3A_152 = arith.constant 0 : index
      tpu.barrier barrier_id(%barrier3A_152)
      %mul3A_153 = arith.constant 640 : i32
      %mul3A_154 = arith.muli %arg1, %mul3A_153 : i32
      "tpu.region"() ({
        %run_scoped3A = tpu.sem_alloc : memref<!tpu.dma_semaphore, #tpu.memory_space<semaphore_mem>>
        %dma_start3A_155 = arith.constant 0 : i32
        %dma_start3A_156 = tpu.memref_slice %arg5[%mul3A_154, %dma_start3A_155] : memref<10240x128xf32, #tpu.memory_space<hbm>> -> memref<640x128xf32, #tpu.memory_space<hbm>>
        %dma_start3A_157 = arith.constant 0 : i32
        %dma_start3A_158 = tpu.memref_slice %arg15[%mul3A_154, %dma_start3A_157] : memref<10240x128xf32, #tpu.memory_space<vmem_shared>> -> memref<640x128xf32, #tpu.memory_space<vmem_shared>>
        tpu.enqueue_dma source(%dma_start3A_158 : memref<640x128xf32, #tpu.memory_space<vmem_shared>>) target(%dma_start3A_156 : memref<640x128xf32, #tpu.memory_space<hbm>>) target_semaphore(%run_scoped3A : memref<!tpu.dma_semaphore, #tpu.memory_space<semaphore_mem>>)
        %dma_wait3A_159 = arith.constant 0 : i32
        %dma_wait3A_160 = tpu.memref_slice %arg5[%mul3A_154, %dma_wait3A_159] : memref<10240x128xf32, #tpu.memory_space<hbm>> -> memref<640x128xf32, #tpu.memory_space<hbm>>
        %dma_wait3A_161 = arith.constant 0 : i32
        %dma_wait3A_162 = tpu.memref_slice %arg15[%mul3A_154, %dma_wait3A_161] : memref<10240x128xf32, #tpu.memory_space<vmem_shared>> -> memref<640x128xf32, #tpu.memory_space<vmem_shared>>
        tpu.wait_dma2 semaphore(%run_scoped3A : memref<!tpu.dma_semaphore, #tpu.memory_space<semaphore_mem>>) src(%dma_wait3A_162 : memref<640x128xf32, #tpu.memory_space<vmem_shared>>) dst(%dma_wait3A_160 : memref<640x128xf32, #tpu.memory_space<hbm>>)
        tpu.yield
      }) : () -> ()
    } else {
    }
    %eq3A_46 = arith.constant 1 : i32
    %eq3A_47 = arith.cmpi eq, %arg0, %eq3A_46 : i32
    %convert_element_type3A_48 = arith.extui %eq3A_47 : i1 to i32
    %cond3A_49 = arith.constant 0 : i32
    %cond3A_50 = arith.cmpi ne, %convert_element_type3A_48, %cond3A_49 : i32
    scf.if %cond3A_50 {
      %add3A_51 = arith.constant 16 : i32
      %add3A_52 = arith.addi %add3A_51, %arg1 : i32
      %mul3A_53 = arith.constant 90 : i32
      %mul3A_54 = arith.muli %arg1, %mul3A_53 : i32
      %add3A_55 = arith.constant 0 : i32
      %add3A_56 = arith.addi %mul3A_54, %add3A_55 : i32
      %dma_start3A = arith.constant 0 : i32
      %dma_start3A_57 = tpu.memref_slice %arg3[%add3A_56, %dma_start3A] : memref<1440x112xi32, #tpu.memory_space<hbm>> -> memref<1x112xi32, #tpu.memory_space<hbm>>
      %dma_start3A_58 = tpu.memref_squeeze %dma_start3A_57 : memref<1x112xi32, #tpu.memory_space<hbm>> -> memref<112xi32, #tpu.memory_space<hbm>>
      %dma_start3A_59 = arith.constant 0 : i32
      %dma_start3A_60 = tpu.memref_slice %arg3[%add3A_56, %dma_start3A_59] : memref<1440x112xi32, #tpu.memory_space<hbm>> -> memref<1x112xi32, #tpu.memory_space<hbm>>
      %dma_start3A_61 = tpu.memref_squeeze %dma_start3A_60 : memref<1x112xi32, #tpu.memory_space<hbm>> -> memref<112xi32, #tpu.memory_space<hbm>>
      tpu.enqueue_dma source(%dma_start3A_61 : memref<112xi32, #tpu.memory_space<hbm>>) target(%arg8 : memref<112xi32, #tpu.memory_space<vmem>>) target_semaphore(%arg18 : memref<!tpu.dma_semaphore, #tpu.memory_space<semaphore_mem>>)
      %dma_start3A_62 = arith.constant 0 : i32
      %dma_start3A_63 = tpu.memref_slice %arg4[%add3A_56, %dma_start3A_62] : memref<1440x112xi32, #tpu.memory_space<hbm>> -> memref<1x112xi32, #tpu.memory_space<hbm>>
      %dma_start3A_64 = tpu.memref_squeeze %dma_start3A_63 : memref<1x112xi32, #tpu.memory_space<hbm>> -> memref<112xi32, #tpu.memory_space<hbm>>
      %dma_start3A_65 = arith.constant 0 : i32
      %dma_start3A_66 = tpu.memref_slice %arg4[%add3A_56, %dma_start3A_65] : memref<1440x112xi32, #tpu.memory_space<hbm>> -> memref<1x112xi32, #tpu.memory_space<hbm>>
      %dma_start3A_67 = tpu.memref_squeeze %dma_start3A_66 : memref<1x112xi32, #tpu.memory_space<hbm>> -> memref<112xi32, #tpu.memory_space<hbm>>
      tpu.enqueue_dma source(%dma_start3A_67 : memref<112xi32, #tpu.memory_space<hbm>>) target(%arg9 : memref<112xi32, #tpu.memory_space<vmem>>) target_semaphore(%arg18 : memref<!tpu.dma_semaphore, #tpu.memory_space<semaphore_mem>>)
      %mul3A_68 = arith.constant 90 : i32
      %mul3A_69 = arith.muli %arg1, %mul3A_68 : i32
      %add3A_70 = arith.constant 1 : i32
      %add3A_71 = arith.addi %mul3A_69, %add3A_70 : i32
      %dma_start3A_72 = arith.constant 0 : i32
      %dma_start3A_73 = tpu.memref_slice %arg3[%add3A_71, %dma_start3A_72] : memref<1440x112xi32, #tpu.memory_space<hbm>> -> memref<1x112xi32, #tpu.memory_space<hbm>>
      %dma_start3A_74 = tpu.memref_squeeze %dma_start3A_73 : memref<1x112xi32, #tpu.memory_space<hbm>> -> memref<112xi32, #tpu.memory_space<hbm>>
      %dma_start3A_75 = arith.constant 0 : i32
      %dma_start3A_76 = tpu.memref_slice %arg3[%add3A_71, %dma_start3A_75] : memref<1440x112xi32, #tpu.memory_space<hbm>> -> memref<1x112xi32, #tpu.memory_space<hbm>>
      %dma_start3A_77 = tpu.memref_squeeze %dma_start3A_76 : memref<1x112xi32, #tpu.memory_space<hbm>> -> memref<112xi32, #tpu.memory_space<hbm>>
      tpu.enqueue_dma source(%dma_start3A_77 : memref<112xi32, #tpu.memory_space<hbm>>) target(%arg10 : memref<112xi32, #tpu.memory_space<vmem>>) target_semaphore(%arg19 : memref<!tpu.dma_semaphore, #tpu.memory_space<semaphore_mem>>)
      %dma_start3A_78 = arith.constant 0 : i32
      %dma_start3A_79 = tpu.memref_slice %arg4[%add3A_71, %dma_start3A_78] : memref<1440x112xi32, #tpu.memory_space<hbm>> -> memref<1x112xi32, #tpu.memory_space<hbm>>
      %dma_start3A_80 = tpu.memref_squeeze %dma_start3A_79 : memref<1x112xi32, #tpu.memory_space<hbm>> -> memref<112xi32, #tpu.memory_space<hbm>>
      %dma_start3A_81 = arith.constant 0 : i32
      %dma_start3A_82 = tpu.memref_slice %arg4[%add3A_71, %dma_start3A_81] : memref<1440x112xi32, #tpu.memory_space<hbm>> -> memref<1x112xi32, #tpu.memory_space<hbm>>
      %dma_start3A_83 = tpu.memref_squeeze %dma_start3A_82 : memref<1x112xi32, #tpu.memory_space<hbm>> -> memref<112xi32, #tpu.memory_space<hbm>>
      tpu.enqueue_dma source(%dma_start3A_83 : memref<112xi32, #tpu.memory_space<hbm>>) target(%arg11 : memref<112xi32, #tpu.memory_space<vmem>>) target_semaphore(%arg19 : memref<!tpu.dma_semaphore, #tpu.memory_space<semaphore_mem>>)
      %dma_wait3A = arith.constant 0 : i32
      %dma_wait3A_84 = arith.constant 0 : i32
      %dma_wait3A_85 = tpu.memref_slice %arg3[%dma_wait3A, %dma_wait3A_84] : memref<1440x112xi32, #tpu.memory_space<hbm>> -> memref<1x112xi32, #tpu.memory_space<hbm>>
      %dma_wait3A_86 = tpu.memref_squeeze %dma_wait3A_85 : memref<1x112xi32, #tpu.memory_space<hbm>> -> memref<112xi32, #tpu.memory_space<hbm>>
      %dma_wait3A_87 = arith.constant 0 : i32
      %dma_wait3A_88 = tpu.memref_slice %arg3[%dma_wait3A, %dma_wait3A_87] : memref<1440x112xi32, #tpu.memory_space<hbm>> -> memref<1x112xi32, #tpu.memory_space<hbm>>
      %dma_wait3A_89 = tpu.memref_squeeze %dma_wait3A_88 : memref<1x112xi32, #tpu.memory_space<hbm>> -> memref<112xi32, #tpu.memory_space<hbm>>
      tpu.wait_dma2 semaphore(%arg18 : memref<!tpu.dma_semaphore, #tpu.memory_space<semaphore_mem>>) src(%dma_wait3A_89 : memref<112xi32, #tpu.memory_space<hbm>>) dst(%arg8 : memref<112xi32, #tpu.memory_space<vmem>>)
      %dma_wait3A_90 = arith.constant 0 : i32
      %dma_wait3A_91 = arith.constant 0 : i32
      %dma_wait3A_92 = tpu.memref_slice %arg4[%dma_wait3A_90, %dma_wait3A_91] : memref<1440x112xi32, #tpu.memory_space<hbm>> -> memref<1x112xi32, #tpu.memory_space<hbm>>
      %dma_wait3A_93 = tpu.memref_squeeze %dma_wait3A_92 : memref<1x112xi32, #tpu.memory_space<hbm>> -> memref<112xi32, #tpu.memory_space<hbm>>
      %dma_wait3A_94 = arith.constant 0 : i32
      %dma_wait3A_95 = tpu.memref_slice %arg4[%dma_wait3A_90, %dma_wait3A_94] : memref<1440x112xi32, #tpu.memory_space<hbm>> -> memref<1x112xi32, #tpu.memory_space<hbm>>
      %dma_wait3A_96 = tpu.memref_squeeze %dma_wait3A_95 : memref<1x112xi32, #tpu.memory_space<hbm>> -> memref<112xi32, #tpu.memory_space<hbm>>
      tpu.wait_dma2 semaphore(%arg18 : memref<!tpu.dma_semaphore, #tpu.memory_space<semaphore_mem>>) src(%dma_wait3A_96 : memref<112xi32, #tpu.memory_space<hbm>>) dst(%arg9 : memref<112xi32, #tpu.memory_space<vmem>>)
      %dma_start3A_97 = arith.constant 0 : i32
      %dma_start3A_98 = arith.constant 128 : i32
      %dma_start3A_99 = tpu.memref_slice %arg2[%dma_start3A_97, %dma_start3A_98] : memref<10000x256xf32, #tpu.memory_space<hbm>> -> memref<10000x128xf32, #tpu.memory_space<hbm>>
      tpu.enqueue_indirect_dma source(%dma_start3A_99 : memref<10000x128xf32, #tpu.memory_space<hbm>>) target(%arg12 : memref<112x128xf32, #tpu.memory_space<vmem>>) offsets(%arg8 : memref<112xi32, #tpu.memory_space<vmem>>) semaphore(%arg16 : memref<!tpu.dma_semaphore, #tpu.memory_space<semaphore_mem>>)
      %scan3A_100 = arith.constant 0 : i32
      %scan3A_101 = arith.constant 0 : i32
      %scan3A_102 = arith.constant 44 : i32
      %scan3A_103 = arith.addi %scan3A_101, %scan3A_102 : i32
      %scan3A_104 = arith.constant 1 : i32
      scf.for %scan3A_157 = %scan3A_101 to %scan3A_103 step %scan3A_104  : i32 {
        %mul3A_158 = arith.constant 2 : i32
        %mul3A_159 = arith.muli %mul3A_158, %scan3A_157 : i32
        %dma_wait3A_160 = arith.constant 0 : i32
        %dma_wait3A_161 = arith.constant 128 : i32
        %dma_wait3A_162 = tpu.memref_slice %arg2[%dma_wait3A_160, %dma_wait3A_161] : memref<10000x256xf32, #tpu.memory_space<hbm>> -> memref<10000x128xf32, #tpu.memory_space<hbm>>
        tpu.wait_indirect_dma semaphore(%arg16 : memref<!tpu.dma_semaphore, #tpu.memory_space<semaphore_mem>>) src(%dma_wait3A_162 : memref<10000x128xf32, #tpu.memory_space<hbm>>) dst(%arg12 : memref<112x128xf32, #tpu.memory_space<vmem>>)
        %dma_start3A_163 = arith.constant 0 : i32
        %dma_start3A_164 = arith.constant 0 : i32
        %dma_start3A_165 = tpu.memref_slice %arg15[%dma_start3A_163, %dma_start3A_164] : memref<10240x128xf32, #tpu.memory_space<vmem_shared>> -> memref<10240x128xf32, #tpu.memory_space<vmem_shared>>
        tpu.enqueue_indirect_dma source(%arg12 : memref<112x128xf32, #tpu.memory_space<vmem>>) target(%dma_start3A_165 : memref<10240x128xf32, #tpu.memory_space<vmem_shared>>) offsets(%arg9 : memref<112xi32, #tpu.memory_space<vmem>>) semaphore(%arg20 : memref<!tpu.dma_semaphore, #tpu.memory_space<semaphore_mem>>) {add = true}
        %dma_wait3A_166 = arith.constant 0 : i32
        %dma_wait3A_167 = arith.constant 0 : i32
        %dma_wait3A_168 = tpu.memref_slice %arg3[%dma_wait3A_166, %dma_wait3A_167] : memref<1440x112xi32, #tpu.memory_space<hbm>> -> memref<1x112xi32, #tpu.memory_space<hbm>>
        %dma_wait3A_169 = tpu.memref_squeeze %dma_wait3A_168 : memref<1x112xi32, #tpu.memory_space<hbm>> -> memref<112xi32, #tpu.memory_space<hbm>>
        %dma_wait3A_170 = arith.constant 0 : i32
        %dma_wait3A_171 = tpu.memref_slice %arg3[%dma_wait3A_166, %dma_wait3A_170] : memref<1440x112xi32, #tpu.memory_space<hbm>> -> memref<1x112xi32, #tpu.memory_space<hbm>>
        %dma_wait3A_172 = tpu.memref_squeeze %dma_wait3A_171 : memref<1x112xi32, #tpu.memory_space<hbm>> -> memref<112xi32, #tpu.memory_space<hbm>>
        tpu.wait_dma2 semaphore(%arg19 : memref<!tpu.dma_semaphore, #tpu.memory_space<semaphore_mem>>) src(%dma_wait3A_172 : memref<112xi32, #tpu.memory_space<hbm>>) dst(%arg10 : memref<112xi32, #tpu.memory_space<vmem>>)
        %dma_wait3A_173 = arith.constant 0 : i32
        %dma_wait3A_174 = arith.constant 0 : i32
        %dma_wait3A_175 = tpu.memref_slice %arg4[%dma_wait3A_173, %dma_wait3A_174] : memref<1440x112xi32, #tpu.memory_space<hbm>> -> memref<1x112xi32, #tpu.memory_space<hbm>>
        %dma_wait3A_176 = tpu.memref_squeeze %dma_wait3A_175 : memref<1x112xi32, #tpu.memory_space<hbm>> -> memref<112xi32, #tpu.memory_space<hbm>>
        %dma_wait3A_177 = arith.constant 0 : i32
        %dma_wait3A_178 = tpu.memref_slice %arg4[%dma_wait3A_173, %dma_wait3A_177] : memref<1440x112xi32, #tpu.memory_space<hbm>> -> memref<1x112xi32, #tpu.memory_space<hbm>>
        %dma_wait3A_179 = tpu.memref_squeeze %dma_wait3A_178 : memref<1x112xi32, #tpu.memory_space<hbm>> -> memref<112xi32, #tpu.memory_space<hbm>>
        tpu.wait_dma2 semaphore(%arg19 : memref<!tpu.dma_semaphore, #tpu.memory_space<semaphore_mem>>) src(%dma_wait3A_179 : memref<112xi32, #tpu.memory_space<hbm>>) dst(%arg11 : memref<112xi32, #tpu.memory_space<vmem>>)
        %dma_start3A_180 = arith.constant 0 : i32
        %dma_start3A_181 = arith.constant 128 : i32
        %dma_start3A_182 = tpu.memref_slice %arg2[%dma_start3A_180, %dma_start3A_181] : memref<10000x256xf32, #tpu.memory_space<hbm>> -> memref<10000x128xf32, #tpu.memory_space<hbm>>
        tpu.enqueue_indirect_dma source(%dma_start3A_182 : memref<10000x128xf32, #tpu.memory_space<hbm>>) target(%arg13 : memref<112x128xf32, #tpu.memory_space<vmem>>) offsets(%arg10 : memref<112xi32, #tpu.memory_space<vmem>>) semaphore(%arg17 : memref<!tpu.dma_semaphore, #tpu.memory_space<semaphore_mem>>)
        %dma_wait3A_183 = arith.constant 0 : i32
        %dma_wait3A_184 = arith.constant 0 : i32
        %dma_wait3A_185 = tpu.memref_slice %arg15[%dma_wait3A_183, %dma_wait3A_184] : memref<10240x128xf32, #tpu.memory_space<vmem_shared>> -> memref<10240x128xf32, #tpu.memory_space<vmem_shared>>
        tpu.wait_indirect_dma semaphore(%arg20 : memref<!tpu.dma_semaphore, #tpu.memory_space<semaphore_mem>>) src(%arg12 : memref<112x128xf32, #tpu.memory_space<vmem>>) dst(%dma_wait3A_185 : memref<10240x128xf32, #tpu.memory_space<vmem_shared>>)
        %add3A_186 = arith.constant 2 : i32
        %add3A_187 = arith.addi %mul3A_159, %add3A_186 : i32
        %mul3A_188 = arith.constant 90 : i32
        %mul3A_189 = arith.muli %arg1, %mul3A_188 : i32
        %add3A_190 = arith.addi %mul3A_189, %add3A_187 : i32
        %dma_start3A_191 = arith.constant 0 : i32
        %dma_start3A_192 = tpu.memref_slice %arg3[%add3A_190, %dma_start3A_191] : memref<1440x112xi32, #tpu.memory_space<hbm>> -> memref<1x112xi32, #tpu.memory_space<hbm>>
        %dma_start3A_193 = tpu.memref_squeeze %dma_start3A_192 : memref<1x112xi32, #tpu.memory_space<hbm>> -> memref<112xi32, #tpu.memory_space<hbm>>
        %dma_start3A_194 = arith.constant 0 : i32
        %dma_start3A_195 = tpu.memref_slice %arg3[%add3A_190, %dma_start3A_194] : memref<1440x112xi32, #tpu.memory_space<hbm>> -> memref<1x112xi32, #tpu.memory_space<hbm>>
        %dma_start3A_196 = tpu.memref_squeeze %dma_start3A_195 : memref<1x112xi32, #tpu.memory_space<hbm>> -> memref<112xi32, #tpu.memory_space<hbm>>
        tpu.enqueue_dma source(%dma_start3A_196 : memref<112xi32, #tpu.memory_space<hbm>>) target(%arg8 : memref<112xi32, #tpu.memory_space<vmem>>) target_semaphore(%arg18 : memref<!tpu.dma_semaphore, #tpu.memory_space<semaphore_mem>>)
        %dma_start3A_197 = arith.constant 0 : i32
        %dma_start3A_198 = tpu.memref_slice %arg4[%add3A_190, %dma_start3A_197] : memref<1440x112xi32, #tpu.memory_space<hbm>> -> memref<1x112xi32, #tpu.memory_space<hbm>>
        %dma_start3A_199 = tpu.memref_squeeze %dma_start3A_198 : memref<1x112xi32, #tpu.memory_space<hbm>> -> memref<112xi32, #tpu.memory_space<hbm>>
        %dma_start3A_200 = arith.constant 0 : i32
        %dma_start3A_201 = tpu.memref_slice %arg4[%add3A_190, %dma_start3A_200] : memref<1440x112xi32, #tpu.memory_space<hbm>> -> memref<1x112xi32, #tpu.memory_space<hbm>>
        %dma_start3A_202 = tpu.memref_squeeze %dma_start3A_201 : memref<1x112xi32, #tpu.memory_space<hbm>> -> memref<112xi32, #tpu.memory_space<hbm>>
        tpu.enqueue_dma source(%dma_start3A_202 : memref<112xi32, #tpu.memory_space<hbm>>) target(%arg9 : memref<112xi32, #tpu.memory_space<vmem>>) target_semaphore(%arg18 : memref<!tpu.dma_semaphore, #tpu.memory_space<semaphore_mem>>)
        %dma_wait3A_203 = arith.constant 0 : i32
        %dma_wait3A_204 = arith.constant 128 : i32
        %dma_wait3A_205 = tpu.memref_slice %arg2[%dma_wait3A_203, %dma_wait3A_204] : memref<10000x256xf32, #tpu.memory_space<hbm>> -> memref<10000x128xf32, #tpu.memory_space<hbm>>
        tpu.wait_indirect_dma semaphore(%arg17 : memref<!tpu.dma_semaphore, #tpu.memory_space<semaphore_mem>>) src(%dma_wait3A_205 : memref<10000x128xf32, #tpu.memory_space<hbm>>) dst(%arg13 : memref<112x128xf32, #tpu.memory_space<vmem>>)
        %get3A_206 = arith.constant 0 : index
        %get3A_207 = tpu.vector_load %arg11[%get3A_206] {strides = array<i32>} : memref<112xi32, #tpu.memory_space<vmem>>, vector<16xi32>,
        tpu.vector_store_idx %arg14[%get3A_207], %broadcast_in_dim3A_2 {add = true} : memref<10240xf32, #tpu.memory_space<vmem>>[vector<16xi32>], vector<16xf32>,
        %get3A_208 = arith.constant 16 : index
        %get3A_209 = tpu.vector_load %arg11[%get3A_208] {strides = array<i32>} : memref<112xi32, #tpu.memory_space<vmem>>, vector<16xi32>,
        tpu.vector_store_idx %arg14[%get3A_209], %broadcast_in_dim3A_2 {add = true} : memref<10240xf32, #tpu.memory_space<vmem>>[vector<16xi32>], vector<16xf32>,
        %get3A_210 = arith.constant 32 : index
        %get3A_211 = tpu.vector_load %arg11[%get3A_210] {strides = array<i32>} : memref<112xi32, #tpu.memory_space<vmem>>, vector<16xi32>,
        tpu.vector_store_idx %arg14[%get3A_211], %broadcast_in_dim3A_2 {add = true} : memref<10240xf32, #tpu.memory_space<vmem>>[vector<16xi32>], vector<16xf32>,
        %get3A_212 = arith.constant 48 : index
        %get3A_213 = tpu.vector_load %arg11[%get3A_212] {strides = array<i32>} : memref<112xi32, #tpu.memory_space<vmem>>, vector<16xi32>,
        tpu.vector_store_idx %arg14[%get3A_213], %broadcast_in_dim3A_2 {add = true} : memref<10240xf32, #tpu.memory_space<vmem>>[vector<16xi32>], vector<16xf32>,
        %get3A_214 = arith.constant 64 : index
        %get3A_215 = tpu.vector_load %arg11[%get3A_214] {strides = array<i32>} : memref<112xi32, #tpu.memory_space<vmem>>, vector<16xi32>,
        tpu.vector_store_idx %arg14[%get3A_215], %broadcast_in_dim3A_2 {add = true} : memref<10240xf32, #tpu.memory_space<vmem>>[vector<16xi32>], vector<16xf32>,
        %get3A_216 = arith.constant 80 : index
        %get3A_217 = tpu.vector_load %arg11[%get3A_216] {strides = array<i32>} : memref<112xi32, #tpu.memory_space<vmem>>, vector<16xi32>,
        tpu.vector_store_idx %arg14[%get3A_217], %broadcast_in_dim3A_2 {add = true} : memref<10240xf32, #tpu.memory_space<vmem>>[vector<16xi32>], vector<16xf32>,
        %get3A_218 = arith.constant 96 : index
        %get3A_219 = tpu.vector_load %arg11[%get3A_218] {strides = array<i32>} : memref<112xi32, #tpu.memory_space<vmem>>, vector<16xi32>,
        tpu.vector_store_idx %arg14[%get3A_219], %broadcast_in_dim3A_2 {add = true} : memref<10240xf32, #tpu.memory_space<vmem>>[vector<16xi32>], vector<16xf32>,
        %dma_start3A_220 = arith.constant 0 : i32
        %dma_start3A_221 = arith.constant 0 : i32
        %dma_start3A_222 = tpu.memref_slice %arg15[%dma_start3A_220, %dma_start3A_221] : memref<10240x128xf32, #tpu.memory_space<vmem_shared>> -> memref<10240x128xf32, #tpu.memory_space<vmem_shared>>
        tpu.enqueue_indirect_dma source(%arg13 : memref<112x128xf32, #tpu.memory_space<vmem>>) target(%dma_start3A_222 : memref<10240x128xf32, #tpu.memory_space<vmem_shared>>) offsets(%arg11 : memref<112xi32, #tpu.memory_space<vmem>>) semaphore(%arg21 : memref<!tpu.dma_semaphore, #tpu.memory_space<semaphore_mem>>) {add = true}
        %dma_wait3A_223 = arith.constant 0 : i32
        %dma_wait3A_224 = arith.constant 0 : i32
        %dma_wait3A_225 = tpu.memref_slice %arg3[%dma_wait3A_223, %dma_wait3A_224] : memref<1440x112xi32, #tpu.memory_space<hbm>> -> memref<1x112xi32, #tpu.memory_space<hbm>>
        %dma_wait3A_226 = tpu.memref_squeeze %dma_wait3A_225 : memref<1x112xi32, #tpu.memory_space<hbm>> -> memref<112xi32, #tpu.memory_space<hbm>>
        %dma_wait3A_227 = arith.constant 0 : i32
        %dma_wait3A_228 = tpu.memref_slice %arg3[%dma_wait3A_223, %dma_wait3A_227] : memref<1440x112xi32, #tpu.memory_space<hbm>> -> memref<1x112xi32, #tpu.memory_space<hbm>>
        %dma_wait3A_229 = tpu.memref_squeeze %dma_wait3A_228 : memref<1x112xi32, #tpu.memory_space<hbm>> -> memref<112xi32, #tpu.memory_space<hbm>>
        tpu.wait_dma2 semaphore(%arg18 : memref<!tpu.dma_semaphore, #tpu.memory_space<semaphore_mem>>) src(%dma_wait3A_229 : memref<112xi32, #tpu.memory_space<hbm>>) dst(%arg8 : memref<112xi32, #tpu.memory_space<vmem>>)
        %dma_wait3A_230 = arith.constant 0 : i32
        %dma_wait3A_231 = arith.constant 0 : i32
        %dma_wait3A_232 = tpu.memref_slice %arg4[%dma_wait3A_230, %dma_wait3A_231] : memref<1440x112xi32, #tpu.memory_space<hbm>> -> memref<1x112xi32, #tpu.memory_space<hbm>>
        %dma_wait3A_233 = tpu.memref_squeeze %dma_wait3A_232 : memref<1x112xi32, #tpu.memory_space<hbm>> -> memref<112xi32, #tpu.memory_space<hbm>>
        %dma_wait3A_234 = arith.constant 0 : i32
        %dma_wait3A_235 = tpu.memref_slice %arg4[%dma_wait3A_230, %dma_wait3A_234] : memref<1440x112xi32, #tpu.memory_space<hbm>> -> memref<1x112xi32, #tpu.memory_space<hbm>>
        %dma_wait3A_236 = tpu.memref_squeeze %dma_wait3A_235 : memref<1x112xi32, #tpu.memory_space<hbm>> -> memref<112xi32, #tpu.memory_space<hbm>>
        tpu.wait_dma2 semaphore(%arg18 : memref<!tpu.dma_semaphore, #tpu.memory_space<semaphore_mem>>) src(%dma_wait3A_236 : memref<112xi32, #tpu.memory_space<hbm>>) dst(%arg9 : memref<112xi32, #tpu.memory_space<vmem>>)
        %dma_start3A_237 = arith.constant 0 : i32
        %dma_start3A_238 = arith.constant 128 : i32
        %dma_start3A_239 = tpu.memref_slice %arg2[%dma_start3A_237, %dma_start3A_238] : memref<10000x256xf32, #tpu.memory_space<hbm>> -> memref<10000x128xf32, #tpu.memory_space<hbm>>
        tpu.enqueue_indirect_dma source(%dma_start3A_239 : memref<10000x128xf32, #tpu.memory_space<hbm>>) target(%arg12 : memref<112x128xf32, #tpu.memory_space<vmem>>) offsets(%arg8 : memref<112xi32, #tpu.memory_space<vmem>>) semaphore(%arg16 : memref<!tpu.dma_semaphore, #tpu.memory_space<semaphore_mem>>)
        %dma_wait3A_240 = arith.constant 0 : i32
        %dma_wait3A_241 = arith.constant 0 : i32
        %dma_wait3A_242 = tpu.memref_slice %arg15[%dma_wait3A_240, %dma_wait3A_241] : memref<10240x128xf32, #tpu.memory_space<vmem_shared>> -> memref<10240x128xf32, #tpu.memory_space<vmem_shared>>
        tpu.wait_indirect_dma semaphore(%arg21 : memref<!tpu.dma_semaphore, #tpu.memory_space<semaphore_mem>>) src(%arg13 : memref<112x128xf32, #tpu.memory_space<vmem>>) dst(%dma_wait3A_242 : memref<10240x128xf32, #tpu.memory_space<vmem_shared>>)
        %add3A_243 = arith.constant 3 : i32
        %add3A_244 = arith.addi %mul3A_159, %add3A_243 : i32
        %mul3A_245 = arith.constant 90 : i32
        %mul3A_246 = arith.muli %arg1, %mul3A_245 : i32
        %add3A_247 = arith.addi %mul3A_246, %add3A_244 : i32
        %dma_start3A_248 = arith.constant 0 : i32
        %dma_start3A_249 = tpu.memref_slice %arg3[%add3A_247, %dma_start3A_248] : memref<1440x112xi32, #tpu.memory_space<hbm>> -> memref<1x112xi32, #tpu.memory_space<hbm>>
        %dma_start3A_250 = tpu.memref_squeeze %dma_start3A_249 : memref<1x112xi32, #tpu.memory_space<hbm>> -> memref<112xi32, #tpu.memory_space<hbm>>
        %dma_start3A_251 = arith.constant 0 : i32
        %dma_start3A_252 = tpu.memref_slice %arg3[%add3A_247, %dma_start3A_251] : memref<1440x112xi32, #tpu.memory_space<hbm>> -> memref<1x112xi32, #tpu.memory_space<hbm>>
        %dma_start3A_253 = tpu.memref_squeeze %dma_start3A_252 : memref<1x112xi32, #tpu.memory_space<hbm>> -> memref<112xi32, #tpu.memory_space<hbm>>
        tpu.enqueue_dma source(%dma_start3A_253 : memref<112xi32, #tpu.memory_space<hbm>>) target(%arg10 : memref<112xi32, #tpu.memory_space<vmem>>) target_semaphore(%arg19 : memref<!tpu.dma_semaphore, #tpu.memory_space<semaphore_mem>>)
        %dma_start3A_254 = arith.constant 0 : i32
        %dma_start3A_255 = tpu.memref_slice %arg4[%add3A_247, %dma_start3A_254] : memref<1440x112xi32, #tpu.memory_space<hbm>> -> memref<1x112xi32, #tpu.memory_space<hbm>>
        %dma_start3A_256 = tpu.memref_squeeze %dma_start3A_255 : memref<1x112xi32, #tpu.memory_space<hbm>> -> memref<112xi32, #tpu.memory_space<hbm>>
        %dma_start3A_257 = arith.constant 0 : i32
        %dma_start3A_258 = tpu.memref_slice %arg4[%add3A_247, %dma_start3A_257] : memref<1440x112xi32, #tpu.memory_space<hbm>> -> memref<1x112xi32, #tpu.memory_space<hbm>>
        %dma_start3A_259 = tpu.memref_squeeze %dma_start3A_258 : memref<1x112xi32, #tpu.memory_space<hbm>> -> memref<112xi32, #tpu.memory_space<hbm>>
        tpu.enqueue_dma source(%dma_start3A_259 : memref<112xi32, #tpu.memory_space<hbm>>) target(%arg11 : memref<112xi32, #tpu.memory_space<vmem>>) target_semaphore(%arg19 : memref<!tpu.dma_semaphore, #tpu.memory_space<semaphore_mem>>)
      }
      %scan3A_105 = arith.constant 44 : i32
      %dma_wait3A_106 = arith.constant 0 : i32
      %dma_wait3A_107 = arith.constant 128 : i32
      %dma_wait3A_108 = tpu.memref_slice %arg2[%dma_wait3A_106, %dma_wait3A_107] : memref<10000x256xf32, #tpu.memory_space<hbm>> -> memref<10000x128xf32, #tpu.memory_space<hbm>>
      tpu.wait_indirect_dma semaphore(%arg16 : memref<!tpu.dma_semaphore, #tpu.memory_space<semaphore_mem>>) src(%dma_wait3A_108 : memref<10000x128xf32, #tpu.memory_space<hbm>>) dst(%arg12 : memref<112x128xf32, #tpu.memory_space<vmem>>)
      %dma_start3A_109 = arith.constant 0 : i32
      %dma_start3A_110 = arith.constant 0 : i32
      %dma_start3A_111 = tpu.memref_slice %arg15[%dma_start3A_109, %dma_start3A_110] : memref<10240x128xf32, #tpu.memory_space<vmem_shared>> -> memref<10240x128xf32, #tpu.memory_space<vmem_shared>>
      tpu.enqueue_indirect_dma source(%arg12 : memref<112x128xf32, #tpu.memory_space<vmem>>) target(%dma_start3A_111 : memref<10240x128xf32, #tpu.memory_space<vmem_shared>>) offsets(%arg9 : memref<112xi32, #tpu.memory_space<vmem>>) semaphore(%arg20 : memref<!tpu.dma_semaphore, #tpu.memory_space<semaphore_mem>>) {add = true}
      %dma_wait3A_112 = arith.constant 0 : i32
      %dma_wait3A_113 = arith.constant 0 : i32
      %dma_wait3A_114 = tpu.memref_slice %arg3[%dma_wait3A_112, %dma_wait3A_113] : memref<1440x112xi32, #tpu.memory_space<hbm>> -> memref<1x112xi32, #tpu.memory_space<hbm>>
      %dma_wait3A_115 = tpu.memref_squeeze %dma_wait3A_114 : memref<1x112xi32, #tpu.memory_space<hbm>> -> memref<112xi32, #tpu.memory_space<hbm>>
      %dma_wait3A_116 = arith.constant 0 : i32
      %dma_wait3A_117 = tpu.memref_slice %arg3[%dma_wait3A_112, %dma_wait3A_116] : memref<1440x112xi32, #tpu.memory_space<hbm>> -> memref<1x112xi32, #tpu.memory_space<hbm>>
      %dma_wait3A_118 = tpu.memref_squeeze %dma_wait3A_117 : memref<1x112xi32, #tpu.memory_space<hbm>> -> memref<112xi32, #tpu.memory_space<hbm>>
      tpu.wait_dma2 semaphore(%arg19 : memref<!tpu.dma_semaphore, #tpu.memory_space<semaphore_mem>>) src(%dma_wait3A_118 : memref<112xi32, #tpu.memory_space<hbm>>) dst(%arg10 : memref<112xi32, #tpu.memory_space<vmem>>)
      %dma_wait3A_119 = arith.constant 0 : i32
      %dma_wait3A_120 = arith.constant 0 : i32
      %dma_wait3A_121 = tpu.memref_slice %arg4[%dma_wait3A_119, %dma_wait3A_120] : memref<1440x112xi32, #tpu.memory_space<hbm>> -> memref<1x112xi32, #tpu.memory_space<hbm>>
      %dma_wait3A_122 = tpu.memref_squeeze %dma_wait3A_121 : memref<1x112xi32, #tpu.memory_space<hbm>> -> memref<112xi32, #tpu.memory_space<hbm>>
      %dma_wait3A_123 = arith.constant 0 : i32
      %dma_wait3A_124 = tpu.memref_slice %arg4[%dma_wait3A_119, %dma_wait3A_123] : memref<1440x112xi32, #tpu.memory_space<hbm>> -> memref<1x112xi32, #tpu.memory_space<hbm>>
      %dma_wait3A_125 = tpu.memref_squeeze %dma_wait3A_124 : memref<1x112xi32, #tpu.memory_space<hbm>> -> memref<112xi32, #tpu.memory_space<hbm>>
      tpu.wait_dma2 semaphore(%arg19 : memref<!tpu.dma_semaphore, #tpu.memory_space<semaphore_mem>>) src(%dma_wait3A_125 : memref<112xi32, #tpu.memory_space<hbm>>) dst(%arg11 : memref<112xi32, #tpu.memory_space<vmem>>)
      %dma_start3A_126 = arith.constant 0 : i32
      %dma_start3A_127 = arith.constant 128 : i32
      %dma_start3A_128 = tpu.memref_slice %arg2[%dma_start3A_126, %dma_start3A_127] : memref<10000x256xf32, #tpu.memory_space<hbm>> -> memref<10000x128xf32, #tpu.memory_space<hbm>>
      tpu.enqueue_indirect_dma source(%dma_start3A_128 : memref<10000x128xf32, #tpu.memory_space<hbm>>) target(%arg13 : memref<112x128xf32, #tpu.memory_space<vmem>>) offsets(%arg10 : memref<112xi32, #tpu.memory_space<vmem>>) semaphore(%arg17 : memref<!tpu.dma_semaphore, #tpu.memory_space<semaphore_mem>>)
      %dma_wait3A_129 = arith.constant 0 : i32
      %dma_wait3A_130 = arith.constant 0 : i32
      %dma_wait3A_131 = tpu.memref_slice %arg15[%dma_wait3A_129, %dma_wait3A_130] : memref<10240x128xf32, #tpu.memory_space<vmem_shared>> -> memref<10240x128xf32, #tpu.memory_space<vmem_shared>>
      tpu.wait_indirect_dma semaphore(%arg20 : memref<!tpu.dma_semaphore, #tpu.memory_space<semaphore_mem>>) src(%arg12 : memref<112x128xf32, #tpu.memory_space<vmem>>) dst(%dma_wait3A_131 : memref<10240x128xf32, #tpu.memory_space<vmem_shared>>)
      %dma_wait3A_132 = arith.constant 0 : i32
      %dma_wait3A_133 = arith.constant 128 : i32
      %dma_wait3A_134 = tpu.memref_slice %arg2[%dma_wait3A_132, %dma_wait3A_133] : memref<10000x256xf32, #tpu.memory_space<hbm>> -> memref<10000x128xf32, #tpu.memory_space<hbm>>
      tpu.wait_indirect_dma semaphore(%arg17 : memref<!tpu.dma_semaphore, #tpu.memory_space<semaphore_mem>>) src(%dma_wait3A_134 : memref<10000x128xf32, #tpu.memory_space<hbm>>) dst(%arg13 : memref<112x128xf32, #tpu.memory_space<vmem>>)
      %get3A = arith.constant 0 : index
      %get3A_135 = tpu.vector_load %arg11[%get3A] {strides = array<i32>} : memref<112xi32, #tpu.memory_space<vmem>>, vector<16xi32>,
      tpu.vector_store_idx %arg14[%get3A_135], %broadcast_in_dim3A_2 {add = true} : memref<10240xf32, #tpu.memory_space<vmem>>[vector<16xi32>], vector<16xf32>,
      %get3A_136 = arith.constant 16 : index
      %get3A_137 = tpu.vector_load %arg11[%get3A_136] {strides = array<i32>} : memref<112xi32, #tpu.memory_space<vmem>>, vector<16xi32>,
      tpu.vector_store_idx %arg14[%get3A_137], %broadcast_in_dim3A_2 {add = true} : memref<10240xf32, #tpu.memory_space<vmem>>[vector<16xi32>], vector<16xf32>,
      %get3A_138 = arith.constant 32 : index
      %get3A_139 = tpu.vector_load %arg11[%get3A_138] {strides = array<i32>} : memref<112xi32, #tpu.memory_space<vmem>>, vector<16xi32>,
      tpu.vector_store_idx %arg14[%get3A_139], %broadcast_in_dim3A_2 {add = true} : memref<10240xf32, #tpu.memory_space<vmem>>[vector<16xi32>], vector<16xf32>,
      %get3A_140 = arith.constant 48 : index
      %get3A_141 = tpu.vector_load %arg11[%get3A_140] {strides = array<i32>} : memref<112xi32, #tpu.memory_space<vmem>>, vector<16xi32>,
      tpu.vector_store_idx %arg14[%get3A_141], %broadcast_in_dim3A_2 {add = true} : memref<10240xf32, #tpu.memory_space<vmem>>[vector<16xi32>], vector<16xf32>,
      %get3A_142 = arith.constant 64 : index
      %get3A_143 = tpu.vector_load %arg11[%get3A_142] {strides = array<i32>} : memref<112xi32, #tpu.memory_space<vmem>>, vector<16xi32>,
      tpu.vector_store_idx %arg14[%get3A_143], %broadcast_in_dim3A_2 {add = true} : memref<10240xf32, #tpu.memory_space<vmem>>[vector<16xi32>], vector<16xf32>,
      %get3A_144 = arith.constant 80 : index
      %get3A_145 = tpu.vector_load %arg11[%get3A_144] {strides = array<i32>} : memref<112xi32, #tpu.memory_space<vmem>>, vector<16xi32>,
      tpu.vector_store_idx %arg14[%get3A_145], %broadcast_in_dim3A_2 {add = true} : memref<10240xf32, #tpu.memory_space<vmem>>[vector<16xi32>], vector<16xf32>,
      %get3A_146 = arith.constant 96 : index
      %get3A_147 = tpu.vector_load %arg11[%get3A_146] {strides = array<i32>} : memref<112xi32, #tpu.memory_space<vmem>>, vector<16xi32>,
      tpu.vector_store_idx %arg14[%get3A_147], %broadcast_in_dim3A_2 {add = true} : memref<10240xf32, #tpu.memory_space<vmem>>[vector<16xi32>], vector<16xf32>,
      %dma_start3A_148 = arith.constant 0 : i32
      %dma_start3A_149 = arith.constant 0 : i32
      %dma_start3A_150 = tpu.memref_slice %arg15[%dma_start3A_148, %dma_start3A_149] : memref<10240x128xf32, #tpu.memory_space<vmem_shared>> -> memref<10240x128xf32, #tpu.memory_space<vmem_shared>>
      tpu.enqueue_indirect_dma source(%arg13 : memref<112x128xf32, #tpu.memory_space<vmem>>) target(%dma_start3A_150 : memref<10240x128xf32, #tpu.memory_space<vmem_shared>>) offsets(%arg11 : memref<112xi32, #tpu.memory_space<vmem>>) semaphore(%arg21 : memref<!tpu.dma_semaphore, #tpu.memory_space<semaphore_mem>>) {add = true}
      %dma_wait3A_151 = arith.constant 0 : i32
      %dma_wait3A_152 = arith.constant 0 : i32
      %dma_wait3A_153 = tpu.memref_slice %arg15[%dma_wait3A_151, %dma_wait3A_152] : memref<10240x128xf32, #tpu.memory_space<vmem_shared>> -> memref<10240x128xf32, #tpu.memory_space<vmem_shared>>
      tpu.wait_indirect_dma semaphore(%arg21 : memref<!tpu.dma_semaphore, #tpu.memory_space<semaphore_mem>>) src(%arg13 : memref<112x128xf32, #tpu.memory_space<vmem>>) dst(%dma_wait3A_153 : memref<10240x128xf32, #tpu.memory_space<vmem_shared>>)
      "tpu.region"() ({
        %run_scoped3A = tpu.sem_alloc : memref<!tpu.dma_semaphore, #tpu.memory_space<semaphore_mem>>
        %dma_start3A_157 = arith.constant 0 : i32
        %dma_start3A_158 = tpu.memref_slice %arg7[%add3A_52, %dma_start3A_157] : memref<32x10240xf32, #tpu.memory_space<hbm>> -> memref<1x10240xf32, #tpu.memory_space<hbm>>
        %dma_start3A_159 = tpu.memref_squeeze %dma_start3A_158 : memref<1x10240xf32, #tpu.memory_space<hbm>> -> memref<10240xf32, #tpu.memory_space<hbm>>
        %dma_start3A_160 = arith.constant 0 : i32
        %dma_start3A_161 = tpu.memref_slice %arg7[%add3A_52, %dma_start3A_160] : memref<32x10240xf32, #tpu.memory_space<hbm>> -> memref<1x10240xf32, #tpu.memory_space<hbm>>
        %dma_start3A_162 = tpu.memref_squeeze %dma_start3A_161 : memref<1x10240xf32, #tpu.memory_space<hbm>> -> memref<10240xf32, #tpu.memory_space<hbm>>
        tpu.enqueue_dma source(%arg14 : memref<10240xf32, #tpu.memory_space<vmem>>) target(%dma_start3A_162 : memref<10240xf32, #tpu.memory_space<hbm>>) target_semaphore(%run_scoped3A : memref<!tpu.dma_semaphore, #tpu.memory_space<semaphore_mem>>)
        %dma_wait3A_163 = arith.constant 0 : i32
        %dma_wait3A_164 = tpu.memref_slice %arg7[%add3A_52, %dma_wait3A_163] : memref<32x10240xf32, #tpu.memory_space<hbm>> -> memref<1x10240xf32, #tpu.memory_space<hbm>>
        %dma_wait3A_165 = tpu.memref_squeeze %dma_wait3A_164 : memref<1x10240xf32, #tpu.memory_space<hbm>> -> memref<10240xf32, #tpu.memory_space<hbm>>
        %dma_wait3A_166 = arith.constant 0 : i32
        %dma_wait3A_167 = tpu.memref_slice %arg7[%add3A_52, %dma_wait3A_166] : memref<32x10240xf32, #tpu.memory_space<hbm>> -> memref<1x10240xf32, #tpu.memory_space<hbm>>
        %dma_wait3A_168 = tpu.memref_squeeze %dma_wait3A_167 : memref<1x10240xf32, #tpu.memory_space<hbm>> -> memref<10240xf32, #tpu.memory_space<hbm>>
        tpu.wait_dma2 semaphore(%run_scoped3A : memref<!tpu.dma_semaphore, #tpu.memory_space<semaphore_mem>>) src(%arg14 : memref<10240xf32, #tpu.memory_space<vmem>>) dst(%dma_wait3A_168 : memref<10240xf32, #tpu.memory_space<hbm>>)
        tpu.yield
      }) : () -> ()
      %barrier3A_154 = arith.constant 0 : index
      tpu.barrier barrier_id(%barrier3A_154)
      %mul3A_155 = arith.constant 640 : i32
      %mul3A_156 = arith.muli %arg1, %mul3A_155 : i32
      "tpu.region"() ({
        %run_scoped3A = tpu.sem_alloc : memref<!tpu.dma_semaphore, #tpu.memory_space<semaphore_mem>>
        %dma_start3A_157 = arith.constant 0 : i32
        %dma_start3A_158 = tpu.memref_slice %arg6[%mul3A_156, %dma_start3A_157] : memref<10240x128xf32, #tpu.memory_space<hbm>> -> memref<640x128xf32, #tpu.memory_space<hbm>>
        %dma_start3A_159 = arith.constant 0 : i32
        %dma_start3A_160 = tpu.memref_slice %arg15[%mul3A_156, %dma_start3A_159] : memref<10240x128xf32, #tpu.memory_space<vmem_shared>> -> memref<640x128xf32, #tpu.memory_space<vmem_shared>>
        tpu.enqueue_dma source(%dma_start3A_160 : memref<640x128xf32, #tpu.memory_space<vmem_shared>>) target(%dma_start3A_158 : memref<640x128xf32, #tpu.memory_space<hbm>>) target_semaphore(%run_scoped3A : memref<!tpu.dma_semaphore, #tpu.memory_space<semaphore_mem>>)
        %dma_wait3A_161 = arith.constant 0 : i32
        %dma_wait3A_162 = tpu.memref_slice %arg6[%mul3A_156, %dma_wait3A_161] : memref<10240x128xf32, #tpu.memory_space<hbm>> -> memref<640x128xf32, #tpu.memory_space<hbm>>
        %dma_wait3A_163 = arith.constant 0 : i32
        %dma_wait3A_164 = tpu.memref_slice %arg15[%mul3A_156, %dma_wait3A_163] : memref<10240x128xf32, #tpu.memory_space<vmem_shared>> -> memref<640x128xf32, #tpu.memory_space<vmem_shared>>
        tpu.wait_dma2 semaphore(%run_scoped3A : memref<!tpu.dma_semaphore, #tpu.memory_space<semaphore_mem>>) src(%dma_wait3A_164 : memref<640x128xf32, #tpu.memory_space<vmem_shared>>) dst(%dma_wait3A_162 : memref<640x128xf32, #tpu.memory_space<hbm>>)
        tpu.yield
      }) : () -> ()
    } else {
    }
    return
  }
}

module attributes {stable_mosaic.version = 14 : i64} {
  func.func @_dense_body(%arg0: i32, %arg1: memref<2000x256xf32, #tpu.memory_space<vmem>>, %arg2: memref<2000x128xf32, #tpu.memory_space<vmem>>, %arg3: memref<2000x128xf32, #tpu.memory_space<vmem>>, %arg4: memref<2000x32xf32, #tpu.memory_space<vmem>>, %arg5: memref<128x256xf32, #tpu.memory_space<vmem>>, %arg6: memref<128x256xf32, #tpu.memory_space<vmem>>, %arg7: memref<1x256xf32, #tpu.memory_space<vmem>>, %arg8: memref<256x256xf32, #tpu.memory_space<vmem>>, %arg9: memref<1x256xf32, #tpu.memory_space<vmem>>, %arg10: memref<256x1024xf32, #tpu.memory_space<vmem>>, %arg11: memref<1x1024xf32, #tpu.memory_space<vmem>>, %arg12: memref<1024x256xf32, #tpu.memory_space<vmem>>, %arg13: memref<1x256xf32, #tpu.memory_space<vmem>>, %arg14: memref<1x256xf32, #tpu.memory_space<vmem>>, %arg15: memref<1x256xf32, #tpu.memory_space<vmem>>, %arg16: memref<1x256xf32, #tpu.memory_space<vmem>>, %arg17: memref<1x256xf32, #tpu.memory_space<vmem>>, %arg18: memref<2000x256xf32, #tpu.memory_space<vmem>>) attributes {dimension_semantics = [#tpu.dimension_semantics<arbitrary>], iteration_bounds = array<i64: 5>, scalar_prefetch = 0 : i64, scratch_operands = 0 : i64, tpu.core_type = #tpu.core_type<tc>, window_params = [{transform_indices = @transform_0, window_bounds = array<i64: 2000, 256>}, {transform_indices = @transform_1, window_bounds = array<i64: 2000, 128>}, {transform_indices = @transform_2, window_bounds = array<i64: 2000, 128>}, {transform_indices = @transform_3, window_bounds = array<i64: 2000, 32>}, {pipeline_mode = #tpu.pipeline_mode<synchronous>, transform_indices = @transform_4, window_bounds = array<i64: 128, 256>}, {pipeline_mode = #tpu.pipeline_mode<synchronous>, transform_indices = @transform_5, window_bounds = array<i64: 128, 256>}, {pipeline_mode = #tpu.pipeline_mode<synchronous>, transform_indices = @transform_6, window_bounds = array<i64: 1, 256>}, {pipeline_mode = #tpu.pipeline_mode<synchronous>, transform_indices = @transform_7, window_bounds = array<i64: 256, 256>}, {pipeline_mode = #tpu.pipeline_mode<synchronous>, transform_indices = @transform_8, window_bounds = array<i64: 1, 256>}, {pipeline_mode = #tpu.pipeline_mode<synchronous>, transform_indices = @transform_9, window_bounds = array<i64: 256, 1024>}, {pipeline_mode = #tpu.pipeline_mode<synchronous>, transform_indices = @transform_10, window_bounds = array<i64: 1, 1024>}, {pipeline_mode = #tpu.pipeline_mode<synchronous>, transform_indices = @transform_11, window_bounds = array<i64: 1024, 256>}, {pipeline_mode = #tpu.pipeline_mode<synchronous>, transform_indices = @transform_12, window_bounds = array<i64: 1, 256>}, {pipeline_mode = #tpu.pipeline_mode<synchronous>, transform_indices = @transform_13, window_bounds = array<i64: 1, 256>}, {pipeline_mode = #tpu.pipeline_mode<synchronous>, transform_indices = @transform_14, window_bounds = array<i64: 1, 256>}, {pipeline_mode = #tpu.pipeline_mode<synchronous>, transform_indices = @transform_15, window_bounds = array<i64: 1, 256>}, {pipeline_mode = #tpu.pipeline_mode<synchronous>, transform_indices = @transform_16, window_bounds = array<i64: 1, 256>}, {transform_indices = @transform_17, window_bounds = array<i64: 2000, 256>}]} {
    %get3A = arith.constant 0 : index
    %get3A_0 = arith.constant 0 : index
    %get3A_1 = vector.load %arg1[%get3A, %get3A_0] : memref<2000x256xf32, #tpu.memory_space<vmem>>, vector<2000x256xf32>
    %get3A_2 = arith.constant 0 : index
    %get3A_3 = arith.constant 0 : index
    %get3A_4 = vector.load %arg4[%get3A_2, %get3A_3] : memref<2000x32xf32, #tpu.memory_space<vmem>>, vector<2000x32xf32>
    %reduce_sum3A = arith.constant dense<0.000000e+00> : vector<2000xf32>
    %reduce_sum3A_5 = vector.multi_reduction <add>, %get3A_4, %reduce_sum3A [1] : vector<2000x32xf32> to vector<2000xf32>
    %broadcast_in_dim3A = vector.shape_cast %reduce_sum3A_5 : vector<2000xf32> to vector<2000x1xf32>
    %get3A_6 = arith.constant 0 : index
    %get3A_7 = arith.constant 0 : index
    %get3A_8 = vector.load %arg2[%get3A_6, %get3A_7] : memref<2000x128xf32, #tpu.memory_space<vmem>>, vector<2000x128xf32>
    %get3A_9 = arith.constant 0 : index
    %get3A_10 = arith.constant 0 : index
    %get3A_11 = vector.load %arg5[%get3A_9, %get3A_10] : memref<128x256xf32, #tpu.memory_space<vmem>>, vector<128x256xf32>
    %dot_general3A = arith.constant dense<0.000000e+00> : vector<2000x256xf32>
    %dot_general3A_12 = tpu.matmul %get3A_8, %get3A_11, %dot_general3A {dimension_numbers = #tpu.dot_dimension_numbers<[1], [0], [0], [1], [0, 0, 1, 1], [], []>, transpose_lhs_hint = false} : vector<2000x128xf32>, vector<128x256xf32>, vector<2000x256xf32> -> vector<2000x256xf32>
    %get3A_13 = arith.constant 0 : index
    %get3A_14 = arith.constant 0 : index
    %get3A_15 = vector.load %arg3[%get3A_13, %get3A_14] : memref<2000x128xf32, #tpu.memory_space<vmem>>, vector<2000x128xf32>
    %get3A_16 = arith.constant 0 : index
    %get3A_17 = arith.constant 0 : index
    %get3A_18 = vector.load %arg6[%get3A_16, %get3A_17] : memref<128x256xf32, #tpu.memory_space<vmem>>, vector<128x256xf32>
    %dot_general3A_19 = arith.constant dense<0.000000e+00> : vector<2000x256xf32>
    %dot_general3A_20 = tpu.matmul %get3A_15, %get3A_18, %dot_general3A_19 {dimension_numbers = #tpu.dot_dimension_numbers<[1], [0], [0], [1], [0, 0, 1, 1], [], []>, transpose_lhs_hint = false} : vector<2000x128xf32>, vector<128x256xf32>, vector<2000x256xf32> -> vector<2000x256xf32>
    %add3A = arith.addf %dot_general3A_12, %dot_general3A_20 : vector<2000x256xf32>
    %get3A_21 = arith.constant 0 : index
    %get3A_22 = arith.constant 0 : index
    %get3A_23 = vector.load %arg7[%get3A_21, %get3A_22] : memref<1x256xf32, #tpu.memory_space<vmem>>, vector<1x256xf32>
    %mul3A = vector.broadcast %get3A_23 : vector<1x256xf32> to vector<2000x256xf32>
    %mul3A_24 = vector.broadcast %broadcast_in_dim3A : vector<2000x1xf32> to vector<2000x256xf32>
    %mul3A_25 = arith.mulf %mul3A, %mul3A_24 : vector<2000x256xf32>
    %add3A_26 = arith.addf %add3A, %mul3A_25 : vector<2000x256xf32>
    %max3A = arith.constant 1.000000e+00 : f32
    %max3A_27 = vector.broadcast %max3A : f32 to vector<2000x1xf32>
    %max3A_28 = arith.maximumf %broadcast_in_dim3A, %max3A_27 : vector<2000x1xf32>
    %div3A = vector.broadcast %max3A_28 : vector<2000x1xf32> to vector<2000x256xf32>
    %div3A_29 = arith.divf %add3A_26, %div3A : vector<2000x256xf32>
    %get3A_30 = arith.constant 0 : index
    %get3A_31 = arith.constant 0 : index
    %get3A_32 = vector.load %arg8[%get3A_30, %get3A_31] : memref<256x256xf32, #tpu.memory_space<vmem>>, vector<256x256xf32>
    %dot_general3A_33 = arith.constant dense<0.000000e+00> : vector<2000x256xf32>
    %dot_general3A_34 = tpu.matmul %get3A_1, %get3A_32, %dot_general3A_33 {dimension_numbers = #tpu.dot_dimension_numbers<[1], [0], [0], [1], [0, 0, 1, 1], [], []>, transpose_lhs_hint = false} : vector<2000x256xf32>, vector<256x256xf32>, vector<2000x256xf32> -> vector<2000x256xf32>
    %get3A_35 = arith.constant 0 : index
    %get3A_36 = arith.constant 0 : index
    %get3A_37 = vector.load %arg9[%get3A_35, %get3A_36] : memref<1x256xf32, #tpu.memory_space<vmem>>, vector<1x256xf32>
    %add3A_38 = vector.broadcast %get3A_37 : vector<1x256xf32> to vector<2000x256xf32>
    %add3A_39 = arith.addf %dot_general3A_34, %add3A_38 : vector<2000x256xf32>
    %add3A_40 = arith.addf %add3A_39, %div3A_29 : vector<2000x256xf32>
    %max3A_41 = arith.constant 0.000000e+00 : f32
    %max3A_42 = vector.broadcast %max3A_41 : f32 to vector<2000x256xf32>
    %max3A_43 = arith.maximumf %add3A_40, %max3A_42 : vector<2000x256xf32>
    %add3A_44 = arith.addf %get3A_1, %max3A_43 : vector<2000x256xf32>
    %get3A_45 = arith.constant 0 : index
    %get3A_46 = arith.constant 0 : index
    %get3A_47 = vector.load %arg14[%get3A_45, %get3A_46] : memref<1x256xf32, #tpu.memory_space<vmem>>, vector<1x256xf32>
    %get3A_48 = arith.constant 0 : index
    %get3A_49 = arith.constant 0 : index
    %get3A_50 = vector.load %arg15[%get3A_48, %get3A_49] : memref<1x256xf32, #tpu.memory_space<vmem>>, vector<1x256xf32>
    %reduce_sum3A_51 = arith.constant dense<0.000000e+00> : vector<2000xf32>
    %reduce_sum3A_52 = vector.multi_reduction <add>, %add3A_44, %reduce_sum3A_51 [1] : vector<2000x256xf32> to vector<2000xf32>
    %broadcast_in_dim3A_53 = vector.shape_cast %reduce_sum3A_52 : vector<2000xf32> to vector<2000x1xf32>
    %div3A_54 = arith.constant 2.560000e+02 : f32
    %div3A_55 = vector.broadcast %div3A_54 : f32 to vector<2000x1xf32>
    %div3A_56 = arith.divf %broadcast_in_dim3A_53, %div3A_55 : vector<2000x1xf32>
    %sub3A = vector.broadcast %div3A_56 : vector<2000x1xf32> to vector<2000x256xf32>
    %sub3A_57 = arith.subf %add3A_44, %sub3A : vector<2000x256xf32>
    %integer_pow3A = arith.mulf %sub3A_57, %sub3A_57 : vector<2000x256xf32>
    %reduce_sum3A_58 = arith.constant dense<0.000000e+00> : vector<2000xf32>
    %reduce_sum3A_59 = vector.multi_reduction <add>, %integer_pow3A, %reduce_sum3A_58 [1] : vector<2000x256xf32> to vector<2000xf32>
    %broadcast_in_dim3A_60 = vector.shape_cast %reduce_sum3A_59 : vector<2000xf32> to vector<2000x1xf32>
    %div3A_61 = arith.constant 2.560000e+02 : f32
    %div3A_62 = vector.broadcast %div3A_61 : f32 to vector<2000x1xf32>
    %div3A_63 = arith.divf %broadcast_in_dim3A_60, %div3A_62 : vector<2000x1xf32>
    %sub3A_64 = vector.broadcast %div3A_56 : vector<2000x1xf32> to vector<2000x256xf32>
    %sub3A_65 = arith.subf %add3A_44, %sub3A_64 : vector<2000x256xf32>
    %add3A_66 = arith.constant 9.99999974E-6 : f32
    %add3A_67 = vector.broadcast %add3A_66 : f32 to vector<2000x1xf32>
    %add3A_68 = arith.addf %div3A_63, %add3A_67 : vector<2000x1xf32>
    %sqrt3A = math.sqrt %add3A_68 : vector<2000x1xf32>
    %div3A_69 = vector.broadcast %sqrt3A : vector<2000x1xf32> to vector<2000x256xf32>
    %div3A_70 = arith.divf %sub3A_65, %div3A_69 : vector<2000x256xf32>
    %mul3A_71 = vector.broadcast %get3A_47 : vector<1x256xf32> to vector<2000x256xf32>
    %mul3A_72 = arith.mulf %div3A_70, %mul3A_71 : vector<2000x256xf32>
    %add3A_73 = vector.broadcast %get3A_50 : vector<1x256xf32> to vector<2000x256xf32>
    %add3A_74 = arith.addf %mul3A_72, %add3A_73 : vector<2000x256xf32>
    %get3A_75 = arith.constant 0 : index
    %get3A_76 = arith.constant 0 : index
    %get3A_77 = vector.load %arg10[%get3A_75, %get3A_76] : memref<256x1024xf32, #tpu.memory_space<vmem>>, vector<256x1024xf32>
    %dot_general3A_78 = arith.constant dense<0.000000e+00> : vector<2000x1024xf32>
    %dot_general3A_79 = tpu.matmul %add3A_74, %get3A_77, %dot_general3A_78 {dimension_numbers = #tpu.dot_dimension_numbers<[1], [0], [0], [1], [0, 0, 1, 1], [], []>, transpose_lhs_hint = false} : vector<2000x256xf32>, vector<256x1024xf32>, vector<2000x1024xf32> -> vector<2000x1024xf32>
    %get3A_80 = arith.constant 0 : index
    %get3A_81 = arith.constant 0 : index
    %get3A_82 = vector.load %arg11[%get3A_80, %get3A_81] : memref<1x1024xf32, #tpu.memory_space<vmem>>, vector<1x1024xf32>
    %add3A_83 = vector.broadcast %get3A_82 : vector<1x1024xf32> to vector<2000x1024xf32>
    %add3A_84 = arith.addf %dot_general3A_79, %add3A_83 : vector<2000x1024xf32>
    %mul3A_85 = arith.constant 5.000000e-01 : f32
    %mul3A_86 = vector.broadcast %mul3A_85 : f32 to vector<2000x1024xf32>
    %mul3A_87 = arith.mulf %add3A_84, %mul3A_86 : vector<2000x1024xf32>
    %mul3A_88 = arith.constant 0.707106769 : f32
    %mul3A_89 = vector.broadcast %mul3A_88 : f32 to vector<2000x1024xf32>
    %mul3A_90 = arith.mulf %add3A_84, %mul3A_89 : vector<2000x1024xf32>
    %erf3A = math.erf %mul3A_90 : vector<2000x1024xf32>
    %add3A_91 = arith.constant 1.000000e+00 : f32
    %add3A_92 = vector.broadcast %add3A_91 : f32 to vector<2000x1024xf32>
    %add3A_93 = arith.addf %add3A_92, %erf3A : vector<2000x1024xf32>
    %mul3A_94 = arith.mulf %mul3A_87, %add3A_93 : vector<2000x1024xf32>
    %get3A_95 = arith.constant 0 : index
    %get3A_96 = arith.constant 0 : index
    %get3A_97 = vector.load %arg12[%get3A_95, %get3A_96] : memref<1024x256xf32, #tpu.memory_space<vmem>>, vector<1024x256xf32>
    %dot_general3A_98 = arith.constant dense<0.000000e+00> : vector<2000x256xf32>
    %dot_general3A_99 = tpu.matmul %mul3A_94, %get3A_97, %dot_general3A_98 {dimension_numbers = #tpu.dot_dimension_numbers<[1], [0], [0], [1], [0, 0, 1, 1], [], []>, transpose_lhs_hint = false} : vector<2000x1024xf32>, vector<1024x256xf32>, vector<2000x256xf32> -> vector<2000x256xf32>
    %get3A_100 = arith.constant 0 : index
    %get3A_101 = arith.constant 0 : index
    %get3A_102 = vector.load %arg13[%get3A_100, %get3A_101] : memref<1x256xf32, #tpu.memory_space<vmem>>, vector<1x256xf32>
    %add3A_103 = vector.broadcast %get3A_102 : vector<1x256xf32> to vector<2000x256xf32>
    %add3A_104 = arith.addf %dot_general3A_99, %add3A_103 : vector<2000x256xf32>
    %add3A_105 = arith.addf %add3A_74, %add3A_104 : vector<2000x256xf32>
    %get3A_106 = arith.constant 0 : index
    %get3A_107 = arith.constant 0 : index
    %get3A_108 = vector.load %arg16[%get3A_106, %get3A_107] : memref<1x256xf32, #tpu.memory_space<vmem>>, vector<1x256xf32>
    %get3A_109 = arith.constant 0 : index
    %get3A_110 = arith.constant 0 : index
    %get3A_111 = vector.load %arg17[%get3A_109, %get3A_110] : memref<1x256xf32, #tpu.memory_space<vmem>>, vector<1x256xf32>
    %reduce_sum3A_112 = arith.constant dense<0.000000e+00> : vector<2000xf32>
    %reduce_sum3A_113 = vector.multi_reduction <add>, %add3A_105, %reduce_sum3A_112 [1] : vector<2000x256xf32> to vector<2000xf32>
    %broadcast_in_dim3A_114 = vector.shape_cast %reduce_sum3A_113 : vector<2000xf32> to vector<2000x1xf32>
    %div3A_115 = arith.constant 2.560000e+02 : f32
    %div3A_116 = vector.broadcast %div3A_115 : f32 to vector<2000x1xf32>
    %div3A_117 = arith.divf %broadcast_in_dim3A_114, %div3A_116 : vector<2000x1xf32>
    %sub3A_118 = vector.broadcast %div3A_117 : vector<2000x1xf32> to vector<2000x256xf32>
    %sub3A_119 = arith.subf %add3A_105, %sub3A_118 : vector<2000x256xf32>
    %integer_pow3A_120 = arith.mulf %sub3A_119, %sub3A_119 : vector<2000x256xf32>
    %reduce_sum3A_121 = arith.constant dense<0.000000e+00> : vector<2000xf32>
    %reduce_sum3A_122 = vector.multi_reduction <add>, %integer_pow3A_120, %reduce_sum3A_121 [1] : vector<2000x256xf32> to vector<2000xf32>
    %broadcast_in_dim3A_123 = vector.shape_cast %reduce_sum3A_122 : vector<2000xf32> to vector<2000x1xf32>
    %div3A_124 = arith.constant 2.560000e+02 : f32
    %div3A_125 = vector.broadcast %div3A_124 : f32 to vector<2000x1xf32>
    %div3A_126 = arith.divf %broadcast_in_dim3A_123, %div3A_125 : vector<2000x1xf32>
    %sub3A_127 = vector.broadcast %div3A_117 : vector<2000x1xf32> to vector<2000x256xf32>
    %sub3A_128 = arith.subf %add3A_105, %sub3A_127 : vector<2000x256xf32>
    %add3A_129 = arith.constant 9.99999974E-6 : f32
    %add3A_130 = vector.broadcast %add3A_129 : f32 to vector<2000x1xf32>
    %add3A_131 = arith.addf %div3A_126, %add3A_130 : vector<2000x1xf32>
    %sqrt3A_132 = math.sqrt %add3A_131 : vector<2000x1xf32>
    %div3A_133 = vector.broadcast %sqrt3A_132 : vector<2000x1xf32> to vector<2000x256xf32>
    %div3A_134 = arith.divf %sub3A_128, %div3A_133 : vector<2000x256xf32>
    %mul3A_135 = vector.broadcast %get3A_108 : vector<1x256xf32> to vector<2000x256xf32>
    %mul3A_136 = arith.mulf %div3A_134, %mul3A_135 : vector<2000x256xf32>
    %add3A_137 = vector.broadcast %get3A_111 : vector<1x256xf32> to vector<2000x256xf32>
    %add3A_138 = arith.addf %mul3A_136, %add3A_137 : vector<2000x256xf32>
    %swap3A = arith.constant 0 : index
    %swap3A_139 = arith.constant 0 : index
    %swap3A_140 = vector.load %arg18[%swap3A, %swap3A_139] : memref<2000x256xf32, #tpu.memory_space<vmem>>, vector<2000x256xf32>
    tpu.vector_store %arg18[%swap3A, %swap3A_139], %add3A_138 {strides = array<i32>} : memref<2000x256xf32, #tpu.memory_space<vmem>>, vector<2000x256xf32>,
    return
  }
  func.func @transform_0(%arg0: i32) -> (i32, i32) {
    %c0_i32 = arith.constant 0 : i32
    %c0_i32_0 = arith.constant 0 : i32
    return %arg0, %c0_i32 : i32, i32
  }
  func.func @transform_1(%arg0: i32) -> (i32, i32) {
    %c0_i32 = arith.constant 0 : i32
    %c0_i32_0 = arith.constant 0 : i32
    return %arg0, %c0_i32 : i32, i32
  }
  func.func @transform_2(%arg0: i32) -> (i32, i32) {
    %c0_i32 = arith.constant 0 : i32
    %c0_i32_0 = arith.constant 0 : i32
    return %arg0, %c0_i32 : i32, i32
  }
  func.func @transform_3(%arg0: i32) -> (i32, i32) {
    %c0_i32 = arith.constant 0 : i32
    %c0_i32_0 = arith.constant 0 : i32
    return %arg0, %c0_i32 : i32, i32
  }
  func.func @transform_4(%arg0: i32) -> (i32, i32) {
    %c0_i32 = arith.constant 0 : i32
    %c0_i32_0 = arith.constant 0 : i32
    %c0_i32_1 = arith.constant 0 : i32
    return %c0_i32, %c0_i32_0 : i32, i32
  }
  func.func @transform_5(%arg0: i32) -> (i32, i32) {
    %c0_i32 = arith.constant 0 : i32
    %c0_i32_0 = arith.constant 0 : i32
    %c0_i32_1 = arith.constant 0 : i32
    return %c0_i32, %c0_i32_0 : i32, i32
  }
  func.func @transform_6(%arg0: i32) -> (i32, i32) {
    %c0_i32 = arith.constant 0 : i32
    %c0_i32_0 = arith.constant 0 : i32
    %c0_i32_1 = arith.constant 0 : i32
    return %c0_i32, %c0_i32_0 : i32, i32
  }
  func.func @transform_7(%arg0: i32) -> (i32, i32) {
    %c0_i32 = arith.constant 0 : i32
    %c0_i32_0 = arith.constant 0 : i32
    %c0_i32_1 = arith.constant 0 : i32
    return %c0_i32, %c0_i32_0 : i32, i32
  }
  func.func @transform_8(%arg0: i32) -> (i32, i32) {
    %c0_i32 = arith.constant 0 : i32
    %c0_i32_0 = arith.constant 0 : i32
    %c0_i32_1 = arith.constant 0 : i32
    return %c0_i32, %c0_i32_0 : i32, i32
  }
  func.func @transform_9(%arg0: i32) -> (i32, i32) {
    %c0_i32 = arith.constant 0 : i32
    %c0_i32_0 = arith.constant 0 : i32
    %c0_i32_1 = arith.constant 0 : i32
    return %c0_i32, %c0_i32_0 : i32, i32
  }
  func.func @transform_10(%arg0: i32) -> (i32, i32) {
    %c0_i32 = arith.constant 0 : i32
    %c0_i32_0 = arith.constant 0 : i32
    %c0_i32_1 = arith.constant 0 : i32
    return %c0_i32, %c0_i32_0 : i32, i32
  }
  func.func @transform_11(%arg0: i32) -> (i32, i32) {
    %c0_i32 = arith.constant 0 : i32
    %c0_i32_0 = arith.constant 0 : i32
    %c0_i32_1 = arith.constant 0 : i32
    return %c0_i32, %c0_i32_0 : i32, i32
  }
  func.func @transform_12(%arg0: i32) -> (i32, i32) {
    %c0_i32 = arith.constant 0 : i32
    %c0_i32_0 = arith.constant 0 : i32
    %c0_i32_1 = arith.constant 0 : i32
    return %c0_i32, %c0_i32_0 : i32, i32
  }
  func.func @transform_13(%arg0: i32) -> (i32, i32) {
    %c0_i32 = arith.constant 0 : i32
    %c0_i32_0 = arith.constant 0 : i32
    %c0_i32_1 = arith.constant 0 : i32
    return %c0_i32, %c0_i32_0 : i32, i32
  }
  func.func @transform_14(%arg0: i32) -> (i32, i32) {
    %c0_i32 = arith.constant 0 : i32
    %c0_i32_0 = arith.constant 0 : i32
    %c0_i32_1 = arith.constant 0 : i32
    return %c0_i32, %c0_i32_0 : i32, i32
  }
  func.func @transform_15(%arg0: i32) -> (i32, i32) {
    %c0_i32 = arith.constant 0 : i32
    %c0_i32_0 = arith.constant 0 : i32
    %c0_i32_1 = arith.constant 0 : i32
    return %c0_i32, %c0_i32_0 : i32, i32
  }
  func.func @transform_16(%arg0: i32) -> (i32, i32) {
    %c0_i32 = arith.constant 0 : i32
    %c0_i32_0 = arith.constant 0 : i32
    %c0_i32_1 = arith.constant 0 : i32
    return %c0_i32, %c0_i32_0 : i32, i32
  }
  func.func @transform_17(%arg0: i32) -> (i32, i32) {
    %c0_i32 = arith.constant 0 : i32
    %c0_i32_0 = arith.constant 0 : i32
    return %arg0, %c0_i32 : i32, i32
  }
}

</mosaic_0001>

<sc_bundles>
// kernel: kernel.4.cloned.1.call-start
scs
__scs_entry_jumppad:
0x0: {  	(pc) =	sbr.rel $0x88, $3  }
0x1: {  	(tag) =	ssettag $0x0;
	lr =	simm.s32 $0x1  }
0x2: {  	[smem:$0x3F93] =	sst lr;
	_ =	strace $0xD0000000  }
0x3: {  	_ = 	snop  }
0x4: {  	_ = 	snop  }
0x5: {  	_ = 	snop  }
0x6: {  	_ = 	snop  }
0x7: {  	_ = 	snop  }
__scs_overlays_trampoline_lowered:
0x8: {  	[smem:$0x3FA2] =	sst s0  }
0x9: {  	[smem:$0x3FA3] =	sst s1  }
0xa: {  	[smem:$0x3FA4] =	sst s2  }
0xb: {  	[smem:$0x3FA5] =	sst s3  }
0xc: {  	[smem:$0x3FA6] =	sst s4  }
0xd: {  	[smem:$0x3FA7] =	sst s5  }
0xe: {  	[smem:$0x3FA8] =	sst s6  }
0xf: {  	[smem:$0x3FA9] =	sst s7  }
0x10: {  	[smem:$0x3FAA] =	sst s8  }
0x11: {  	[smem:$0x3FAB] =	sst s9;
	s0 =	simm.s32 @!p0 $0x0  }
0x12: {  	s1 =	sld [smem:$0x3F91];
	s0 =	simm.s32 @p0 $0x1  }
0x13: {  	[smem:$0x3FAC] =	sst s0;
	s0 =	simm.s32 @!p1 $0x0  }
0x14: {  	s2 =	sld [smem:$0x3F90];
	s0 =	simm.s32 @p1 $0x1  }
0x15: {  	[smem:$0x3FAD] =	sst s0;
	s0 =	simm.s32 @!p2 $0x0  }
0x16: {  	s3 =	sld [smem:$0x3FDB];
	s0 =	simm.s32 @p2 $0x1  }
0x17: {  	s4 =	simm.s32 $0x1BF5;
	[smem:$0x3FAF] =	sst s0  }
0x18: {  	s0 =	sld [smem:$0x3F92];
	_ =	swait.ge [sflag:s4], $0x0  }
0x19: {  	s7 =	sld [smem:$0x3F93]  }
0x1a: {  	s8 =	sadd.s32 $0xFFFFE003, lr  }
0x1b: {  	s9 =	sadd.s32 $0xFFFFFEF7, lr;
	s5 =	simm.s32 $0xFFFFFFFF;
	p2 =	slt.u32 s8, $0xFFFFF086  }
0x1c: {  	p1 =	slt.u32 s9, $0xF7A;
	s5 =	simm.s32 @!p2 $0x0  }
0x1d: {  	s5 =	simm.s32 @p1 $0x1;
	p0 =	seq.s32 s7, s2  }
0x1e: {  	s7 =	smul.u32 @!p0 $0xF7A, s2;
	p2 =	seq.s32 @!p0 s5, $0x0  }
0x1f: {  	s9 =	smul.u32 $0xF7A, s1;
	s8 =	simm.s32 @!p0 $0x1BF5;
	p2 =	por !p2, p0  }
0x20: {  	[sflag:s8] =	ssyncset.s32 @!p0 $0xFFFFF086;
	s6 =	sadd.s32 @!p0 s3, s7;
	s7 =	simm.s32 @!p0 $0x108  }
0x21: {  	s3 =	sadd.s32 s3, s9;
	s6 =	sadd.s32 @!p0 $0x88, s6;
	s7 =	simm.s32 @p2 $0x1082  }
0x22: {  	[simem:s7], [sflag:s8] =	dma.local @!p0 [hbm:s6], $0xF7A  }
0x23: {  	s9 =	sor.u32 $0xD0000000, s2;
	s6 =	simm.s32 $0x108;
	_ =	swait.ge @!p0 [sflag:s8], $0x0  }
0x24: {  	s3 =	sadd.s32 $0x88, s3;
	s6 =	simm.s32 @!p1 $0x1082;
	[sflag:s4] =	ssyncset.s32 $0xFFFFF086  }
0x25: {  	[simem:s6], [sflag:s4] =	dma.local [hbm:s3], $0xF7A  }
0x26: {  	[smem:$0x3F93] =	sst s1;
	(tag) =	ssettag s2;
	_ =	strace s9  }
0x27: {  	s1 =	sld [smem:$0x3FA3]  }
0x28: {  	s2 =	sld [smem:$0x3FA4]  }
0x29: {  	s4 =	sld [smem:$0x3FA6]  }
0x2a: {  	p0 =	seq.s32 s5, $0x0;
	s5 =	sld [smem:$0x3FA7]  }
0x2b: {  	s6 =	sld [smem:$0x3FA8]  }
0x2c: {  	s7 =	sld [smem:$0x3FA9]  }
0x2d: {  	s3 =	simm.s32 $0x108;
	s8 =	sld [smem:$0x3FAA]  }
0x2e: {  	s3 =	simm.s32 @!p0 $0x1082;
	s9 =	sld [smem:$0x3FAB]  }
0x2f: {  	lr =	sadd.s32 s0, s3;
	s0 =	sld [smem:$0x3FA2]  }
0x30: {  	s3 =	sld [smem:$0x3FA5]  }
0x31: {  	[smem:$0x3FAE] =	sst s10  }
0x32: {  	s10 =	sld [smem:$0x3FAC];
	_ =	sdelay $0x3  }
0x33: {  	p0 =	seq.s32 s10, $0x1;
	s10 =	sld [smem:$0x3FAE];
	_ =	sdelay $0x3  }
0x34: {  	[smem:$0x3FAE] =	sst s10  }
0x35: {  	s10 =	sld [smem:$0x3FAD];
	_ =	sdelay $0x3  }
0x36: {  	p1 =	seq.s32 s10, $0x1;
	s10 =	sld [smem:$0x3FAE];
	_ =	sdelay $0x3  }
0x37: {  	[smem:$0x3FAE] =	sst s10  }
0x38: {  	s10 =	sld [smem:$0x3FAF]  }
0x39: {  	_ = 	snop;
	(pc) =	sbr.ind lr, $3  }
0x3a: {  	_ = 	snop  }
0x3b: {  	_ = 	snop  }
0x3c: {  	p2 =	seq.s32 s10, $0x1;
	s10 =	sld [smem:$0x3FAE]  }
0x3d: {  	_ =	shalt  }
0x3e: {  	_ =	shalt  }
0x3f: {  	_ =	shalt  }
0x40: {  	_ =	shalt  }
0x41: {  	_ =	shalt  }
0x42: {  	_ =	shalt  }
0x43: {  	_ =	shalt  }
0x44: {  	_ =	shalt  }
0x45: {  	_ =	shalt  }
0x46: {  	_ =	shalt  }
0x47: {  	_ =	shalt  }
0x48: {  	_ =	shalt  }
0x49: {  	_ =	shalt  }
0x4a: {  	_ =	shalt  }
0x4b: {  	_ =	shalt  }
0x4c: {  	_ =	shalt  }
0x4d: {  	_ =	shalt  }
0x4e: {  	_ =	shalt  }
0x4f: {  	_ =	shalt  }
0x50: {  	_ =	shalt  }
0x51: {  	_ =	shalt  }
0x52: {  	_ =	shalt  }
0x53: {  	_ =	shalt  }
0x54: {  	_ =	shalt  }
0x55: {  	_ =	shalt  }
0x56: {  	_ =	shalt  }
0x57: {  	_ =	shalt  }
0x58: {  	_ =	shalt  }
0x59: {  	_ =	shalt  }
0x5a: {  	_ =	shalt  }
0x5b: {  	_ =	shalt  }
0x5c: {  	_ =	shalt  }
0x5d: {  	_ =	shalt  }
0x5e: {  	_ =	shalt  }
0x5f: {  	_ =	shalt  }
0x60: {  	_ =	shalt  }
0x61: {  	_ =	shalt  }
0x62: {  	_ =	shalt  }
0x63: {  	_ =	shalt  }
0x64: {  	_ =	shalt  }
0x65: {  	_ =	shalt  }
0x66: {  	_ =	shalt  }
0x67: {  	_ =	shalt  }
0x68: {  	_ =	shalt  }
0x69: {  	_ =	shalt  }
0x6a: {  	_ =	shalt  }
0x6b: {  	_ =	shalt  }
0x6c: {  	_ =	shalt  }
0x6d: {  	_ =	shalt  }
0x6e: {  	_ =	shalt  }
0x6f: {  	_ =	shalt  }
0x70: {  	_ =	shalt  }
0x71: {  	_ =	shalt  }
0x72: {  	_ =	shalt  }
0x73: {  	_ =	shalt  }
0x74: {  	_ =	shalt  }
0x75: {  	_ =	shalt  }
0x76: {  	_ =	shalt  }
0x77: {  	_ =	shalt  }
0x78: {  	_ =	shalt  }
0x79: {  	_ =	shalt  }
0x7a: {  	_ =	shalt  }
0x7b: {  	_ =	shalt  }
0x7c: {  	_ =	shalt  }
0x7d: {  	_ =	shalt  }
0x7e: {  	_ =	shalt  }
0x7f: {  	_ =	shalt  }
0x80: {  	_ =	shalt  }
0x81: {  	_ =	shalt  }
0x82: {  	_ =	shalt  }
0x83: {  	_ =	shalt  }
0x84: {  	_ =	shalt  }
0x85: {  	_ =	shalt  }
0x86: {  	_ =	shalt  }
0x87: {  	_ =	shalt  }
.Lfunc_end0:
.L_simem_size_0:
called_computation_lowered:
.L_overlay_start_0:
0x88: {  	s2 =	sld [smem:$0x3FD9]  }
0x89: {  	s3 =	sld [smem:$0x3FFE];
	_ =	sdelay $0x1  }
0x8a: {  	s1 =	srdreg.scid  }
0x8b: {  	s0 =	sand.u32 $0x1, s1  }
0x8c: {  	s17 =	sshll.u32 s0, $0xA;
	s2 =	sadd.s32 s3, s2  }
0x8d: {  	s2 =	sadd.s32 s2, s17  }
0x8e: {  	[smem:$0x3FBA] =	sst s2  }
0x8f: {  	_ = 	snop  }
0x90: {  	s2 =	sld [smem:$0x3FC9]  }
0x91: {  	s18 =	sld [smem:$0x3FD0];
	(tm) =	ssettm $0x1  }
0x92: {  	s4 =	sld [smem:$0x3FFB];
	_ =	sdelay $0x3  }
0x93: {  	_ =	strace s4  }
0x94: {  	s4 =	sld [smem:$0x3FFC];
	_ =	sdelay $0x3  }
0x95: {  	_ =	strace s4  }
0x96: {  	s4 =	sld [smem:$0x3FFD];
	_ =	sdelay $0x3  }
0x97: {  	_ =	strace s4  }
0x98: {  	_ =	strace $0x8FFFFFFF  }
0x99: {  	s19 =	sld [smem:$0x3FDB];
	_ =	sdelay $0x1  }
0x9a: {  	s5 =	simm.s32 $_scs_section_size  }
0x9b: {  	s6 =	simm.s32 $_size__tile_overlayer_lowered;
	s7 =	simm.s32 $_tile_overlayer_lowered  }
0x9c: {  	s22 =	simm.s32 $0x1BFF;
	s21 =	sshll.u32 s7, $0x1;
	s4 =	sadd.s32 s5, s19  }
0x9d: {  	s8 =	simm.s32 $0x0;
	s20 =	sshll.u32 s6, $0x1;
	s6 =	sadd.s32 s21, s4  }
0x9e: {  	[timem:s8], [sflag:s22] =	dma.local [hbm:s6], s20  }
0x9f: {  	_ =	swait.ge [sflag:s22], s20  }
0xa0: {  	s5 =	ssub.s32 $0x0, s20;
	[sflag:s22] =	ssyncset.done $0x0  }
0xa1: {  	[sflag:s22] =	ssyncadd.s32 s5;
	_ =	sdelay $0x1  }
0xa2: {  	s23 =	simm.s32 $0x1B8B  }
0xa3: {  	_ =	swait.ge [sflag:s23], $0x1  }
0xa4: {  	[sflag:s23] =	ssyncset.done $0x0  }
0xa5: {  	s25 =	simm.s32 $0x1B8E;
	s24 =	sld [smem:$0x3FFE];
	[sflag:s23] =	ssyncadd.s32 $0xFFFFFFFF  }
0xa6: {  	s26 =	simm.s32 $execute0_lowered;
	[smem:$0x3FD2] =	sst s25  }
0xa7: {  	s6 =	sshll.u32 s26, $0x1;
	_ =	strace $0x80000046;
	[dreg:$0x1] =	wrdreg $0xFFFFFFFF  }
0xa8: {  	s28 =	simm.s32 $_size_execute0_lowered;
	s4 =	sadd.s32 s4, s6;
	[dreg:$0x0] =	wrdreg $0x0  }
0xa9: {  	s6 =	sshll.u32 s28, $0x1;
	[dreg:$0x2] =	wrdreg s4  }
0xaa: {  	[dreg:$0x3] =	wrdreg s6  }
0xab: {  	[dreg:$0x4] =	wrdreg $0xC0  }
0xac: {  	_ =	task [dreg:s8], $0x5FFFF  }
0xad: {  	[dreg:$0x1] =	wrdreg $0xFFFFFFFF  }
0xae: {  	[dreg:$0x0] =	wrdreg $0x60  }
0xaf: {  	[dreg:$0x2] =	wrdreg s2  }
0xb0: {  	[dreg:$0x3] =	wrdreg s24  }
0xb1: {  	[dreg:$0x4] =	wrdreg s18  }
0xb2: {  	[dreg:$0x5] =	wrdreg $0x9A000  }
0xb3: {  	[dreg:$0x6] =	wrdreg $0x9  }
0xb4: {  	_ =	task.clear_ibuf [dreg:s8], $0x7FFFF;
	_ =	strace $0x90000046  }
0xb5: {  	s29 =	simm.s32 $0x9;
	_ =	strace $0x80000048  }
0xb6: {  	_ =	swait.ge [sflag:s29], $0x1  }
0xb7: {  	[sflag:s29] =	ssyncadd.s32 $0xFFFFFFFF  }
0xb8: {  	_ =	strace $0x90000048  }
0xb9: {  	_ =	sfence  }
0xba: {  	s30 =	sld [smem:$0x0];
	_ =	sdelay $0x2  }
0xbb: {  	s31 =	sshll.u32 s1, $0xD;
	s1 =	sshrl.u32 s1, $0x2  }
0xbc: {  	s3 =	sand.u32 $0x4000, s31;
	s1 =	sadd.s32 s1, s30  }
0xbd: {  	s0 =	sor.u32 s3, s0;
	s1 =	sshll.u32 s1, $0x11  }
0xbe: {  	s0 =	sor.u32 s1, s0  }
0xbf: {  	s0 =	sadd.s32 $0x8F2B, s0  }
0xc0: {  	[sflag:s0] =	ssyncadd.remote.s32 $0x1  }
0xc1: {  	_ =	sfence.sel $0xFFFF  }
0xc2: {  	[dreg:$0x0] =	wrdreg $0xFFFFFFFF;
	(pc) =	sbr.abs _section_cstart, $3  }
0xc3: {  	[dreg:$0x1] =	wrdreg $0xFFFFFFFF  }
0xc4: {  	_ =	task.clear_ibuf [dreg:s8], $0x2FFFF;
	_ =	strace $0x9FFFFFFF  }
0xc5: {  	(tm) =	ssettm $0x7FFFFFFF  }
tec
execute0_lowered:
.L_overlay_start_1:
0x0: {  	(tag) =	ssettag $0x1  }
0x1: {  	s1 =	rddreg [dreg:$0x0]  }
0x2: {  	s0 =	rddreg [dreg:$0x1]  }
0x3: {  	s30 =	rddreg [dreg:$0x3]  }
0x4: {  	s5 =	simm.s32 $0x0;
	s10 =	stileid.u32;
	s4 =	srdreg.scid  }
0x5: {  	s29 =	simm.s32 $0x200;
	s31 =	simm.s32 $0x80;
	s28 =	simm.s32 $0x500  }
0x6: {  	[smem:$0x7FF] =	sst s5;
	s2 =	sadd.s32 $0x7800, s0;
	s6 =	smul.u32 $0x50000, s10  }
0x7: {  	s7 =	sadd.s32 $0x1E00, s0;
	s8 =	sadd.s32 $0x17200, s0;
	s4 =	sand.u32 $0x1, s4  }
0x8: {  	s0 =	sadd.s32 $0xD200, s0;
	s24 =	smul.u32 $0x2D00, s10;
	s26 =	sshll.u32 s10, $0x8  }
0x9: {  	s19 =	sshrl.u32 s10, $0x3;
	s20 =	sshll.u32 s10, $0x7;
	s21 =	smul.u32 $0x5A0, s10  }
0xa: {  	_ =	strace $0x80000047;
	[dreg:$0x5] =	wrdreg s8;
	s22 =	ssub.s32 $0x2, s4  }
0xb: {  	[dreg:$0x6] =	wrdreg s0;
	s8 =	sand.u32 $0x300, s26;
	s23 =	sshrl.u32 s22, $0x1  }
0xc: {  	s6 =	sshrl.u32 s6, $0x2;
	s0 =	ssub.s32 s22, s23;
	s23 =	sand.u32 $0x380, s20  }
0xd: {  	p0 =	seq.s32 s4, $0x1;
	s15 =	sadd.s32 s6, s30;
	[dreg:$0x14] =	wrdreg s23  }
0xe: {  	s26 =	sadd.s32 $0x80, s1;
	s25 =	sadd.s32 $0x2800, s15;
	[dreg:$0x7] =	wrdreg s15  }
0xf: {  	s6 =	sand.u32 $0x3FC00, s24;
	s9 =	sadd.s32 $0x5000, s15;
	[dreg:$0x8] =	wrdreg s25  }
0x10: {  	s22 =	smul.u32 $0x14000, s19;
	s3 =	sadd.s32 $0x7800, s15;
	[dreg:$0x9] =	wrdreg s9  }
0x11: {  	s24 =	smul.u32 $0x2800, s10;
	s11 =	sadd.s32 $0xA000, s15;
	[dreg:$0xa] =	wrdreg s3  }
0x12: {  	s20 =	simm.s32 $0x580;
	s12 =	sadd.s32 $0xC800, s15;
	[dreg:$0xb] =	wrdreg s11  }
0x13: {  	s10 =	simm.s32 $0x2;
	s13 =	sadd.s32 $0xF000, s15;
	[dreg:$0xc] =	wrdreg s12  }
0x14: {  	s19 =	simm.s32 $0x0;
	s14 =	sadd.s32 $0x11800, s15;
	[dreg:$0xd] =	wrdreg s13  }
0x15: {  	s6 =	sor.u32 s8, s6;
	s23 =	sadd.s32 s21, s2;
	[dreg:$0xe] =	wrdreg s14  }
0x16: {  	s0 =	smax.u32 s0, $0x1;
	s8 =	simm.s32 $0x380;
	[dreg:$0x15] =	wrdreg s24  }
0x17: {  	s6 =	sshrl.u32 s6, $0x3;
	s3 =	sadd.s32 s21, s7;
	[dreg:$0x16] =	wrdreg s0  }
0x18: {  	[dreg:$0x13] =	wrdreg s22;
	s25 =	sadd.s32 $0x28000, s22;
	s21 =	simm.s32 $0x100  }
0x19: {  	s14 =	simm.s32 $0x280;
	s24 =	simm.s32 $0x300;
	s0 =	simm.s32 $0x480  }
0x1a: {  	s22 =	simm.s32 $0x680;
	s9 =	simm.s32 $0x5;
	[dreg:$0x18] =	wrdreg s23  }
0x1b: {  	v0 =	vimm.f32 $0.0e+00;
	v1 =	vimm.s32 $0x7;
	v4 =	vlaneseq.u32;
	s11 =	simm.s32 $0x7200;
	s12 =	simm.s32 $0x6;
	[dreg:$0x17] =	wrdreg s25  }
0x1c: {  	v2 =	vimm.s32 $0x1;
	v3 =	vimm.s32 $0x0;
	vm0 =	vmmov $0x1;
	s16 =	sor.u32 $0x10, s6;
	s17 =	sadd.s32 s2, s6;
	[dreg:$0x19] =	wrdreg s3  }
.Ltmp0:
0x1d: {  	v5 =	vimm.s32 $0x2;
	v6 =	vimm.s32 $0x3;
	v7 =	vimm.s32 $0x4;
	s6 =	sadd.s32 s7, s6;
	[dreg:$0xf] =	wrdreg s17;
	(pc) =	sbr.rel .LBB2_1-.Ltmp0, $4  }
0x1e: {  	v8 =	vimm.s32 $0x5;
	v9 =	vimm.s32 $0x6;
	v10 =	vimm.s32 $0x8;
	s25 =	simm.s32 $0x400;
	[dreg:$0x10] =	wrdreg s6;
	s18 =	sadd.s32 s2, s16  }
0x1f: {  	v11 =	vimm.s32 $0x9;
	v12 =	vimm.s32 $0xA;
	v13 =	vimm.s32 $0xB;
	s4 =	sadd.s32 s7, s16;
	s6 =	simm.s32 $0x3;
	s17 =	simm.s32 $0x3080  }
0x20: {  	v14 =	vimm.s32 $0xC;
	v15 =	vimm.s32 $0xD;
	v16 =	vimm.s32 $0xE;
	s2 =	simm.s32 $0x3100;
	s16 =	simm.s32 $0x1;
	[dreg:$0x11] =	wrdreg s18  }
0x21: {  	v17 =	vimm.s32 $0xF;
	v18 =	vimm.f32 $1.000000000e+00;
	v4 =	vmul.u32 $0x8, v4;
	[dreg:$0x12] =	wrdreg s4;
	s4 =	simm.s32 $0x600;
	s18 =	simm.s32 $0x4  }
.LBB2_12:
0x22: {  	[spmem:s30] =	stream.indirect.scatter.add.f32 [tilespmem:s2], [sflag:$0x6], $0x80, s15, s0, $0xb8;
	[tilespmem:$0x1DA00] =	vst v63  }
0x23: {  	s14 =	rddreg [dreg:$0x14]  }
0x24: {  	s25 =	simm.s32 $0x400;
	s13 =	sor.u32 s14, s13;
	_ =	swait.ge [sflag:s12], $0x3800  }
0x25: {  	s13 =	sshrl.u32 s13, $0x3;
	[sflag:s12] =	ssyncset.done $0x0;
	s17 =	rddreg [dreg:$0x6]  }
0x26: {  	s21 =	simm.s32 $0x7;
	s13 =	sadd.s32 s17, s13;
	[sflag:s12] =	ssyncadd.s32 $0xFFFFC800  }
0x27: {  	[hbm4b:s13+s31] =	stream.strided.scatter [tilespmem:s11], [sflag:$0x7], $0x2800, s25, s31, $0x38;
	[tilespmem:$0x1DA00] =	vst v63  }
0x28: {  	_ =	swait.ge [sflag:s21], $0x2800  }
0x29: {  	[sflag:s21] =	ssyncset.done $0x0  }
0x2a: {  	[sflag:s21] =	ssyncadd.s32 $0xFFFFD800  }
0x2b: {  	s22 =	stileid.u32;
	s20 =	rddreg [dreg:$0x15];
	[bflag:$0x0] =	sbarrier.arrive $0xFFFF  }
0x2c: {  	s13 =	sshll.u32 s22, $0x6;
	s15 =	rddreg [dreg:$0x7]  }
0x2d: {  	s13 =	sor.u32 $0x1C07, s13;
	s7 =	sadd.s32 s7, s20;
	s23 =	sshrl.u32 s15, $0x3  }
0x2e: {  	[hbm:s7], [sflag:s13] =	dma.local [spmem:s23], $0x2800  }
0x2f: {  	_ =	swait.ge [sflag:s21], $0x2800  }
0x30: {  	s19 =	sadd.s32 $0x1, s19;
	s24 =	rddreg [dreg:$0x16]  }
0x31: {  	p1 =	sne.s32 s19, s24  }
.Ltmp1:
0x32: {  	s8 =	simm.s32 $0x380;
	(pc) =	sbr.rel @!p1 .LBB2_13-.Ltmp1, $4  }
0x33: {  	s0 =	simm.s32 $0x480;
	s28 =	simm.s32 $0x500;
	s4 =	simm.s32 $0x600  }
0x34: {  	s2 =	simm.s32 $0x3100;
	s14 =	simm.s32 $0x280;
	s17 =	simm.s32 $0x3080  }
0x35: {  	s22 =	simm.s32 $0x680;
	s20 =	simm.s32 $0x580;
	[sflag:s21] =	ssyncset.done $0x0  }
0x36: {  	[sflag:s21] =	ssyncadd.s32 $0xFFFFD800;
	s21 =	simm.s32 $0x100;
	s24 =	simm.s32 $0x300  }
.LBB2_1:
0x37: {  	s7 =	simm.s32 $0x0;
	s13 =	simm.s32 $0x200  }
.LBB2_2:
0x38: {  	p1 =	sne.s32 s13, $0x9E00;
	[tilespmem:s7+$0x270] =	vst v0  }
0x39: {  	[tilespmem:s7+$0x200] =	vst v0  }
0x3a: {  	[tilespmem:s7+$0x210] =	vst v0  }
.Ltmp2:
0x3b: {  	[tilespmem:s7+$0x220] =	vst v0;
	(pc) =	sbr.rel @p1 .LBB2_2-.Ltmp2, $4  }
0x3c: {  	[tilespmem:s7+$0x230] =	vst v0  }
0x3d: {  	[tilespmem:s7+$0x240] =	vst v0  }
0x3e: {  	[tilespmem:s7+$0x250] =	vst v0  }
0x3f: {  	[tilespmem:s7+$0x260] =	vst v0;
	s7 =	sshra.s32 s13, $0x2;
	s13 =	sadd.s32 $0x200, s13  }
0x40: {  	[tilespmem:s7+$0x270] =	vst v0  }
0x41: {  	[tilespmem:s7+$0x200] =	vst v0  }
0x42: {  	[tilespmem:s7+$0x210] =	vst v0  }
0x43: {  	[tilespmem:s7+$0x220] =	vst v0  }
0x44: {  	[tilespmem:s7+$0x230] =	vst v0  }
0x45: {  	[tilespmem:s7+$0x240] =	vst v0  }
0x46: {  	[tilespmem:s7+$0x250] =	vst v0  }
0x47: {  	[dreg:$0x1a] =	wrdreg s19;
	[tilespmem:s7+$0x260] =	vst v0;
	s7 =	simm.s32 $0x40;
	s13 =	simm.s32 $0x0  }
.LBB2_4:
0x48: {  	p1 =	sne.s32 s7, $0x9FC0;
	[tilespmem:s13+$0x7200] =	vst v0;
	s13 =	smov.u32 s7;
	s7 =	sadd.s32 $0x40, s7  }
.Ltmp3:
0x49: {  	(pc) =	sbr.rel @p1 .LBB2_4-.Ltmp3, $2  }
0x4a: {  	_ =	sdelay $0x2  }
0x4b: {  	s13 =	sshra.s32 s13, $0x2  }
0x4c: {  	[tilespmem:s13+$0x7200] =	vst v0;
	s13 =	simm.s32 $0x7  }
0x4d: {  	[spmem:s15] =	stream.linear.scatter [tilespmem:s29], [sflag:$0x7], $0x2800, $0x38;
	[tilespmem:$0x1DA00] =	vst v63  }
0x4e: {  	_ =	swait.ge [sflag:s13], $0x2800  }
0x4f: {  	[sflag:s13] =	ssyncset.done $0x0  }
0x50: {  	s7 =	rddreg [dreg:$0x8];
	[sflag:s13] =	ssyncadd.s32 $0xFFFFD800  }
0x51: {  	[spmem:s7] =	stream.linear.scatter [tilespmem:s29], [sflag:$0x7], $0x2800, $0x38;
	[tilespmem:$0x1DA00] =	vst v63  }
0x52: {  	_ =	swait.ge [sflag:s13], $0x2800  }
0x53: {  	[sflag:s13] =	ssyncset.done $0x0  }
0x54: {  	s19 =	smov.u32 s30;
	s30 =	rddreg [dreg:$0x9];
	[sflag:s13] =	ssyncadd.s32 $0xFFFFD800  }
0x55: {  	[spmem:s30] =	stream.linear.scatter [tilespmem:s29], [sflag:$0x7], $0x2800, $0x38;
	[tilespmem:$0x1DA00] =	vst v63  }
0x56: {  	_ =	swait.ge [sflag:s13], $0x2800  }
0x57: {  	[sflag:s13] =	ssyncset.done $0x0  }
0x58: {  	s3 =	rddreg [dreg:$0xa];
	[sflag:s13] =	ssyncadd.s32 $0xFFFFD800  }
0x59: {  	[spmem:s3] =	stream.linear.scatter [tilespmem:s29], [sflag:$0x7], $0x2800, $0x38;
	[tilespmem:$0x1DA00] =	vst v63  }
0x5a: {  	_ =	swait.ge [sflag:s13], $0x2800  }
0x5b: {  	[sflag:s13] =	ssyncset.done $0x0  }
0x5c: {  	s15 =	rddreg [dreg:$0xb];
	[sflag:s13] =	ssyncadd.s32 $0xFFFFD800  }
0x5d: {  	[spmem:s15] =	stream.linear.scatter [tilespmem:s29], [sflag:$0x7], $0x2800, $0x38;
	[tilespmem:$0x1DA00] =	vst v63  }
0x5e: {  	_ =	swait.ge [sflag:s13], $0x2800  }
0x5f: {  	[sflag:s13] =	ssyncset.done $0x0  }
0x60: {  	s23 =	rddreg [dreg:$0xc];
	[sflag:s13] =	ssyncadd.s32 $0xFFFFD800  }
0x61: {  	[spmem:s23] =	stream.linear.scatter [tilespmem:s29], [sflag:$0x7], $0x2800, $0x38;
	[tilespmem:$0x1DA00] =	vst v63  }
0x62: {  	_ =	swait.ge [sflag:s13], $0x2800  }
0x63: {  	[sflag:s13] =	ssyncset.done $0x0  }
0x64: {  	s30 =	rddreg [dreg:$0xd];
	[sflag:s13] =	ssyncadd.s32 $0xFFFFD800  }
0x65: {  	[spmem:s30] =	stream.linear.scatter [tilespmem:s29], [sflag:$0x7], $0x2800, $0x38;
	[tilespmem:$0x1DA00] =	vst v63  }
0x66: {  	_ =	swait.ge [sflag:s13], $0x2800  }
0x67: {  	[sflag:s13] =	ssyncset.done $0x0  }
0x68: {  	s3 =	rddreg [dreg:$0xe];
	[sflag:s13] =	ssyncadd.s32 $0xFFFFD800  }
0x69: {  	[spmem:s3] =	stream.linear.scatter [tilespmem:s29], [sflag:$0x7], $0x2800, $0x38;
	[tilespmem:$0x1DA00] =	vst v63  }
0x6a: {  	_ =	swait.ge [sflag:s13], $0x2800  }
0x6b: {  	[sflag:s13] =	ssyncset.done $0x0  }
0x6c: {  	[sflag:s13] =	ssyncadd.s32 $0xFFFFD800  }
0x6d: {  	[bflag:$0x0] =	sbarrier.arrive $0xFFFF  }
0x6e: {  	s15 =	rddreg [dreg:$0xf]  }
0x6f: {  	[tilespmem:s5], [sflag:$0x3] =	stream.linear.gather [hbm4b:s15+s5], $0x80, $0x38;
	[tilespmem:$0x1DA00] =	vst v63  }
0x70: {  	s23 =	rddreg [dreg:$0x10]  }
0x71: {  	[tilespmem:s31], [sflag:$0x3] =	stream.linear.gather [hbm4b:s23+s5], $0x80, $0x38;
	[tilespmem:$0x1DA00] =	vst v63  }
0x72: {  	s30 =	rddreg [dreg:$0x11]  }
0x73: {  	[tilespmem:s21], [sflag:$0x4] =	stream.linear.gather [hbm4b:s30+s5], $0x80, $0x38;
	[tilespmem:$0x1DA00] =	vst v63  }
0x74: {  	s3 =	simm.s32 $0x180;
	s31 =	rddreg [dreg:$0x12]  }
0x75: {  	[tilespmem:s3], [sflag:$0x4] =	stream.linear.gather [hbm4b:s31+s5], $0x80, $0x38;
	[tilespmem:$0x1DA00] =	vst v63  }
0x76: {  	_ =	swait.ge [sflag:s6], $0x80  }
.Ltmp4:
0x77: {  	[sflag:s6] =	ssyncset.done $0x0;
	(pc) =	sbr.rel @!p0 .LBB2_6-.Ltmp4, $4  }
0x78: {  	[sflag:s6] =	ssyncadd.s32 $0xFFFFFF80  }
0x79: {  	_ =	swait.ge [sflag:s6], $0x80  }
0x7a: {  	[sflag:s6] =	ssyncset.done $0x0  }
0x7b: {  	[sflag:s6] =	ssyncadd.s32 $0xFFFFFF80  }
0x7c: {  	v19 =	vld [tilespmem:$0x0];
	_ =	sdelay $0x4  }
0x7d: {  	v20 =	vshll.u32 v19, $0x1  }
0x7e: {  	v19 =	vand.u32 $0x7, v19;
	v20 =	vand.u32 $0xFFFFFFF0, v20  }
0x7f: {  	v19 =	vor.u32 v19, v20  }
0x80: {  	v20 =	vperm.xlane v19, v3;
	_ =	sdelay $0x1  }
0x81: {  	v21 =	vperm.xlane v19, v2;
	v20 =	vadd.s32 v4, v20;
	_ =	sdelay $0x1  }
0x82: {  	v22 =	vperm.xlane v19, v5;
	v21 =	vadd.s32 v4, v21;
	_ =	sdelay $0x1  }
0x83: {  	v23 =	vperm.xlane v19, v6;
	v22 =	vadd.s32 v4, v22  }
0x84: {  	[tilespmem:s29], [sflag:$0x1] =	stream.indirect_vreg.gather [hbm4b:s26+s5], $0x80, v20, vm0, $0xb8;
	[tilespmem:$0x1DA00] =	vst v63  }
0x85: {  	v33 =	vperm.xlane v19, v7;
	v20 =	vadd.s32 v4, v23  }
0x86: {  	[tilespmem:s14], [sflag:$0x1] =	stream.indirect_vreg.gather [hbm4b:s26+s5], $0x80, v21, vm0, $0xb8;
	[tilespmem:$0x1DA00] =	vst v63  }
0x87: {  	v35 =	vperm.xlane v19, v8;
	v34 =	vadd.s32 v4, v33  }
0x88: {  	[tilespmem:s24], [sflag:$0x1] =	stream.indirect_vreg.gather [hbm4b:s26+s5], $0x80, v22, vm0, $0xb8;
	[tilespmem:$0x1DA00] =	vst v63  }
0x89: {  	v37 =	vperm.xlane v19, v9;
	v36 =	vadd.s32 v4, v35  }
0x8a: {  	[tilespmem:s8], [sflag:$0x1] =	stream.indirect_vreg.gather [hbm4b:s26+s5], $0x80, v20, vm0, $0xb8;
	[tilespmem:$0x1DA00] =	vst v63  }
0x8b: {  	v38 =	vperm.xlane v19, v1;
	v20 =	vadd.s32 v4, v37  }
0x8c: {  	[tilespmem:s25], [sflag:$0x1] =	stream.indirect_vreg.gather [hbm4b:s26+s5], $0x80, v34, vm0, $0xb8;
	[tilespmem:$0x1DA00] =	vst v63  }
0x8d: {  	v40 =	vperm.xlane v19, v10;
	v39 =	vadd.s32 v4, v38  }
0x8e: {  	[tilespmem:s0], [sflag:$0x1] =	stream.indirect_vreg.gather [hbm4b:s26+s5], $0x80, v36, vm0, $0xb8;
	[tilespmem:$0x1DA00] =	vst v63  }
0x8f: {  	v42 =	vperm.xlane v19, v11;
	v41 =	vadd.s32 v4, v40  }
0x90: {  	[tilespmem:s28], [sflag:$0x1] =	stream.indirect_vreg.gather [hbm4b:s26+s5], $0x80, v20, vm0, $0xb8;
	[tilespmem:$0x1DA00] =	vst v63  }
0x91: {  	v43 =	vperm.xlane v19, v12;
	v20 =	vadd.s32 v4, v42  }
0x92: {  	[tilespmem:s20], [sflag:$0x1] =	stream.indirect_vreg.gather [hbm4b:s26+s5], $0x80, v39, vm0, $0xb8;
	[tilespmem:$0x1DA00] =	vst v63  }
0x93: {  	v45 =	vperm.xlane v19, v13;
	v44 =	vadd.s32 v4, v43  }
0x94: {  	[tilespmem:s4], [sflag:$0x1] =	stream.indirect_vreg.gather [hbm4b:s26+s5], $0x80, v41, vm0, $0xb8;
	[tilespmem:$0x1DA00] =	vst v63  }
0x95: {  	v47 =	vperm.xlane v19, v14;
	v46 =	vadd.s32 v4, v45  }
0x96: {  	[tilespmem:s22], [sflag:$0x1] =	stream.indirect_vreg.gather [hbm4b:s26+s5], $0x80, v20, vm0, $0xb8;
	[tilespmem:$0x1DA00] =	vst v63  }
0x97: {  	v48 =	vperm.xlane v19, v15;
	s14 =	simm.s32 $0x700;
	v20 =	vadd.s32 v4, v47  }
0x98: {  	[tilespmem:s14], [sflag:$0x1] =	stream.indirect_vreg.gather [hbm4b:s26+s5], $0x80, v44, vm0, $0xb8;
	[tilespmem:$0x1DA00] =	vst v63  }
0x99: {  	s15 =	simm.s32 $0x780;
	v50 =	vperm.xlane v19, v16;
	v49 =	vadd.s32 v4, v48  }
0x9a: {  	[tilespmem:s15], [sflag:$0x1] =	stream.indirect_vreg.gather [hbm4b:s26+s5], $0x80, v46, vm0, $0xb8;
	[tilespmem:$0x1DA00] =	vst v63  }
0x9b: {  	v19 =	vperm.xlane v19, v17;
	v51 =	vadd.s32 v4, v50;
	s20 =	simm.s32 $0x800  }
0x9c: {  	[tilespmem:s20], [sflag:$0x1] =	stream.indirect_vreg.gather [hbm4b:s26+s5], $0x80, v20, vm0, $0xb8;
	[tilespmem:$0x1DA00] =	vst v63  }
0x9d: {  	v19 =	vadd.s32 v4, v19;
	s22 =	simm.s32 $0x880  }
0x9e: {  	[tilespmem:s22], [sflag:$0x1] =	stream.indirect_vreg.gather [hbm4b:s26+s5], $0x80, v49, vm0, $0xb8;
	[tilespmem:$0x1DA00] =	vst v63  }
0x9f: {  	s23 =	simm.s32 $0x900  }
0xa0: {  	[tilespmem:s23], [sflag:$0x1] =	stream.indirect_vreg.gather [hbm4b:s26+s5], $0x80, v51, vm0, $0xb8;
	[tilespmem:$0x1DA00] =	vst v63  }
0xa1: {  	s24 =	simm.s32 $0x980  }
0xa2: {  	[tilespmem:s24], [sflag:$0x1] =	stream.indirect_vreg.gather [hbm4b:s26+s5], $0x80, v19, vm0, $0xb8;
	[tilespmem:$0x1DA00] =	vst v63  }
0xa3: {  	v19 =	vld [tilespmem:$0x10];
	_ =	sdelay $0x4  }
0xa4: {  	v20 =	vshll.u32 v19, $0x1  }
0xa5: {  	v19 =	vand.u32 $0x7, v19;
	v20 =	vand.u32 $0xFFFFFFF0, v20  }
0xa6: {  	v19 =	vor.u32 v19, v20  }
0xa7: {  	v20 =	vperm.xlane v19, v3;
	_ =	sdelay $0x1  }
0xa8: {  	v52 =	vperm.xlane v19, v2;
	v20 =	vadd.s32 v4, v20;
	_ =	sdelay $0x1  }
0xa9: {  	v53 =	vperm.xlane v19, v5;
	v21 =	vadd.s32 v4, v52;
	_ =	sdelay $0x1  }
0xaa: {  	s25 =	simm.s32 $0xA00;
	v54 =	vperm.xlane v19, v6;
	v22 =	vadd.s32 v4, v53  }
0xab: {  	[tilespmem:s25], [sflag:$0x1] =	stream.indirect_vreg.gather [hbm4b:s26+s5], $0x80, v20, vm0, $0xb8;
	[tilespmem:$0x1DA00] =	vst v63  }
0xac: {  	s3 =	simm.s32 $0xA80;
	v55 =	vperm.xlane v19, v7;
	v20 =	vadd.s32 v4, v54  }
0xad: {  	[tilespmem:s3], [sflag:$0x1] =	stream.indirect_vreg.gather [hbm4b:s26+s5], $0x80, v21, vm0, $0xb8;
	[tilespmem:$0x1DA00] =	vst v63  }
0xae: {  	s4 =	simm.s32 $0xB00;
	v57 =	vperm.xlane v19, v8;
	v56 =	vadd.s32 v4, v55  }
0xaf: {  	[tilespmem:s4], [sflag:$0x1] =	stream.indirect_vreg.gather [hbm4b:s26+s5], $0x80, v22, vm0, $0xb8;
	[tilespmem:$0x1DA00] =	vst v63  }
0xb0: {  	s7 =	simm.s32 $0xB80;
	v59 =	vperm.xlane v19, v9;
	v58 =	vadd.s32 v4, v57  }
0xb1: {  	[tilespmem:s7], [sflag:$0x1] =	stream.indirect_vreg.gather [hbm4b:s26+s5], $0x80, v20, vm0, $0xb8;
	[tilespmem:$0x1DA00] =	vst v63  }
0xb2: {  	s8 =	simm.s32 $0xC00;
	v60 =	vperm.xlane v19, v1;
	v20 =	vadd.s32 v4, v59  }
0xb3: {  	[tilespmem:s8], [sflag:$0x1] =	stream.indirect_vreg.gather [hbm4b:s26+s5], $0x80, v56, vm0, $0xb8;
	[tilespmem:$0x1DA00] =	vst v63  }
0xb4: {  	s13 =	simm.s32 $0xC80;
	v62 =	vperm.xlane v19, v10;
	v61 =	vadd.s32 v4, v60  }
0xb5: {  	[tilespmem:s13], [sflag:$0x1] =	stream.indirect_vreg.gather [hbm4b:s26+s5], $0x80, v58, vm0, $0xb8;
	[tilespmem:$0x1DA00] =	vst v63  }
0xb6: {  	s14 =	simm.s32 $0xD00;
	v24 =	vperm.xlane v19, v11;
	v63 =	vadd.s32 v4, v62  }
0xb7: {  	[tilespmem:s14], [sflag:$0x1] =	stream.indirect_vreg.gather [hbm4b:s26+s5], $0x80, v20, vm0, $0xb8;
	[tilespmem:$0x1DA00] =	vst v63  }
0xb8: {  	s15 =	simm.s32 $0xD80;
	v25 =	vperm.xlane v19, v12;
	v20 =	vadd.s32 v4, v24  }
0xb9: {  	[tilespmem:s15], [sflag:$0x1] =	stream.indirect_vreg.gather [hbm4b:s26+s5], $0x80, v61, vm0, $0xb8;
	[tilespmem:$0x1DA00] =	vst v63  }
0xba: {  	s20 =	simm.s32 $0xE00;
	v27 =	vperm.xlane v19, v13;
	v26 =	vadd.s32 v4, v25  }
0xbb: {  	[tilespmem:s20], [sflag:$0x1] =	stream.indirect_vreg.gather [hbm4b:s26+s5], $0x80, v63, vm0, $0xb8;
	[tilespmem:$0x1DA00] =	vst v63  }
0xbc: {  	s22 =	simm.s32 $0xE80;
	v29 =	vperm.xlane v19, v14;
	v28 =	vadd.s32 v4, v27  }
0xbd: {  	[tilespmem:s22], [sflag:$0x1] =	stream.indirect_vreg.gather [hbm4b:s26+s5], $0x80, v20, vm0, $0xb8;
	[tilespmem:$0x1DA00] =	vst v63  }
0xbe: {  	s23 =	simm.s32 $0xF00;
	v30 =	vperm.xlane v19, v15;
	v20 =	vadd.s32 v4, v29  }
0xbf: {  	[tilespmem:s23], [sflag:$0x1] =	stream.indirect_vreg.gather [hbm4b:s26+s5], $0x80, v26, vm0, $0xb8;
	[tilespmem:$0x1DA00] =	vst v63  }
0xc0: {  	s24 =	simm.s32 $0xF80;
	v32 =	vperm.xlane v19, v16;
	v31 =	vadd.s32 v4, v30  }
0xc1: {  	[tilespmem:s24], [sflag:$0x1] =	stream.indirect_vreg.gather [hbm4b:s26+s5], $0x80, v28, vm0, $0xb8;
	[tilespmem:$0x1DA00] =	vst v63  }
0xc2: {  	v19 =	vperm.xlane v19, v17;
	v33 =	vadd.s32 v4, v32;
	s25 =	simm.s32 $0x1000  }
0xc3: {  	[tilespmem:s25], [sflag:$0x1] =	stream.indirect_vreg.gather [hbm4b:s26+s5], $0x80, v20, vm0, $0xb8;
	[tilespmem:$0x1DA00] =	vst v63  }
0xc4: {  	v19 =	vadd.s32 v4, v19;
	s3 =	simm.s32 $0x1080  }
0xc5: {  	[tilespmem:s3], [sflag:$0x1] =	stream.indirect_vreg.gather [hbm4b:s26+s5], $0x80, v31, vm0, $0xb8;
	[tilespmem:$0x1DA00] =	vst v63  }
0xc6: {  	s4 =	simm.s32 $0x1100  }
0xc7: {  	[tilespmem:s4], [sflag:$0x1] =	stream.indirect_vreg.gather [hbm4b:s26+s5], $0x80, v33, vm0, $0xb8;
	[tilespmem:$0x1DA00] =	vst v63  }
0xc8: {  	s7 =	simm.s32 $0x1180  }
0xc9: {  	[tilespmem:s7], [sflag:$0x1] =	stream.indirect_vreg.gather [hbm4b:s26+s5], $0x80, v19, vm0, $0xb8;
	[tilespmem:$0x1DA00] =	vst v63  }
0xca: {  	v19 =	vld [tilespmem:$0x20];
	_ =	sdelay $0x4  }
0xcb: {  	v20 =	vshll.u32 v19, $0x1  }
0xcc: {  	v19 =	vand.u32 $0x7, v19;
	v20 =	vand.u32 $0xFFFFFFF0, v20  }
0xcd: {  	v19 =	vor.u32 v19, v20  }
0xce: {  	v20 =	vperm.xlane v19, v3;
	_ =	sdelay $0x1  }
0xcf: {  	v34 =	vperm.xlane v19, v2;
	v20 =	vadd.s32 v4, v20;
	_ =	sdelay $0x1  }
0xd0: {  	v35 =	vperm.xlane v19, v5;
	v21 =	vadd.s32 v4, v34;
	_ =	sdelay $0x1  }
0xd1: {  	s8 =	simm.s32 $0x1200;
	v36 =	vperm.xlane v19, v6;
	v22 =	vadd.s32 v4, v35  }
0xd2: {  	[tilespmem:s8], [sflag:$0x1] =	stream.indirect_vreg.gather [hbm4b:s26+s5], $0x80, v20, vm0, $0xb8;
	[tilespmem:$0x1DA00] =	vst v63  }
0xd3: {  	s13 =	simm.s32 $0x1280;
	v37 =	vperm.xlane v19, v7;
	v20 =	vadd.s32 v4, v36  }
0xd4: {  	[tilespmem:s13], [sflag:$0x1] =	stream.indirect_vreg.gather [hbm4b:s26+s5], $0x80, v21, vm0, $0xb8;
	[tilespmem:$0x1DA00] =	vst v63  }
0xd5: {  	s14 =	simm.s32 $0x1300;
	v39 =	vperm.xlane v19, v8;
	v38 =	vadd.s32 v4, v37  }
0xd6: {  	[tilespmem:s14], [sflag:$0x1] =	stream.indirect_vreg.gather [hbm4b:s26+s5], $0x80, v22, vm0, $0xb8;
	[tilespmem:$0x1DA00] =	vst v63  }
0xd7: {  	s15 =	simm.s32 $0x1380;
	v41 =	vperm.xlane v19, v9;
	v40 =	vadd.s32 v4, v39  }
0xd8: {  	[tilespmem:s15], [sflag:$0x1] =	stream.indirect_vreg.gather [hbm4b:s26+s5], $0x80, v20, vm0, $0xb8;
	[tilespmem:$0x1DA00] =	vst v63  }
0xd9: {  	s20 =	simm.s32 $0x1400;
	v42 =	vperm.xlane v19, v1;
	v20 =	vadd.s32 v4, v41  }
0xda: {  	[tilespmem:s20], [sflag:$0x1] =	stream.indirect_vreg.gather [hbm4b:s26+s5], $0x80, v38, vm0, $0xb8;
	[tilespmem:$0x1DA00] =	vst v63  }
0xdb: {  	s22 =	simm.s32 $0x1480;
	v44 =	vperm.xlane v19, v10;
	v43 =	vadd.s32 v4, v42  }
0xdc: {  	[tilespmem:s22], [sflag:$0x1] =	stream.indirect_vreg.gather [hbm4b:s26+s5], $0x80, v40, vm0, $0xb8;
	[tilespmem:$0x1DA00] =	vst v63  }
0xdd: {  	s23 =	simm.s32 $0x1500;
	v46 =	vperm.xlane v19, v11;
	v45 =	vadd.s32 v4, v44  }
0xde: {  	[tilespmem:s23], [sflag:$0x1] =	stream.indirect_vreg.gather [hbm4b:s26+s5], $0x80, v20, vm0, $0xb8;
	[tilespmem:$0x1DA00] =	vst v63  }
0xdf: {  	s24 =	simm.s32 $0x1580;
	v47 =	vperm.xlane v19, v12;
	v20 =	vadd.s32 v4, v46  }
0xe0: {  	[tilespmem:s24], [sflag:$0x1] =	stream.indirect_vreg.gather [hbm4b:s26+s5], $0x80, v43, vm0, $0xb8;
	[tilespmem:$0x1DA00] =	vst v63  }
0xe1: {  	s25 =	simm.s32 $0x1600;
	v49 =	vperm.xlane v19, v13;
	v48 =	vadd.s32 v4, v47  }
0xe2: {  	[tilespmem:s25], [sflag:$0x1] =	stream.indirect_vreg.gather [hbm4b:s26+s5], $0x80, v45, vm0, $0xb8;
	[tilespmem:$0x1DA00] =	vst v63  }
0xe3: {  	s3 =	simm.s32 $0x1680;
	v51 =	vperm.xlane v19, v14;
	v50 =	vadd.s32 v4, v49  }
0xe4: {  	[tilespmem:s3], [sflag:$0x1] =	stream.indirect_vreg.gather [hbm4b:s26+s5], $0x80, v20, vm0, $0xb8;
	[tilespmem:$0x1DA00] =	vst v63  }
0xe5: {  	s4 =	simm.s32 $0x1700;
	v52 =	vperm.xlane v19, v15;
	v20 =	vadd.s32 v4, v51  }
0xe6: {  	[tilespmem:s4], [sflag:$0x1] =	stream.indirect_vreg.gather [hbm4b:s26+s5], $0x80, v48, vm0, $0xb8;
	[tilespmem:$0x1DA00] =	vst v63  }
0xe7: {  	s7 =	simm.s32 $0x1780;
	v54 =	vperm.xlane v19, v16;
	v53 =	vadd.s32 v4, v52  }
0xe8: {  	[tilespmem:s7], [sflag:$0x1] =	stream.indirect_vreg.gather [hbm4b:s26+s5], $0x80, v50, vm0, $0xb8;
	[tilespmem:$0x1DA00] =	vst v63  }
0xe9: {  	v19 =	vperm.xlane v19, v17;
	v55 =	vadd.s32 v4, v54;
	s8 =	simm.s32 $0x1800  }
0xea: {  	[tilespmem:s8], [sflag:$0x1] =	stream.indirect_vreg.gather [hbm4b:s26+s5], $0x80, v20, vm0, $0xb8;
	[tilespmem:$0x1DA00] =	vst v63  }
0xeb: {  	v19 =	vadd.s32 v4, v19;
	s13 =	simm.s32 $0x1880  }
0xec: {  	[tilespmem:s13], [sflag:$0x1] =	stream.indirect_vreg.gather [hbm4b:s26+s5], $0x80, v53, vm0, $0xb8;
	[tilespmem:$0x1DA00] =	vst v63  }
0xed: {  	s14 =	simm.s32 $0x1900  }
0xee: {  	[tilespmem:s14], [sflag:$0x1] =	stream.indirect_vreg.gather [hbm4b:s26+s5], $0x80, v55, vm0, $0xb8;
	[tilespmem:$0x1DA00] =	vst v63  }
0xef: {  	s15 =	simm.s32 $0x1980  }
0xf0: {  	[tilespmem:s15], [sflag:$0x1] =	stream.indirect_vreg.gather [hbm4b:s26+s5], $0x80, v19, vm0, $0xb8;
	[tilespmem:$0x1DA00] =	vst v63  }
0xf1: {  	v19 =	vld [tilespmem:$0x30];
	_ =	sdelay $0x4  }
0xf2: {  	v20 =	vshll.u32 v19, $0x1  }
0xf3: {  	v19 =	vand.u32 $0x7, v19;
	v20 =	vand.u32 $0xFFFFFFF0, v20  }
0xf4: {  	v19 =	vor.u32 v19, v20  }
0xf5: {  	v20 =	vperm.xlane v19, v3;
	_ =	sdelay $0x1  }
0xf6: {  	v56 =	vperm.xlane v19, v2;
	v20 =	vadd.s32 v4, v20;
	_ =	sdelay $0x1  }
0xf7: {  	v57 =	vperm.xlane v19, v5;
	v21 =	vadd.s32 v4, v56;
	_ =	sdelay $0x1  }
0xf8: {  	s20 =	simm.s32 $0x1A00;
	v58 =	vperm.xlane v19, v6;
	v22 =	vadd.s32 v4, v57  }
0xf9: {  	[tilespmem:s20], [sflag:$0x1] =	stream.indirect_vreg.gather [hbm4b:s26+s5], $0x80, v20, vm0, $0xb8;
	[tilespmem:$0x1DA00] =	vst v63  }
0xfa: {  	s22 =	simm.s32 $0x1A80;
	v59 =	vperm.xlane v19, v7;
	v20 =	vadd.s32 v4, v58  }
0xfb: {  	[tilespmem:s22], [sflag:$0x1] =	stream.indirect_vreg.gather [hbm4b:s26+s5], $0x80, v21, vm0, $0xb8;
	[tilespmem:$0x1DA00] =	vst v63  }
0xfc: {  	s23 =	simm.s32 $0x1B00;
	v61 =	vperm.xlane v19, v8;
	v60 =	vadd.s32 v4, v59  }
0xfd: {  	[tilespmem:s23], [sflag:$0x1] =	stream.indirect_vreg.gather [hbm4b:s26+s5], $0x80, v22, vm0, $0xb8;
	[tilespmem:$0x1DA00] =	vst v63  }
0xfe: {  	s24 =	simm.s32 $0x1B80;
	v63 =	vperm.xlane v19, v9;
	v62 =	vadd.s32 v4, v61  }
0xff: {  	[tilespmem:s24], [sflag:$0x1] =	stream.indirect_vreg.gather [hbm4b:s26+s5], $0x80, v20, vm0, $0xb8;
	[tilespmem:$0x1DA00] =	vst v63  }
0x100: {  	s25 =	simm.s32 $0x1C00;
	v24 =	vperm.xlane v19, v1;
	v20 =	vadd.s32 v4, v63  }
0x101: {  	[tilespmem:s25], [sflag:$0x1] =	stream.indirect_vreg.gather [hbm4b:s26+s5], $0x80, v60, vm0, $0xb8;
	[tilespmem:$0x1DA00] =	vst v63  }
0x102: {  	s3 =	simm.s32 $0x1C80;
	v26 =	vperm.xlane v19, v10;
	v25 =	vadd.s32 v4, v24  }
0x103: {  	[tilespmem:s3], [sflag:$0x1] =	stream.indirect_vreg.gather [hbm4b:s26+s5], $0x80, v62, vm0, $0xb8;
	[tilespmem:$0x1DA00] =	vst v63  }
0x104: {  	s4 =	simm.s32 $0x1D00;
	v28 =	vperm.xlane v19, v11;
	v27 =	vadd.s32 v4, v26  }
0x105: {  	[tilespmem:s4], [sflag:$0x1] =	stream.indirect_vreg.gather [hbm4b:s26+s5], $0x80, v20, vm0, $0xb8;
	[tilespmem:$0x1DA00] =	vst v63  }
0x106: {  	s7 =	simm.s32 $0x1D80;
	v29 =	vperm.xlane v19, v12;
	v20 =	vadd.s32 v4, v28  }
0x107: {  	[tilespmem:s7], [sflag:$0x1] =	stream.indirect_vreg.gather [hbm4b:s26+s5], $0x80, v25, vm0, $0xb8;
	[tilespmem:$0x1DA00] =	vst v63  }
0x108: {  	s8 =	simm.s32 $0x1E00;
	v31 =	vperm.xlane v19, v13;
	v30 =	vadd.s32 v4, v29  }
0x109: {  	[tilespmem:s8], [sflag:$0x1] =	stream.indirect_vreg.gather [hbm4b:s26+s5], $0x80, v27, vm0, $0xb8;
	[tilespmem:$0x1DA00] =	vst v63  }
0x10a: {  	s13 =	simm.s32 $0x1E80;
	v33 =	vperm.xlane v19, v14;
	v32 =	vadd.s32 v4, v31  }
0x10b: {  	[tilespmem:s13], [sflag:$0x1] =	stream.indirect_vreg.gather [hbm4b:s26+s5], $0x80, v20, vm0, $0xb8;
	[tilespmem:$0x1DA00] =	vst v63  }
0x10c: {  	s14 =	simm.s32 $0x1F00;
	v34 =	vperm.xlane v19, v15;
	v20 =	vadd.s32 v4, v33  }
0x10d: {  	[tilespmem:s14], [sflag:$0x1] =	stream.indirect_vreg.gather [hbm4b:s26+s5], $0x80, v30, vm0, $0xb8;
	[tilespmem:$0x1DA00] =	vst v63  }
0x10e: {  	s15 =	simm.s32 $0x1F80;
	v36 =	vperm.xlane v19, v16;
	v35 =	vadd.s32 v4, v34  }
0x10f: {  	[tilespmem:s15], [sflag:$0x1] =	stream.indirect_vreg.gather [hbm4b:s26+s5], $0x80, v32, vm0, $0xb8;
	[tilespmem:$0x1DA00] =	vst v63  }
0x110: {  	v19 =	vperm.xlane v19, v17;
	v37 =	vadd.s32 v4, v36;
	s20 =	simm.s32 $0x2000  }
0x111: {  	[tilespmem:s20], [sflag:$0x1] =	stream.indirect_vreg.gather [hbm4b:s26+s5], $0x80, v20, vm0, $0xb8;
	[tilespmem:$0x1DA00] =	vst v63  }
0x112: {  	v19 =	vadd.s32 v4, v19;
	s22 =	simm.s32 $0x2080  }
0x113: {  	[tilespmem:s22], [sflag:$0x1] =	stream.indirect_vreg.gather [hbm4b:s26+s5], $0x80, v35, vm0, $0xb8;
	[tilespmem:$0x1DA00] =	vst v63  }
0x114: {  	s23 =	simm.s32 $0x2100  }
0x115: {  	[tilespmem:s23], [sflag:$0x1] =	stream.indirect_vreg.gather [hbm4b:s26+s5], $0x80, v37, vm0, $0xb8;
	[tilespmem:$0x1DA00] =	vst v63  }
0x116: {  	s24 =	simm.s32 $0x2180  }
0x117: {  	[tilespmem:s24], [sflag:$0x1] =	stream.indirect_vreg.gather [hbm4b:s26+s5], $0x80, v19, vm0, $0xb8;
	[tilespmem:$0x1DA00] =	vst v63  }
0x118: {  	v19 =	vld [tilespmem:$0x40];
	_ =	sdelay $0x4  }
0x119: {  	v20 =	vshll.u32 v19, $0x1  }
0x11a: {  	v19 =	vand.u32 $0x7, v19;
	v20 =	vand.u32 $0xFFFFFFF0, v20  }
0x11b: {  	v19 =	vor.u32 v19, v20  }
0x11c: {  	v20 =	vperm.xlane v19, v3;
	_ =	sdelay $0x1  }
0x11d: {  	v38 =	vperm.xlane v19, v2;
	v20 =	vadd.s32 v4, v20;
	_ =	sdelay $0x1  }
0x11e: {  	v39 =	vperm.xlane v19, v5;
	v21 =	vadd.s32 v4, v38;
	_ =	sdelay $0x1  }
0x11f: {  	s25 =	simm.s32 $0x2200;
	v40 =	vperm.xlane v19, v6;
	v22 =	vadd.s32 v4, v39  }
0x120: {  	[tilespmem:s25], [sflag:$0x1] =	stream.indirect_vreg.gather [hbm4b:s26+s5], $0x80, v20, vm0, $0xb8;
	[tilespmem:$0x1DA00] =	vst v63  }
0x121: {  	s3 =	simm.s32 $0x2280;
	v41 =	vperm.xlane v19, v7;
	v20 =	vadd.s32 v4, v40  }
0x122: {  	[tilespmem:s3], [sflag:$0x1] =	stream.indirect_vreg.gather [hbm4b:s26+s5], $0x80, v21, vm0, $0xb8;
	[tilespmem:$0x1DA00] =	vst v63  }
0x123: {  	s4 =	simm.s32 $0x2300;
	v43 =	vperm.xlane v19, v8;
	v42 =	vadd.s32 v4, v41  }
0x124: {  	[tilespmem:s4], [sflag:$0x1] =	stream.indirect_vreg.gather [hbm4b:s26+s5], $0x80, v22, vm0, $0xb8;
	[tilespmem:$0x1DA00] =	vst v63  }
0x125: {  	s7 =	simm.s32 $0x2380;
	v45 =	vperm.xlane v19, v9;
	v44 =	vadd.s32 v4, v43  }
0x126: {  	[tilespmem:s7], [sflag:$0x1] =	stream.indirect_vreg.gather [hbm4b:s26+s5], $0x80, v20, vm0, $0xb8;
	[tilespmem:$0x1DA00] =	vst v63  }
0x127: {  	s8 =	simm.s32 $0x2400;
	v46 =	vperm.xlane v19, v1;
	v20 =	vadd.s32 v4, v45  }
0x128: {  	[tilespmem:s8], [sflag:$0x1] =	stream.indirect_vreg.gather [hbm4b:s26+s5], $0x80, v42, vm0, $0xb8;
	[tilespmem:$0x1DA00] =	vst v63  }
0x129: {  	s13 =	simm.s32 $0x2480;
	v48 =	vperm.xlane v19, v10;
	v47 =	vadd.s32 v4, v46  }
0x12a: {  	[tilespmem:s13], [sflag:$0x1] =	stream.indirect_vreg.gather [hbm4b:s26+s5], $0x80, v44, vm0, $0xb8;
	[tilespmem:$0x1DA00] =	vst v63  }
0x12b: {  	s14 =	simm.s32 $0x2500;
	v50 =	vperm.xlane v19, v11;
	v49 =	vadd.s32 v4, v48  }
0x12c: {  	[tilespmem:s14], [sflag:$0x1] =	stream.indirect_vreg.gather [hbm4b:s26+s5], $0x80, v20, vm0, $0xb8;
	[tilespmem:$0x1DA00] =	vst v63  }
0x12d: {  	s15 =	simm.s32 $0x2580;
	v51 =	vperm.xlane v19, v12;
	v20 =	vadd.s32 v4, v50  }
0x12e: {  	[tilespmem:s15], [sflag:$0x1] =	stream.indirect_vreg.gather [hbm4b:s26+s5], $0x80, v47, vm0, $0xb8;
	[tilespmem:$0x1DA00] =	vst v63  }
0x12f: {  	s20 =	simm.s32 $0x2600;
	v53 =	vperm.xlane v19, v13;
	v52 =	vadd.s32 v4, v51  }
0x130: {  	[tilespmem:s20], [sflag:$0x1] =	stream.indirect_vreg.gather [hbm4b:s26+s5], $0x80, v49, vm0, $0xb8;
	[tilespmem:$0x1DA00] =	vst v63  }
0x131: {  	s22 =	simm.s32 $0x2680;
	v55 =	vperm.xlane v19, v14;
	v54 =	vadd.s32 v4, v53  }
0x132: {  	[tilespmem:s22], [sflag:$0x1] =	stream.indirect_vreg.gather [hbm4b:s26+s5], $0x80, v20, vm0, $0xb8;
	[tilespmem:$0x1DA00] =	vst v63  }
0x133: {  	s23 =	simm.s32 $0x2700;
	v56 =	vperm.xlane v19, v15;
	v20 =	vadd.s32 v4, v55  }
0x134: {  	[tilespmem:s23], [sflag:$0x1] =	stream.indirect_vreg.gather [hbm4b:s26+s5], $0x80, v52, vm0, $0xb8;
	[tilespmem:$0x1DA00] =	vst v63  }
0x135: {  	s24 =	simm.s32 $0x2780;
	v58 =	vperm.xlane v19, v16;
	v57 =	vadd.s32 v4, v56  }
0x136: {  	[tilespmem:s24], [sflag:$0x1] =	stream.indirect_vreg.gather [hbm4b:s26+s5], $0x80, v54, vm0, $0xb8;
	[tilespmem:$0x1DA00] =	vst v63  }
0x137: {  	v19 =	vperm.xlane v19, v17;
	v59 =	vadd.s32 v4, v58;
	s25 =	simm.s32 $0x2800  }
0x138: {  	[tilespmem:s25], [sflag:$0x1] =	stream.indirect_vreg.gather [hbm4b:s26+s5], $0x80, v20, vm0, $0xb8;
	[tilespmem:$0x1DA00] =	vst v63  }
0x139: {  	v19 =	vadd.s32 v4, v19;
	s3 =	simm.s32 $0x2880  }
0x13a: {  	[tilespmem:s3], [sflag:$0x1] =	stream.indirect_vreg.gather [hbm4b:s26+s5], $0x80, v57, vm0, $0xb8;
	[tilespmem:$0x1DA00] =	vst v63  }
0x13b: {  	s4 =	simm.s32 $0x2900  }
0x13c: {  	[tilespmem:s4], [sflag:$0x1] =	stream.indirect_vreg.gather [hbm4b:s26+s5], $0x80, v59, vm0, $0xb8;
	[tilespmem:$0x1DA00] =	vst v63  }
0x13d: {  	s7 =	simm.s32 $0x2980  }
0x13e: {  	[tilespmem:s7], [sflag:$0x1] =	stream.indirect_vreg.gather [hbm4b:s26+s5], $0x80, v19, vm0, $0xb8;
	[tilespmem:$0x1DA00] =	vst v63  }
0x13f: {  	v19 =	vld [tilespmem:$0x50];
	_ =	sdelay $0x4  }
0x140: {  	v20 =	vshll.u32 v19, $0x1  }
0x141: {  	v19 =	vand.u32 $0x7, v19;
	v20 =	vand.u32 $0xFFFFFFF0, v20  }
0x142: {  	v19 =	vor.u32 v19, v20  }
0x143: {  	v20 =	vperm.xlane v19, v3;
	_ =	sdelay $0x1  }
0x144: {  	v60 =	vperm.xlane v19, v2;
	v20 =	vadd.s32 v4, v20;
	_ =	sdelay $0x1  }
0x145: {  	v61 =	vperm.xlane v19, v5;
	v21 =	vadd.s32 v4, v60;
	_ =	sdelay $0x1  }
0x146: {  	s8 =	simm.s32 $0x2A00;
	v62 =	vperm.xlane v19, v6;
	v22 =	vadd.s32 v4, v61  }
0x147: {  	[tilespmem:s8], [sflag:$0x1] =	stream.indirect_vreg.gather [hbm4b:s26+s5], $0x80, v20, vm0, $0xb8;
	[tilespmem:$0x1DA00] =	vst v63  }
0x148: {  	s13 =	simm.s32 $0x2A80;
	v63 =	vperm.xlane v19, v7;
	v20 =	vadd.s32 v4, v62  }
0x149: {  	[tilespmem:s13], [sflag:$0x1] =	stream.indirect_vreg.gather [hbm4b:s26+s5], $0x80, v21, vm0, $0xb8;
	[tilespmem:$0x1DA00] =	vst v63  }
0x14a: {  	s14 =	simm.s32 $0x2B00;
	v25 =	vperm.xlane v19, v8;
	v24 =	vadd.s32 v4, v63  }
0x14b: {  	[tilespmem:s14], [sflag:$0x1] =	stream.indirect_vreg.gather [hbm4b:s26+s5], $0x80, v22, vm0, $0xb8;
	[tilespmem:$0x1DA00] =	vst v63  }
0x14c: {  	s15 =	simm.s32 $0x2B80;
	v27 =	vperm.xlane v19, v9;
	v26 =	vadd.s32 v4, v25  }
0x14d: {  	[tilespmem:s15], [sflag:$0x1] =	stream.indirect_vreg.gather [hbm4b:s26+s5], $0x80, v20, vm0, $0xb8;
	[tilespmem:$0x1DA00] =	vst v63  }
0x14e: {  	s20 =	simm.s32 $0x2C00;
	v28 =	vperm.xlane v19, v1;
	v20 =	vadd.s32 v4, v27  }
0x14f: {  	[tilespmem:s20], [sflag:$0x1] =	stream.indirect_vreg.gather [hbm4b:s26+s5], $0x80, v24, vm0, $0xb8;
	[tilespmem:$0x1DA00] =	vst v63  }
0x150: {  	s22 =	simm.s32 $0x2C80;
	v30 =	vperm.xlane v19, v10;
	v29 =	vadd.s32 v4, v28  }
0x151: {  	[tilespmem:s22], [sflag:$0x1] =	stream.indirect_vreg.gather [hbm4b:s26+s5], $0x80, v26, vm0, $0xb8;
	[tilespmem:$0x1DA00] =	vst v63  }
0x152: {  	s23 =	simm.s32 $0x2D00;
	v32 =	vperm.xlane v19, v11;
	v31 =	vadd.s32 v4, v30  }
0x153: {  	[tilespmem:s23], [sflag:$0x1] =	stream.indirect_vreg.gather [hbm4b:s26+s5], $0x80, v20, vm0, $0xb8;
	[tilespmem:$0x1DA00] =	vst v63  }
0x154: {  	s24 =	simm.s32 $0x2D80;
	v33 =	vperm.xlane v19, v12;
	v20 =	vadd.s32 v4, v32  }
0x155: {  	[tilespmem:s24], [sflag:$0x1] =	stream.indirect_vreg.gather [hbm4b:s26+s5], $0x80, v29, vm0, $0xb8;
	[tilespmem:$0x1DA00] =	vst v63  }
0x156: {  	s25 =	simm.s32 $0x2E00;
	v35 =	vperm.xlane v19, v13;
	v34 =	vadd.s32 v4, v33  }
0x157: {  	[tilespmem:s25], [sflag:$0x1] =	stream.indirect_vreg.gather [hbm4b:s26+s5], $0x80, v31, vm0, $0xb8;
	[tilespmem:$0x1DA00] =	vst v63  }
0x158: {  	s3 =	simm.s32 $0x2E80;
	v37 =	vperm.xlane v19, v14;
	v36 =	vadd.s32 v4, v35  }
0x159: {  	[tilespmem:s3], [sflag:$0x1] =	stream.indirect_vreg.gather [hbm4b:s26+s5], $0x80, v20, vm0, $0xb8;
	[tilespmem:$0x1DA00] =	vst v63  }
0x15a: {  	s4 =	simm.s32 $0x2F00;
	v38 =	vperm.xlane v19, v15;
	v20 =	vadd.s32 v4, v37  }
0x15b: {  	[tilespmem:s4], [sflag:$0x1] =	stream.indirect_vreg.gather [hbm4b:s26+s5], $0x80, v34, vm0, $0xb8;
	[tilespmem:$0x1DA00] =	vst v63  }
0x15c: {  	s7 =	simm.s32 $0x2F80;
	v40 =	vperm.xlane v19, v16;
	v39 =	vadd.s32 v4, v38  }
0x15d: {  	[tilespmem:s7], [sflag:$0x1] =	stream.indirect_vreg.gather [hbm4b:s26+s5], $0x80, v36, vm0, $0xb8;
	[tilespmem:$0x1DA00] =	vst v63  }
0x15e: {  	v19 =	vperm.xlane v19, v17;
	v41 =	vadd.s32 v4, v40;
	s8 =	simm.s32 $0x3000  }
0x15f: {  	[tilespmem:s8], [sflag:$0x1] =	stream.indirect_vreg.gather [hbm4b:s26+s5], $0x80, v20, vm0, $0xb8;
	[tilespmem:$0x1DA00] =	vst v63  }
0x160: {  	v19 =	vadd.s32 v4, v19  }
0x161: {  	[tilespmem:s17], [sflag:$0x1] =	stream.indirect_vreg.gather [hbm4b:s26+s5], $0x80, v39, vm0, $0xb8;
	[tilespmem:$0x1DA00] =	vst v63  }
0x162: {  	_ = 	snop  }
0x163: {  	[tilespmem:s2], [sflag:$0x1] =	stream.indirect_vreg.gather [hbm4b:s26+s5], $0x80, v41, vm0, $0xb8;
	[tilespmem:$0x1DA00] =	vst v63  }
0x164: {  	s13 =	simm.s32 $0x3180  }
0x165: {  	[tilespmem:s13], [sflag:$0x1] =	stream.indirect_vreg.gather [hbm4b:s26+s5], $0x80, v19, vm0, $0xb8;
	[tilespmem:$0x1DA00] =	vst v63  }
0x166: {  	v19 =	vld [tilespmem:$0x60];
	_ =	sdelay $0x4  }
0x167: {  	v20 =	vshll.u32 v19, $0x1  }
0x168: {  	v19 =	vand.u32 $0x7, v19;
	v20 =	vand.u32 $0xFFFFFFF0, v20  }
0x169: {  	v19 =	vor.u32 v19, v20  }
0x16a: {  	v20 =	vperm.xlane v19, v3;
	_ =	sdelay $0x1  }
0x16b: {  	v42 =	vperm.xlane v19, v2;
	v20 =	vadd.s32 v4, v20;
	_ =	sdelay $0x1  }
0x16c: {  	v43 =	vperm.xlane v19, v5;
	v21 =	vadd.s32 v4, v42;
	_ =	sdelay $0x1  }
0x16d: {  	s14 =	simm.s32 $0x3200;
	v44 =	vperm.xlane v19, v6;
	v22 =	vadd.s32 v4, v43  }
0x16e: {  	[tilespmem:s14], [sflag:$0x1] =	stream.indirect_vreg.gather [hbm4b:s26+s5], $0x80, v20, vm0, $0xb8;
	[tilespmem:$0x1DA00] =	vst v63  }
0x16f: {  	s15 =	simm.s32 $0x3280;
	v45 =	vperm.xlane v19, v7;
	v20 =	vadd.s32 v4, v44  }
0x170: {  	[tilespmem:s15], [sflag:$0x1] =	stream.indirect_vreg.gather [hbm4b:s26+s5], $0x80, v21, vm0, $0xb8;
	[tilespmem:$0x1DA00] =	vst v63  }
0x171: {  	s17 =	simm.s32 $0x3300;
	v47 =	vperm.xlane v19, v8;
	v46 =	vadd.s32 v4, v45  }
0x172: {  	[tilespmem:s17], [sflag:$0x1] =	stream.indirect_vreg.gather [hbm4b:s26+s5], $0x80, v22, vm0, $0xb8;
	[tilespmem:$0x1DA00] =	vst v63  }
0x173: {  	s20 =	simm.s32 $0x3380;
	v49 =	vperm.xlane v19, v9;
	v48 =	vadd.s32 v4, v47  }
0x174: {  	[tilespmem:s20], [sflag:$0x1] =	stream.indirect_vreg.gather [hbm4b:s26+s5], $0x80, v20, vm0, $0xb8;
	[tilespmem:$0x1DA00] =	vst v63  }
0x175: {  	s22 =	simm.s32 $0x3400;
	v50 =	vperm.xlane v19, v1;
	v20 =	vadd.s32 v4, v49  }
0x176: {  	[tilespmem:s22], [sflag:$0x1] =	stream.indirect_vreg.gather [hbm4b:s26+s5], $0x80, v46, vm0, $0xb8;
	[tilespmem:$0x1DA00] =	vst v63  }
0x177: {  	s23 =	simm.s32 $0x3480;
	v52 =	vperm.xlane v19, v10;
	v51 =	vadd.s32 v4, v50  }
0x178: {  	[tilespmem:s23], [sflag:$0x1] =	stream.indirect_vreg.gather [hbm4b:s26+s5], $0x80, v48, vm0, $0xb8;
	[tilespmem:$0x1DA00] =	vst v63  }
0x179: {  	s24 =	simm.s32 $0x3500;
	v54 =	vperm.xlane v19, v11;
	v53 =	vadd.s32 v4, v52  }
0x17a: {  	[tilespmem:s24], [sflag:$0x1] =	stream.indirect_vreg.gather [hbm4b:s26+s5], $0x80, v20, vm0, $0xb8;
	[tilespmem:$0x1DA00] =	vst v63  }
0x17b: {  	s25 =	simm.s32 $0x3580;
	v55 =	vperm.xlane v19, v12;
	v20 =	vadd.s32 v4, v54  }
0x17c: {  	[tilespmem:s25], [sflag:$0x1] =	stream.indirect_vreg.gather [hbm4b:s26+s5], $0x80, v51, vm0, $0xb8;
	[tilespmem:$0x1DA00] =	vst v63  }
0x17d: {  	s0 =	simm.s32 $0x3600;
	v57 =	vperm.xlane v19, v13;
	v56 =	vadd.s32 v4, v55  }
0x17e: {  	[tilespmem:s0], [sflag:$0x1] =	stream.indirect_vreg.gather [hbm4b:s26+s5], $0x80, v53, vm0, $0xb8;
	[tilespmem:$0x1DA00] =	vst v63  }
0x17f: {  	s28 =	simm.s32 $0x3680;
	v59 =	vperm.xlane v19, v14;
	v58 =	vadd.s32 v4, v57  }
0x180: {  	[tilespmem:s28], [sflag:$0x1] =	stream.indirect_vreg.gather [hbm4b:s26+s5], $0x80, v20, vm0, $0xb8;
	[tilespmem:$0x1DA00] =	vst v63  }
0x181: {  	v60 =	vperm.xlane v19, v15;
	s24 =	simm.s32 $0x3700;
	v20 =	vadd.s32 v4, v59  }
0x182: {  	[tilespmem:s24], [sflag:$0x1] =	stream.indirect_vreg.gather [hbm4b:s26+s5], $0x80, v56, vm0, $0xb8;
	[tilespmem:$0x1DA00] =	vst v63  }
0x183: {  	v62 =	vperm.xlane v19, v16;
	v61 =	vadd.s32 v4, v60;
	s20 =	simm.s32 $0x3780  }
0x184: {  	[tilespmem:s20], [sflag:$0x1] =	stream.indirect_vreg.gather [hbm4b:s26+s5], $0x80, v58, vm0, $0xb8;
	[tilespmem:$0x1DA00] =	vst v63  }
0x185: {  	s30 =	simm.s32 $0x3900;
	s31 =	simm.s32 $0x80;
	s4 =	simm.s32 $0x3800;
	v19 =	vperm.xlane v19, v17;
	v63 =	vadd.s32 v4, v62  }
0x186: {  	[tilespmem:s4], [sflag:$0x1] =	stream.indirect_vreg.gather [hbm4b:s26+s5], $0x80, v20, vm0, $0xb8;
	[tilespmem:$0x1DA00] =	vst v63  }
0x187: {  	s3 =	rddreg [dreg:$0x19];
	s7 =	simm.s32 $0xFFFFFA80;
	v19 =	vadd.s32 v4, v19;
	s22 =	simm.s32 $0x3880  }
0x188: {  	[tilespmem:s22], [sflag:$0x1] =	stream.indirect_vreg.gather [hbm4b:s26+s5], $0x80, v61, vm0, $0xb8;
	[tilespmem:$0x1DA00] =	vst v63  }
0x189: {  	s8 =	simm.s32 $0x3980;
	s2 =	smov.u32 s19;
	s19 =	simm.s32 $0x70  }
0x18a: {  	[tilespmem:s30], [sflag:$0x1] =	stream.indirect_vreg.gather [hbm4b:s26+s5], $0x80, v63, vm0, $0xb8;
	[tilespmem:$0x1DA00] =	vst v63  }
0x18b: {  	s13 =	simm.s32 $0x3A80;
	s17 =	simm.s32 $0x3A00;
	s23 =	rddreg [dreg:$0x18]  }
0x18c: {  	[tilespmem:s8], [sflag:$0x1] =	stream.indirect_vreg.gather [hbm4b:s26+s5], $0x80, v19, vm0, $0xb8;
	[tilespmem:$0x1DA00] =	vst v63  }
.LBB2_10:
0x18d: {  	_ =	swait.ge [sflag:s16], $0x3800  }
0x18e: {  	[sflag:s16] =	ssyncset.done $0x0  }
0x18f: {  	[sflag:s16] =	ssyncadd.s32 $0xFFFFC800  }
0x190: {  	[spmem:s2] =	stream.indirect.scatter.add.f32 [tilespmem:s29], [sflag:$0x5], $0x80, s31, s19, $0xb8;
	[tilespmem:$0x1DA00] =	vst v63  }
0x191: {  	_ =	swait.ge [sflag:s18], $0x80  }
0x192: {  	[sflag:s18] =	ssyncset.done $0x0  }
0x193: {  	[sflag:s18] =	ssyncadd.s32 $0xFFFFFF80  }
0x194: {  	_ =	swait.ge [sflag:s18], $0x80  }
0x195: {  	[sflag:s18] =	ssyncset.done $0x0  }
0x196: {  	[sflag:s18] =	ssyncadd.s32 $0xFFFFFF80  }
0x197: {  	v19 =	vld [tilespmem:$0x100];
	_ =	sdelay $0x4  }
0x198: {  	v20 =	vshll.u32 v19, $0x1  }
0x199: {  	v19 =	vand.u32 $0x7, v19;
	v20 =	vand.u32 $0xFFFFFFF0, v20  }
0x19a: {  	v19 =	vor.u32 v19, v20  }
0x19b: {  	v20 =	vperm.xlane v19, v3;
	_ =	sdelay $0x1  }
0x19c: {  	v21 =	vperm.xlane v19, v2;
	v20 =	vadd.s32 v4, v20;
	_ =	sdelay $0x1  }
0x19d: {  	v22 =	vperm.xlane v19, v5;
	v21 =	vadd.s32 v4, v21;
	_ =	sdelay $0x1  }
0x19e: {  	v23 =	vperm.xlane v19, v6;
	v22 =	vadd.s32 v4, v22  }
0x19f: {  	[tilespmem:s17], [sflag:$0x2] =	stream.indirect_vreg.gather [hbm4b:s26+s5], $0x80, v20, vm0, $0xb8;
	[tilespmem:$0x1DA00] =	vst v63  }
0x1a0: {  	v39 =	vperm.xlane v19, v7;
	v20 =	vadd.s32 v4, v23  }
0x1a1: {  	[tilespmem:s13], [sflag:$0x2] =	stream.indirect_vreg.gather [hbm4b:s26+s5], $0x80, v21, vm0, $0xb8;
	[tilespmem:$0x1DA00] =	vst v63  }
0x1a2: {  	s14 =	simm.s32 $0x3B00;
	v41 =	vperm.xlane v19, v8;
	v40 =	vadd.s32 v4, v39  }
0x1a3: {  	[tilespmem:s14], [sflag:$0x2] =	stream.indirect_vreg.gather [hbm4b:s26+s5], $0x80, v22, vm0, $0xb8;
	[tilespmem:$0x1DA00] =	vst v63  }
0x1a4: {  	s15 =	simm.s32 $0x3B80;
	v43 =	vperm.xlane v19, v9;
	v42 =	vadd.s32 v4, v41  }
0x1a5: {  	[tilespmem:s15], [sflag:$0x2] =	stream.indirect_vreg.gather [hbm4b:s26+s5], $0x80, v20, vm0, $0xb8;
	[tilespmem:$0x1DA00] =	vst v63  }
0x1a6: {  	s25 =	simm.s32 $0x3C00;
	v44 =	vperm.xlane v19, v1;
	v20 =	vadd.s32 v4, v43  }
0x1a7: {  	[tilespmem:s25], [sflag:$0x2] =	stream.indirect_vreg.gather [hbm4b:s26+s5], $0x80, v40, vm0, $0xb8;
	[tilespmem:$0x1DA00] =	vst v63  }
0x1a8: {  	v46 =	vperm.xlane v19, v10;
	v45 =	vadd.s32 v4, v44;
	s14 =	simm.s32 $0x3C80  }
0x1a9: {  	[tilespmem:s14], [sflag:$0x2] =	stream.indirect_vreg.gather [hbm4b:s26+s5], $0x80, v42, vm0, $0xb8;
	[tilespmem:$0x1DA00] =	vst v63  }
0x1aa: {  	v48 =	vperm.xlane v19, v11;
	v47 =	vadd.s32 v4, v46;
	s15 =	simm.s32 $0x3D00  }
0x1ab: {  	[tilespmem:s15], [sflag:$0x2] =	stream.indirect_vreg.gather [hbm4b:s26+s5], $0x80, v20, vm0, $0xb8;
	[tilespmem:$0x1DA00] =	vst v63  }
0x1ac: {  	v49 =	vperm.xlane v19, v12;
	s25 =	simm.s32 $0x3D80;
	v20 =	vadd.s32 v4, v48  }
0x1ad: {  	[tilespmem:s25], [sflag:$0x2] =	stream.indirect_vreg.gather [hbm4b:s26+s5], $0x80, v45, vm0, $0xb8;
	[tilespmem:$0x1DA00] =	vst v63  }
0x1ae: {  	v51 =	vperm.xlane v19, v13;
	v50 =	vadd.s32 v4, v49;
	s14 =	simm.s32 $0x3E00  }
0x1af: {  	[tilespmem:s14], [sflag:$0x2] =	stream.indirect_vreg.gather [hbm4b:s26+s5], $0x80, v47, vm0, $0xb8;
	[tilespmem:$0x1DA00] =	vst v63  }
0x1b0: {  	v53 =	vperm.xlane v19, v14;
	v52 =	vadd.s32 v4, v51;
	s15 =	simm.s32 $0x3E80  }
0x1b1: {  	[tilespmem:s15], [sflag:$0x2] =	stream.indirect_vreg.gather [hbm4b:s26+s5], $0x80, v20, vm0, $0xb8;
	[tilespmem:$0x1DA00] =	vst v63  }
0x1b2: {  	v54 =	vperm.xlane v19, v15;
	s25 =	simm.s32 $0x3F00;
	v20 =	vadd.s32 v4, v53  }
0x1b3: {  	[tilespmem:s25], [sflag:$0x2] =	stream.indirect_vreg.gather [hbm4b:s26+s5], $0x80, v50, vm0, $0xb8;
	[tilespmem:$0x1DA00] =	vst v63  }
0x1b4: {  	v56 =	vperm.xlane v19, v16;
	v55 =	vadd.s32 v4, v54;
	s14 =	simm.s32 $0x3F80  }
0x1b5: {  	[tilespmem:s14], [sflag:$0x2] =	stream.indirect_vreg.gather [hbm4b:s26+s5], $0x80, v52, vm0, $0xb8;
	[tilespmem:$0x1DA00] =	vst v63  }
0x1b6: {  	v19 =	vperm.xlane v19, v17;
	v57 =	vadd.s32 v4, v56;
	s15 =	simm.s32 $0x4000  }
0x1b7: {  	[tilespmem:s15], [sflag:$0x2] =	stream.indirect_vreg.gather [hbm4b:s26+s5], $0x80, v20, vm0, $0xb8;
	[tilespmem:$0x1DA00] =	vst v63  }
0x1b8: {  	v19 =	vadd.s32 v4, v19;
	s25 =	simm.s32 $0x4080  }
0x1b9: {  	[tilespmem:s25], [sflag:$0x2] =	stream.indirect_vreg.gather [hbm4b:s26+s5], $0x80, v55, vm0, $0xb8;
	[tilespmem:$0x1DA00] =	vst v63  }
0x1ba: {  	s14 =	simm.s32 $0x4100  }
0x1bb: {  	[tilespmem:s14], [sflag:$0x2] =	stream.indirect_vreg.gather [hbm4b:s26+s5], $0x80, v57, vm0, $0xb8;
	[tilespmem:$0x1DA00] =	vst v63  }
0x1bc: {  	s15 =	simm.s32 $0x4180  }
0x1bd: {  	[tilespmem:s15], [sflag:$0x2] =	stream.indirect_vreg.gather [hbm4b:s26+s5], $0x80, v19, vm0, $0xb8;
	[tilespmem:$0x1DA00] =	vst v63  }
0x1be: {  	v19 =	vld [tilespmem:$0x110];
	_ =	sdelay $0x4  }
0x1bf: {  	v20 =	vshll.u32 v19, $0x1  }
0x1c0: {  	v19 =	vand.u32 $0x7, v19;
	v20 =	vand.u32 $0xFFFFFFF0, v20  }
0x1c1: {  	v19 =	vor.u32 v19, v20  }
0x1c2: {  	v20 =	vperm.xlane v19, v3;
	_ =	sdelay $0x1  }
0x1c3: {  	v58 =	vperm.xlane v19, v2;
	v20 =	vadd.s32 v4, v20;
	_ =	sdelay $0x1  }
0x1c4: {  	v59 =	vperm.xlane v19, v5;
	v21 =	vadd.s32 v4, v58;
	_ =	sdelay $0x1  }
0x1c5: {  	s25 =	simm.s32 $0x4200;
	v60 =	vperm.xlane v19, v6;
	v22 =	vadd.s32 v4, v59  }
0x1c6: {  	[tilespmem:s25], [sflag:$0x2] =	stream.indirect_vreg.gather [hbm4b:s26+s5], $0x80, v20, vm0, $0xb8;
	[tilespmem:$0x1DA00] =	vst v63  }
0x1c7: {  	s14 =	simm.s32 $0x4280;
	v61 =	vperm.xlane v19, v7;
	v20 =	vadd.s32 v4, v60  }
0x1c8: {  	[tilespmem:s14], [sflag:$0x2] =	stream.indirect_vreg.gather [hbm4b:s26+s5], $0x80, v21, vm0, $0xb8;
	[tilespmem:$0x1DA00] =	vst v63  }
0x1c9: {  	s15 =	simm.s32 $0x4300;
	v63 =	vperm.xlane v19, v8;
	v62 =	vadd.s32 v4, v61  }
0x1ca: {  	[tilespmem:s15], [sflag:$0x2] =	stream.indirect_vreg.gather [hbm4b:s26+s5], $0x80, v22, vm0, $0xb8;
	[tilespmem:$0x1DA00] =	vst v63  }
0x1cb: {  	v25 =	vperm.xlane v19, v9;
	v24 =	vadd.s32 v4, v63;
	s25 =	simm.s32 $0x4380  }
0x1cc: {  	[tilespmem:s25], [sflag:$0x2] =	stream.indirect_vreg.gather [hbm4b:s26+s5], $0x80, v20, vm0, $0xb8;
	[tilespmem:$0x1DA00] =	vst v63  }
0x1cd: {  	v26 =	vperm.xlane v19, v1;
	s14 =	simm.s32 $0x4400;
	v20 =	vadd.s32 v4, v25  }
0x1ce: {  	[tilespmem:s14], [sflag:$0x2] =	stream.indirect_vreg.gather [hbm4b:s26+s5], $0x80, v62, vm0, $0xb8;
	[tilespmem:$0x1DA00] =	vst v63  }
0x1cf: {  	v28 =	vperm.xlane v19, v10;
	v27 =	vadd.s32 v4, v26;
	s15 =	simm.s32 $0x4480  }
0x1d0: {  	[tilespmem:s15], [sflag:$0x2] =	stream.indirect_vreg.gather [hbm4b:s26+s5], $0x80, v24, vm0, $0xb8;
	[tilespmem:$0x1DA00] =	vst v63  }
0x1d1: {  	v30 =	vperm.xlane v19, v11;
	v29 =	vadd.s32 v4, v28;
	s25 =	simm.s32 $0x4500  }
0x1d2: {  	[tilespmem:s25], [sflag:$0x2] =	stream.indirect_vreg.gather [hbm4b:s26+s5], $0x80, v20, vm0, $0xb8;
	[tilespmem:$0x1DA00] =	vst v63  }
0x1d3: {  	v31 =	vperm.xlane v19, v12;
	s14 =	simm.s32 $0x4580;
	v20 =	vadd.s32 v4, v30  }
0x1d4: {  	[tilespmem:s14], [sflag:$0x2] =	stream.indirect_vreg.gather [hbm4b:s26+s5], $0x80, v27, vm0, $0xb8;
	[tilespmem:$0x1DA00] =	vst v63  }
0x1d5: {  	v33 =	vperm.xlane v19, v13;
	v32 =	vadd.s32 v4, v31;
	s15 =	simm.s32 $0x4600  }
0x1d6: {  	[tilespmem:s15], [sflag:$0x2] =	stream.indirect_vreg.gather [hbm4b:s26+s5], $0x80, v29, vm0, $0xb8;
	[tilespmem:$0x1DA00] =	vst v63  }
0x1d7: {  	v35 =	vperm.xlane v19, v14;
	v34 =	vadd.s32 v4, v33;
	s25 =	simm.s32 $0x4680  }
0x1d8: {  	[tilespmem:s25], [sflag:$0x2] =	stream.indirect_vreg.gather [hbm4b:s26+s5], $0x80, v20, vm0, $0xb8;
	[tilespmem:$0x1DA00] =	vst v63  }
0x1d9: {  	v36 =	vperm.xlane v19, v15;
	s14 =	simm.s32 $0x4700;
	v20 =	vadd.s32 v4, v35  }
0x1da: {  	[tilespmem:s14], [sflag:$0x2] =	stream.indirect_vreg.gather [hbm4b:s26+s5], $0x80, v32, vm0, $0xb8;
	[tilespmem:$0x1DA00] =	vst v63  }
0x1db: {  	v38 =	vperm.xlane v19, v16;
	v37 =	vadd.s32 v4, v36;
	s15 =	simm.s32 $0x4780  }
0x1dc: {  	[tilespmem:s15], [sflag:$0x2] =	stream.indirect_vreg.gather [hbm4b:s26+s5], $0x80, v34, vm0, $0xb8;
	[tilespmem:$0x1DA00] =	vst v63  }
0x1dd: {  	v19 =	vperm.xlane v19, v17;
	v39 =	vadd.s32 v4, v38;
	s25 =	simm.s32 $0x4800  }
0x1de: {  	[tilespmem:s25], [sflag:$0x2] =	stream.indirect_vreg.gather [hbm4b:s26+s5], $0x80, v20, vm0, $0xb8;
	[tilespmem:$0x1DA00] =	vst v63  }
0x1df: {  	v19 =	vadd.s32 v4, v19;
	s14 =	simm.s32 $0x4880  }
0x1e0: {  	[tilespmem:s14], [sflag:$0x2] =	stream.indirect_vreg.gather [hbm4b:s26+s5], $0x80, v37, vm0, $0xb8;
	[tilespmem:$0x1DA00] =	vst v63  }
0x1e1: {  	s15 =	simm.s32 $0x4900  }
0x1e2: {  	[tilespmem:s15], [sflag:$0x2] =	stream.indirect_vreg.gather [hbm4b:s26+s5], $0x80, v39, vm0, $0xb8;
	[tilespmem:$0x1DA00] =	vst v63  }
0x1e3: {  	s25 =	simm.s32 $0x4980  }
0x1e4: {  	[tilespmem:s25], [sflag:$0x2] =	stream.indirect_vreg.gather [hbm4b:s26+s5], $0x80, v19, vm0, $0xb8;
	[tilespmem:$0x1DA00] =	vst v63  }
0x1e5: {  	v19 =	vld [tilespmem:$0x120];
	_ =	sdelay $0x4  }
0x1e6: {  	v20 =	vshll.u32 v19, $0x1  }
0x1e7: {  	v19 =	vand.u32 $0x7, v19;
	v20 =	vand.u32 $0xFFFFFFF0, v20  }
0x1e8: {  	v19 =	vor.u32 v19, v20  }
0x1e9: {  	v20 =	vperm.xlane v19, v3;
	_ =	sdelay $0x1  }
0x1ea: {  	v40 =	vperm.xlane v19, v2;
	v20 =	vadd.s32 v4, v20;
	_ =	sdelay $0x1  }
0x1eb: {  	v41 =	vperm.xlane v19, v5;
	v21 =	vadd.s32 v4, v40;
	_ =	sdelay $0x1  }
0x1ec: {  	s14 =	simm.s32 $0x4A00;
	v42 =	vperm.xlane v19, v6;
	v22 =	vadd.s32 v4, v41  }
0x1ed: {  	[tilespmem:s14], [sflag:$0x2] =	stream.indirect_vreg.gather [hbm4b:s26+s5], $0x80, v20, vm0, $0xb8;
	[tilespmem:$0x1DA00] =	vst v63  }
0x1ee: {  	s15 =	simm.s32 $0x4A80;
	v43 =	vperm.xlane v19, v7;
	v20 =	vadd.s32 v4, v42  }
0x1ef: {  	[tilespmem:s15], [sflag:$0x2] =	stream.indirect_vreg.gather [hbm4b:s26+s5], $0x80, v21, vm0, $0xb8;
	[tilespmem:$0x1DA00] =	vst v63  }
0x1f0: {  	s25 =	simm.s32 $0x4B00;
	v45 =	vperm.xlane v19, v8;
	v44 =	vadd.s32 v4, v43  }
0x1f1: {  	[tilespmem:s25], [sflag:$0x2] =	stream.indirect_vreg.gather [hbm4b:s26+s5], $0x80, v22, vm0, $0xb8;
	[tilespmem:$0x1DA00] =	vst v63  }
0x1f2: {  	v47 =	vperm.xlane v19, v9;
	v46 =	vadd.s32 v4, v45;
	s14 =	simm.s32 $0x4B80  }
0x1f3: {  	[tilespmem:s14], [sflag:$0x2] =	stream.indirect_vreg.gather [hbm4b:s26+s5], $0x80, v20, vm0, $0xb8;
	[tilespmem:$0x1DA00] =	vst v63  }
0x1f4: {  	v48 =	vperm.xlane v19, v1;
	s15 =	simm.s32 $0x4C00;
	v20 =	vadd.s32 v4, v47  }
0x1f5: {  	[tilespmem:s15], [sflag:$0x2] =	stream.indirect_vreg.gather [hbm4b:s26+s5], $0x80, v44, vm0, $0xb8;
	[tilespmem:$0x1DA00] =	vst v63  }
0x1f6: {  	v50 =	vperm.xlane v19, v10;
	v49 =	vadd.s32 v4, v48;
	s25 =	simm.s32 $0x4C80  }
0x1f7: {  	[tilespmem:s25], [sflag:$0x2] =	stream.indirect_vreg.gather [hbm4b:s26+s5], $0x80, v46, vm0, $0xb8;
	[tilespmem:$0x1DA00] =	vst v63  }
0x1f8: {  	v52 =	vperm.xlane v19, v11;
	v51 =	vadd.s32 v4, v50;
	s14 =	simm.s32 $0x4D00  }
0x1f9: {  	[tilespmem:s14], [sflag:$0x2] =	stream.indirect_vreg.gather [hbm4b:s26+s5], $0x80, v20, vm0, $0xb8;
	[tilespmem:$0x1DA00] =	vst v63  }
0x1fa: {  	v53 =	vperm.xlane v19, v12;
	s15 =	simm.s32 $0x4D80;
	v20 =	vadd.s32 v4, v52  }
0x1fb: {  	[tilespmem:s15], [sflag:$0x2] =	stream.indirect_vreg.gather [hbm4b:s26+s5], $0x80, v49, vm0, $0xb8;
	[tilespmem:$0x1DA00] =	vst v63  }
0x1fc: {  	v55 =	vperm.xlane v19, v13;
	v54 =	vadd.s32 v4, v53;
	s25 =	simm.s32 $0x4E00  }
0x1fd: {  	[tilespmem:s25], [sflag:$0x2] =	stream.indirect_vreg.gather [hbm4b:s26+s5], $0x80, v51, vm0, $0xb8;
	[tilespmem:$0x1DA00] =	vst v63  }
0x1fe: {  	v57 =	vperm.xlane v19, v14;
	v56 =	vadd.s32 v4, v55;
	s14 =	simm.s32 $0x4E80  }
0x1ff: {  	[tilespmem:s14], [sflag:$0x2] =	stream.indirect_vreg.gather [hbm4b:s26+s5], $0x80, v20, vm0, $0xb8;
	[tilespmem:$0x1DA00] =	vst v63  }
0x200: {  	v58 =	vperm.xlane v19, v15;
	s15 =	simm.s32 $0x4F00;
	v20 =	vadd.s32 v4, v57  }
0x201: {  	[tilespmem:s15], [sflag:$0x2] =	stream.indirect_vreg.gather [hbm4b:s26+s5], $0x80, v54, vm0, $0xb8;
	[tilespmem:$0x1DA00] =	vst v63  }
0x202: {  	v60 =	vperm.xlane v19, v16;
	v59 =	vadd.s32 v4, v58;
	s25 =	simm.s32 $0x4F80  }
0x203: {  	[tilespmem:s25], [sflag:$0x2] =	stream.indirect_vreg.gather [hbm4b:s26+s5], $0x80, v56, vm0, $0xb8;
	[tilespmem:$0x1DA00] =	vst v63  }
0x204: {  	v19 =	vperm.xlane v19, v17;
	v61 =	vadd.s32 v4, v60;
	s14 =	simm.s32 $0x5000  }
0x205: {  	[tilespmem:s14], [sflag:$0x2] =	stream.indirect_vreg.gather [hbm4b:s26+s5], $0x80, v20, vm0, $0xb8;
	[tilespmem:$0x1DA00] =	vst v63  }
0x206: {  	v19 =	vadd.s32 v4, v19;
	s15 =	simm.s32 $0x5080  }
0x207: {  	[tilespmem:s15], [sflag:$0x2] =	stream.indirect_vreg.gather [hbm4b:s26+s5], $0x80, v59, vm0, $0xb8;
	[tilespmem:$0x1DA00] =	vst v63  }
0x208: {  	s25 =	simm.s32 $0x5100  }
0x209: {  	[tilespmem:s25], [sflag:$0x2] =	stream.indirect_vreg.gather [hbm4b:s26+s5], $0x80, v61, vm0, $0xb8;
	[tilespmem:$0x1DA00] =	vst v63  }
0x20a: {  	s14 =	simm.s32 $0x5180  }
0x20b: {  	[tilespmem:s14], [sflag:$0x2] =	stream.indirect_vreg.gather [hbm4b:s26+s5], $0x80, v19, vm0, $0xb8;
	[tilespmem:$0x1DA00] =	vst v63  }
0x20c: {  	v19 =	vld [tilespmem:$0x130];
	_ =	sdelay $0x4  }
0x20d: {  	v20 =	vshll.u32 v19, $0x1  }
0x20e: {  	v19 =	vand.u32 $0x7, v19;
	v20 =	vand.u32 $0xFFFFFFF0, v20  }
0x20f: {  	v19 =	vor.u32 v19, v20  }
0x210: {  	v20 =	vperm.xlane v19, v3;
	_ =	sdelay $0x1  }
0x211: {  	v62 =	vperm.xlane v19, v2;
	v20 =	vadd.s32 v4, v20;
	_ =	sdelay $0x1  }
0x212: {  	v63 =	vperm.xlane v19, v5;
	v21 =	vadd.s32 v4, v62;
	_ =	sdelay $0x1  }
0x213: {  	s15 =	simm.s32 $0x5200;
	v24 =	vperm.xlane v19, v6;
	v22 =	vadd.s32 v4, v63  }
0x214: {  	[tilespmem:s15], [sflag:$0x2] =	stream.indirect_vreg.gather [hbm4b:s26+s5], $0x80, v20, vm0, $0xb8;
	[tilespmem:$0x1DA00] =	vst v63  }
0x215: {  	s25 =	simm.s32 $0x5280;
	v25 =	vperm.xlane v19, v7;
	v20 =	vadd.s32 v4, v24  }
0x216: {  	[tilespmem:s25], [sflag:$0x2] =	stream.indirect_vreg.gather [hbm4b:s26+s5], $0x80, v21, vm0, $0xb8;
	[tilespmem:$0x1DA00] =	vst v63  }
0x217: {  	s14 =	simm.s32 $0x5300;
	v27 =	vperm.xlane v19, v8;
	v26 =	vadd.s32 v4, v25  }
0x218: {  	[tilespmem:s14], [sflag:$0x2] =	stream.indirect_vreg.gather [hbm4b:s26+s5], $0x80, v22, vm0, $0xb8;
	[tilespmem:$0x1DA00] =	vst v63  }
0x219: {  	v29 =	vperm.xlane v19, v9;
	v28 =	vadd.s32 v4, v27;
	s15 =	simm.s32 $0x5380  }
0x21a: {  	[tilespmem:s15], [sflag:$0x2] =	stream.indirect_vreg.gather [hbm4b:s26+s5], $0x80, v20, vm0, $0xb8;
	[tilespmem:$0x1DA00] =	vst v63  }
0x21b: {  	v30 =	vperm.xlane v19, v1;
	s25 =	simm.s32 $0x5400;
	v20 =	vadd.s32 v4, v29  }
0x21c: {  	[tilespmem:s25], [sflag:$0x2] =	stream.indirect_vreg.gather [hbm4b:s26+s5], $0x80, v26, vm0, $0xb8;
	[tilespmem:$0x1DA00] =	vst v63  }
0x21d: {  	v32 =	vperm.xlane v19, v10;
	v31 =	vadd.s32 v4, v30;
	s14 =	simm.s32 $0x5480  }
0x21e: {  	[tilespmem:s14], [sflag:$0x2] =	stream.indirect_vreg.gather [hbm4b:s26+s5], $0x80, v28, vm0, $0xb8;
	[tilespmem:$0x1DA00] =	vst v63  }
0x21f: {  	v34 =	vperm.xlane v19, v11;
	v33 =	vadd.s32 v4, v32;
	s15 =	simm.s32 $0x5500  }
0x220: {  	[tilespmem:s15], [sflag:$0x2] =	stream.indirect_vreg.gather [hbm4b:s26+s5], $0x80, v20, vm0, $0xb8;
	[tilespmem:$0x1DA00] =	vst v63  }
0x221: {  	v35 =	vperm.xlane v19, v12;
	s25 =	simm.s32 $0x5580;
	v20 =	vadd.s32 v4, v34  }
0x222: {  	[tilespmem:s25], [sflag:$0x2] =	stream.indirect_vreg.gather [hbm4b:s26+s5], $0x80, v31, vm0, $0xb8;
	[tilespmem:$0x1DA00] =	vst v63  }
0x223: {  	v37 =	vperm.xlane v19, v13;
	v36 =	vadd.s32 v4, v35;
	s14 =	simm.s32 $0x5600  }
0x224: {  	[tilespmem:s14], [sflag:$0x2] =	stream.indirect_vreg.gather [hbm4b:s26+s5], $0x80, v33, vm0, $0xb8;
	[tilespmem:$0x1DA00] =	vst v63  }
0x225: {  	v39 =	vperm.xlane v19, v14;
	v38 =	vadd.s32 v4, v37;
	s15 =	simm.s32 $0x5680  }
0x226: {  	[tilespmem:s15], [sflag:$0x2] =	stream.indirect_vreg.gather [hbm4b:s26+s5], $0x80, v20, vm0, $0xb8;
	[tilespmem:$0x1DA00] =	vst v63  }
0x227: {  	v40 =	vperm.xlane v19, v15;
	s25 =	simm.s32 $0x5700;
	v20 =	vadd.s32 v4, v39  }
0x228: {  	[tilespmem:s25], [sflag:$0x2] =	stream.indirect_vreg.gather [hbm4b:s26+s5], $0x80, v36, vm0, $0xb8;
	[tilespmem:$0x1DA00] =	vst v63  }
0x229: {  	v42 =	vperm.xlane v19, v16;
	v41 =	vadd.s32 v4, v40;
	s14 =	simm.s32 $0x5780  }
0x22a: {  	[tilespmem:s14], [sflag:$0x2] =	stream.indirect_vreg.gather [hbm4b:s26+s5], $0x80, v38, vm0, $0xb8;
	[tilespmem:$0x1DA00] =	vst v63  }
0x22b: {  	v19 =	vperm.xlane v19, v17;
	v43 =	vadd.s32 v4, v42;
	s15 =	simm.s32 $0x5800  }
0x22c: {  	[tilespmem:s15], [sflag:$0x2] =	stream.indirect_vreg.gather [hbm4b:s26+s5], $0x80, v20, vm0, $0xb8;
	[tilespmem:$0x1DA00] =	vst v63  }
0x22d: {  	v19 =	vadd.s32 v4, v19;
	s25 =	simm.s32 $0x5880  }
0x22e: {  	[tilespmem:s25], [sflag:$0x2] =	stream.indirect_vreg.gather [hbm4b:s26+s5], $0x80, v41, vm0, $0xb8;
	[tilespmem:$0x1DA00] =	vst v63  }
0x22f: {  	s14 =	simm.s32 $0x5900  }
0x230: {  	[tilespmem:s14], [sflag:$0x2] =	stream.indirect_vreg.gather [hbm4b:s26+s5], $0x80, v43, vm0, $0xb8;
	[tilespmem:$0x1DA00] =	vst v63  }
0x231: {  	s15 =	simm.s32 $0x5980  }
0x232: {  	[tilespmem:s15], [sflag:$0x2] =	stream.indirect_vreg.gather [hbm4b:s26+s5], $0x80, v19, vm0, $0xb8;
	[tilespmem:$0x1DA00] =	vst v63  }
0x233: {  	v19 =	vld [tilespmem:$0x140];
	_ =	sdelay $0x4  }
0x234: {  	v20 =	vshll.u32 v19, $0x1  }
0x235: {  	v19 =	vand.u32 $0x7, v19;
	v20 =	vand.u32 $0xFFFFFFF0, v20  }
0x236: {  	v19 =	vor.u32 v19, v20  }
0x237: {  	v20 =	vperm.xlane v19, v3;
	_ =	sdelay $0x1  }
0x238: {  	v44 =	vperm.xlane v19, v2;
	v20 =	vadd.s32 v4, v20;
	_ =	sdelay $0x1  }
0x239: {  	v45 =	vperm.xlane v19, v5;
	v21 =	vadd.s32 v4, v44;
	_ =	sdelay $0x1  }
0x23a: {  	s25 =	simm.s32 $0x5A00;
	v46 =	vperm.xlane v19, v6;
	v22 =	vadd.s32 v4, v45  }
0x23b: {  	[tilespmem:s25], [sflag:$0x2] =	stream.indirect_vreg.gather [hbm4b:s26+s5], $0x80, v20, vm0, $0xb8;
	[tilespmem:$0x1DA00] =	vst v63  }
0x23c: {  	s14 =	simm.s32 $0x5A80;
	v47 =	vperm.xlane v19, v7;
	v20 =	vadd.s32 v4, v46  }
0x23d: {  	[tilespmem:s14], [sflag:$0x2] =	stream.indirect_vreg.gather [hbm4b:s26+s5], $0x80, v21, vm0, $0xb8;
	[tilespmem:$0x1DA00] =	vst v63  }
0x23e: {  	s15 =	simm.s32 $0x5B00;
	v49 =	vperm.xlane v19, v8;
	v48 =	vadd.s32 v4, v47  }
0x23f: {  	[tilespmem:s15], [sflag:$0x2] =	stream.indirect_vreg.gather [hbm4b:s26+s5], $0x80, v22, vm0, $0xb8;
	[tilespmem:$0x1DA00] =	vst v63  }
0x240: {  	v51 =	vperm.xlane v19, v9;
	v50 =	vadd.s32 v4, v49;
	s25 =	simm.s32 $0x5B80  }
0x241: {  	[tilespmem:s25], [sflag:$0x2] =	stream.indirect_vreg.gather [hbm4b:s26+s5], $0x80, v20, vm0, $0xb8;
	[tilespmem:$0x1DA00] =	vst v63  }
0x242: {  	v52 =	vperm.xlane v19, v1;
	s14 =	simm.s32 $0x5C00;
	v20 =	vadd.s32 v4, v51  }
0x243: {  	[tilespmem:s14], [sflag:$0x2] =	stream.indirect_vreg.gather [hbm4b:s26+s5], $0x80, v48, vm0, $0xb8;
	[tilespmem:$0x1DA00] =	vst v63  }
0x244: {  	v54 =	vperm.xlane v19, v10;
	v53 =	vadd.s32 v4, v52;
	s15 =	simm.s32 $0x5C80  }
0x245: {  	[tilespmem:s15], [sflag:$0x2] =	stream.indirect_vreg.gather [hbm4b:s26+s5], $0x80, v50, vm0, $0xb8;
	[tilespmem:$0x1DA00] =	vst v63  }
0x246: {  	v56 =	vperm.xlane v19, v11;
	v55 =	vadd.s32 v4, v54;
	s25 =	simm.s32 $0x5D00  }
0x247: {  	[tilespmem:s25], [sflag:$0x2] =	stream.indirect_vreg.gather [hbm4b:s26+s5], $0x80, v20, vm0, $0xb8;
	[tilespmem:$0x1DA00] =	vst v63  }
0x248: {  	v57 =	vperm.xlane v19, v12;
	s14 =	simm.s32 $0x5D80;
	v20 =	vadd.s32 v4, v56  }
0x249: {  	[tilespmem:s14], [sflag:$0x2] =	stream.indirect_vreg.gather [hbm4b:s26+s5], $0x80, v53, vm0, $0xb8;
	[tilespmem:$0x1DA00] =	vst v63  }
0x24a: {  	v59 =	vperm.xlane v19, v13;
	v58 =	vadd.s32 v4, v57;
	s15 =	simm.s32 $0x5E00  }
0x24b: {  	[tilespmem:s15], [sflag:$0x2] =	stream.indirect_vreg.gather [hbm4b:s26+s5], $0x80, v55, vm0, $0xb8;
	[tilespmem:$0x1DA00] =	vst v63  }
0x24c: {  	v61 =	vperm.xlane v19, v14;
	v60 =	vadd.s32 v4, v59;
	s25 =	simm.s32 $0x5E80  }
0x24d: {  	[tilespmem:s25], [sflag:$0x2] =	stream.indirect_vreg.gather [hbm4b:s26+s5], $0x80, v20, vm0, $0xb8;
	[tilespmem:$0x1DA00] =	vst v63  }
0x24e: {  	v62 =	vperm.xlane v19, v15;
	s14 =	simm.s32 $0x5F00;
	v20 =	vadd.s32 v4, v61  }
0x24f: {  	[tilespmem:s14], [sflag:$0x2] =	stream.indirect_vreg.gather [hbm4b:s26+s5], $0x80, v58, vm0, $0xb8;
	[tilespmem:$0x1DA00] =	vst v63  }
0x250: {  	v24 =	vperm.xlane v19, v16;
	v63 =	vadd.s32 v4, v62;
	s15 =	simm.s32 $0x5F80  }
0x251: {  	[tilespmem:s15], [sflag:$0x2] =	stream.indirect_vreg.gather [hbm4b:s26+s5], $0x80, v60, vm0, $0xb8;
	[tilespmem:$0x1DA00] =	vst v63  }
0x252: {  	v19 =	vperm.xlane v19, v17;
	v25 =	vadd.s32 v4, v24;
	s25 =	simm.s32 $0x6000  }
0x253: {  	[tilespmem:s25], [sflag:$0x2] =	stream.indirect_vreg.gather [hbm4b:s26+s5], $0x80, v20, vm0, $0xb8;
	[tilespmem:$0x1DA00] =	vst v63  }
0x254: {  	v19 =	vadd.s32 v4, v19;
	s14 =	simm.s32 $0x6080  }
0x255: {  	[tilespmem:s14], [sflag:$0x2] =	stream.indirect_vreg.gather [hbm4b:s26+s5], $0x80, v63, vm0, $0xb8;
	[tilespmem:$0x1DA00] =	vst v63  }
0x256: {  	s15 =	simm.s32 $0x6100  }
0x257: {  	[tilespmem:s15], [sflag:$0x2] =	stream.indirect_vreg.gather [hbm4b:s26+s5], $0x80, v25, vm0, $0xb8;
	[tilespmem:$0x1DA00] =	vst v63  }
0x258: {  	s25 =	simm.s32 $0x6180  }
0x259: {  	[tilespmem:s25], [sflag:$0x2] =	stream.indirect_vreg.gather [hbm4b:s26+s5], $0x80, v19, vm0, $0xb8;
	[tilespmem:$0x1DA00] =	vst v63  }
0x25a: {  	v19 =	vld [tilespmem:$0x150];
	_ =	sdelay $0x4  }
0x25b: {  	v20 =	vshll.u32 v19, $0x1  }
0x25c: {  	v19 =	vand.u32 $0x7, v19;
	v20 =	vand.u32 $0xFFFFFFF0, v20  }
0x25d: {  	v19 =	vor.u32 v19, v20  }
0x25e: {  	v20 =	vperm.xlane v19, v3;
	_ =	sdelay $0x1  }
0x25f: {  	v26 =	vperm.xlane v19, v2;
	v20 =	vadd.s32 v4, v20;
	_ =	sdelay $0x1  }
0x260: {  	v27 =	vperm.xlane v19, v5;
	v21 =	vadd.s32 v4, v26;
	_ =	sdelay $0x1  }
0x261: {  	s14 =	simm.s32 $0x6200;
	v28 =	vperm.xlane v19, v6;
	v22 =	vadd.s32 v4, v27  }
0x262: {  	[tilespmem:s14], [sflag:$0x2] =	stream.indirect_vreg.gather [hbm4b:s26+s5], $0x80, v20, vm0, $0xb8;
	[tilespmem:$0x1DA00] =	vst v63  }
0x263: {  	s15 =	simm.s32 $0x6280;
	v29 =	vperm.xlane v19, v7;
	v20 =	vadd.s32 v4, v28  }
0x264: {  	[tilespmem:s15], [sflag:$0x2] =	stream.indirect_vreg.gather [hbm4b:s26+s5], $0x80, v21, vm0, $0xb8;
	[tilespmem:$0x1DA00] =	vst v63  }
0x265: {  	s25 =	simm.s32 $0x6300;
	v31 =	vperm.xlane v19, v8;
	v30 =	vadd.s32 v4, v29  }
0x266: {  	[tilespmem:s25], [sflag:$0x2] =	stream.indirect_vreg.gather [hbm4b:s26+s5], $0x80, v22, vm0, $0xb8;
	[tilespmem:$0x1DA00] =	vst v63  }
0x267: {  	v33 =	vperm.xlane v19, v9;
	v32 =	vadd.s32 v4, v31;
	s14 =	simm.s32 $0x6380  }
0x268: {  	[tilespmem:s14], [sflag:$0x2] =	stream.indirect_vreg.gather [hbm4b:s26+s5], $0x80, v20, vm0, $0xb8;
	[tilespmem:$0x1DA00] =	vst v63  }
0x269: {  	v34 =	vperm.xlane v19, v1;
	s15 =	simm.s32 $0x6400;
	v20 =	vadd.s32 v4, v33  }
0x26a: {  	[tilespmem:s15], [sflag:$0x2] =	stream.indirect_vreg.gather [hbm4b:s26+s5], $0x80, v30, vm0, $0xb8;
	[tilespmem:$0x1DA00] =	vst v63  }
0x26b: {  	v36 =	vperm.xlane v19, v10;
	v35 =	vadd.s32 v4, v34;
	s25 =	simm.s32 $0x6480  }
0x26c: {  	[tilespmem:s25], [sflag:$0x2] =	stream.indirect_vreg.gather [hbm4b:s26+s5], $0x80, v32, vm0, $0xb8;
	[tilespmem:$0x1DA00] =	vst v63  }
0x26d: {  	v38 =	vperm.xlane v19, v11;
	v37 =	vadd.s32 v4, v36;
	s14 =	simm.s32 $0x6500  }
0x26e: {  	[tilespmem:s14], [sflag:$0x2] =	stream.indirect_vreg.gather [hbm4b:s26+s5], $0x80, v20, vm0, $0xb8;
	[tilespmem:$0x1DA00] =	vst v63  }
0x26f: {  	v39 =	vperm.xlane v19, v12;
	s15 =	simm.s32 $0x6580;
	v20 =	vadd.s32 v4, v38  }
0x270: {  	[tilespmem:s15], [sflag:$0x2] =	stream.indirect_vreg.gather [hbm4b:s26+s5], $0x80, v35, vm0, $0xb8;
	[tilespmem:$0x1DA00] =	vst v63  }
0x271: {  	v41 =	vperm.xlane v19, v13;
	v40 =	vadd.s32 v4, v39;
	s25 =	simm.s32 $0x6600  }
0x272: {  	[tilespmem:s25], [sflag:$0x2] =	stream.indirect_vreg.gather [hbm4b:s26+s5], $0x80, v37, vm0, $0xb8;
	[tilespmem:$0x1DA00] =	vst v63  }
0x273: {  	v43 =	vperm.xlane v19, v14;
	v42 =	vadd.s32 v4, v41;
	s14 =	simm.s32 $0x6680  }
0x274: {  	[tilespmem:s14], [sflag:$0x2] =	stream.indirect_vreg.gather [hbm4b:s26+s5], $0x80, v20, vm0, $0xb8;
	[tilespmem:$0x1DA00] =	vst v63  }
0x275: {  	v44 =	vperm.xlane v19, v15;
	s15 =	simm.s32 $0x6700;
	v20 =	vadd.s32 v4, v43  }
0x276: {  	[tilespmem:s15], [sflag:$0x2] =	stream.indirect_vreg.gather [hbm4b:s26+s5], $0x80, v40, vm0, $0xb8;
	[tilespmem:$0x1DA00] =	vst v63  }
0x277: {  	v46 =	vperm.xlane v19, v16;
	v45 =	vadd.s32 v4, v44;
	s25 =	simm.s32 $0x6780  }
0x278: {  	[tilespmem:s25], [sflag:$0x2] =	stream.indirect_vreg.gather [hbm4b:s26+s5], $0x80, v42, vm0, $0xb8;
	[tilespmem:$0x1DA00] =	vst v63  }
0x279: {  	v19 =	vperm.xlane v19, v17;
	v47 =	vadd.s32 v4, v46;
	s14 =	simm.s32 $0x6800  }
0x27a: {  	[tilespmem:s14], [sflag:$0x2] =	stream.indirect_vreg.gather [hbm4b:s26+s5], $0x80, v20, vm0, $0xb8;
	[tilespmem:$0x1DA00] =	vst v63  }
0x27b: {  	v19 =	vadd.s32 v4, v19;
	s15 =	simm.s32 $0x6880  }
0x27c: {  	[tilespmem:s15], [sflag:$0x2] =	stream.indirect_vreg.gather [hbm4b:s26+s5], $0x80, v45, vm0, $0xb8;
	[tilespmem:$0x1DA00] =	vst v63  }
0x27d: {  	s25 =	simm.s32 $0x6900  }
0x27e: {  	[tilespmem:s25], [sflag:$0x2] =	stream.indirect_vreg.gather [hbm4b:s26+s5], $0x80, v47, vm0, $0xb8;
	[tilespmem:$0x1DA00] =	vst v63  }
0x27f: {  	s14 =	simm.s32 $0x6980  }
0x280: {  	[tilespmem:s14], [sflag:$0x2] =	stream.indirect_vreg.gather [hbm4b:s26+s5], $0x80, v19, vm0, $0xb8;
	[tilespmem:$0x1DA00] =	vst v63  }
0x281: {  	v19 =	vld [tilespmem:$0x160];
	_ =	sdelay $0x4  }
0x282: {  	v20 =	vshll.u32 v19, $0x1  }
0x283: {  	v19 =	vand.u32 $0x7, v19;
	v20 =	vand.u32 $0xFFFFFFF0, v20  }
0x284: {  	v19 =	vor.u32 v19, v20  }
0x285: {  	v20 =	vperm.xlane v19, v3;
	_ =	sdelay $0x1  }
0x286: {  	v48 =	vperm.xlane v19, v2;
	v20 =	vadd.s32 v4, v20;
	_ =	sdelay $0x1  }
0x287: {  	v49 =	vperm.xlane v19, v5;
	v21 =	vadd.s32 v4, v48;
	_ =	sdelay $0x1  }
0x288: {  	s15 =	simm.s32 $0x6A00;
	v50 =	vperm.xlane v19, v6;
	v22 =	vadd.s32 v4, v49  }
0x289: {  	[tilespmem:s15], [sflag:$0x2] =	stream.indirect_vreg.gather [hbm4b:s26+s5], $0x80, v20, vm0, $0xb8;
	[tilespmem:$0x1DA00] =	vst v63  }
0x28a: {  	s25 =	simm.s32 $0x6A80;
	v51 =	vperm.xlane v19, v7;
	v20 =	vadd.s32 v4, v50  }
0x28b: {  	[tilespmem:s25], [sflag:$0x2] =	stream.indirect_vreg.gather [hbm4b:s26+s5], $0x80, v21, vm0, $0xb8;
	[tilespmem:$0x1DA00] =	vst v63  }
0x28c: {  	s14 =	simm.s32 $0x6B00;
	v53 =	vperm.xlane v19, v8;
	v52 =	vadd.s32 v4, v51  }
0x28d: {  	[tilespmem:s14], [sflag:$0x2] =	stream.indirect_vreg.gather [hbm4b:s26+s5], $0x80, v22, vm0, $0xb8;
	[tilespmem:$0x1DA00] =	vst v63  }
0x28e: {  	v55 =	vperm.xlane v19, v9;
	v54 =	vadd.s32 v4, v53;
	s15 =	simm.s32 $0x6B80  }
0x28f: {  	[tilespmem:s15], [sflag:$0x2] =	stream.indirect_vreg.gather [hbm4b:s26+s5], $0x80, v20, vm0, $0xb8;
	[tilespmem:$0x1DA00] =	vst v63  }
0x290: {  	v56 =	vperm.xlane v19, v1;
	s25 =	simm.s32 $0x6C00;
	v20 =	vadd.s32 v4, v55  }
0x291: {  	[tilespmem:s25], [sflag:$0x2] =	stream.indirect_vreg.gather [hbm4b:s26+s5], $0x80, v52, vm0, $0xb8;
	[tilespmem:$0x1DA00] =	vst v63  }
0x292: {  	v58 =	vperm.xlane v19, v10;
	v57 =	vadd.s32 v4, v56;
	s14 =	simm.s32 $0x6C80  }
0x293: {  	[tilespmem:s14], [sflag:$0x2] =	stream.indirect_vreg.gather [hbm4b:s26+s5], $0x80, v54, vm0, $0xb8;
	[tilespmem:$0x1DA00] =	vst v63  }
0x294: {  	v60 =	vperm.xlane v19, v11;
	v59 =	vadd.s32 v4, v58;
	s15 =	simm.s32 $0x6D00  }
0x295: {  	[tilespmem:s15], [sflag:$0x2] =	stream.indirect_vreg.gather [hbm4b:s26+s5], $0x80, v20, vm0, $0xb8;
	[tilespmem:$0x1DA00] =	vst v63  }
0x296: {  	v61 =	vperm.xlane v19, v12;
	s25 =	simm.s32 $0x6D80;
	v20 =	vadd.s32 v4, v60  }
0x297: {  	[tilespmem:s25], [sflag:$0x2] =	stream.indirect_vreg.gather [hbm4b:s26+s5], $0x80, v57, vm0, $0xb8;
	[tilespmem:$0x1DA00] =	vst v63  }
0x298: {  	v63 =	vperm.xlane v19, v13;
	v62 =	vadd.s32 v4, v61;
	s14 =	simm.s32 $0x6E00  }
0x299: {  	[tilespmem:s14], [sflag:$0x2] =	stream.indirect_vreg.gather [hbm4b:s26+s5], $0x80, v59, vm0, $0xb8;
	[tilespmem:$0x1DA00] =	vst v63  }
0x29a: {  	v25 =	vperm.xlane v19, v14;
	v24 =	vadd.s32 v4, v63;
	s15 =	simm.s32 $0x6E80  }
0x29b: {  	[tilespmem:s15], [sflag:$0x2] =	stream.indirect_vreg.gather [hbm4b:s26+s5], $0x80, v20, vm0, $0xb8;
	[tilespmem:$0x1DA00] =	vst v63  }
0x29c: {  	v26 =	vperm.xlane v19, v15;
	s25 =	simm.s32 $0x6F00;
	v20 =	vadd.s32 v4, v25  }
0x29d: {  	[tilespmem:s25], [sflag:$0x2] =	stream.indirect_vreg.gather [hbm4b:s26+s5], $0x80, v62, vm0, $0xb8;
	[tilespmem:$0x1DA00] =	vst v63  }
0x29e: {  	v28 =	vperm.xlane v19, v16;
	v27 =	vadd.s32 v4, v26;
	s14 =	simm.s32 $0x6F80  }
0x29f: {  	[tilespmem:s14], [sflag:$0x2] =	stream.indirect_vreg.gather [hbm4b:s26+s5], $0x80, v24, vm0, $0xb8;
	[tilespmem:$0x1DA00] =	vst v63  }
0x2a0: {  	v19 =	vperm.xlane v19, v17;
	v29 =	vadd.s32 v4, v28;
	s15 =	simm.s32 $0x7000  }
0x2a1: {  	[tilespmem:s15], [sflag:$0x2] =	stream.indirect_vreg.gather [hbm4b:s26+s5], $0x80, v20, vm0, $0xb8;
	[tilespmem:$0x1DA00] =	vst v63  }
0x2a2: {  	v19 =	vadd.s32 v4, v19;
	s25 =	simm.s32 $0x7080  }
0x2a3: {  	[tilespmem:s25], [sflag:$0x2] =	stream.indirect_vreg.gather [hbm4b:s26+s5], $0x80, v27, vm0, $0xb8;
	[tilespmem:$0x1DA00] =	vst v63  }
0x2a4: {  	s14 =	simm.s32 $0x7100  }
0x2a5: {  	[tilespmem:s14], [sflag:$0x2] =	stream.indirect_vreg.gather [hbm4b:s26+s5], $0x80, v29, vm0, $0xb8;
	[tilespmem:$0x1DA00] =	vst v63  }
0x2a6: {  	s15 =	simm.s32 $0x7180  }
0x2a7: {  	[tilespmem:s15], [sflag:$0x2] =	stream.indirect_vreg.gather [hbm4b:s26+s5], $0x80, v19, vm0, $0xb8;
	[tilespmem:$0x1DA00] =	vst v63  }
0x2a8: {  	_ =	swait.ge [sflag:s9], $0x3800  }
0x2a9: {  	s13 =	sadd.s32 s7, s23;
	[sflag:s9] =	ssyncset.done $0x0  }
0x2aa: {  	s14 =	sadd.s32 $0x5A0, s13;
	[sflag:s9] =	ssyncadd.s32 $0xFFFFC800  }
0x2ab: {  	[tilespmem:s5], [sflag:$0x3] =	stream.linear.gather [hbm4b:s14+s5], $0x80, $0x38;
	[tilespmem:$0x1DA00] =	vst v63  }
0x2ac: {  	s14 =	sadd.s32 s7, s3  }
0x2ad: {  	s15 =	sadd.s32 $0x5A0, s14  }
0x2ae: {  	[tilespmem:s31], [sflag:$0x3] =	stream.linear.gather [hbm4b:s15+s5], $0x80, $0x38;
	[tilespmem:$0x1DA00] =	vst v63  }
0x2af: {  	_ =	swait.ge [sflag:s10], $0x3800  }
0x2b0: {  	[sflag:s10] =	ssyncset.done $0x0  }
0x2b1: {  	[sflag:s10] =	ssyncadd.s32 $0xFFFFC800  }
0x2b2: {  	v19 =	vld [tilespmem:$0x180];
	_ =	sdelay $0x7  }
0x2b3: {  	[tilespmem:v19+s11+$0x0] =	vst.idx.add.f32.msk $0xffff, v18  }
0x2b4: {  	v19 =	vld [tilespmem:$0x190];
	_ =	sdelay $0x7  }
0x2b5: {  	[tilespmem:v19+s11+$0x0] =	vst.idx.add.f32.msk $0xffff, v18  }
0x2b6: {  	v19 =	vld [tilespmem:$0x1A0];
	_ =	sdelay $0x7  }
0x2b7: {  	[tilespmem:v19+s11+$0x0] =	vst.idx.add.f32.msk $0xffff, v18  }
0x2b8: {  	v19 =	vld [tilespmem:$0x1B0];
	_ =	sdelay $0x7  }
0x2b9: {  	[tilespmem:v19+s11+$0x0] =	vst.idx.add.f32.msk $0xffff, v18  }
0x2ba: {  	v19 =	vld [tilespmem:$0x1C0];
	_ =	sdelay $0x7  }
0x2bb: {  	[tilespmem:v19+s11+$0x0] =	vst.idx.add.f32.msk $0xffff, v18  }
0x2bc: {  	v19 =	vld [tilespmem:$0x1D0];
	_ =	sdelay $0x7  }
0x2bd: {  	[tilespmem:v19+s11+$0x0] =	vst.idx.add.f32.msk $0xffff, v18  }
0x2be: {  	v19 =	vld [tilespmem:$0x1E0];
	_ =	sdelay $0x7  }
0x2bf: {  	s15 =	simm.s32 $0x180;
	[tilespmem:v19+s11+$0x0] =	vst.idx.add.f32.msk $0xffff, v18  }
0x2c0: {  	[spmem:s2] =	stream.indirect.scatter.add.f32 [tilespmem:s17], [sflag:$0x6], $0x80, s15, s19, $0xb8;
	[tilespmem:$0x1DA00] =	vst v63  }
0x2c1: {  	_ =	swait.ge [sflag:s6], $0x80  }
0x2c2: {  	[sflag:s6] =	ssyncset.done $0x0  }
0x2c3: {  	[sflag:s6] =	ssyncadd.s32 $0xFFFFFF80  }
0x2c4: {  	_ =	swait.ge [sflag:s6], $0x80  }
0x2c5: {  	[sflag:s6] =	ssyncset.done $0x0  }
0x2c6: {  	[sflag:s6] =	ssyncadd.s32 $0xFFFFFF80  }
0x2c7: {  	v19 =	vld [tilespmem:$0x0];
	_ =	sdelay $0x4  }
0x2c8: {  	v20 =	vshll.u32 v19, $0x1  }
0x2c9: {  	v19 =	vand.u32 $0x7, v19;
	v20 =	vand.u32 $0xFFFFFFF0, v20  }
0x2ca: {  	v19 =	vor.u32 v19, v20  }
0x2cb: {  	v20 =	vperm.xlane v19, v3;
	_ =	sdelay $0x1  }
0x2cc: {  	v30 =	vperm.xlane v19, v2;
	v20 =	vadd.s32 v4, v20;
	_ =	sdelay $0x1  }
0x2cd: {  	v31 =	vperm.xlane v19, v5;
	v21 =	vadd.s32 v4, v30;
	_ =	sdelay $0x1  }
0x2ce: {  	v32 =	vperm.xlane v19, v6;
	v22 =	vadd.s32 v4, v31  }
0x2cf: {  	[tilespmem:s29], [sflag:$0x1] =	stream.indirect_vreg.gather [hbm4b:s26+s5], $0x80, v20, vm0, $0xb8;
	[tilespmem:$0x1DA00] =	vst v63  }
0x2d0: {  	s25 =	simm.s32 $0x280;
	v33 =	vperm.xlane v19, v7;
	v20 =	vadd.s32 v4, v32  }
0x2d1: {  	[tilespmem:s25], [sflag:$0x1] =	stream.indirect_vreg.gather [hbm4b:s26+s5], $0x80, v21, vm0, $0xb8;
	[tilespmem:$0x1DA00] =	vst v63  }
0x2d2: {  	v35 =	vperm.xlane v19, v8;
	v34 =	vadd.s32 v4, v33;
	s25 =	simm.s32 $0x300  }
0x2d3: {  	[tilespmem:s25], [sflag:$0x1] =	stream.indirect_vreg.gather [hbm4b:s26+s5], $0x80, v22, vm0, $0xb8;
	[tilespmem:$0x1DA00] =	vst v63  }
0x2d4: {  	v37 =	vperm.xlane v19, v9;
	v36 =	vadd.s32 v4, v35;
	s25 =	simm.s32 $0x380  }
0x2d5: {  	[tilespmem:s25], [sflag:$0x1] =	stream.indirect_vreg.gather [hbm4b:s26+s5], $0x80, v20, vm0, $0xb8;
	[tilespmem:$0x1DA00] =	vst v63  }
0x2d6: {  	v38 =	vperm.xlane v19, v1;
	v20 =	vadd.s32 v4, v37;
	s25 =	simm.s32 $0x400  }
0x2d7: {  	[tilespmem:s25], [sflag:$0x1] =	stream.indirect_vreg.gather [hbm4b:s26+s5], $0x80, v34, vm0, $0xb8;
	[tilespmem:$0x1DA00] =	vst v63  }
0x2d8: {  	v40 =	vperm.xlane v19, v10;
	v39 =	vadd.s32 v4, v38;
	s25 =	simm.s32 $0x480  }
0x2d9: {  	[tilespmem:s25], [sflag:$0x1] =	stream.indirect_vreg.gather [hbm4b:s26+s5], $0x80, v36, vm0, $0xb8;
	[tilespmem:$0x1DA00] =	vst v63  }
0x2da: {  	v42 =	vperm.xlane v19, v11;
	v41 =	vadd.s32 v4, v40;
	s25 =	simm.s32 $0x500  }
0x2db: {  	[tilespmem:s25], [sflag:$0x1] =	stream.indirect_vreg.gather [hbm4b:s26+s5], $0x80, v20, vm0, $0xb8;
	[tilespmem:$0x1DA00] =	vst v63  }
0x2dc: {  	v43 =	vperm.xlane v19, v12;
	v20 =	vadd.s32 v4, v42;
	s25 =	simm.s32 $0x580  }
0x2dd: {  	[tilespmem:s25], [sflag:$0x1] =	stream.indirect_vreg.gather [hbm4b:s26+s5], $0x80, v39, vm0, $0xb8;
	[tilespmem:$0x1DA00] =	vst v63  }
0x2de: {  	v45 =	vperm.xlane v19, v13;
	v44 =	vadd.s32 v4, v43;
	s25 =	simm.s32 $0x600  }
0x2df: {  	[tilespmem:s25], [sflag:$0x1] =	stream.indirect_vreg.gather [hbm4b:s26+s5], $0x80, v41, vm0, $0xb8;
	[tilespmem:$0x1DA00] =	vst v63  }
0x2e0: {  	v47 =	vperm.xlane v19, v14;
	v46 =	vadd.s32 v4, v45;
	s25 =	simm.s32 $0x680  }
0x2e1: {  	[tilespmem:s25], [sflag:$0x1] =	stream.indirect_vreg.gather [hbm4b:s26+s5], $0x80, v20, vm0, $0xb8;
	[tilespmem:$0x1DA00] =	vst v63  }
0x2e2: {  	v48 =	vperm.xlane v19, v15;
	v20 =	vadd.s32 v4, v47;
	s25 =	simm.s32 $0x700  }
0x2e3: {  	[tilespmem:s25], [sflag:$0x1] =	stream.indirect_vreg.gather [hbm4b:s26+s5], $0x80, v44, vm0, $0xb8;
	[tilespmem:$0x1DA00] =	vst v63  }
0x2e4: {  	v50 =	vperm.xlane v19, v16;
	v49 =	vadd.s32 v4, v48;
	s25 =	simm.s32 $0x780  }
0x2e5: {  	[tilespmem:s25], [sflag:$0x1] =	stream.indirect_vreg.gather [hbm4b:s26+s5], $0x80, v46, vm0, $0xb8;
	[tilespmem:$0x1DA00] =	vst v63  }
0x2e6: {  	v19 =	vperm.xlane v19, v17;
	v51 =	vadd.s32 v4, v50;
	s25 =	simm.s32 $0x800  }
0x2e7: {  	[tilespmem:s25], [sflag:$0x1] =	stream.indirect_vreg.gather [hbm4b:s26+s5], $0x80, v20, vm0, $0xb8;
	[tilespmem:$0x1DA00] =	vst v63  }
0x2e8: {  	v19 =	vadd.s32 v4, v19;
	s25 =	simm.s32 $0x880  }
0x2e9: {  	[tilespmem:s25], [sflag:$0x1] =	stream.indirect_vreg.gather [hbm4b:s26+s5], $0x80, v49, vm0, $0xb8;
	[tilespmem:$0x1DA00] =	vst v63  }
0x2ea: {  	s25 =	simm.s32 $0x900  }
0x2eb: {  	[tilespmem:s25], [sflag:$0x1] =	stream.indirect_vreg.gather [hbm4b:s26+s5], $0x80, v51, vm0, $0xb8;
	[tilespmem:$0x1DA00] =	vst v63  }
0x2ec: {  	s25 =	simm.s32 $0x980  }
0x2ed: {  	[tilespmem:s25], [sflag:$0x1] =	stream.indirect_vreg.gather [hbm4b:s26+s5], $0x80, v19, vm0, $0xb8;
	[tilespmem:$0x1DA00] =	vst v63  }
0x2ee: {  	v19 =	vld [tilespmem:$0x10];
	_ =	sdelay $0x4  }
0x2ef: {  	v20 =	vshll.u32 v19, $0x1  }
0x2f0: {  	v19 =	vand.u32 $0x7, v19;
	v20 =	vand.u32 $0xFFFFFFF0, v20  }
0x2f1: {  	v19 =	vor.u32 v19, v20  }
0x2f2: {  	v20 =	vperm.xlane v19, v3;
	_ =	sdelay $0x1  }
0x2f3: {  	v52 =	vperm.xlane v19, v2;
	v20 =	vadd.s32 v4, v20;
	_ =	sdelay $0x1  }
0x2f4: {  	v53 =	vperm.xlane v19, v5;
	v21 =	vadd.s32 v4, v52;
	_ =	sdelay $0x1  }
0x2f5: {  	s25 =	simm.s32 $0xA00;
	v54 =	vperm.xlane v19, v6;
	v22 =	vadd.s32 v4, v53  }
0x2f6: {  	[tilespmem:s25], [sflag:$0x1] =	stream.indirect_vreg.gather [hbm4b:s26+s5], $0x80, v20, vm0, $0xb8;
	[tilespmem:$0x1DA00] =	vst v63  }
0x2f7: {  	v55 =	vperm.xlane v19, v7;
	v20 =	vadd.s32 v4, v54;
	s25 =	simm.s32 $0xA80  }
0x2f8: {  	[tilespmem:s25], [sflag:$0x1] =	stream.indirect_vreg.gather [hbm4b:s26+s5], $0x80, v21, vm0, $0xb8;
	[tilespmem:$0x1DA00] =	vst v63  }
0x2f9: {  	v57 =	vperm.xlane v19, v8;
	v56 =	vadd.s32 v4, v55;
	s25 =	simm.s32 $0xB00  }
0x2fa: {  	[tilespmem:s25], [sflag:$0x1] =	stream.indirect_vreg.gather [hbm4b:s26+s5], $0x80, v22, vm0, $0xb8;
	[tilespmem:$0x1DA00] =	vst v63  }
0x2fb: {  	v59 =	vperm.xlane v19, v9;
	v58 =	vadd.s32 v4, v57;
	s25 =	simm.s32 $0xB80  }
0x2fc: {  	[tilespmem:s25], [sflag:$0x1] =	stream.indirect_vreg.gather [hbm4b:s26+s5], $0x80, v20, vm0, $0xb8;
	[tilespmem:$0x1DA00] =	vst v63  }
0x2fd: {  	v60 =	vperm.xlane v19, v1;
	v20 =	vadd.s32 v4, v59;
	s25 =	simm.s32 $0xC00  }
0x2fe: {  	[tilespmem:s25], [sflag:$0x1] =	stream.indirect_vreg.gather [hbm4b:s26+s5], $0x80, v56, vm0, $0xb8;
	[tilespmem:$0x1DA00] =	vst v63  }
0x2ff: {  	v62 =	vperm.xlane v19, v10;
	v61 =	vadd.s32 v4, v60;
	s25 =	simm.s32 $0xC80  }
0x300: {  	[tilespmem:s25], [sflag:$0x1] =	stream.indirect_vreg.gather [hbm4b:s26+s5], $0x80, v58, vm0, $0xb8;
	[tilespmem:$0x1DA00] =	vst v63  }
0x301: {  	v24 =	vperm.xlane v19, v11;
	v63 =	vadd.s32 v4, v62;
	s25 =	simm.s32 $0xD00  }
0x302: {  	[tilespmem:s25], [sflag:$0x1] =	stream.indirect_vreg.gather [hbm4b:s26+s5], $0x80, v20, vm0, $0xb8;
	[tilespmem:$0x1DA00] =	vst v63  }
0x303: {  	v25 =	vperm.xlane v19, v12;
	v20 =	vadd.s32 v4, v24;
	s25 =	simm.s32 $0xD80  }
0x304: {  	[tilespmem:s25], [sflag:$0x1] =	stream.indirect_vreg.gather [hbm4b:s26+s5], $0x80, v61, vm0, $0xb8;
	[tilespmem:$0x1DA00] =	vst v63  }
0x305: {  	v27 =	vperm.xlane v19, v13;
	v26 =	vadd.s32 v4, v25;
	s25 =	simm.s32 $0xE00  }
0x306: {  	[tilespmem:s25], [sflag:$0x1] =	stream.indirect_vreg.gather [hbm4b:s26+s5], $0x80, v63, vm0, $0xb8;
	[tilespmem:$0x1DA00] =	vst v63  }
0x307: {  	v29 =	vperm.xlane v19, v14;
	v28 =	vadd.s32 v4, v27;
	s25 =	simm.s32 $0xE80  }
0x308: {  	[tilespmem:s25], [sflag:$0x1] =	stream.indirect_vreg.gather [hbm4b:s26+s5], $0x80, v20, vm0, $0xb8;
	[tilespmem:$0x1DA00] =	vst v63  }
0x309: {  	v30 =	vperm.xlane v19, v15;
	v20 =	vadd.s32 v4, v29;
	s25 =	simm.s32 $0xF00  }
0x30a: {  	[tilespmem:s25], [sflag:$0x1] =	stream.indirect_vreg.gather [hbm4b:s26+s5], $0x80, v26, vm0, $0xb8;
	[tilespmem:$0x1DA00] =	vst v63  }
0x30b: {  	v32 =	vperm.xlane v19, v16;
	v31 =	vadd.s32 v4, v30;
	s25 =	simm.s32 $0xF80  }
0x30c: {  	[tilespmem:s25], [sflag:$0x1] =	stream.indirect_vreg.gather [hbm4b:s26+s5], $0x80, v28, vm0, $0xb8;
	[tilespmem:$0x1DA00] =	vst v63  }
0x30d: {  	v19 =	vperm.xlane v19, v17;
	v33 =	vadd.s32 v4, v32;
	s25 =	simm.s32 $0x1000  }
0x30e: {  	[tilespmem:s25], [sflag:$0x1] =	stream.indirect_vreg.gather [hbm4b:s26+s5], $0x80, v20, vm0, $0xb8;
	[tilespmem:$0x1DA00] =	vst v63  }
0x30f: {  	v19 =	vadd.s32 v4, v19;
	s25 =	simm.s32 $0x1080  }
0x310: {  	[tilespmem:s25], [sflag:$0x1] =	stream.indirect_vreg.gather [hbm4b:s26+s5], $0x80, v31, vm0, $0xb8;
	[tilespmem:$0x1DA00] =	vst v63  }
0x311: {  	s25 =	simm.s32 $0x1100  }
0x312: {  	[tilespmem:s25], [sflag:$0x1] =	stream.indirect_vreg.gather [hbm4b:s26+s5], $0x80, v33, vm0, $0xb8;
	[tilespmem:$0x1DA00] =	vst v63  }
0x313: {  	s25 =	simm.s32 $0x1180  }
0x314: {  	[tilespmem:s25], [sflag:$0x1] =	stream.indirect_vreg.gather [hbm4b:s26+s5], $0x80, v19, vm0, $0xb8;
	[tilespmem:$0x1DA00] =	vst v63  }
0x315: {  	v19 =	vld [tilespmem:$0x20];
	_ =	sdelay $0x4  }
0x316: {  	v20 =	vshll.u32 v19, $0x1  }
0x317: {  	v19 =	vand.u32 $0x7, v19;
	v20 =	vand.u32 $0xFFFFFFF0, v20  }
0x318: {  	v19 =	vor.u32 v19, v20  }
0x319: {  	v20 =	vperm.xlane v19, v3;
	_ =	sdelay $0x1  }
0x31a: {  	v34 =	vperm.xlane v19, v2;
	v20 =	vadd.s32 v4, v20;
	_ =	sdelay $0x1  }
0x31b: {  	v35 =	vperm.xlane v19, v5;
	v21 =	vadd.s32 v4, v34;
	_ =	sdelay $0x1  }
0x31c: {  	s25 =	simm.s32 $0x1200;
	v36 =	vperm.xlane v19, v6;
	v22 =	vadd.s32 v4, v35  }
0x31d: {  	[tilespmem:s25], [sflag:$0x1] =	stream.indirect_vreg.gather [hbm4b:s26+s5], $0x80, v20, vm0, $0xb8;
	[tilespmem:$0x1DA00] =	vst v63  }
0x31e: {  	v37 =	vperm.xlane v19, v7;
	v20 =	vadd.s32 v4, v36;
	s25 =	simm.s32 $0x1280  }
0x31f: {  	[tilespmem:s25], [sflag:$0x1] =	stream.indirect_vreg.gather [hbm4b:s26+s5], $0x80, v21, vm0, $0xb8;
	[tilespmem:$0x1DA00] =	vst v63  }
0x320: {  	v39 =	vperm.xlane v19, v8;
	v38 =	vadd.s32 v4, v37;
	s25 =	simm.s32 $0x1300  }
0x321: {  	[tilespmem:s25], [sflag:$0x1] =	stream.indirect_vreg.gather [hbm4b:s26+s5], $0x80, v22, vm0, $0xb8;
	[tilespmem:$0x1DA00] =	vst v63  }
0x322: {  	v41 =	vperm.xlane v19, v9;
	v40 =	vadd.s32 v4, v39;
	s25 =	simm.s32 $0x1380  }
0x323: {  	[tilespmem:s25], [sflag:$0x1] =	stream.indirect_vreg.gather [hbm4b:s26+s5], $0x80, v20, vm0, $0xb8;
	[tilespmem:$0x1DA00] =	vst v63  }
0x324: {  	v42 =	vperm.xlane v19, v1;
	v20 =	vadd.s32 v4, v41;
	s25 =	simm.s32 $0x1400  }
0x325: {  	[tilespmem:s25], [sflag:$0x1] =	stream.indirect_vreg.gather [hbm4b:s26+s5], $0x80, v38, vm0, $0xb8;
	[tilespmem:$0x1DA00] =	vst v63  }
0x326: {  	v44 =	vperm.xlane v19, v10;
	v43 =	vadd.s32 v4, v42;
	s25 =	simm.s32 $0x1480  }
0x327: {  	[tilespmem:s25], [sflag:$0x1] =	stream.indirect_vreg.gather [hbm4b:s26+s5], $0x80, v40, vm0, $0xb8;
	[tilespmem:$0x1DA00] =	vst v63  }
0x328: {  	v46 =	vperm.xlane v19, v11;
	v45 =	vadd.s32 v4, v44;
	s25 =	simm.s32 $0x1500  }
0x329: {  	[tilespmem:s25], [sflag:$0x1] =	stream.indirect_vreg.gather [hbm4b:s26+s5], $0x80, v20, vm0, $0xb8;
	[tilespmem:$0x1DA00] =	vst v63  }
0x32a: {  	v47 =	vperm.xlane v19, v12;
	v20 =	vadd.s32 v4, v46;
	s25 =	simm.s32 $0x1580  }
0x32b: {  	[tilespmem:s25], [sflag:$0x1] =	stream.indirect_vreg.gather [hbm4b:s26+s5], $0x80, v43, vm0, $0xb8;
	[tilespmem:$0x1DA00] =	vst v63  }
0x32c: {  	v49 =	vperm.xlane v19, v13;
	v48 =	vadd.s32 v4, v47;
	s25 =	simm.s32 $0x1600  }
0x32d: {  	[tilespmem:s25], [sflag:$0x1] =	stream.indirect_vreg.gather [hbm4b:s26+s5], $0x80, v45, vm0, $0xb8;
	[tilespmem:$0x1DA00] =	vst v63  }
0x32e: {  	v51 =	vperm.xlane v19, v14;
	v50 =	vadd.s32 v4, v49;
	s25 =	simm.s32 $0x1680  }
0x32f: {  	[tilespmem:s25], [sflag:$0x1] =	stream.indirect_vreg.gather [hbm4b:s26+s5], $0x80, v20, vm0, $0xb8;
	[tilespmem:$0x1DA00] =	vst v63  }
0x330: {  	v52 =	vperm.xlane v19, v15;
	v20 =	vadd.s32 v4, v51;
	s25 =	simm.s32 $0x1700  }
0x331: {  	[tilespmem:s25], [sflag:$0x1] =	stream.indirect_vreg.gather [hbm4b:s26+s5], $0x80, v48, vm0, $0xb8;
	[tilespmem:$0x1DA00] =	vst v63  }
0x332: {  	v54 =	vperm.xlane v19, v16;
	v53 =	vadd.s32 v4, v52;
	s25 =	simm.s32 $0x1780  }
0x333: {  	[tilespmem:s25], [sflag:$0x1] =	stream.indirect_vreg.gather [hbm4b:s26+s5], $0x80, v50, vm0, $0xb8;
	[tilespmem:$0x1DA00] =	vst v63  }
0x334: {  	v19 =	vperm.xlane v19, v17;
	v55 =	vadd.s32 v4, v54;
	s25 =	simm.s32 $0x1800  }
0x335: {  	[tilespmem:s25], [sflag:$0x1] =	stream.indirect_vreg.gather [hbm4b:s26+s5], $0x80, v20, vm0, $0xb8;
	[tilespmem:$0x1DA00] =	vst v63  }
0x336: {  	v19 =	vadd.s32 v4, v19;
	s25 =	simm.s32 $0x1880  }
0x337: {  	[tilespmem:s25], [sflag:$0x1] =	stream.indirect_vreg.gather [hbm4b:s26+s5], $0x80, v53, vm0, $0xb8;
	[tilespmem:$0x1DA00] =	vst v63  }
0x338: {  	s25 =	simm.s32 $0x1900  }
0x339: {  	[tilespmem:s25], [sflag:$0x1] =	stream.indirect_vreg.gather [hbm4b:s26+s5], $0x80, v55, vm0, $0xb8;
	[tilespmem:$0x1DA00] =	vst v63  }
0x33a: {  	s25 =	simm.s32 $0x1980  }
0x33b: {  	[tilespmem:s25], [sflag:$0x1] =	stream.indirect_vreg.gather [hbm4b:s26+s5], $0x80, v19, vm0, $0xb8;
	[tilespmem:$0x1DA00] =	vst v63  }
0x33c: {  	v19 =	vld [tilespmem:$0x30];
	_ =	sdelay $0x4  }
0x33d: {  	v20 =	vshll.u32 v19, $0x1  }
0x33e: {  	v19 =	vand.u32 $0x7, v19;
	v20 =	vand.u32 $0xFFFFFFF0, v20  }
0x33f: {  	v19 =	vor.u32 v19, v20  }
0x340: {  	v20 =	vperm.xlane v19, v3;
	_ =	sdelay $0x1  }
0x341: {  	v56 =	vperm.xlane v19, v2;
	v20 =	vadd.s32 v4, v20;
	_ =	sdelay $0x1  }
0x342: {  	v57 =	vperm.xlane v19, v5;
	v21 =	vadd.s32 v4, v56;
	_ =	sdelay $0x1  }
0x343: {  	s25 =	simm.s32 $0x1A00;
	v58 =	vperm.xlane v19, v6;
	v22 =	vadd.s32 v4, v57  }
0x344: {  	[tilespmem:s25], [sflag:$0x1] =	stream.indirect_vreg.gather [hbm4b:s26+s5], $0x80, v20, vm0, $0xb8;
	[tilespmem:$0x1DA00] =	vst v63  }
0x345: {  	v59 =	vperm.xlane v19, v7;
	v20 =	vadd.s32 v4, v58;
	s25 =	simm.s32 $0x1A80  }
0x346: {  	[tilespmem:s25], [sflag:$0x1] =	stream.indirect_vreg.gather [hbm4b:s26+s5], $0x80, v21, vm0, $0xb8;
	[tilespmem:$0x1DA00] =	vst v63  }
0x347: {  	v61 =	vperm.xlane v19, v8;
	v60 =	vadd.s32 v4, v59;
	s25 =	simm.s32 $0x1B00  }
0x348: {  	[tilespmem:s25], [sflag:$0x1] =	stream.indirect_vreg.gather [hbm4b:s26+s5], $0x80, v22, vm0, $0xb8;
	[tilespmem:$0x1DA00] =	vst v63  }
0x349: {  	v63 =	vperm.xlane v19, v9;
	v62 =	vadd.s32 v4, v61;
	s25 =	simm.s32 $0x1B80  }
0x34a: {  	[tilespmem:s25], [sflag:$0x1] =	stream.indirect_vreg.gather [hbm4b:s26+s5], $0x80, v20, vm0, $0xb8;
	[tilespmem:$0x1DA00] =	vst v63  }
0x34b: {  	v24 =	vperm.xlane v19, v1;
	v20 =	vadd.s32 v4, v63;
	s25 =	simm.s32 $0x1C00  }
0x34c: {  	[tilespmem:s25], [sflag:$0x1] =	stream.indirect_vreg.gather [hbm4b:s26+s5], $0x80, v60, vm0, $0xb8;
	[tilespmem:$0x1DA00] =	vst v63  }
0x34d: {  	v26 =	vperm.xlane v19, v10;
	v25 =	vadd.s32 v4, v24;
	s25 =	simm.s32 $0x1C80  }
0x34e: {  	[tilespmem:s25], [sflag:$0x1] =	stream.indirect_vreg.gather [hbm4b:s26+s5], $0x80, v62, vm0, $0xb8;
	[tilespmem:$0x1DA00] =	vst v63  }
0x34f: {  	v28 =	vperm.xlane v19, v11;
	v27 =	vadd.s32 v4, v26;
	s25 =	simm.s32 $0x1D00  }
0x350: {  	[tilespmem:s25], [sflag:$0x1] =	stream.indirect_vreg.gather [hbm4b:s26+s5], $0x80, v20, vm0, $0xb8;
	[tilespmem:$0x1DA00] =	vst v63  }
0x351: {  	v29 =	vperm.xlane v19, v12;
	v20 =	vadd.s32 v4, v28;
	s25 =	simm.s32 $0x1D80  }
0x352: {  	[tilespmem:s25], [sflag:$0x1] =	stream.indirect_vreg.gather [hbm4b:s26+s5], $0x80, v25, vm0, $0xb8;
	[tilespmem:$0x1DA00] =	vst v63  }
0x353: {  	v31 =	vperm.xlane v19, v13;
	v30 =	vadd.s32 v4, v29;
	s25 =	simm.s32 $0x1E00  }
0x354: {  	[tilespmem:s25], [sflag:$0x1] =	stream.indirect_vreg.gather [hbm4b:s26+s5], $0x80, v27, vm0, $0xb8;
	[tilespmem:$0x1DA00] =	vst v63  }
0x355: {  	v33 =	vperm.xlane v19, v14;
	v32 =	vadd.s32 v4, v31;
	s25 =	simm.s32 $0x1E80  }
0x356: {  	[tilespmem:s25], [sflag:$0x1] =	stream.indirect_vreg.gather [hbm4b:s26+s5], $0x80, v20, vm0, $0xb8;
	[tilespmem:$0x1DA00] =	vst v63  }
0x357: {  	v34 =	vperm.xlane v19, v15;
	v20 =	vadd.s32 v4, v33;
	s25 =	simm.s32 $0x1F00  }
0x358: {  	[tilespmem:s25], [sflag:$0x1] =	stream.indirect_vreg.gather [hbm4b:s26+s5], $0x80, v30, vm0, $0xb8;
	[tilespmem:$0x1DA00] =	vst v63  }
0x359: {  	v36 =	vperm.xlane v19, v16;
	v35 =	vadd.s32 v4, v34;
	s25 =	simm.s32 $0x1F80  }
0x35a: {  	[tilespmem:s25], [sflag:$0x1] =	stream.indirect_vreg.gather [hbm4b:s26+s5], $0x80, v32, vm0, $0xb8;
	[tilespmem:$0x1DA00] =	vst v63  }
0x35b: {  	v19 =	vperm.xlane v19, v17;
	v37 =	vadd.s32 v4, v36;
	s25 =	simm.s32 $0x2000  }
0x35c: {  	[tilespmem:s25], [sflag:$0x1] =	stream.indirect_vreg.gather [hbm4b:s26+s5], $0x80, v20, vm0, $0xb8;
	[tilespmem:$0x1DA00] =	vst v63  }
0x35d: {  	v19 =	vadd.s32 v4, v19;
	s25 =	simm.s32 $0x2080  }
0x35e: {  	[tilespmem:s25], [sflag:$0x1] =	stream.indirect_vreg.gather [hbm4b:s26+s5], $0x80, v35, vm0, $0xb8;
	[tilespmem:$0x1DA00] =	vst v63  }
0x35f: {  	s25 =	simm.s32 $0x2100  }
0x360: {  	[tilespmem:s25], [sflag:$0x1] =	stream.indirect_vreg.gather [hbm4b:s26+s5], $0x80, v37, vm0, $0xb8;
	[tilespmem:$0x1DA00] =	vst v63  }
0x361: {  	s25 =	simm.s32 $0x2180  }
0x362: {  	[tilespmem:s25], [sflag:$0x1] =	stream.indirect_vreg.gather [hbm4b:s26+s5], $0x80, v19, vm0, $0xb8;
	[tilespmem:$0x1DA00] =	vst v63  }
0x363: {  	v19 =	vld [tilespmem:$0x40];
	_ =	sdelay $0x4  }
0x364: {  	v20 =	vshll.u32 v19, $0x1  }
0x365: {  	v19 =	vand.u32 $0x7, v19;
	v20 =	vand.u32 $0xFFFFFFF0, v20  }
0x366: {  	v19 =	vor.u32 v19, v20  }
0x367: {  	v20 =	vperm.xlane v19, v3;
	_ =	sdelay $0x1  }
0x368: {  	v38 =	vperm.xlane v19, v2;
	v20 =	vadd.s32 v4, v20;
	_ =	sdelay $0x1  }
0x369: {  	v39 =	vperm.xlane v19, v5;
	v21 =	vadd.s32 v4, v38;
	_ =	sdelay $0x1  }
0x36a: {  	s25 =	simm.s32 $0x2200;
	v40 =	vperm.xlane v19, v6;
	v22 =	vadd.s32 v4, v39  }
0x36b: {  	[tilespmem:s25], [sflag:$0x1] =	stream.indirect_vreg.gather [hbm4b:s26+s5], $0x80, v20, vm0, $0xb8;
	[tilespmem:$0x1DA00] =	vst v63  }
0x36c: {  	v41 =	vperm.xlane v19, v7;
	v20 =	vadd.s32 v4, v40;
	s25 =	simm.s32 $0x2280  }
0x36d: {  	[tilespmem:s25], [sflag:$0x1] =	stream.indirect_vreg.gather [hbm4b:s26+s5], $0x80, v21, vm0, $0xb8;
	[tilespmem:$0x1DA00] =	vst v63  }
0x36e: {  	v43 =	vperm.xlane v19, v8;
	v42 =	vadd.s32 v4, v41;
	s25 =	simm.s32 $0x2300  }
0x36f: {  	[tilespmem:s25], [sflag:$0x1] =	stream.indirect_vreg.gather [hbm4b:s26+s5], $0x80, v22, vm0, $0xb8;
	[tilespmem:$0x1DA00] =	vst v63  }
0x370: {  	v45 =	vperm.xlane v19, v9;
	v44 =	vadd.s32 v4, v43;
	s25 =	simm.s32 $0x2380  }
0x371: {  	[tilespmem:s25], [sflag:$0x1] =	stream.indirect_vreg.gather [hbm4b:s26+s5], $0x80, v20, vm0, $0xb8;
	[tilespmem:$0x1DA00] =	vst v63  }
0x372: {  	v46 =	vperm.xlane v19, v1;
	v20 =	vadd.s32 v4, v45;
	s25 =	simm.s32 $0x2400  }
0x373: {  	[tilespmem:s25], [sflag:$0x1] =	stream.indirect_vreg.gather [hbm4b:s26+s5], $0x80, v42, vm0, $0xb8;
	[tilespmem:$0x1DA00] =	vst v63  }
0x374: {  	v48 =	vperm.xlane v19, v10;
	v47 =	vadd.s32 v4, v46;
	s25 =	simm.s32 $0x2480  }
0x375: {  	[tilespmem:s25], [sflag:$0x1] =	stream.indirect_vreg.gather [hbm4b:s26+s5], $0x80, v44, vm0, $0xb8;
	[tilespmem:$0x1DA00] =	vst v63  }
0x376: {  	v50 =	vperm.xlane v19, v11;
	v49 =	vadd.s32 v4, v48;
	s25 =	simm.s32 $0x2500  }
0x377: {  	[tilespmem:s25], [sflag:$0x1] =	stream.indirect_vreg.gather [hbm4b:s26+s5], $0x80, v20, vm0, $0xb8;
	[tilespmem:$0x1DA00] =	vst v63  }
0x378: {  	v51 =	vperm.xlane v19, v12;
	v20 =	vadd.s32 v4, v50;
	s25 =	simm.s32 $0x2580  }
0x379: {  	[tilespmem:s25], [sflag:$0x1] =	stream.indirect_vreg.gather [hbm4b:s26+s5], $0x80, v47, vm0, $0xb8;
	[tilespmem:$0x1DA00] =	vst v63  }
0x37a: {  	v53 =	vperm.xlane v19, v13;
	v52 =	vadd.s32 v4, v51;
	s25 =	simm.s32 $0x2600  }
0x37b: {  	[tilespmem:s25], [sflag:$0x1] =	stream.indirect_vreg.gather [hbm4b:s26+s5], $0x80, v49, vm0, $0xb8;
	[tilespmem:$0x1DA00] =	vst v63  }
0x37c: {  	v55 =	vperm.xlane v19, v14;
	v54 =	vadd.s32 v4, v53;
	s25 =	simm.s32 $0x2680  }
0x37d: {  	[tilespmem:s25], [sflag:$0x1] =	stream.indirect_vreg.gather [hbm4b:s26+s5], $0x80, v20, vm0, $0xb8;
	[tilespmem:$0x1DA00] =	vst v63  }
0x37e: {  	v56 =	vperm.xlane v19, v15;
	v20 =	vadd.s32 v4, v55;
	s25 =	simm.s32 $0x2700  }
0x37f: {  	[tilespmem:s25], [sflag:$0x1] =	stream.indirect_vreg.gather [hbm4b:s26+s5], $0x80, v52, vm0, $0xb8;
	[tilespmem:$0x1DA00] =	vst v63  }
0x380: {  	v58 =	vperm.xlane v19, v16;
	v57 =	vadd.s32 v4, v56;
	s25 =	simm.s32 $0x2780  }
0x381: {  	[tilespmem:s25], [sflag:$0x1] =	stream.indirect_vreg.gather [hbm4b:s26+s5], $0x80, v54, vm0, $0xb8;
	[tilespmem:$0x1DA00] =	vst v63  }
0x382: {  	v19 =	vperm.xlane v19, v17;
	v59 =	vadd.s32 v4, v58;
	s25 =	simm.s32 $0x2800  }
0x383: {  	[tilespmem:s25], [sflag:$0x1] =	stream.indirect_vreg.gather [hbm4b:s26+s5], $0x80, v20, vm0, $0xb8;
	[tilespmem:$0x1DA00] =	vst v63  }
0x384: {  	v19 =	vadd.s32 v4, v19;
	s25 =	simm.s32 $0x2880  }
0x385: {  	[tilespmem:s25], [sflag:$0x1] =	stream.indirect_vreg.gather [hbm4b:s26+s5], $0x80, v57, vm0, $0xb8;
	[tilespmem:$0x1DA00] =	vst v63  }
0x386: {  	s25 =	simm.s32 $0x2900  }
0x387: {  	[tilespmem:s25], [sflag:$0x1] =	stream.indirect_vreg.gather [hbm4b:s26+s5], $0x80, v59, vm0, $0xb8;
	[tilespmem:$0x1DA00] =	vst v63  }
0x388: {  	s25 =	simm.s32 $0x2980  }
0x389: {  	[tilespmem:s25], [sflag:$0x1] =	stream.indirect_vreg.gather [hbm4b:s26+s5], $0x80, v19, vm0, $0xb8;
	[tilespmem:$0x1DA00] =	vst v63  }
0x38a: {  	v19 =	vld [tilespmem:$0x50];
	_ =	sdelay $0x4  }
0x38b: {  	v20 =	vshll.u32 v19, $0x1  }
0x38c: {  	v19 =	vand.u32 $0x7, v19;
	v20 =	vand.u32 $0xFFFFFFF0, v20  }
0x38d: {  	v19 =	vor.u32 v19, v20  }
0x38e: {  	v20 =	vperm.xlane v19, v3;
	_ =	sdelay $0x1  }
0x38f: {  	v60 =	vperm.xlane v19, v2;
	v20 =	vadd.s32 v4, v20;
	_ =	sdelay $0x1  }
0x390: {  	v61 =	vperm.xlane v19, v5;
	v21 =	vadd.s32 v4, v60;
	_ =	sdelay $0x1  }
0x391: {  	s25 =	simm.s32 $0x2A00;
	v62 =	vperm.xlane v19, v6;
	v22 =	vadd.s32 v4, v61  }
0x392: {  	[tilespmem:s25], [sflag:$0x1] =	stream.indirect_vreg.gather [hbm4b:s26+s5], $0x80, v20, vm0, $0xb8;
	[tilespmem:$0x1DA00] =	vst v63  }
0x393: {  	v63 =	vperm.xlane v19, v7;
	v20 =	vadd.s32 v4, v62;
	s25 =	simm.s32 $0x2A80  }
0x394: {  	[tilespmem:s25], [sflag:$0x1] =	stream.indirect_vreg.gather [hbm4b:s26+s5], $0x80, v21, vm0, $0xb8;
	[tilespmem:$0x1DA00] =	vst v63  }
0x395: {  	v25 =	vperm.xlane v19, v8;
	v24 =	vadd.s32 v4, v63;
	s25 =	simm.s32 $0x2B00  }
0x396: {  	[tilespmem:s25], [sflag:$0x1] =	stream.indirect_vreg.gather [hbm4b:s26+s5], $0x80, v22, vm0, $0xb8;
	[tilespmem:$0x1DA00] =	vst v63  }
0x397: {  	v27 =	vperm.xlane v19, v9;
	v26 =	vadd.s32 v4, v25;
	s25 =	simm.s32 $0x2B80  }
0x398: {  	[tilespmem:s25], [sflag:$0x1] =	stream.indirect_vreg.gather [hbm4b:s26+s5], $0x80, v20, vm0, $0xb8;
	[tilespmem:$0x1DA00] =	vst v63  }
0x399: {  	v28 =	vperm.xlane v19, v1;
	v20 =	vadd.s32 v4, v27;
	s25 =	simm.s32 $0x2C00  }
0x39a: {  	[tilespmem:s25], [sflag:$0x1] =	stream.indirect_vreg.gather [hbm4b:s26+s5], $0x80, v24, vm0, $0xb8;
	[tilespmem:$0x1DA00] =	vst v63  }
0x39b: {  	v30 =	vperm.xlane v19, v10;
	v29 =	vadd.s32 v4, v28;
	s25 =	simm.s32 $0x2C80  }
0x39c: {  	[tilespmem:s25], [sflag:$0x1] =	stream.indirect_vreg.gather [hbm4b:s26+s5], $0x80, v26, vm0, $0xb8;
	[tilespmem:$0x1DA00] =	vst v63  }
0x39d: {  	v32 =	vperm.xlane v19, v11;
	v31 =	vadd.s32 v4, v30;
	s25 =	simm.s32 $0x2D00  }
0x39e: {  	[tilespmem:s25], [sflag:$0x1] =	stream.indirect_vreg.gather [hbm4b:s26+s5], $0x80, v20, vm0, $0xb8;
	[tilespmem:$0x1DA00] =	vst v63  }
0x39f: {  	v33 =	vperm.xlane v19, v12;
	v20 =	vadd.s32 v4, v32;
	s25 =	simm.s32 $0x2D80  }
0x3a0: {  	[tilespmem:s25], [sflag:$0x1] =	stream.indirect_vreg.gather [hbm4b:s26+s5], $0x80, v29, vm0, $0xb8;
	[tilespmem:$0x1DA00] =	vst v63  }
0x3a1: {  	v35 =	vperm.xlane v19, v13;
	v34 =	vadd.s32 v4, v33;
	s25 =	simm.s32 $0x2E00  }
0x3a2: {  	[tilespmem:s25], [sflag:$0x1] =	stream.indirect_vreg.gather [hbm4b:s26+s5], $0x80, v31, vm0, $0xb8;
	[tilespmem:$0x1DA00] =	vst v63  }
0x3a3: {  	v37 =	vperm.xlane v19, v14;
	v36 =	vadd.s32 v4, v35;
	s25 =	simm.s32 $0x2E80  }
0x3a4: {  	[tilespmem:s25], [sflag:$0x1] =	stream.indirect_vreg.gather [hbm4b:s26+s5], $0x80, v20, vm0, $0xb8;
	[tilespmem:$0x1DA00] =	vst v63  }
0x3a5: {  	v38 =	vperm.xlane v19, v15;
	v20 =	vadd.s32 v4, v37;
	s25 =	simm.s32 $0x2F00  }
0x3a6: {  	[tilespmem:s25], [sflag:$0x1] =	stream.indirect_vreg.gather [hbm4b:s26+s5], $0x80, v34, vm0, $0xb8;
	[tilespmem:$0x1DA00] =	vst v63  }
0x3a7: {  	v40 =	vperm.xlane v19, v16;
	v39 =	vadd.s32 v4, v38;
	s25 =	simm.s32 $0x2F80  }
0x3a8: {  	[tilespmem:s25], [sflag:$0x1] =	stream.indirect_vreg.gather [hbm4b:s26+s5], $0x80, v36, vm0, $0xb8;
	[tilespmem:$0x1DA00] =	vst v63  }
0x3a9: {  	v19 =	vperm.xlane v19, v17;
	v41 =	vadd.s32 v4, v40;
	s25 =	simm.s32 $0x3000  }
0x3aa: {  	[tilespmem:s25], [sflag:$0x1] =	stream.indirect_vreg.gather [hbm4b:s26+s5], $0x80, v20, vm0, $0xb8;
	[tilespmem:$0x1DA00] =	vst v63  }
0x3ab: {  	v19 =	vadd.s32 v4, v19;
	s25 =	simm.s32 $0x3080  }
0x3ac: {  	[tilespmem:s25], [sflag:$0x1] =	stream.indirect_vreg.gather [hbm4b:s26+s5], $0x80, v39, vm0, $0xb8;
	[tilespmem:$0x1DA00] =	vst v63  }
0x3ad: {  	s25 =	simm.s32 $0x3100  }
0x3ae: {  	[tilespmem:s25], [sflag:$0x1] =	stream.indirect_vreg.gather [hbm4b:s26+s5], $0x80, v41, vm0, $0xb8;
	[tilespmem:$0x1DA00] =	vst v63  }
0x3af: {  	s25 =	simm.s32 $0x3180  }
0x3b0: {  	[tilespmem:s25], [sflag:$0x1] =	stream.indirect_vreg.gather [hbm4b:s26+s5], $0x80, v19, vm0, $0xb8;
	[tilespmem:$0x1DA00] =	vst v63  }
0x3b1: {  	v19 =	vld [tilespmem:$0x60];
	_ =	sdelay $0x4  }
0x3b2: {  	v20 =	vshll.u32 v19, $0x1  }
0x3b3: {  	v19 =	vand.u32 $0x7, v19;
	v20 =	vand.u32 $0xFFFFFFF0, v20  }
0x3b4: {  	v19 =	vor.u32 v19, v20  }
0x3b5: {  	v20 =	vperm.xlane v19, v3;
	_ =	sdelay $0x1  }
0x3b6: {  	v42 =	vperm.xlane v19, v2;
	v20 =	vadd.s32 v4, v20;
	_ =	sdelay $0x1  }
0x3b7: {  	v43 =	vperm.xlane v19, v5;
	v21 =	vadd.s32 v4, v42;
	_ =	sdelay $0x1  }
0x3b8: {  	s25 =	simm.s32 $0x3200;
	v44 =	vperm.xlane v19, v6;
	v22 =	vadd.s32 v4, v43  }
0x3b9: {  	[tilespmem:s25], [sflag:$0x1] =	stream.indirect_vreg.gather [hbm4b:s26+s5], $0x80, v20, vm0, $0xb8;
	[tilespmem:$0x1DA00] =	vst v63  }
0x3ba: {  	v45 =	vperm.xlane v19, v7;
	v20 =	vadd.s32 v4, v44;
	s25 =	simm.s32 $0x3280  }
0x3bb: {  	[tilespmem:s25], [sflag:$0x1] =	stream.indirect_vreg.gather [hbm4b:s26+s5], $0x80, v21, vm0, $0xb8;
	[tilespmem:$0x1DA00] =	vst v63  }
0x3bc: {  	v47 =	vperm.xlane v19, v8;
	v46 =	vadd.s32 v4, v45;
	s25 =	simm.s32 $0x3300  }
0x3bd: {  	[tilespmem:s25], [sflag:$0x1] =	stream.indirect_vreg.gather [hbm4b:s26+s5], $0x80, v22, vm0, $0xb8;
	[tilespmem:$0x1DA00] =	vst v63  }
0x3be: {  	v49 =	vperm.xlane v19, v9;
	v48 =	vadd.s32 v4, v47;
	s25 =	simm.s32 $0x3380  }
0x3bf: {  	[tilespmem:s25], [sflag:$0x1] =	stream.indirect_vreg.gather [hbm4b:s26+s5], $0x80, v20, vm0, $0xb8;
	[tilespmem:$0x1DA00] =	vst v63  }
0x3c0: {  	v50 =	vperm.xlane v19, v1;
	v20 =	vadd.s32 v4, v49;
	s25 =	simm.s32 $0x3400  }
0x3c1: {  	[tilespmem:s25], [sflag:$0x1] =	stream.indirect_vreg.gather [hbm4b:s26+s5], $0x80, v46, vm0, $0xb8;
	[tilespmem:$0x1DA00] =	vst v63  }
0x3c2: {  	v52 =	vperm.xlane v19, v10;
	v51 =	vadd.s32 v4, v50;
	s25 =	simm.s32 $0x3480  }
0x3c3: {  	[tilespmem:s25], [sflag:$0x1] =	stream.indirect_vreg.gather [hbm4b:s26+s5], $0x80, v48, vm0, $0xb8;
	[tilespmem:$0x1DA00] =	vst v63  }
0x3c4: {  	v54 =	vperm.xlane v19, v11;
	v53 =	vadd.s32 v4, v52;
	s25 =	simm.s32 $0x3500  }
0x3c5: {  	[tilespmem:s25], [sflag:$0x1] =	stream.indirect_vreg.gather [hbm4b:s26+s5], $0x80, v20, vm0, $0xb8;
	[tilespmem:$0x1DA00] =	vst v63  }
0x3c6: {  	v55 =	vperm.xlane v19, v12;
	v20 =	vadd.s32 v4, v54;
	s25 =	simm.s32 $0x3580  }
0x3c7: {  	[tilespmem:s25], [sflag:$0x1] =	stream.indirect_vreg.gather [hbm4b:s26+s5], $0x80, v51, vm0, $0xb8;
	[tilespmem:$0x1DA00] =	vst v63  }
0x3c8: {  	v57 =	vperm.xlane v19, v13;
	v56 =	vadd.s32 v4, v55  }
0x3c9: {  	[tilespmem:s0], [sflag:$0x1] =	stream.indirect_vreg.gather [hbm4b:s26+s5], $0x80, v53, vm0, $0xb8;
	[tilespmem:$0x1DA00] =	vst v63  }
0x3ca: {  	v59 =	vperm.xlane v19, v14;
	v58 =	vadd.s32 v4, v57  }
0x3cb: {  	[tilespmem:s28], [sflag:$0x1] =	stream.indirect_vreg.gather [hbm4b:s26+s5], $0x80, v20, vm0, $0xb8;
	[tilespmem:$0x1DA00] =	vst v63  }
0x3cc: {  	v60 =	vperm.xlane v19, v15;
	v20 =	vadd.s32 v4, v59  }
0x3cd: {  	[tilespmem:s24], [sflag:$0x1] =	stream.indirect_vreg.gather [hbm4b:s26+s5], $0x80, v56, vm0, $0xb8;
	[tilespmem:$0x1DA00] =	vst v63  }
0x3ce: {  	v62 =	vperm.xlane v19, v16;
	v61 =	vadd.s32 v4, v60  }
0x3cf: {  	[tilespmem:s20], [sflag:$0x1] =	stream.indirect_vreg.gather [hbm4b:s26+s5], $0x80, v58, vm0, $0xb8;
	[tilespmem:$0x1DA00] =	vst v63  }
0x3d0: {  	v19 =	vperm.xlane v19, v17;
	v63 =	vadd.s32 v4, v62  }
0x3d1: {  	[tilespmem:s4], [sflag:$0x1] =	stream.indirect_vreg.gather [hbm4b:s26+s5], $0x80, v20, vm0, $0xb8;
	[tilespmem:$0x1DA00] =	vst v63  }
0x3d2: {  	v19 =	vadd.s32 v4, v19  }
0x3d3: {  	[tilespmem:s22], [sflag:$0x1] =	stream.indirect_vreg.gather [hbm4b:s26+s5], $0x80, v61, vm0, $0xb8;
	[tilespmem:$0x1DA00] =	vst v63  }
0x3d4: {  	_ = 	snop  }
0x3d5: {  	[tilespmem:s30], [sflag:$0x1] =	stream.indirect_vreg.gather [hbm4b:s26+s5], $0x80, v63, vm0, $0xb8;
	[tilespmem:$0x1DA00] =	vst v63  }
0x3d6: {  	_ = 	snop  }
0x3d7: {  	[tilespmem:s8], [sflag:$0x1] =	stream.indirect_vreg.gather [hbm4b:s26+s5], $0x80, v19, vm0, $0xb8;
	[tilespmem:$0x1DA00] =	vst v63  }
0x3d8: {  	p1 =	sne.s32 s7, $0xFFFFFFE0;
	_ =	swait.ge [sflag:s12], $0x3800  }
.Ltmp5:
0x3d9: {  	[sflag:s12] =	ssyncset.done $0x0;
	(pc) =	sbr.rel @p1 .LBB2_10-.Ltmp5, $4  }
0x3da: {  	s13 =	sadd.s32 $0x5B0, s13;
	[sflag:s12] =	ssyncadd.s32 $0xFFFFC800  }
0x3db: {  	[tilespmem:s21], [sflag:$0x4] =	stream.linear.gather [hbm4b:s13+s5], $0x80, $0x38;
	[tilespmem:$0x1DA00] =	vst v63  }
0x3dc: {  	s7 =	sadd.s32 $0x20, s7;
	s25 =	sadd.s32 $0x5B0, s14;
	s13 =	simm.s32 $0x3A80  }
0x3dd: {  	[tilespmem:s15], [sflag:$0x4] =	stream.linear.gather [hbm4b:s25+s5], $0x80, $0x38;
	[tilespmem:$0x1DA00] =	vst v63  }
0x3de: {  	_ =	swait.ge [sflag:s16], $0x3800  }
0x3df: {  	[sflag:s16] =	ssyncset.done $0x0  }
0x3e0: {  	[sflag:s16] =	ssyncadd.s32 $0xFFFFC800  }
0x3e1: {  	[spmem:s2] =	stream.indirect.scatter.add.f32 [tilespmem:s29], [sflag:$0x5], $0x80, s31, s19, $0xb8;
	[tilespmem:$0x1DA00] =	vst v63  }
0x3e2: {  	_ =	swait.ge [sflag:s18], $0x80  }
0x3e3: {  	[sflag:s18] =	ssyncset.done $0x0  }
0x3e4: {  	[sflag:s18] =	ssyncadd.s32 $0xFFFFFF80  }
0x3e5: {  	_ =	swait.ge [sflag:s18], $0x80  }
0x3e6: {  	[sflag:s18] =	ssyncset.done $0x0  }
0x3e7: {  	[sflag:s18] =	ssyncadd.s32 $0xFFFFFF80  }
0x3e8: {  	v19 =	vld [tilespmem:$0x100];
	_ =	sdelay $0x4  }
0x3e9: {  	v20 =	vshll.u32 v19, $0x1  }
0x3ea: {  	v19 =	vand.u32 $0x7, v19;
	v20 =	vand.u32 $0xFFFFFFF0, v20  }
0x3eb: {  	v19 =	vor.u32 v19, v20  }
0x3ec: {  	v20 =	vperm.xlane v19, v3;
	_ =	sdelay $0x1  }
0x3ed: {  	v21 =	vperm.xlane v19, v2;
	v20 =	vadd.s32 v4, v20;
	_ =	sdelay $0x1  }
0x3ee: {  	v22 =	vperm.xlane v19, v5;
	v21 =	vadd.s32 v4, v21;
	_ =	sdelay $0x1  }
0x3ef: {  	v23 =	vperm.xlane v19, v6;
	v22 =	vadd.s32 v4, v22  }
0x3f0: {  	[tilespmem:s17], [sflag:$0x2] =	stream.indirect_vreg.gather [hbm4b:s26+s5], $0x80, v20, vm0, $0xb8;
	[tilespmem:$0x1DA00] =	vst v63  }
0x3f1: {  	v33 =	vperm.xlane v19, v7;
	v20 =	vadd.s32 v4, v23  }
0x3f2: {  	[tilespmem:s13], [sflag:$0x2] =	stream.indirect_vreg.gather [hbm4b:s26+s5], $0x80, v21, vm0, $0xb8;
	[tilespmem:$0x1DA00] =	vst v63  }
0x3f3: {  	s0 =	simm.s32 $0x3B00;
	v35 =	vperm.xlane v19, v8;
	v34 =	vadd.s32 v4, v33  }
0x3f4: {  	[tilespmem:s0], [sflag:$0x2] =	stream.indirect_vreg.gather [hbm4b:s26+s5], $0x80, v22, vm0, $0xb8;
	[tilespmem:$0x1DA00] =	vst v63  }
0x3f5: {  	s23 =	simm.s32 $0x3B80;
	v37 =	vperm.xlane v19, v9;
	v36 =	vadd.s32 v4, v35  }
0x3f6: {  	[tilespmem:s23], [sflag:$0x2] =	stream.indirect_vreg.gather [hbm4b:s26+s5], $0x80, v20, vm0, $0xb8;
	[tilespmem:$0x1DA00] =	vst v63  }
0x3f7: {  	s24 =	simm.s32 $0x3C00;
	v38 =	vperm.xlane v19, v1;
	v20 =	vadd.s32 v4, v37  }
0x3f8: {  	[tilespmem:s24], [sflag:$0x2] =	stream.indirect_vreg.gather [hbm4b:s26+s5], $0x80, v34, vm0, $0xb8;
	[tilespmem:$0x1DA00] =	vst v63  }
0x3f9: {  	s25 =	simm.s32 $0x3C80;
	v40 =	vperm.xlane v19, v10;
	v39 =	vadd.s32 v4, v38  }
0x3fa: {  	[tilespmem:s25], [sflag:$0x2] =	stream.indirect_vreg.gather [hbm4b:s26+s5], $0x80, v36, vm0, $0xb8;
	[tilespmem:$0x1DA00] =	vst v63  }
0x3fb: {  	s28 =	simm.s32 $0x3D00;
	v42 =	vperm.xlane v19, v11;
	v41 =	vadd.s32 v4, v40  }
0x3fc: {  	[tilespmem:s28], [sflag:$0x2] =	stream.indirect_vreg.gather [hbm4b:s26+s5], $0x80, v20, vm0, $0xb8;
	[tilespmem:$0x1DA00] =	vst v63  }
0x3fd: {  	s3 =	simm.s32 $0x3D80;
	v43 =	vperm.xlane v19, v12;
	v20 =	vadd.s32 v4, v42  }
0x3fe: {  	[tilespmem:s3], [sflag:$0x2] =	stream.indirect_vreg.gather [hbm4b:s26+s5], $0x80, v39, vm0, $0xb8;
	[tilespmem:$0x1DA00] =	vst v63  }
0x3ff: {  	s4 =	simm.s32 $0x3E00;
	v45 =	vperm.xlane v19, v13;
	v44 =	vadd.s32 v4, v43  }
0x400: {  	[tilespmem:s4], [sflag:$0x2] =	stream.indirect_vreg.gather [hbm4b:s26+s5], $0x80, v41, vm0, $0xb8;
	[tilespmem:$0x1DA00] =	vst v63  }
0x401: {  	s7 =	simm.s32 $0x3E80;
	v47 =	vperm.xlane v19, v14;
	v46 =	vadd.s32 v4, v45  }
0x402: {  	[tilespmem:s7], [sflag:$0x2] =	stream.indirect_vreg.gather [hbm4b:s26+s5], $0x80, v20, vm0, $0xb8;
	[tilespmem:$0x1DA00] =	vst v63  }
0x403: {  	s8 =	simm.s32 $0x3F00;
	v48 =	vperm.xlane v19, v15;
	v20 =	vadd.s32 v4, v47  }
0x404: {  	[tilespmem:s8], [sflag:$0x2] =	stream.indirect_vreg.gather [hbm4b:s26+s5], $0x80, v44, vm0, $0xb8;
	[tilespmem:$0x1DA00] =	vst v63  }
0x405: {  	v50 =	vperm.xlane v19, v16;
	v49 =	vadd.s32 v4, v48;
	s13 =	simm.s32 $0x3F80  }
0x406: {  	[tilespmem:s13], [sflag:$0x2] =	stream.indirect_vreg.gather [hbm4b:s26+s5], $0x80, v46, vm0, $0xb8;
	[tilespmem:$0x1DA00] =	vst v63  }
0x407: {  	s14 =	simm.s32 $0x4000;
	v19 =	vperm.xlane v19, v17;
	v51 =	vadd.s32 v4, v50  }
0x408: {  	[tilespmem:s14], [sflag:$0x2] =	stream.indirect_vreg.gather [hbm4b:s26+s5], $0x80, v20, vm0, $0xb8;
	[tilespmem:$0x1DA00] =	vst v63  }
0x409: {  	v19 =	vadd.s32 v4, v19;
	s17 =	simm.s32 $0x4080  }
0x40a: {  	[tilespmem:s17], [sflag:$0x2] =	stream.indirect_vreg.gather [hbm4b:s26+s5], $0x80, v49, vm0, $0xb8;
	[tilespmem:$0x1DA00] =	vst v63  }
0x40b: {  	s19 =	simm.s32 $0x4100  }
0x40c: {  	[tilespmem:s19], [sflag:$0x2] =	stream.indirect_vreg.gather [hbm4b:s26+s5], $0x80, v51, vm0, $0xb8;
	[tilespmem:$0x1DA00] =	vst v63  }
0x40d: {  	s20 =	simm.s32 $0x4180  }
0x40e: {  	[tilespmem:s20], [sflag:$0x2] =	stream.indirect_vreg.gather [hbm4b:s26+s5], $0x80, v19, vm0, $0xb8;
	[tilespmem:$0x1DA00] =	vst v63  }
0x40f: {  	v19 =	vld [tilespmem:$0x110];
	_ =	sdelay $0x4  }
0x410: {  	v20 =	vshll.u32 v19, $0x1  }
0x411: {  	v19 =	vand.u32 $0x7, v19;
	v20 =	vand.u32 $0xFFFFFFF0, v20  }
0x412: {  	v19 =	vor.u32 v19, v20  }
0x413: {  	v20 =	vperm.xlane v19, v3;
	_ =	sdelay $0x1  }
0x414: {  	v52 =	vperm.xlane v19, v2;
	v20 =	vadd.s32 v4, v20;
	_ =	sdelay $0x1  }
0x415: {  	v53 =	vperm.xlane v19, v5;
	v21 =	vadd.s32 v4, v52;
	_ =	sdelay $0x1  }
0x416: {  	s21 =	simm.s32 $0x4200;
	v54 =	vperm.xlane v19, v6;
	v22 =	vadd.s32 v4, v53  }
0x417: {  	[tilespmem:s21], [sflag:$0x2] =	stream.indirect_vreg.gather [hbm4b:s26+s5], $0x80, v20, vm0, $0xb8;
	[tilespmem:$0x1DA00] =	vst v63  }
0x418: {  	s22 =	simm.s32 $0x4280;
	v55 =	vperm.xlane v19, v7;
	v20 =	vadd.s32 v4, v54  }
0x419: {  	[tilespmem:s22], [sflag:$0x2] =	stream.indirect_vreg.gather [hbm4b:s26+s5], $0x80, v21, vm0, $0xb8;
	[tilespmem:$0x1DA00] =	vst v63  }
0x41a: {  	s23 =	simm.s32 $0x4300;
	v57 =	vperm.xlane v19, v8;
	v56 =	vadd.s32 v4, v55  }
0x41b: {  	[tilespmem:s23], [sflag:$0x2] =	stream.indirect_vreg.gather [hbm4b:s26+s5], $0x80, v22, vm0, $0xb8;
	[tilespmem:$0x1DA00] =	vst v63  }
0x41c: {  	s24 =	simm.s32 $0x4380;
	v59 =	vperm.xlane v19, v9;
	v58 =	vadd.s32 v4, v57  }
0x41d: {  	[tilespmem:s24], [sflag:$0x2] =	stream.indirect_vreg.gather [hbm4b:s26+s5], $0x80, v20, vm0, $0xb8;
	[tilespmem:$0x1DA00] =	vst v63  }
0x41e: {  	s25 =	simm.s32 $0x4400;
	v60 =	vperm.xlane v19, v1;
	v20 =	vadd.s32 v4, v59  }
0x41f: {  	[tilespmem:s25], [sflag:$0x2] =	stream.indirect_vreg.gather [hbm4b:s26+s5], $0x80, v56, vm0, $0xb8;
	[tilespmem:$0x1DA00] =	vst v63  }
0x420: {  	s28 =	simm.s32 $0x4480;
	v62 =	vperm.xlane v19, v10;
	v61 =	vadd.s32 v4, v60  }
0x421: {  	[tilespmem:s28], [sflag:$0x2] =	stream.indirect_vreg.gather [hbm4b:s26+s5], $0x80, v58, vm0, $0xb8;
	[tilespmem:$0x1DA00] =	vst v63  }
0x422: {  	s3 =	simm.s32 $0x4500;
	v24 =	vperm.xlane v19, v11;
	v63 =	vadd.s32 v4, v62  }
0x423: {  	[tilespmem:s3], [sflag:$0x2] =	stream.indirect_vreg.gather [hbm4b:s26+s5], $0x80, v20, vm0, $0xb8;
	[tilespmem:$0x1DA00] =	vst v63  }
0x424: {  	s4 =	simm.s32 $0x4580;
	v25 =	vperm.xlane v19, v12;
	v20 =	vadd.s32 v4, v24  }
0x425: {  	[tilespmem:s4], [sflag:$0x2] =	stream.indirect_vreg.gather [hbm4b:s26+s5], $0x80, v61, vm0, $0xb8;
	[tilespmem:$0x1DA00] =	vst v63  }
0x426: {  	s7 =	simm.s32 $0x4600;
	v27 =	vperm.xlane v19, v13;
	v26 =	vadd.s32 v4, v25  }
0x427: {  	[tilespmem:s7], [sflag:$0x2] =	stream.indirect_vreg.gather [hbm4b:s26+s5], $0x80, v63, vm0, $0xb8;
	[tilespmem:$0x1DA00] =	vst v63  }
0x428: {  	s8 =	simm.s32 $0x4680;
	v29 =	vperm.xlane v19, v14;
	v28 =	vadd.s32 v4, v27  }
0x429: {  	[tilespmem:s8], [sflag:$0x2] =	stream.indirect_vreg.gather [hbm4b:s26+s5], $0x80, v20, vm0, $0xb8;
	[tilespmem:$0x1DA00] =	vst v63  }
0x42a: {  	s13 =	simm.s32 $0x4700;
	v30 =	vperm.xlane v19, v15;
	v20 =	vadd.s32 v4, v29  }
0x42b: {  	[tilespmem:s13], [sflag:$0x2] =	stream.indirect_vreg.gather [hbm4b:s26+s5], $0x80, v26, vm0, $0xb8;
	[tilespmem:$0x1DA00] =	vst v63  }
0x42c: {  	s14 =	simm.s32 $0x4780;
	v32 =	vperm.xlane v19, v16;
	v31 =	vadd.s32 v4, v30  }
0x42d: {  	[tilespmem:s14], [sflag:$0x2] =	stream.indirect_vreg.gather [hbm4b:s26+s5], $0x80, v28, vm0, $0xb8;
	[tilespmem:$0x1DA00] =	vst v63  }
0x42e: {  	s17 =	simm.s32 $0x4800;
	v19 =	vperm.xlane v19, v17;
	v33 =	vadd.s32 v4, v32  }
0x42f: {  	[tilespmem:s17], [sflag:$0x2] =	stream.indirect_vreg.gather [hbm4b:s26+s5], $0x80, v20, vm0, $0xb8;
	[tilespmem:$0x1DA00] =	vst v63  }
0x430: {  	s19 =	simm.s32 $0x4880;
	v19 =	vadd.s32 v4, v19  }
0x431: {  	[tilespmem:s19], [sflag:$0x2] =	stream.indirect_vreg.gather [hbm4b:s26+s5], $0x80, v31, vm0, $0xb8;
	[tilespmem:$0x1DA00] =	vst v63  }
0x432: {  	s20 =	simm.s32 $0x4900  }
0x433: {  	[tilespmem:s20], [sflag:$0x2] =	stream.indirect_vreg.gather [hbm4b:s26+s5], $0x80, v33, vm0, $0xb8;
	[tilespmem:$0x1DA00] =	vst v63  }
0x434: {  	s21 =	simm.s32 $0x4980  }
0x435: {  	[tilespmem:s21], [sflag:$0x2] =	stream.indirect_vreg.gather [hbm4b:s26+s5], $0x80, v19, vm0, $0xb8;
	[tilespmem:$0x1DA00] =	vst v63  }
0x436: {  	v19 =	vld [tilespmem:$0x120];
	_ =	sdelay $0x4  }
0x437: {  	v20 =	vshll.u32 v19, $0x1  }
0x438: {  	v19 =	vand.u32 $0x7, v19;
	v20 =	vand.u32 $0xFFFFFFF0, v20  }
0x439: {  	v19 =	vor.u32 v19, v20  }
0x43a: {  	v20 =	vperm.xlane v19, v3;
	_ =	sdelay $0x1  }
0x43b: {  	v34 =	vperm.xlane v19, v2;
	v20 =	vadd.s32 v4, v20;
	_ =	sdelay $0x1  }
0x43c: {  	v35 =	vperm.xlane v19, v5;
	v21 =	vadd.s32 v4, v34;
	_ =	sdelay $0x1  }
0x43d: {  	s22 =	simm.s32 $0x4A00;
	v36 =	vperm.xlane v19, v6;
	v22 =	vadd.s32 v4, v35  }
0x43e: {  	[tilespmem:s22], [sflag:$0x2] =	stream.indirect_vreg.gather [hbm4b:s26+s5], $0x80, v20, vm0, $0xb8;
	[tilespmem:$0x1DA00] =	vst v63  }
0x43f: {  	s23 =	simm.s32 $0x4A80;
	v37 =	vperm.xlane v19, v7;
	v20 =	vadd.s32 v4, v36  }
0x440: {  	[tilespmem:s23], [sflag:$0x2] =	stream.indirect_vreg.gather [hbm4b:s26+s5], $0x80, v21, vm0, $0xb8;
	[tilespmem:$0x1DA00] =	vst v63  }
0x441: {  	s24 =	simm.s32 $0x4B00;
	v39 =	vperm.xlane v19, v8;
	v38 =	vadd.s32 v4, v37  }
0x442: {  	[tilespmem:s24], [sflag:$0x2] =	stream.indirect_vreg.gather [hbm4b:s26+s5], $0x80, v22, vm0, $0xb8;
	[tilespmem:$0x1DA00] =	vst v63  }
0x443: {  	s25 =	simm.s32 $0x4B80;
	v41 =	vperm.xlane v19, v9;
	v40 =	vadd.s32 v4, v39  }
0x444: {  	[tilespmem:s25], [sflag:$0x2] =	stream.indirect_vreg.gather [hbm4b:s26+s5], $0x80, v20, vm0, $0xb8;
	[tilespmem:$0x1DA00] =	vst v63  }
0x445: {  	s28 =	simm.s32 $0x4C00;
	v42 =	vperm.xlane v19, v1;
	v20 =	vadd.s32 v4, v41  }
0x446: {  	[tilespmem:s28], [sflag:$0x2] =	stream.indirect_vreg.gather [hbm4b:s26+s5], $0x80, v38, vm0, $0xb8;
	[tilespmem:$0x1DA00] =	vst v63  }
0x447: {  	s3 =	simm.s32 $0x4C80;
	v44 =	vperm.xlane v19, v10;
	v43 =	vadd.s32 v4, v42  }
0x448: {  	[tilespmem:s3], [sflag:$0x2] =	stream.indirect_vreg.gather [hbm4b:s26+s5], $0x80, v40, vm0, $0xb8;
	[tilespmem:$0x1DA00] =	vst v63  }
0x449: {  	s4 =	simm.s32 $0x4D00;
	v46 =	vperm.xlane v19, v11;
	v45 =	vadd.s32 v4, v44  }
0x44a: {  	[tilespmem:s4], [sflag:$0x2] =	stream.indirect_vreg.gather [hbm4b:s26+s5], $0x80, v20, vm0, $0xb8;
	[tilespmem:$0x1DA00] =	vst v63  }
0x44b: {  	s7 =	simm.s32 $0x4D80;
	v47 =	vperm.xlane v19, v12;
	v20 =	vadd.s32 v4, v46  }
0x44c: {  	[tilespmem:s7], [sflag:$0x2] =	stream.indirect_vreg.gather [hbm4b:s26+s5], $0x80, v43, vm0, $0xb8;
	[tilespmem:$0x1DA00] =	vst v63  }
0x44d: {  	s8 =	simm.s32 $0x4E00;
	v49 =	vperm.xlane v19, v13;
	v48 =	vadd.s32 v4, v47  }
0x44e: {  	[tilespmem:s8], [sflag:$0x2] =	stream.indirect_vreg.gather [hbm4b:s26+s5], $0x80, v45, vm0, $0xb8;
	[tilespmem:$0x1DA00] =	vst v63  }
0x44f: {  	s13 =	simm.s32 $0x4E80;
	v51 =	vperm.xlane v19, v14;
	v50 =	vadd.s32 v4, v49  }
0x450: {  	[tilespmem:s13], [sflag:$0x2] =	stream.indirect_vreg.gather [hbm4b:s26+s5], $0x80, v20, vm0, $0xb8;
	[tilespmem:$0x1DA00] =	vst v63  }
0x451: {  	s14 =	simm.s32 $0x4F00;
	v52 =	vperm.xlane v19, v15;
	v20 =	vadd.s32 v4, v51  }
0x452: {  	[tilespmem:s14], [sflag:$0x2] =	stream.indirect_vreg.gather [hbm4b:s26+s5], $0x80, v48, vm0, $0xb8;
	[tilespmem:$0x1DA00] =	vst v63  }
0x453: {  	s17 =	simm.s32 $0x4F80;
	v54 =	vperm.xlane v19, v16;
	v53 =	vadd.s32 v4, v52  }
0x454: {  	[tilespmem:s17], [sflag:$0x2] =	stream.indirect_vreg.gather [hbm4b:s26+s5], $0x80, v50, vm0, $0xb8;
	[tilespmem:$0x1DA00] =	vst v63  }
0x455: {  	s19 =	simm.s32 $0x5000;
	v19 =	vperm.xlane v19, v17;
	v55 =	vadd.s32 v4, v54  }
0x456: {  	[tilespmem:s19], [sflag:$0x2] =	stream.indirect_vreg.gather [hbm4b:s26+s5], $0x80, v20, vm0, $0xb8;
	[tilespmem:$0x1DA00] =	vst v63  }
0x457: {  	s20 =	simm.s32 $0x5080;
	v19 =	vadd.s32 v4, v19  }
0x458: {  	[tilespmem:s20], [sflag:$0x2] =	stream.indirect_vreg.gather [hbm4b:s26+s5], $0x80, v53, vm0, $0xb8;
	[tilespmem:$0x1DA00] =	vst v63  }
0x459: {  	s21 =	simm.s32 $0x5100  }
0x45a: {  	[tilespmem:s21], [sflag:$0x2] =	stream.indirect_vreg.gather [hbm4b:s26+s5], $0x80, v55, vm0, $0xb8;
	[tilespmem:$0x1DA00] =	vst v63  }
0x45b: {  	s22 =	simm.s32 $0x5180  }
0x45c: {  	[tilespmem:s22], [sflag:$0x2] =	stream.indirect_vreg.gather [hbm4b:s26+s5], $0x80, v19, vm0, $0xb8;
	[tilespmem:$0x1DA00] =	vst v63  }
0x45d: {  	v19 =	vld [tilespmem:$0x130];
	_ =	sdelay $0x4  }
0x45e: {  	v20 =	vshll.u32 v19, $0x1  }
0x45f: {  	v19 =	vand.u32 $0x7, v19;
	v20 =	vand.u32 $0xFFFFFFF0, v20  }
0x460: {  	v19 =	vor.u32 v19, v20  }
0x461: {  	v20 =	vperm.xlane v19, v3;
	_ =	sdelay $0x1  }
0x462: {  	v56 =	vperm.xlane v19, v2;
	v20 =	vadd.s32 v4, v20;
	_ =	sdelay $0x1  }
0x463: {  	v57 =	vperm.xlane v19, v5;
	v21 =	vadd.s32 v4, v56;
	_ =	sdelay $0x1  }
0x464: {  	s23 =	simm.s32 $0x5200;
	v58 =	vperm.xlane v19, v6;
	v22 =	vadd.s32 v4, v57  }
0x465: {  	[tilespmem:s23], [sflag:$0x2] =	stream.indirect_vreg.gather [hbm4b:s26+s5], $0x80, v20, vm0, $0xb8;
	[tilespmem:$0x1DA00] =	vst v63  }
0x466: {  	s24 =	simm.s32 $0x5280;
	v59 =	vperm.xlane v19, v7;
	v20 =	vadd.s32 v4, v58  }
0x467: {  	[tilespmem:s24], [sflag:$0x2] =	stream.indirect_vreg.gather [hbm4b:s26+s5], $0x80, v21, vm0, $0xb8;
	[tilespmem:$0x1DA00] =	vst v63  }
0x468: {  	s25 =	simm.s32 $0x5300;
	v61 =	vperm.xlane v19, v8;
	v60 =	vadd.s32 v4, v59  }
0x469: {  	[tilespmem:s25], [sflag:$0x2] =	stream.indirect_vreg.gather [hbm4b:s26+s5], $0x80, v22, vm0, $0xb8;
	[tilespmem:$0x1DA00] =	vst v63  }
0x46a: {  	s28 =	simm.s32 $0x5380;
	v63 =	vperm.xlane v19, v9;
	v62 =	vadd.s32 v4, v61  }
0x46b: {  	[tilespmem:s28], [sflag:$0x2] =	stream.indirect_vreg.gather [hbm4b:s26+s5], $0x80, v20, vm0, $0xb8;
	[tilespmem:$0x1DA00] =	vst v63  }
0x46c: {  	s3 =	simm.s32 $0x5400;
	v24 =	vperm.xlane v19, v1;
	v20 =	vadd.s32 v4, v63  }
0x46d: {  	[tilespmem:s3], [sflag:$0x2] =	stream.indirect_vreg.gather [hbm4b:s26+s5], $0x80, v60, vm0, $0xb8;
	[tilespmem:$0x1DA00] =	vst v63  }
0x46e: {  	s4 =	simm.s32 $0x5480;
	v26 =	vperm.xlane v19, v10;
	v25 =	vadd.s32 v4, v24  }
0x46f: {  	[tilespmem:s4], [sflag:$0x2] =	stream.indirect_vreg.gather [hbm4b:s26+s5], $0x80, v62, vm0, $0xb8;
	[tilespmem:$0x1DA00] =	vst v63  }
0x470: {  	s7 =	simm.s32 $0x5500;
	v28 =	vperm.xlane v19, v11;
	v27 =	vadd.s32 v4, v26  }
0x471: {  	[tilespmem:s7], [sflag:$0x2] =	stream.indirect_vreg.gather [hbm4b:s26+s5], $0x80, v20, vm0, $0xb8;
	[tilespmem:$0x1DA00] =	vst v63  }
0x472: {  	s8 =	simm.s32 $0x5580;
	v29 =	vperm.xlane v19, v12;
	v20 =	vadd.s32 v4, v28  }
0x473: {  	[tilespmem:s8], [sflag:$0x2] =	stream.indirect_vreg.gather [hbm4b:s26+s5], $0x80, v25, vm0, $0xb8;
	[tilespmem:$0x1DA00] =	vst v63  }
0x474: {  	s13 =	simm.s32 $0x5600;
	v31 =	vperm.xlane v19, v13;
	v30 =	vadd.s32 v4, v29  }
0x475: {  	[tilespmem:s13], [sflag:$0x2] =	stream.indirect_vreg.gather [hbm4b:s26+s5], $0x80, v27, vm0, $0xb8;
	[tilespmem:$0x1DA00] =	vst v63  }
0x476: {  	s14 =	simm.s32 $0x5680;
	v33 =	vperm.xlane v19, v14;
	v32 =	vadd.s32 v4, v31  }
0x477: {  	[tilespmem:s14], [sflag:$0x2] =	stream.indirect_vreg.gather [hbm4b:s26+s5], $0x80, v20, vm0, $0xb8;
	[tilespmem:$0x1DA00] =	vst v63  }
0x478: {  	s17 =	simm.s32 $0x5700;
	v34 =	vperm.xlane v19, v15;
	v20 =	vadd.s32 v4, v33  }
0x479: {  	[tilespmem:s17], [sflag:$0x2] =	stream.indirect_vreg.gather [hbm4b:s26+s5], $0x80, v30, vm0, $0xb8;
	[tilespmem:$0x1DA00] =	vst v63  }
0x47a: {  	s19 =	simm.s32 $0x5780;
	v36 =	vperm.xlane v19, v16;
	v35 =	vadd.s32 v4, v34  }
0x47b: {  	[tilespmem:s19], [sflag:$0x2] =	stream.indirect_vreg.gather [hbm4b:s26+s5], $0x80, v32, vm0, $0xb8;
	[tilespmem:$0x1DA00] =	vst v63  }
0x47c: {  	s20 =	simm.s32 $0x5800;
	v19 =	vperm.xlane v19, v17;
	v37 =	vadd.s32 v4, v36  }
0x47d: {  	[tilespmem:s20], [sflag:$0x2] =	stream.indirect_vreg.gather [hbm4b:s26+s5], $0x80, v20, vm0, $0xb8;
	[tilespmem:$0x1DA00] =	vst v63  }
0x47e: {  	s21 =	simm.s32 $0x5880;
	v19 =	vadd.s32 v4, v19  }
0x47f: {  	[tilespmem:s21], [sflag:$0x2] =	stream.indirect_vreg.gather [hbm4b:s26+s5], $0x80, v35, vm0, $0xb8;
	[tilespmem:$0x1DA00] =	vst v63  }
0x480: {  	s22 =	simm.s32 $0x5900  }
0x481: {  	[tilespmem:s22], [sflag:$0x2] =	stream.indirect_vreg.gather [hbm4b:s26+s5], $0x80, v37, vm0, $0xb8;
	[tilespmem:$0x1DA00] =	vst v63  }
0x482: {  	s23 =	simm.s32 $0x5980  }
0x483: {  	[tilespmem:s23], [sflag:$0x2] =	stream.indirect_vreg.gather [hbm4b:s26+s5], $0x80, v19, vm0, $0xb8;
	[tilespmem:$0x1DA00] =	vst v63  }
0x484: {  	v19 =	vld [tilespmem:$0x140];
	_ =	sdelay $0x4  }
0x485: {  	v20 =	vshll.u32 v19, $0x1  }
0x486: {  	v19 =	vand.u32 $0x7, v19;
	v20 =	vand.u32 $0xFFFFFFF0, v20  }
0x487: {  	v19 =	vor.u32 v19, v20  }
0x488: {  	v20 =	vperm.xlane v19, v3;
	_ =	sdelay $0x1  }
0x489: {  	v38 =	vperm.xlane v19, v2;
	v20 =	vadd.s32 v4, v20;
	_ =	sdelay $0x1  }
0x48a: {  	v39 =	vperm.xlane v19, v5;
	v21 =	vadd.s32 v4, v38;
	_ =	sdelay $0x1  }
0x48b: {  	s24 =	simm.s32 $0x5A00;
	v40 =	vperm.xlane v19, v6;
	v22 =	vadd.s32 v4, v39  }
0x48c: {  	[tilespmem:s24], [sflag:$0x2] =	stream.indirect_vreg.gather [hbm4b:s26+s5], $0x80, v20, vm0, $0xb8;
	[tilespmem:$0x1DA00] =	vst v63  }
0x48d: {  	s25 =	simm.s32 $0x5A80;
	v41 =	vperm.xlane v19, v7;
	v20 =	vadd.s32 v4, v40  }
0x48e: {  	[tilespmem:s25], [sflag:$0x2] =	stream.indirect_vreg.gather [hbm4b:s26+s5], $0x80, v21, vm0, $0xb8;
	[tilespmem:$0x1DA00] =	vst v63  }
0x48f: {  	s28 =	simm.s32 $0x5B00;
	v43 =	vperm.xlane v19, v8;
	v42 =	vadd.s32 v4, v41  }
0x490: {  	[tilespmem:s28], [sflag:$0x2] =	stream.indirect_vreg.gather [hbm4b:s26+s5], $0x80, v22, vm0, $0xb8;
	[tilespmem:$0x1DA00] =	vst v63  }
0x491: {  	s3 =	simm.s32 $0x5B80;
	v45 =	vperm.xlane v19, v9;
	v44 =	vadd.s32 v4, v43  }
0x492: {  	[tilespmem:s3], [sflag:$0x2] =	stream.indirect_vreg.gather [hbm4b:s26+s5], $0x80, v20, vm0, $0xb8;
	[tilespmem:$0x1DA00] =	vst v63  }
0x493: {  	s4 =	simm.s32 $0x5C00;
	v46 =	vperm.xlane v19, v1;
	v20 =	vadd.s32 v4, v45  }
0x494: {  	[tilespmem:s4], [sflag:$0x2] =	stream.indirect_vreg.gather [hbm4b:s26+s5], $0x80, v42, vm0, $0xb8;
	[tilespmem:$0x1DA00] =	vst v63  }
0x495: {  	s7 =	simm.s32 $0x5C80;
	v48 =	vperm.xlane v19, v10;
	v47 =	vadd.s32 v4, v46  }
0x496: {  	[tilespmem:s7], [sflag:$0x2] =	stream.indirect_vreg.gather [hbm4b:s26+s5], $0x80, v44, vm0, $0xb8;
	[tilespmem:$0x1DA00] =	vst v63  }
0x497: {  	s8 =	simm.s32 $0x5D00;
	v50 =	vperm.xlane v19, v11;
	v49 =	vadd.s32 v4, v48  }
0x498: {  	[tilespmem:s8], [sflag:$0x2] =	stream.indirect_vreg.gather [hbm4b:s26+s5], $0x80, v20, vm0, $0xb8;
	[tilespmem:$0x1DA00] =	vst v63  }
0x499: {  	s13 =	simm.s32 $0x5D80;
	v51 =	vperm.xlane v19, v12;
	v20 =	vadd.s32 v4, v50  }
0x49a: {  	[tilespmem:s13], [sflag:$0x2] =	stream.indirect_vreg.gather [hbm4b:s26+s5], $0x80, v47, vm0, $0xb8;
	[tilespmem:$0x1DA00] =	vst v63  }
0x49b: {  	s14 =	simm.s32 $0x5E00;
	v53 =	vperm.xlane v19, v13;
	v52 =	vadd.s32 v4, v51  }
0x49c: {  	[tilespmem:s14], [sflag:$0x2] =	stream.indirect_vreg.gather [hbm4b:s26+s5], $0x80, v49, vm0, $0xb8;
	[tilespmem:$0x1DA00] =	vst v63  }
0x49d: {  	s17 =	simm.s32 $0x5E80;
	v55 =	vperm.xlane v19, v14;
	v54 =	vadd.s32 v4, v53  }
0x49e: {  	[tilespmem:s17], [sflag:$0x2] =	stream.indirect_vreg.gather [hbm4b:s26+s5], $0x80, v20, vm0, $0xb8;
	[tilespmem:$0x1DA00] =	vst v63  }
0x49f: {  	s19 =	simm.s32 $0x5F00;
	v56 =	vperm.xlane v19, v15;
	v20 =	vadd.s32 v4, v55  }
0x4a0: {  	[tilespmem:s19], [sflag:$0x2] =	stream.indirect_vreg.gather [hbm4b:s26+s5], $0x80, v52, vm0, $0xb8;
	[tilespmem:$0x1DA00] =	vst v63  }
0x4a1: {  	s20 =	simm.s32 $0x5F80;
	v58 =	vperm.xlane v19, v16;
	v57 =	vadd.s32 v4, v56  }
0x4a2: {  	[tilespmem:s20], [sflag:$0x2] =	stream.indirect_vreg.gather [hbm4b:s26+s5], $0x80, v54, vm0, $0xb8;
	[tilespmem:$0x1DA00] =	vst v63  }
0x4a3: {  	s21 =	simm.s32 $0x6000;
	v19 =	vperm.xlane v19, v17;
	v59 =	vadd.s32 v4, v58  }
0x4a4: {  	[tilespmem:s21], [sflag:$0x2] =	stream.indirect_vreg.gather [hbm4b:s26+s5], $0x80, v20, vm0, $0xb8;
	[tilespmem:$0x1DA00] =	vst v63  }
0x4a5: {  	s22 =	simm.s32 $0x6080;
	v19 =	vadd.s32 v4, v19  }
0x4a6: {  	[tilespmem:s22], [sflag:$0x2] =	stream.indirect_vreg.gather [hbm4b:s26+s5], $0x80, v57, vm0, $0xb8;
	[tilespmem:$0x1DA00] =	vst v63  }
0x4a7: {  	s23 =	simm.s32 $0x6100  }
0x4a8: {  	[tilespmem:s23], [sflag:$0x2] =	stream.indirect_vreg.gather [hbm4b:s26+s5], $0x80, v59, vm0, $0xb8;
	[tilespmem:$0x1DA00] =	vst v63  }
0x4a9: {  	s24 =	simm.s32 $0x6180  }
0x4aa: {  	[tilespmem:s24], [sflag:$0x2] =	stream.indirect_vreg.gather [hbm4b:s26+s5], $0x80, v19, vm0, $0xb8;
	[tilespmem:$0x1DA00] =	vst v63  }
0x4ab: {  	v19 =	vld [tilespmem:$0x150];
	_ =	sdelay $0x4  }
0x4ac: {  	v20 =	vshll.u32 v19, $0x1  }
0x4ad: {  	v19 =	vand.u32 $0x7, v19;
	v20 =	vand.u32 $0xFFFFFFF0, v20  }
0x4ae: {  	v19 =	vor.u32 v19, v20  }
0x4af: {  	v20 =	vperm.xlane v19, v3;
	_ =	sdelay $0x1  }
0x4b0: {  	v60 =	vperm.xlane v19, v2;
	v20 =	vadd.s32 v4, v20;
	_ =	sdelay $0x1  }
0x4b1: {  	v61 =	vperm.xlane v19, v5;
	v21 =	vadd.s32 v4, v60;
	_ =	sdelay $0x1  }
0x4b2: {  	s25 =	simm.s32 $0x6200;
	v62 =	vperm.xlane v19, v6;
	v22 =	vadd.s32 v4, v61  }
0x4b3: {  	[tilespmem:s25], [sflag:$0x2] =	stream.indirect_vreg.gather [hbm4b:s26+s5], $0x80, v20, vm0, $0xb8;
	[tilespmem:$0x1DA00] =	vst v63  }
0x4b4: {  	s28 =	simm.s32 $0x6280;
	v63 =	vperm.xlane v19, v7;
	v20 =	vadd.s32 v4, v62  }
0x4b5: {  	[tilespmem:s28], [sflag:$0x2] =	stream.indirect_vreg.gather [hbm4b:s26+s5], $0x80, v21, vm0, $0xb8;
	[tilespmem:$0x1DA00] =	vst v63  }
0x4b6: {  	s3 =	simm.s32 $0x6300;
	v25 =	vperm.xlane v19, v8;
	v24 =	vadd.s32 v4, v63  }
0x4b7: {  	[tilespmem:s3], [sflag:$0x2] =	stream.indirect_vreg.gather [hbm4b:s26+s5], $0x80, v22, vm0, $0xb8;
	[tilespmem:$0x1DA00] =	vst v63  }
0x4b8: {  	s4 =	simm.s32 $0x6380;
	v27 =	vperm.xlane v19, v9;
	v26 =	vadd.s32 v4, v25  }
0x4b9: {  	[tilespmem:s4], [sflag:$0x2] =	stream.indirect_vreg.gather [hbm4b:s26+s5], $0x80, v20, vm0, $0xb8;
	[tilespmem:$0x1DA00] =	vst v63  }
0x4ba: {  	s7 =	simm.s32 $0x6400;
	v28 =	vperm.xlane v19, v1;
	v20 =	vadd.s32 v4, v27  }
0x4bb: {  	[tilespmem:s7], [sflag:$0x2] =	stream.indirect_vreg.gather [hbm4b:s26+s5], $0x80, v24, vm0, $0xb8;
	[tilespmem:$0x1DA00] =	vst v63  }
0x4bc: {  	s8 =	simm.s32 $0x6480;
	v30 =	vperm.xlane v19, v10;
	v29 =	vadd.s32 v4, v28  }
0x4bd: {  	[tilespmem:s8], [sflag:$0x2] =	stream.indirect_vreg.gather [hbm4b:s26+s5], $0x80, v26, vm0, $0xb8;
	[tilespmem:$0x1DA00] =	vst v63  }
0x4be: {  	s13 =	simm.s32 $0x6500;
	v32 =	vperm.xlane v19, v11;
	v31 =	vadd.s32 v4, v30  }
0x4bf: {  	[tilespmem:s13], [sflag:$0x2] =	stream.indirect_vreg.gather [hbm4b:s26+s5], $0x80, v20, vm0, $0xb8;
	[tilespmem:$0x1DA00] =	vst v63  }
0x4c0: {  	s14 =	simm.s32 $0x6580;
	v33 =	vperm.xlane v19, v12;
	v20 =	vadd.s32 v4, v32  }
0x4c1: {  	[tilespmem:s14], [sflag:$0x2] =	stream.indirect_vreg.gather [hbm4b:s26+s5], $0x80, v29, vm0, $0xb8;
	[tilespmem:$0x1DA00] =	vst v63  }
0x4c2: {  	s17 =	simm.s32 $0x6600;
	v35 =	vperm.xlane v19, v13;
	v34 =	vadd.s32 v4, v33  }
0x4c3: {  	[tilespmem:s17], [sflag:$0x2] =	stream.indirect_vreg.gather [hbm4b:s26+s5], $0x80, v31, vm0, $0xb8;
	[tilespmem:$0x1DA00] =	vst v63  }
0x4c4: {  	s19 =	simm.s32 $0x6680;
	v37 =	vperm.xlane v19, v14;
	v36 =	vadd.s32 v4, v35  }
0x4c5: {  	[tilespmem:s19], [sflag:$0x2] =	stream.indirect_vreg.gather [hbm4b:s26+s5], $0x80, v20, vm0, $0xb8;
	[tilespmem:$0x1DA00] =	vst v63  }
0x4c6: {  	s20 =	simm.s32 $0x6700;
	v38 =	vperm.xlane v19, v15;
	v20 =	vadd.s32 v4, v37  }
0x4c7: {  	[tilespmem:s20], [sflag:$0x2] =	stream.indirect_vreg.gather [hbm4b:s26+s5], $0x80, v34, vm0, $0xb8;
	[tilespmem:$0x1DA00] =	vst v63  }
0x4c8: {  	s21 =	simm.s32 $0x6780;
	v40 =	vperm.xlane v19, v16;
	v39 =	vadd.s32 v4, v38  }
0x4c9: {  	[tilespmem:s21], [sflag:$0x2] =	stream.indirect_vreg.gather [hbm4b:s26+s5], $0x80, v36, vm0, $0xb8;
	[tilespmem:$0x1DA00] =	vst v63  }
0x4ca: {  	s22 =	simm.s32 $0x6800;
	v19 =	vperm.xlane v19, v17;
	v41 =	vadd.s32 v4, v40  }
0x4cb: {  	[tilespmem:s22], [sflag:$0x2] =	stream.indirect_vreg.gather [hbm4b:s26+s5], $0x80, v20, vm0, $0xb8;
	[tilespmem:$0x1DA00] =	vst v63  }
0x4cc: {  	s23 =	simm.s32 $0x6880;
	v19 =	vadd.s32 v4, v19  }
0x4cd: {  	[tilespmem:s23], [sflag:$0x2] =	stream.indirect_vreg.gather [hbm4b:s26+s5], $0x80, v39, vm0, $0xb8;
	[tilespmem:$0x1DA00] =	vst v63  }
0x4ce: {  	s24 =	simm.s32 $0x6900  }
0x4cf: {  	[tilespmem:s24], [sflag:$0x2] =	stream.indirect_vreg.gather [hbm4b:s26+s5], $0x80, v41, vm0, $0xb8;
	[tilespmem:$0x1DA00] =	vst v63  }
0x4d0: {  	s25 =	simm.s32 $0x6980  }
0x4d1: {  	[tilespmem:s25], [sflag:$0x2] =	stream.indirect_vreg.gather [hbm4b:s26+s5], $0x80, v19, vm0, $0xb8;
	[tilespmem:$0x1DA00] =	vst v63  }
0x4d2: {  	v19 =	vld [tilespmem:$0x160];
	_ =	sdelay $0x4  }
0x4d3: {  	v20 =	vshll.u32 v19, $0x1  }
0x4d4: {  	v19 =	vand.u32 $0x7, v19;
	v20 =	vand.u32 $0xFFFFFFF0, v20  }
0x4d5: {  	v19 =	vor.u32 v19, v20  }
0x4d6: {  	v20 =	vperm.xlane v19, v3;
	_ =	sdelay $0x1  }
0x4d7: {  	v42 =	vperm.xlane v19, v2;
	v20 =	vadd.s32 v4, v20;
	_ =	sdelay $0x1  }
0x4d8: {  	v43 =	vperm.xlane v19, v5;
	v21 =	vadd.s32 v4, v42;
	_ =	sdelay $0x1  }
0x4d9: {  	s28 =	simm.s32 $0x6A00;
	v44 =	vperm.xlane v19, v6;
	v22 =	vadd.s32 v4, v43  }
0x4da: {  	[tilespmem:s28], [sflag:$0x2] =	stream.indirect_vreg.gather [hbm4b:s26+s5], $0x80, v20, vm0, $0xb8;
	[tilespmem:$0x1DA00] =	vst v63  }
0x4db: {  	s3 =	simm.s32 $0x6A80;
	v45 =	vperm.xlane v19, v7;
	v20 =	vadd.s32 v4, v44  }
0x4dc: {  	[tilespmem:s3], [sflag:$0x2] =	stream.indirect_vreg.gather [hbm4b:s26+s5], $0x80, v21, vm0, $0xb8;
	[tilespmem:$0x1DA00] =	vst v63  }
0x4dd: {  	s4 =	simm.s32 $0x6B00;
	v47 =	vperm.xlane v19, v8;
	v46 =	vadd.s32 v4, v45  }
0x4de: {  	[tilespmem:s4], [sflag:$0x2] =	stream.indirect_vreg.gather [hbm4b:s26+s5], $0x80, v22, vm0, $0xb8;
	[tilespmem:$0x1DA00] =	vst v63  }
0x4df: {  	s7 =	simm.s32 $0x6B80;
	v49 =	vperm.xlane v19, v9;
	v48 =	vadd.s32 v4, v47  }
0x4e0: {  	[tilespmem:s7], [sflag:$0x2] =	stream.indirect_vreg.gather [hbm4b:s26+s5], $0x80, v20, vm0, $0xb8;
	[tilespmem:$0x1DA00] =	vst v63  }
0x4e1: {  	s8 =	simm.s32 $0x6C00;
	v50 =	vperm.xlane v19, v1;
	v20 =	vadd.s32 v4, v49  }
0x4e2: {  	[tilespmem:s8], [sflag:$0x2] =	stream.indirect_vreg.gather [hbm4b:s26+s5], $0x80, v46, vm0, $0xb8;
	[tilespmem:$0x1DA00] =	vst v63  }
0x4e3: {  	s13 =	simm.s32 $0x6C80;
	v52 =	vperm.xlane v19, v10;
	v51 =	vadd.s32 v4, v50  }
0x4e4: {  	[tilespmem:s13], [sflag:$0x2] =	stream.indirect_vreg.gather [hbm4b:s26+s5], $0x80, v48, vm0, $0xb8;
	[tilespmem:$0x1DA00] =	vst v63  }
0x4e5: {  	s14 =	simm.s32 $0x6D00;
	v54 =	vperm.xlane v19, v11;
	v53 =	vadd.s32 v4, v52  }
0x4e6: {  	[tilespmem:s14], [sflag:$0x2] =	stream.indirect_vreg.gather [hbm4b:s26+s5], $0x80, v20, vm0, $0xb8;
	[tilespmem:$0x1DA00] =	vst v63  }
0x4e7: {  	s17 =	simm.s32 $0x6D80;
	v55 =	vperm.xlane v19, v12;
	v20 =	vadd.s32 v4, v54  }
0x4e8: {  	[tilespmem:s17], [sflag:$0x2] =	stream.indirect_vreg.gather [hbm4b:s26+s5], $0x80, v51, vm0, $0xb8;
	[tilespmem:$0x1DA00] =	vst v63  }
0x4e9: {  	s19 =	simm.s32 $0x6E00;
	v57 =	vperm.xlane v19, v13;
	v56 =	vadd.s32 v4, v55  }
0x4ea: {  	[tilespmem:s19], [sflag:$0x2] =	stream.indirect_vreg.gather [hbm4b:s26+s5], $0x80, v53, vm0, $0xb8;
	[tilespmem:$0x1DA00] =	vst v63  }
0x4eb: {  	s20 =	simm.s32 $0x6E80;
	v59 =	vperm.xlane v19, v14;
	v58 =	vadd.s32 v4, v57  }
0x4ec: {  	[tilespmem:s20], [sflag:$0x2] =	stream.indirect_vreg.gather [hbm4b:s26+s5], $0x80, v20, vm0, $0xb8;
	[tilespmem:$0x1DA00] =	vst v63  }
0x4ed: {  	s21 =	simm.s32 $0x6F00;
	v60 =	vperm.xlane v19, v15;
	v20 =	vadd.s32 v4, v59  }
0x4ee: {  	[tilespmem:s21], [sflag:$0x2] =	stream.indirect_vreg.gather [hbm4b:s26+s5], $0x80, v56, vm0, $0xb8;
	[tilespmem:$0x1DA00] =	vst v63  }
0x4ef: {  	s22 =	simm.s32 $0x6F80;
	v62 =	vperm.xlane v19, v16;
	v61 =	vadd.s32 v4, v60  }
0x4f0: {  	[tilespmem:s22], [sflag:$0x2] =	stream.indirect_vreg.gather [hbm4b:s26+s5], $0x80, v58, vm0, $0xb8;
	[tilespmem:$0x1DA00] =	vst v63  }
0x4f1: {  	s23 =	simm.s32 $0x7000;
	v19 =	vperm.xlane v19, v17;
	v63 =	vadd.s32 v4, v62  }
0x4f2: {  	[tilespmem:s23], [sflag:$0x2] =	stream.indirect_vreg.gather [hbm4b:s26+s5], $0x80, v20, vm0, $0xb8;
	[tilespmem:$0x1DA00] =	vst v63  }
0x4f3: {  	s24 =	simm.s32 $0x7080;
	v19 =	vadd.s32 v4, v19  }
0x4f4: {  	[tilespmem:s24], [sflag:$0x2] =	stream.indirect_vreg.gather [hbm4b:s26+s5], $0x80, v61, vm0, $0xb8;
	[tilespmem:$0x1DA00] =	vst v63  }
0x4f5: {  	s25 =	simm.s32 $0x7100  }
0x4f6: {  	[tilespmem:s25], [sflag:$0x2] =	stream.indirect_vreg.gather [hbm4b:s26+s5], $0x80, v63, vm0, $0xb8;
	[tilespmem:$0x1DA00] =	vst v63  }
0x4f7: {  	s28 =	simm.s32 $0x7180  }
0x4f8: {  	[tilespmem:s28], [sflag:$0x2] =	stream.indirect_vreg.gather [hbm4b:s26+s5], $0x80, v19, vm0, $0xb8;
	[tilespmem:$0x1DA00] =	vst v63  }
0x4f9: {  	_ =	swait.ge [sflag:s9], $0x3800  }
0x4fa: {  	[sflag:s9] =	ssyncset.done $0x0  }
0x4fb: {  	[sflag:s9] =	ssyncadd.s32 $0xFFFFC800  }
0x4fc: {  	_ =	swait.ge [sflag:s10], $0x3800  }
0x4fd: {  	[sflag:s10] =	ssyncset.done $0x0  }
0x4fe: {  	[sflag:s10] =	ssyncadd.s32 $0xFFFFC800  }
0x4ff: {  	v19 =	vld [tilespmem:$0x180];
	_ =	sdelay $0x7  }
0x500: {  	[tilespmem:v19+s11+$0x0] =	vst.idx.add.f32.msk $0xffff, v18  }
0x501: {  	v19 =	vld [tilespmem:$0x190];
	_ =	sdelay $0x7  }
0x502: {  	[tilespmem:v19+s11+$0x0] =	vst.idx.add.f32.msk $0xffff, v18  }
0x503: {  	v19 =	vld [tilespmem:$0x1A0];
	_ =	sdelay $0x7  }
0x504: {  	[tilespmem:v19+s11+$0x0] =	vst.idx.add.f32.msk $0xffff, v18  }
0x505: {  	v19 =	vld [tilespmem:$0x1B0];
	_ =	sdelay $0x7  }
0x506: {  	[tilespmem:v19+s11+$0x0] =	vst.idx.add.f32.msk $0xffff, v18  }
0x507: {  	v19 =	vld [tilespmem:$0x1C0];
	_ =	sdelay $0x7  }
0x508: {  	[tilespmem:v19+s11+$0x0] =	vst.idx.add.f32.msk $0xffff, v18  }
0x509: {  	v19 =	vld [tilespmem:$0x1D0];
	_ =	sdelay $0x7  }
0x50a: {  	[tilespmem:v19+s11+$0x0] =	vst.idx.add.f32.msk $0xffff, v18  }
0x50b: {  	v19 =	vld [tilespmem:$0x1E0];
	_ =	sdelay $0x3  }
.Ltmp6:
0x50c: {  	_ = 	snop;
	(pc) =	sbr.rel .LBB2_12-.Ltmp6, $4  }
0x50d: {  	_ = 	snop  }
0x50e: {  	s13 =	rddreg [dreg:$0x17]  }
0x50f: {  	s30 =	smov.u32 s2;
	s31 =	simm.s32 $0x80;
	s7 =	rddreg [dreg:$0x5]  }
0x510: {  	s2 =	simm.s32 $0x3A00;
	s0 =	simm.s32 $0x70;
	s19 =	rddreg [dreg:$0x1a];
	[tilespmem:v19+s11+$0x0] =	vst.idx.add.f32.msk $0xffff, v18  }
.LBB2_6:
0x511: {  	v19 =	vld [tilespmem:$0x0];
	_ =	sdelay $0x4  }
0x512: {  	v20 =	vshll.u32 v19, $0x1  }
0x513: {  	v19 =	vand.u32 $0x7, v19;
	v20 =	vand.u32 $0xFFFFFFF0, v20  }
0x514: {  	v19 =	vor.u32 v19, v20  }
0x515: {  	v20 =	vperm.xlane v19, v3;
	_ =	sdelay $0x1  }
0x516: {  	v21 =	vperm.xlane v19, v2;
	v20 =	vadd.s32 v4, v20;
	_ =	sdelay $0x1  }
0x517: {  	v22 =	vperm.xlane v19, v5;
	v21 =	vadd.s32 v4, v21;
	_ =	sdelay $0x1  }
0x518: {  	v23 =	vperm.xlane v19, v6;
	v22 =	vadd.s32 v4, v22  }
0x519: {  	[tilespmem:s29], [sflag:$0x1] =	stream.indirect_vreg.gather [hbm4b:s1+s5], $0x80, v20, vm0, $0xb8;
	[tilespmem:$0x1DA00] =	vst v63  }
0x51a: {  	v33 =	vperm.xlane v19, v7;
	v20 =	vadd.s32 v4, v23  }
0x51b: {  	[tilespmem:s14], [sflag:$0x1] =	stream.indirect_vreg.gather [hbm4b:s1+s5], $0x80, v21, vm0, $0xb8;
	[tilespmem:$0x1DA00] =	vst v63  }
0x51c: {  	v35 =	vperm.xlane v19, v8;
	v34 =	vadd.s32 v4, v33  }
0x51d: {  	[tilespmem:s24], [sflag:$0x1] =	stream.indirect_vreg.gather [hbm4b:s1+s5], $0x80, v22, vm0, $0xb8;
	[tilespmem:$0x1DA00] =	vst v63  }
0x51e: {  	v37 =	vperm.xlane v19, v9;
	v36 =	vadd.s32 v4, v35  }
0x51f: {  	[tilespmem:s8], [sflag:$0x1] =	stream.indirect_vreg.gather [hbm4b:s1+s5], $0x80, v20, vm0, $0xb8;
	[tilespmem:$0x1DA00] =	vst v63  }
0x520: {  	v38 =	vperm.xlane v19, v1;
	v20 =	vadd.s32 v4, v37  }
0x521: {  	[tilespmem:s25], [sflag:$0x1] =	stream.indirect_vreg.gather [hbm4b:s1+s5], $0x80, v34, vm0, $0xb8;
	[tilespmem:$0x1DA00] =	vst v63  }
0x522: {  	v40 =	vperm.xlane v19, v10;
	v39 =	vadd.s32 v4, v38  }
0x523: {  	[tilespmem:s0], [sflag:$0x1] =	stream.indirect_vreg.gather [hbm4b:s1+s5], $0x80, v36, vm0, $0xb8;
	[tilespmem:$0x1DA00] =	vst v63  }
0x524: {  	v42 =	vperm.xlane v19, v11;
	v41 =	vadd.s32 v4, v40  }
0x525: {  	[tilespmem:s28], [sflag:$0x1] =	stream.indirect_vreg.gather [hbm4b:s1+s5], $0x80, v20, vm0, $0xb8;
	[tilespmem:$0x1DA00] =	vst v63  }
0x526: {  	v43 =	vperm.xlane v19, v12;
	v20 =	vadd.s32 v4, v42  }
0x527: {  	[tilespmem:s20], [sflag:$0x1] =	stream.indirect_vreg.gather [hbm4b:s1+s5], $0x80, v39, vm0, $0xb8;
	[tilespmem:$0x1DA00] =	vst v63  }
0x528: {  	v45 =	vperm.xlane v19, v13;
	v44 =	vadd.s32 v4, v43  }
0x529: {  	[tilespmem:s4], [sflag:$0x1] =	stream.indirect_vreg.gather [hbm4b:s1+s5], $0x80, v41, vm0, $0xb8;
	[tilespmem:$0x1DA00] =	vst v63  }
0x52a: {  	v47 =	vperm.xlane v19, v14;
	v46 =	vadd.s32 v4, v45  }
0x52b: {  	[tilespmem:s22], [sflag:$0x1] =	stream.indirect_vreg.gather [hbm4b:s1+s5], $0x80, v20, vm0, $0xb8;
	[tilespmem:$0x1DA00] =	vst v63  }
0x52c: {  	v48 =	vperm.xlane v19, v15;
	s14 =	simm.s32 $0x700;
	v20 =	vadd.s32 v4, v47  }
0x52d: {  	[tilespmem:s14], [sflag:$0x1] =	stream.indirect_vreg.gather [hbm4b:s1+s5], $0x80, v44, vm0, $0xb8;
	[tilespmem:$0x1DA00] =	vst v63  }
0x52e: {  	s15 =	simm.s32 $0x780;
	v50 =	vperm.xlane v19, v16;
	v49 =	vadd.s32 v4, v48  }
0x52f: {  	[tilespmem:s15], [sflag:$0x1] =	stream.indirect_vreg.gather [hbm4b:s1+s5], $0x80, v46, vm0, $0xb8;
	[tilespmem:$0x1DA00] =	vst v63  }
0x530: {  	v19 =	vperm.xlane v19, v17;
	v51 =	vadd.s32 v4, v50;
	s20 =	simm.s32 $0x800  }
0x531: {  	[tilespmem:s20], [sflag:$0x1] =	stream.indirect_vreg.gather [hbm4b:s1+s5], $0x80, v20, vm0, $0xb8;
	[tilespmem:$0x1DA00] =	vst v63  }
0x532: {  	v19 =	vadd.s32 v4, v19;
	s22 =	simm.s32 $0x880  }
0x533: {  	[tilespmem:s22], [sflag:$0x1] =	stream.indirect_vreg.gather [hbm4b:s1+s5], $0x80, v49, vm0, $0xb8;
	[tilespmem:$0x1DA00] =	vst v63  }
0x534: {  	s23 =	simm.s32 $0x900  }
0x535: {  	[tilespmem:s23], [sflag:$0x1] =	stream.indirect_vreg.gather [hbm4b:s1+s5], $0x80, v51, vm0, $0xb8;
	[tilespmem:$0x1DA00] =	vst v63  }
0x536: {  	s24 =	simm.s32 $0x980  }
0x537: {  	[tilespmem:s24], [sflag:$0x1] =	stream.indirect_vreg.gather [hbm4b:s1+s5], $0x80, v19, vm0, $0xb8;
	[tilespmem:$0x1DA00] =	vst v63  }
0x538: {  	v19 =	vld [tilespmem:$0x10];
	_ =	sdelay $0x4  }
0x539: {  	v20 =	vshll.u32 v19, $0x1  }
0x53a: {  	v19 =	vand.u32 $0x7, v19;
	v20 =	vand.u32 $0xFFFFFFF0, v20  }
0x53b: {  	v19 =	vor.u32 v19, v20  }
0x53c: {  	v20 =	vperm.xlane v19, v3;
	_ =	sdelay $0x1  }
0x53d: {  	v52 =	vperm.xlane v19, v2;
	v20 =	vadd.s32 v4, v20;
	_ =	sdelay $0x1  }
0x53e: {  	v53 =	vperm.xlane v19, v5;
	v21 =	vadd.s32 v4, v52;
	_ =	sdelay $0x1  }
0x53f: {  	s25 =	simm.s32 $0xA00;
	v54 =	vperm.xlane v19, v6;
	v22 =	vadd.s32 v4, v53  }
0x540: {  	[tilespmem:s25], [sflag:$0x1] =	stream.indirect_vreg.gather [hbm4b:s1+s5], $0x80, v20, vm0, $0xb8;
	[tilespmem:$0x1DA00] =	vst v63  }
0x541: {  	s3 =	simm.s32 $0xA80;
	v55 =	vperm.xlane v19, v7;
	v20 =	vadd.s32 v4, v54  }
0x542: {  	[tilespmem:s3], [sflag:$0x1] =	stream.indirect_vreg.gather [hbm4b:s1+s5], $0x80, v21, vm0, $0xb8;
	[tilespmem:$0x1DA00] =	vst v63  }
0x543: {  	s4 =	simm.s32 $0xB00;
	v57 =	vperm.xlane v19, v8;
	v56 =	vadd.s32 v4, v55  }
0x544: {  	[tilespmem:s4], [sflag:$0x1] =	stream.indirect_vreg.gather [hbm4b:s1+s5], $0x80, v22, vm0, $0xb8;
	[tilespmem:$0x1DA00] =	vst v63  }
0x545: {  	s7 =	simm.s32 $0xB80;
	v59 =	vperm.xlane v19, v9;
	v58 =	vadd.s32 v4, v57  }
0x546: {  	[tilespmem:s7], [sflag:$0x1] =	stream.indirect_vreg.gather [hbm4b:s1+s5], $0x80, v20, vm0, $0xb8;
	[tilespmem:$0x1DA00] =	vst v63  }
0x547: {  	s8 =	simm.s32 $0xC00;
	v60 =	vperm.xlane v19, v1;
	v20 =	vadd.s32 v4, v59  }
0x548: {  	[tilespmem:s8], [sflag:$0x1] =	stream.indirect_vreg.gather [hbm4b:s1+s5], $0x80, v56, vm0, $0xb8;
	[tilespmem:$0x1DA00] =	vst v63  }
0x549: {  	s13 =	simm.s32 $0xC80;
	v62 =	vperm.xlane v19, v10;
	v61 =	vadd.s32 v4, v60  }
0x54a: {  	[tilespmem:s13], [sflag:$0x1] =	stream.indirect_vreg.gather [hbm4b:s1+s5], $0x80, v58, vm0, $0xb8;
	[tilespmem:$0x1DA00] =	vst v63  }
0x54b: {  	s14 =	simm.s32 $0xD00;
	v24 =	vperm.xlane v19, v11;
	v63 =	vadd.s32 v4, v62  }
0x54c: {  	[tilespmem:s14], [sflag:$0x1] =	stream.indirect_vreg.gather [hbm4b:s1+s5], $0x80, v20, vm0, $0xb8;
	[tilespmem:$0x1DA00] =	vst v63  }
0x54d: {  	s15 =	simm.s32 $0xD80;
	v25 =	vperm.xlane v19, v12;
	v20 =	vadd.s32 v4, v24  }
0x54e: {  	[tilespmem:s15], [sflag:$0x1] =	stream.indirect_vreg.gather [hbm4b:s1+s5], $0x80, v61, vm0, $0xb8;
	[tilespmem:$0x1DA00] =	vst v63  }
0x54f: {  	s20 =	simm.s32 $0xE00;
	v27 =	vperm.xlane v19, v13;
	v26 =	vadd.s32 v4, v25  }
0x550: {  	[tilespmem:s20], [sflag:$0x1] =	stream.indirect_vreg.gather [hbm4b:s1+s5], $0x80, v63, vm0, $0xb8;
	[tilespmem:$0x1DA00] =	vst v63  }
0x551: {  	s22 =	simm.s32 $0xE80;
	v29 =	vperm.xlane v19, v14;
	v28 =	vadd.s32 v4, v27  }
0x552: {  	[tilespmem:s22], [sflag:$0x1] =	stream.indirect_vreg.gather [hbm4b:s1+s5], $0x80, v20, vm0, $0xb8;
	[tilespmem:$0x1DA00] =	vst v63  }
0x553: {  	s23 =	simm.s32 $0xF00;
	v30 =	vperm.xlane v19, v15;
	v20 =	vadd.s32 v4, v29  }
0x554: {  	[tilespmem:s23], [sflag:$0x1] =	stream.indirect_vreg.gather [hbm4b:s1+s5], $0x80, v26, vm0, $0xb8;
	[tilespmem:$0x1DA00] =	vst v63  }
0x555: {  	s24 =	simm.s32 $0xF80;
	v32 =	vperm.xlane v19, v16;
	v31 =	vadd.s32 v4, v30  }
0x556: {  	[tilespmem:s24], [sflag:$0x1] =	stream.indirect_vreg.gather [hbm4b:s1+s5], $0x80, v28, vm0, $0xb8;
	[tilespmem:$0x1DA00] =	vst v63  }
0x557: {  	v19 =	vperm.xlane v19, v17;
	v33 =	vadd.s32 v4, v32;
	s25 =	simm.s32 $0x1000  }
0x558: {  	[tilespmem:s25], [sflag:$0x1] =	stream.indirect_vreg.gather [hbm4b:s1+s5], $0x80, v20, vm0, $0xb8;
	[tilespmem:$0x1DA00] =	vst v63  }
0x559: {  	v19 =	vadd.s32 v4, v19;
	s3 =	simm.s32 $0x1080  }
0x55a: {  	[tilespmem:s3], [sflag:$0x1] =	stream.indirect_vreg.gather [hbm4b:s1+s5], $0x80, v31, vm0, $0xb8;
	[tilespmem:$0x1DA00] =	vst v63  }
0x55b: {  	s4 =	simm.s32 $0x1100  }
0x55c: {  	[tilespmem:s4], [sflag:$0x1] =	stream.indirect_vreg.gather [hbm4b:s1+s5], $0x80, v33, vm0, $0xb8;
	[tilespmem:$0x1DA00] =	vst v63  }
0x55d: {  	s7 =	simm.s32 $0x1180  }
0x55e: {  	[tilespmem:s7], [sflag:$0x1] =	stream.indirect_vreg.gather [hbm4b:s1+s5], $0x80, v19, vm0, $0xb8;
	[tilespmem:$0x1DA00] =	vst v63  }
0x55f: {  	v19 =	vld [tilespmem:$0x20];
	_ =	sdelay $0x4  }
0x560: {  	v20 =	vshll.u32 v19, $0x1  }
0x561: {  	v19 =	vand.u32 $0x7, v19;
	v20 =	vand.u32 $0xFFFFFFF0, v20  }
0x562: {  	v19 =	vor.u32 v19, v20  }
0x563: {  	v20 =	vperm.xlane v19, v3;
	_ =	sdelay $0x1  }
0x564: {  	v34 =	vperm.xlane v19, v2;
	v20 =	vadd.s32 v4, v20;
	_ =	sdelay $0x1  }
0x565: {  	v35 =	vperm.xlane v19, v5;
	v21 =	vadd.s32 v4, v34;
	_ =	sdelay $0x1  }
0x566: {  	s8 =	simm.s32 $0x1200;
	v36 =	vperm.xlane v19, v6;
	v22 =	vadd.s32 v4, v35  }
0x567: {  	[tilespmem:s8], [sflag:$0x1] =	stream.indirect_vreg.gather [hbm4b:s1+s5], $0x80, v20, vm0, $0xb8;
	[tilespmem:$0x1DA00] =	vst v63  }
0x568: {  	s13 =	simm.s32 $0x1280;
	v37 =	vperm.xlane v19, v7;
	v20 =	vadd.s32 v4, v36  }
0x569: {  	[tilespmem:s13], [sflag:$0x1] =	stream.indirect_vreg.gather [hbm4b:s1+s5], $0x80, v21, vm0, $0xb8;
	[tilespmem:$0x1DA00] =	vst v63  }
0x56a: {  	s14 =	simm.s32 $0x1300;
	v39 =	vperm.xlane v19, v8;
	v38 =	vadd.s32 v4, v37  }
0x56b: {  	[tilespmem:s14], [sflag:$0x1] =	stream.indirect_vreg.gather [hbm4b:s1+s5], $0x80, v22, vm0, $0xb8;
	[tilespmem:$0x1DA00] =	vst v63  }
0x56c: {  	s15 =	simm.s32 $0x1380;
	v41 =	vperm.xlane v19, v9;
	v40 =	vadd.s32 v4, v39  }
0x56d: {  	[tilespmem:s15], [sflag:$0x1] =	stream.indirect_vreg.gather [hbm4b:s1+s5], $0x80, v20, vm0, $0xb8;
	[tilespmem:$0x1DA00] =	vst v63  }
0x56e: {  	s20 =	simm.s32 $0x1400;
	v42 =	vperm.xlane v19, v1;
	v20 =	vadd.s32 v4, v41  }
0x56f: {  	[tilespmem:s20], [sflag:$0x1] =	stream.indirect_vreg.gather [hbm4b:s1+s5], $0x80, v38, vm0, $0xb8;
	[tilespmem:$0x1DA00] =	vst v63  }
0x570: {  	s22 =	simm.s32 $0x1480;
	v44 =	vperm.xlane v19, v10;
	v43 =	vadd.s32 v4, v42  }
0x571: {  	[tilespmem:s22], [sflag:$0x1] =	stream.indirect_vreg.gather [hbm4b:s1+s5], $0x80, v40, vm0, $0xb8;
	[tilespmem:$0x1DA00] =	vst v63  }
0x572: {  	s23 =	simm.s32 $0x1500;
	v46 =	vperm.xlane v19, v11;
	v45 =	vadd.s32 v4, v44  }
0x573: {  	[tilespmem:s23], [sflag:$0x1] =	stream.indirect_vreg.gather [hbm4b:s1+s5], $0x80, v20, vm0, $0xb8;
	[tilespmem:$0x1DA00] =	vst v63  }
0x574: {  	s24 =	simm.s32 $0x1580;
	v47 =	vperm.xlane v19, v12;
	v20 =	vadd.s32 v4, v46  }
0x575: {  	[tilespmem:s24], [sflag:$0x1] =	stream.indirect_vreg.gather [hbm4b:s1+s5], $0x80, v43, vm0, $0xb8;
	[tilespmem:$0x1DA00] =	vst v63  }
0x576: {  	s25 =	simm.s32 $0x1600;
	v49 =	vperm.xlane v19, v13;
	v48 =	vadd.s32 v4, v47  }
0x577: {  	[tilespmem:s25], [sflag:$0x1] =	stream.indirect_vreg.gather [hbm4b:s1+s5], $0x80, v45, vm0, $0xb8;
	[tilespmem:$0x1DA00] =	vst v63  }
0x578: {  	s3 =	simm.s32 $0x1680;
	v51 =	vperm.xlane v19, v14;
	v50 =	vadd.s32 v4, v49  }
0x579: {  	[tilespmem:s3], [sflag:$0x1] =	stream.indirect_vreg.gather [hbm4b:s1+s5], $0x80, v20, vm0, $0xb8;
	[tilespmem:$0x1DA00] =	vst v63  }
0x57a: {  	s4 =	simm.s32 $0x1700;
	v52 =	vperm.xlane v19, v15;
	v20 =	vadd.s32 v4, v51  }
0x57b: {  	[tilespmem:s4], [sflag:$0x1] =	stream.indirect_vreg.gather [hbm4b:s1+s5], $0x80, v48, vm0, $0xb8;
	[tilespmem:$0x1DA00] =	vst v63  }
0x57c: {  	s7 =	simm.s32 $0x1780;
	v54 =	vperm.xlane v19, v16;
	v53 =	vadd.s32 v4, v52  }
0x57d: {  	[tilespmem:s7], [sflag:$0x1] =	stream.indirect_vreg.gather [hbm4b:s1+s5], $0x80, v50, vm0, $0xb8;
	[tilespmem:$0x1DA00] =	vst v63  }
0x57e: {  	v19 =	vperm.xlane v19, v17;
	v55 =	vadd.s32 v4, v54;
	s8 =	simm.s32 $0x1800  }
0x57f: {  	[tilespmem:s8], [sflag:$0x1] =	stream.indirect_vreg.gather [hbm4b:s1+s5], $0x80, v20, vm0, $0xb8;
	[tilespmem:$0x1DA00] =	vst v63  }
0x580: {  	v19 =	vadd.s32 v4, v19;
	s13 =	simm.s32 $0x1880  }
0x581: {  	[tilespmem:s13], [sflag:$0x1] =	stream.indirect_vreg.gather [hbm4b:s1+s5], $0x80, v53, vm0, $0xb8;
	[tilespmem:$0x1DA00] =	vst v63  }
0x582: {  	s14 =	simm.s32 $0x1900  }
0x583: {  	[tilespmem:s14], [sflag:$0x1] =	stream.indirect_vreg.gather [hbm4b:s1+s5], $0x80, v55, vm0, $0xb8;
	[tilespmem:$0x1DA00] =	vst v63  }
0x584: {  	s15 =	simm.s32 $0x1980  }
0x585: {  	[tilespmem:s15], [sflag:$0x1] =	stream.indirect_vreg.gather [hbm4b:s1+s5], $0x80, v19, vm0, $0xb8;
	[tilespmem:$0x1DA00] =	vst v63  }
0x586: {  	v19 =	vld [tilespmem:$0x30];
	_ =	sdelay $0x4  }
0x587: {  	v20 =	vshll.u32 v19, $0x1  }
0x588: {  	v19 =	vand.u32 $0x7, v19;
	v20 =	vand.u32 $0xFFFFFFF0, v20  }
0x589: {  	v19 =	vor.u32 v19, v20  }
0x58a: {  	v20 =	vperm.xlane v19, v3;
	_ =	sdelay $0x1  }
0x58b: {  	v56 =	vperm.xlane v19, v2;
	v20 =	vadd.s32 v4, v20;
	_ =	sdelay $0x1  }
0x58c: {  	v57 =	vperm.xlane v19, v5;
	v21 =	vadd.s32 v4, v56;
	_ =	sdelay $0x1  }
0x58d: {  	s20 =	simm.s32 $0x1A00;
	v58 =	vperm.xlane v19, v6;
	v22 =	vadd.s32 v4, v57  }
0x58e: {  	[tilespmem:s20], [sflag:$0x1] =	stream.indirect_vreg.gather [hbm4b:s1+s5], $0x80, v20, vm0, $0xb8;
	[tilespmem:$0x1DA00] =	vst v63  }
0x58f: {  	s22 =	simm.s32 $0x1A80;
	v59 =	vperm.xlane v19, v7;
	v20 =	vadd.s32 v4, v58  }
0x590: {  	[tilespmem:s22], [sflag:$0x1] =	stream.indirect_vreg.gather [hbm4b:s1+s5], $0x80, v21, vm0, $0xb8;
	[tilespmem:$0x1DA00] =	vst v63  }
0x591: {  	s23 =	simm.s32 $0x1B00;
	v61 =	vperm.xlane v19, v8;
	v60 =	vadd.s32 v4, v59  }
0x592: {  	[tilespmem:s23], [sflag:$0x1] =	stream.indirect_vreg.gather [hbm4b:s1+s5], $0x80, v22, vm0, $0xb8;
	[tilespmem:$0x1DA00] =	vst v63  }
0x593: {  	s24 =	simm.s32 $0x1B80;
	v63 =	vperm.xlane v19, v9;
	v62 =	vadd.s32 v4, v61  }
0x594: {  	[tilespmem:s24], [sflag:$0x1] =	stream.indirect_vreg.gather [hbm4b:s1+s5], $0x80, v20, vm0, $0xb8;
	[tilespmem:$0x1DA00] =	vst v63  }
0x595: {  	s25 =	simm.s32 $0x1C00;
	v24 =	vperm.xlane v19, v1;
	v20 =	vadd.s32 v4, v63  }
0x596: {  	[tilespmem:s25], [sflag:$0x1] =	stream.indirect_vreg.gather [hbm4b:s1+s5], $0x80, v60, vm0, $0xb8;
	[tilespmem:$0x1DA00] =	vst v63  }
0x597: {  	s3 =	simm.s32 $0x1C80;
	v26 =	vperm.xlane v19, v10;
	v25 =	vadd.s32 v4, v24  }
0x598: {  	[tilespmem:s3], [sflag:$0x1] =	stream.indirect_vreg.gather [hbm4b:s1+s5], $0x80, v62, vm0, $0xb8;
	[tilespmem:$0x1DA00] =	vst v63  }
0x599: {  	s4 =	simm.s32 $0x1D00;
	v28 =	vperm.xlane v19, v11;
	v27 =	vadd.s32 v4, v26  }
0x59a: {  	[tilespmem:s4], [sflag:$0x1] =	stream.indirect_vreg.gather [hbm4b:s1+s5], $0x80, v20, vm0, $0xb8;
	[tilespmem:$0x1DA00] =	vst v63  }
0x59b: {  	s7 =	simm.s32 $0x1D80;
	v29 =	vperm.xlane v19, v12;
	v20 =	vadd.s32 v4, v28  }
0x59c: {  	[tilespmem:s7], [sflag:$0x1] =	stream.indirect_vreg.gather [hbm4b:s1+s5], $0x80, v25, vm0, $0xb8;
	[tilespmem:$0x1DA00] =	vst v63  }
0x59d: {  	s8 =	simm.s32 $0x1E00;
	v31 =	vperm.xlane v19, v13;
	v30 =	vadd.s32 v4, v29  }
0x59e: {  	[tilespmem:s8], [sflag:$0x1] =	stream.indirect_vreg.gather [hbm4b:s1+s5], $0x80, v27, vm0, $0xb8;
	[tilespmem:$0x1DA00] =	vst v63  }
0x59f: {  	s13 =	simm.s32 $0x1E80;
	v33 =	vperm.xlane v19, v14;
	v32 =	vadd.s32 v4, v31  }
0x5a0: {  	[tilespmem:s13], [sflag:$0x1] =	stream.indirect_vreg.gather [hbm4b:s1+s5], $0x80, v20, vm0, $0xb8;
	[tilespmem:$0x1DA00] =	vst v63  }
0x5a1: {  	s14 =	simm.s32 $0x1F00;
	v34 =	vperm.xlane v19, v15;
	v20 =	vadd.s32 v4, v33  }
0x5a2: {  	[tilespmem:s14], [sflag:$0x1] =	stream.indirect_vreg.gather [hbm4b:s1+s5], $0x80, v30, vm0, $0xb8;
	[tilespmem:$0x1DA00] =	vst v63  }
0x5a3: {  	s15 =	simm.s32 $0x1F80;
	v36 =	vperm.xlane v19, v16;
	v35 =	vadd.s32 v4, v34  }
0x5a4: {  	[tilespmem:s15], [sflag:$0x1] =	stream.indirect_vreg.gather [hbm4b:s1+s5], $0x80, v32, vm0, $0xb8;
	[tilespmem:$0x1DA00] =	vst v63  }
0x5a5: {  	v19 =	vperm.xlane v19, v17;
	v37 =	vadd.s32 v4, v36;
	s20 =	simm.s32 $0x2000  }
0x5a6: {  	[tilespmem:s20], [sflag:$0x1] =	stream.indirect_vreg.gather [hbm4b:s1+s5], $0x80, v20, vm0, $0xb8;
	[tilespmem:$0x1DA00] =	vst v63  }
0x5a7: {  	v19 =	vadd.s32 v4, v19;
	s22 =	simm.s32 $0x2080  }
0x5a8: {  	[tilespmem:s22], [sflag:$0x1] =	stream.indirect_vreg.gather [hbm4b:s1+s5], $0x80, v35, vm0, $0xb8;
	[tilespmem:$0x1DA00] =	vst v63  }
0x5a9: {  	s23 =	simm.s32 $0x2100  }
0x5aa: {  	[tilespmem:s23], [sflag:$0x1] =	stream.indirect_vreg.gather [hbm4b:s1+s5], $0x80, v37, vm0, $0xb8;
	[tilespmem:$0x1DA00] =	vst v63  }
0x5ab: {  	s24 =	simm.s32 $0x2180  }
0x5ac: {  	[tilespmem:s24], [sflag:$0x1] =	stream.indirect_vreg.gather [hbm4b:s1+s5], $0x80, v19, vm0, $0xb8;
	[tilespmem:$0x1DA00] =	vst v63  }
0x5ad: {  	v19 =	vld [tilespmem:$0x40];
	_ =	sdelay $0x4  }
0x5ae: {  	v20 =	vshll.u32 v19, $0x1  }
0x5af: {  	v19 =	vand.u32 $0x7, v19;
	v20 =	vand.u32 $0xFFFFFFF0, v20  }
0x5b0: {  	v19 =	vor.u32 v19, v20  }
0x5b1: {  	v20 =	vperm.xlane v19, v3;
	_ =	sdelay $0x1  }
0x5b2: {  	v38 =	vperm.xlane v19, v2;
	v20 =	vadd.s32 v4, v20;
	_ =	sdelay $0x1  }
0x5b3: {  	v39 =	vperm.xlane v19, v5;
	v21 =	vadd.s32 v4, v38;
	_ =	sdelay $0x1  }
0x5b4: {  	s25 =	simm.s32 $0x2200;
	v40 =	vperm.xlane v19, v6;
	v22 =	vadd.s32 v4, v39  }
0x5b5: {  	[tilespmem:s25], [sflag:$0x1] =	stream.indirect_vreg.gather [hbm4b:s1+s5], $0x80, v20, vm0, $0xb8;
	[tilespmem:$0x1DA00] =	vst v63  }
0x5b6: {  	s3 =	simm.s32 $0x2280;
	v41 =	vperm.xlane v19, v7;
	v20 =	vadd.s32 v4, v40  }
0x5b7: {  	[tilespmem:s3], [sflag:$0x1] =	stream.indirect_vreg.gather [hbm4b:s1+s5], $0x80, v21, vm0, $0xb8;
	[tilespmem:$0x1DA00] =	vst v63  }
0x5b8: {  	s4 =	simm.s32 $0x2300;
	v43 =	vperm.xlane v19, v8;
	v42 =	vadd.s32 v4, v41  }
0x5b9: {  	[tilespmem:s4], [sflag:$0x1] =	stream.indirect_vreg.gather [hbm4b:s1+s5], $0x80, v22, vm0, $0xb8;
	[tilespmem:$0x1DA00] =	vst v63  }
0x5ba: {  	s7 =	simm.s32 $0x2380;
	v45 =	vperm.xlane v19, v9;
	v44 =	vadd.s32 v4, v43  }
0x5bb: {  	[tilespmem:s7], [sflag:$0x1] =	stream.indirect_vreg.gather [hbm4b:s1+s5], $0x80, v20, vm0, $0xb8;
	[tilespmem:$0x1DA00] =	vst v63  }
0x5bc: {  	s8 =	simm.s32 $0x2400;
	v46 =	vperm.xlane v19, v1;
	v20 =	vadd.s32 v4, v45  }
0x5bd: {  	[tilespmem:s8], [sflag:$0x1] =	stream.indirect_vreg.gather [hbm4b:s1+s5], $0x80, v42, vm0, $0xb8;
	[tilespmem:$0x1DA00] =	vst v63  }
0x5be: {  	s13 =	simm.s32 $0x2480;
	v48 =	vperm.xlane v19, v10;
	v47 =	vadd.s32 v4, v46  }
0x5bf: {  	[tilespmem:s13], [sflag:$0x1] =	stream.indirect_vreg.gather [hbm4b:s1+s5], $0x80, v44, vm0, $0xb8;
	[tilespmem:$0x1DA00] =	vst v63  }
0x5c0: {  	s14 =	simm.s32 $0x2500;
	v50 =	vperm.xlane v19, v11;
	v49 =	vadd.s32 v4, v48  }
0x5c1: {  	[tilespmem:s14], [sflag:$0x1] =	stream.indirect_vreg.gather [hbm4b:s1+s5], $0x80, v20, vm0, $0xb8;
	[tilespmem:$0x1DA00] =	vst v63  }
0x5c2: {  	s15 =	simm.s32 $0x2580;
	v51 =	vperm.xlane v19, v12;
	v20 =	vadd.s32 v4, v50  }
0x5c3: {  	[tilespmem:s15], [sflag:$0x1] =	stream.indirect_vreg.gather [hbm4b:s1+s5], $0x80, v47, vm0, $0xb8;
	[tilespmem:$0x1DA00] =	vst v63  }
0x5c4: {  	s20 =	simm.s32 $0x2600;
	v53 =	vperm.xlane v19, v13;
	v52 =	vadd.s32 v4, v51  }
0x5c5: {  	[tilespmem:s20], [sflag:$0x1] =	stream.indirect_vreg.gather [hbm4b:s1+s5], $0x80, v49, vm0, $0xb8;
	[tilespmem:$0x1DA00] =	vst v63  }
0x5c6: {  	s22 =	simm.s32 $0x2680;
	v55 =	vperm.xlane v19, v14;
	v54 =	vadd.s32 v4, v53  }
0x5c7: {  	[tilespmem:s22], [sflag:$0x1] =	stream.indirect_vreg.gather [hbm4b:s1+s5], $0x80, v20, vm0, $0xb8;
	[tilespmem:$0x1DA00] =	vst v63  }
0x5c8: {  	s23 =	simm.s32 $0x2700;
	v56 =	vperm.xlane v19, v15;
	v20 =	vadd.s32 v4, v55  }
0x5c9: {  	[tilespmem:s23], [sflag:$0x1] =	stream.indirect_vreg.gather [hbm4b:s1+s5], $0x80, v52, vm0, $0xb8;
	[tilespmem:$0x1DA00] =	vst v63  }
0x5ca: {  	s24 =	simm.s32 $0x2780;
	v58 =	vperm.xlane v19, v16;
	v57 =	vadd.s32 v4, v56  }
0x5cb: {  	[tilespmem:s24], [sflag:$0x1] =	stream.indirect_vreg.gather [hbm4b:s1+s5], $0x80, v54, vm0, $0xb8;
	[tilespmem:$0x1DA00] =	vst v63  }
0x5cc: {  	v19 =	vperm.xlane v19, v17;
	v59 =	vadd.s32 v4, v58;
	s25 =	simm.s32 $0x2800  }
0x5cd: {  	[tilespmem:s25], [sflag:$0x1] =	stream.indirect_vreg.gather [hbm4b:s1+s5], $0x80, v20, vm0, $0xb8;
	[tilespmem:$0x1DA00] =	vst v63  }
0x5ce: {  	v19 =	vadd.s32 v4, v19;
	s3 =	simm.s32 $0x2880  }
0x5cf: {  	[tilespmem:s3], [sflag:$0x1] =	stream.indirect_vreg.gather [hbm4b:s1+s5], $0x80, v57, vm0, $0xb8;
	[tilespmem:$0x1DA00] =	vst v63  }
0x5d0: {  	s4 =	simm.s32 $0x2900  }
0x5d1: {  	[tilespmem:s4], [sflag:$0x1] =	stream.indirect_vreg.gather [hbm4b:s1+s5], $0x80, v59, vm0, $0xb8;
	[tilespmem:$0x1DA00] =	vst v63  }
0x5d2: {  	s7 =	simm.s32 $0x2980  }
0x5d3: {  	[tilespmem:s7], [sflag:$0x1] =	stream.indirect_vreg.gather [hbm4b:s1+s5], $0x80, v19, vm0, $0xb8;
	[tilespmem:$0x1DA00] =	vst v63  }
0x5d4: {  	v19 =	vld [tilespmem:$0x50];
	_ =	sdelay $0x4  }
0x5d5: {  	v20 =	vshll.u32 v19, $0x1  }
0x5d6: {  	v19 =	vand.u32 $0x7, v19;
	v20 =	vand.u32 $0xFFFFFFF0, v20  }
0x5d7: {  	v19 =	vor.u32 v19, v20  }
0x5d8: {  	v20 =	vperm.xlane v19, v3;
	_ =	sdelay $0x1  }
0x5d9: {  	v60 =	vperm.xlane v19, v2;
	v20 =	vadd.s32 v4, v20;
	_ =	sdelay $0x1  }
0x5da: {  	v61 =	vperm.xlane v19, v5;
	v21 =	vadd.s32 v4, v60;
	_ =	sdelay $0x1  }
0x5db: {  	s8 =	simm.s32 $0x2A00;
	v62 =	vperm.xlane v19, v6;
	v22 =	vadd.s32 v4, v61  }
0x5dc: {  	[tilespmem:s8], [sflag:$0x1] =	stream.indirect_vreg.gather [hbm4b:s1+s5], $0x80, v20, vm0, $0xb8;
	[tilespmem:$0x1DA00] =	vst v63  }
0x5dd: {  	s13 =	simm.s32 $0x2A80;
	v63 =	vperm.xlane v19, v7;
	v20 =	vadd.s32 v4, v62  }
0x5de: {  	[tilespmem:s13], [sflag:$0x1] =	stream.indirect_vreg.gather [hbm4b:s1+s5], $0x80, v21, vm0, $0xb8;
	[tilespmem:$0x1DA00] =	vst v63  }
0x5df: {  	s14 =	simm.s32 $0x2B00;
	v25 =	vperm.xlane v19, v8;
	v24 =	vadd.s32 v4, v63  }
0x5e0: {  	[tilespmem:s14], [sflag:$0x1] =	stream.indirect_vreg.gather [hbm4b:s1+s5], $0x80, v22, vm0, $0xb8;
	[tilespmem:$0x1DA00] =	vst v63  }
0x5e1: {  	s15 =	simm.s32 $0x2B80;
	v27 =	vperm.xlane v19, v9;
	v26 =	vadd.s32 v4, v25  }
0x5e2: {  	[tilespmem:s15], [sflag:$0x1] =	stream.indirect_vreg.gather [hbm4b:s1+s5], $0x80, v20, vm0, $0xb8;
	[tilespmem:$0x1DA00] =	vst v63  }
0x5e3: {  	s20 =	simm.s32 $0x2C00;
	v28 =	vperm.xlane v19, v1;
	v20 =	vadd.s32 v4, v27  }
0x5e4: {  	[tilespmem:s20], [sflag:$0x1] =	stream.indirect_vreg.gather [hbm4b:s1+s5], $0x80, v24, vm0, $0xb8;
	[tilespmem:$0x1DA00] =	vst v63  }
0x5e5: {  	s22 =	simm.s32 $0x2C80;
	v30 =	vperm.xlane v19, v10;
	v29 =	vadd.s32 v4, v28  }
0x5e6: {  	[tilespmem:s22], [sflag:$0x1] =	stream.indirect_vreg.gather [hbm4b:s1+s5], $0x80, v26, vm0, $0xb8;
	[tilespmem:$0x1DA00] =	vst v63  }
0x5e7: {  	s23 =	simm.s32 $0x2D00;
	v32 =	vperm.xlane v19, v11;
	v31 =	vadd.s32 v4, v30  }
0x5e8: {  	[tilespmem:s23], [sflag:$0x1] =	stream.indirect_vreg.gather [hbm4b:s1+s5], $0x80, v20, vm0, $0xb8;
	[tilespmem:$0x1DA00] =	vst v63  }
0x5e9: {  	s24 =	simm.s32 $0x2D80;
	v33 =	vperm.xlane v19, v12;
	v20 =	vadd.s32 v4, v32  }
0x5ea: {  	[tilespmem:s24], [sflag:$0x1] =	stream.indirect_vreg.gather [hbm4b:s1+s5], $0x80, v29, vm0, $0xb8;
	[tilespmem:$0x1DA00] =	vst v63  }
0x5eb: {  	s25 =	simm.s32 $0x2E00;
	v35 =	vperm.xlane v19, v13;
	v34 =	vadd.s32 v4, v33  }
0x5ec: {  	[tilespmem:s25], [sflag:$0x1] =	stream.indirect_vreg.gather [hbm4b:s1+s5], $0x80, v31, vm0, $0xb8;
	[tilespmem:$0x1DA00] =	vst v63  }
0x5ed: {  	s3 =	simm.s32 $0x2E80;
	v37 =	vperm.xlane v19, v14;
	v36 =	vadd.s32 v4, v35  }
0x5ee: {  	[tilespmem:s3], [sflag:$0x1] =	stream.indirect_vreg.gather [hbm4b:s1+s5], $0x80, v20, vm0, $0xb8;
	[tilespmem:$0x1DA00] =	vst v63  }
0x5ef: {  	s4 =	simm.s32 $0x2F00;
	v38 =	vperm.xlane v19, v15;
	v20 =	vadd.s32 v4, v37  }
0x5f0: {  	[tilespmem:s4], [sflag:$0x1] =	stream.indirect_vreg.gather [hbm4b:s1+s5], $0x80, v34, vm0, $0xb8;
	[tilespmem:$0x1DA00] =	vst v63  }
0x5f1: {  	s7 =	simm.s32 $0x2F80;
	v40 =	vperm.xlane v19, v16;
	v39 =	vadd.s32 v4, v38  }
0x5f2: {  	[tilespmem:s7], [sflag:$0x1] =	stream.indirect_vreg.gather [hbm4b:s1+s5], $0x80, v36, vm0, $0xb8;
	[tilespmem:$0x1DA00] =	vst v63  }
0x5f3: {  	v19 =	vperm.xlane v19, v17;
	v41 =	vadd.s32 v4, v40;
	s8 =	simm.s32 $0x3000  }
0x5f4: {  	[tilespmem:s8], [sflag:$0x1] =	stream.indirect_vreg.gather [hbm4b:s1+s5], $0x80, v20, vm0, $0xb8;
	[tilespmem:$0x1DA00] =	vst v63  }
0x5f5: {  	v19 =	vadd.s32 v4, v19  }
0x5f6: {  	[tilespmem:s17], [sflag:$0x1] =	stream.indirect_vreg.gather [hbm4b:s1+s5], $0x80, v39, vm0, $0xb8;
	[tilespmem:$0x1DA00] =	vst v63  }
0x5f7: {  	_ = 	snop  }
0x5f8: {  	[tilespmem:s2], [sflag:$0x1] =	stream.indirect_vreg.gather [hbm4b:s1+s5], $0x80, v41, vm0, $0xb8;
	[tilespmem:$0x1DA00] =	vst v63  }
0x5f9: {  	s13 =	simm.s32 $0x3180  }
0x5fa: {  	[tilespmem:s13], [sflag:$0x1] =	stream.indirect_vreg.gather [hbm4b:s1+s5], $0x80, v19, vm0, $0xb8;
	[tilespmem:$0x1DA00] =	vst v63  }
0x5fb: {  	v19 =	vld [tilespmem:$0x60];
	_ =	sdelay $0x4  }
0x5fc: {  	v20 =	vshll.u32 v19, $0x1  }
0x5fd: {  	v19 =	vand.u32 $0x7, v19;
	v20 =	vand.u32 $0xFFFFFFF0, v20  }
0x5fe: {  	v19 =	vor.u32 v19, v20  }
0x5ff: {  	v20 =	vperm.xlane v19, v3;
	_ =	sdelay $0x1  }
0x600: {  	v42 =	vperm.xlane v19, v2;
	v20 =	vadd.s32 v4, v20;
	_ =	sdelay $0x1  }
0x601: {  	v43 =	vperm.xlane v19, v5;
	v21 =	vadd.s32 v4, v42;
	_ =	sdelay $0x1  }
0x602: {  	s14 =	simm.s32 $0x3200;
	v44 =	vperm.xlane v19, v6;
	v22 =	vadd.s32 v4, v43  }
0x603: {  	[tilespmem:s14], [sflag:$0x1] =	stream.indirect_vreg.gather [hbm4b:s1+s5], $0x80, v20, vm0, $0xb8;
	[tilespmem:$0x1DA00] =	vst v63  }
0x604: {  	s15 =	simm.s32 $0x3280;
	v45 =	vperm.xlane v19, v7;
	v20 =	vadd.s32 v4, v44  }
0x605: {  	[tilespmem:s15], [sflag:$0x1] =	stream.indirect_vreg.gather [hbm4b:s1+s5], $0x80, v21, vm0, $0xb8;
	[tilespmem:$0x1DA00] =	vst v63  }
0x606: {  	s17 =	simm.s32 $0x3300;
	v47 =	vperm.xlane v19, v8;
	v46 =	vadd.s32 v4, v45  }
0x607: {  	[tilespmem:s17], [sflag:$0x1] =	stream.indirect_vreg.gather [hbm4b:s1+s5], $0x80, v22, vm0, $0xb8;
	[tilespmem:$0x1DA00] =	vst v63  }
0x608: {  	s20 =	simm.s32 $0x3380;
	v49 =	vperm.xlane v19, v9;
	v48 =	vadd.s32 v4, v47  }
0x609: {  	[tilespmem:s20], [sflag:$0x1] =	stream.indirect_vreg.gather [hbm4b:s1+s5], $0x80, v20, vm0, $0xb8;
	[tilespmem:$0x1DA00] =	vst v63  }
0x60a: {  	s22 =	simm.s32 $0x3400;
	v50 =	vperm.xlane v19, v1;
	v20 =	vadd.s32 v4, v49  }
0x60b: {  	[tilespmem:s22], [sflag:$0x1] =	stream.indirect_vreg.gather [hbm4b:s1+s5], $0x80, v46, vm0, $0xb8;
	[tilespmem:$0x1DA00] =	vst v63  }
0x60c: {  	s23 =	simm.s32 $0x3480;
	v52 =	vperm.xlane v19, v10;
	v51 =	vadd.s32 v4, v50  }
0x60d: {  	[tilespmem:s23], [sflag:$0x1] =	stream.indirect_vreg.gather [hbm4b:s1+s5], $0x80, v48, vm0, $0xb8;
	[tilespmem:$0x1DA00] =	vst v63  }
0x60e: {  	s24 =	simm.s32 $0x3500;
	v54 =	vperm.xlane v19, v11;
	v53 =	vadd.s32 v4, v52  }
0x60f: {  	[tilespmem:s24], [sflag:$0x1] =	stream.indirect_vreg.gather [hbm4b:s1+s5], $0x80, v20, vm0, $0xb8;
	[tilespmem:$0x1DA00] =	vst v63  }
0x610: {  	s25 =	simm.s32 $0x3580;
	v55 =	vperm.xlane v19, v12;
	v20 =	vadd.s32 v4, v54  }
0x611: {  	[tilespmem:s25], [sflag:$0x1] =	stream.indirect_vreg.gather [hbm4b:s1+s5], $0x80, v51, vm0, $0xb8;
	[tilespmem:$0x1DA00] =	vst v63  }
0x612: {  	s0 =	simm.s32 $0x3600;
	v57 =	vperm.xlane v19, v13;
	v56 =	vadd.s32 v4, v55  }
0x613: {  	[tilespmem:s0], [sflag:$0x1] =	stream.indirect_vreg.gather [hbm4b:s1+s5], $0x80, v53, vm0, $0xb8;
	[tilespmem:$0x1DA00] =	vst v63  }
0x614: {  	s28 =	simm.s32 $0x3680;
	v59 =	vperm.xlane v19, v14;
	v58 =	vadd.s32 v4, v57  }
0x615: {  	[tilespmem:s28], [sflag:$0x1] =	stream.indirect_vreg.gather [hbm4b:s1+s5], $0x80, v20, vm0, $0xb8;
	[tilespmem:$0x1DA00] =	vst v63  }
0x616: {  	v60 =	vperm.xlane v19, v15;
	s24 =	simm.s32 $0x3700;
	v20 =	vadd.s32 v4, v59  }
0x617: {  	[tilespmem:s24], [sflag:$0x1] =	stream.indirect_vreg.gather [hbm4b:s1+s5], $0x80, v56, vm0, $0xb8;
	[tilespmem:$0x1DA00] =	vst v63  }
0x618: {  	v62 =	vperm.xlane v19, v16;
	v61 =	vadd.s32 v4, v60;
	s20 =	simm.s32 $0x3780  }
0x619: {  	[tilespmem:s20], [sflag:$0x1] =	stream.indirect_vreg.gather [hbm4b:s1+s5], $0x80, v58, vm0, $0xb8;
	[tilespmem:$0x1DA00] =	vst v63  }
0x61a: {  	s30 =	simm.s32 $0x3900;
	s31 =	simm.s32 $0x80;
	s4 =	simm.s32 $0x3800;
	v19 =	vperm.xlane v19, v17;
	v63 =	vadd.s32 v4, v62  }
0x61b: {  	[tilespmem:s4], [sflag:$0x1] =	stream.indirect_vreg.gather [hbm4b:s1+s5], $0x80, v20, vm0, $0xb8;
	[tilespmem:$0x1DA00] =	vst v63  }
0x61c: {  	s3 =	rddreg [dreg:$0x19];
	s7 =	simm.s32 $0xFFFFFA80;
	v19 =	vadd.s32 v4, v19;
	s22 =	simm.s32 $0x3880  }
0x61d: {  	[tilespmem:s22], [sflag:$0x1] =	stream.indirect_vreg.gather [hbm4b:s1+s5], $0x80, v61, vm0, $0xb8;
	[tilespmem:$0x1DA00] =	vst v63  }
0x61e: {  	s8 =	simm.s32 $0x3980;
	s2 =	smov.u32 s19;
	s19 =	simm.s32 $0x70  }
0x61f: {  	[tilespmem:s30], [sflag:$0x1] =	stream.indirect_vreg.gather [hbm4b:s1+s5], $0x80, v63, vm0, $0xb8;
	[tilespmem:$0x1DA00] =	vst v63  }
0x620: {  	s13 =	simm.s32 $0x3A80;
	s17 =	simm.s32 $0x3A00;
	s23 =	rddreg [dreg:$0x18]  }
0x621: {  	[tilespmem:s8], [sflag:$0x1] =	stream.indirect_vreg.gather [hbm4b:s1+s5], $0x80, v19, vm0, $0xb8;
	[tilespmem:$0x1DA00] =	vst v63  }
.LBB2_7:
0x622: {  	_ =	swait.ge [sflag:s16], $0x3800  }
0x623: {  	[sflag:s16] =	ssyncset.done $0x0  }
0x624: {  	[sflag:s16] =	ssyncadd.s32 $0xFFFFC800  }
0x625: {  	v19 =	vld [tilespmem:$0x80];
	_ =	sdelay $0x7  }
0x626: {  	[tilespmem:v19+s11+$0x0] =	vst.idx.add.f32.msk $0xffff, v18  }
0x627: {  	v19 =	vld [tilespmem:$0x90];
	_ =	sdelay $0x7  }
0x628: {  	[tilespmem:v19+s11+$0x0] =	vst.idx.add.f32.msk $0xffff, v18  }
0x629: {  	v19 =	vld [tilespmem:$0xA0];
	_ =	sdelay $0x7  }
0x62a: {  	[tilespmem:v19+s11+$0x0] =	vst.idx.add.f32.msk $0xffff, v18  }
0x62b: {  	v19 =	vld [tilespmem:$0xB0];
	_ =	sdelay $0x7  }
0x62c: {  	[tilespmem:v19+s11+$0x0] =	vst.idx.add.f32.msk $0xffff, v18  }
0x62d: {  	v19 =	vld [tilespmem:$0xC0];
	_ =	sdelay $0x7  }
0x62e: {  	[tilespmem:v19+s11+$0x0] =	vst.idx.add.f32.msk $0xffff, v18  }
0x62f: {  	v19 =	vld [tilespmem:$0xD0];
	_ =	sdelay $0x7  }
0x630: {  	[tilespmem:v19+s11+$0x0] =	vst.idx.add.f32.msk $0xffff, v18  }
0x631: {  	v19 =	vld [tilespmem:$0xE0];
	_ =	sdelay $0x7  }
0x632: {  	[tilespmem:v19+s11+$0x0] =	vst.idx.add.f32.msk $0xffff, v18  }
0x633: {  	[spmem:s2] =	stream.indirect.scatter.add.f32 [tilespmem:s29], [sflag:$0x5], $0x80, s31, s19, $0xb8;
	[tilespmem:$0x1DA00] =	vst v63  }
0x634: {  	_ =	swait.ge [sflag:s18], $0x80  }
0x635: {  	[sflag:s18] =	ssyncset.done $0x0  }
0x636: {  	[sflag:s18] =	ssyncadd.s32 $0xFFFFFF80  }
0x637: {  	_ =	swait.ge [sflag:s18], $0x80  }
0x638: {  	[sflag:s18] =	ssyncset.done $0x0  }
0x639: {  	[sflag:s18] =	ssyncadd.s32 $0xFFFFFF80  }
0x63a: {  	v19 =	vld [tilespmem:$0x100];
	_ =	sdelay $0x4  }
0x63b: {  	v20 =	vshll.u32 v19, $0x1  }
0x63c: {  	v19 =	vand.u32 $0x7, v19;
	v20 =	vand.u32 $0xFFFFFFF0, v20  }
0x63d: {  	v19 =	vor.u32 v19, v20  }
0x63e: {  	v20 =	vperm.xlane v19, v3;
	_ =	sdelay $0x1  }
0x63f: {  	v21 =	vperm.xlane v19, v2;
	v20 =	vadd.s32 v4, v20;
	_ =	sdelay $0x1  }
0x640: {  	v22 =	vperm.xlane v19, v5;
	v21 =	vadd.s32 v4, v21;
	_ =	sdelay $0x1  }
0x641: {  	v23 =	vperm.xlane v19, v6;
	v22 =	vadd.s32 v4, v22  }
0x642: {  	[tilespmem:s17], [sflag:$0x2] =	stream.indirect_vreg.gather [hbm4b:s1+s5], $0x80, v20, vm0, $0xb8;
	[tilespmem:$0x1DA00] =	vst v63  }
0x643: {  	v39 =	vperm.xlane v19, v7;
	v20 =	vadd.s32 v4, v23  }
0x644: {  	[tilespmem:s13], [sflag:$0x2] =	stream.indirect_vreg.gather [hbm4b:s1+s5], $0x80, v21, vm0, $0xb8;
	[tilespmem:$0x1DA00] =	vst v63  }
0x645: {  	s14 =	simm.s32 $0x3B00;
	v41 =	vperm.xlane v19, v8;
	v40 =	vadd.s32 v4, v39  }
0x646: {  	[tilespmem:s14], [sflag:$0x2] =	stream.indirect_vreg.gather [hbm4b:s1+s5], $0x80, v22, vm0, $0xb8;
	[tilespmem:$0x1DA00] =	vst v63  }
0x647: {  	s15 =	simm.s32 $0x3B80;
	v43 =	vperm.xlane v19, v9;
	v42 =	vadd.s32 v4, v41  }
0x648: {  	[tilespmem:s15], [sflag:$0x2] =	stream.indirect_vreg.gather [hbm4b:s1+s5], $0x80, v20, vm0, $0xb8;
	[tilespmem:$0x1DA00] =	vst v63  }
0x649: {  	s25 =	simm.s32 $0x3C00;
	v44 =	vperm.xlane v19, v1;
	v20 =	vadd.s32 v4, v43  }
0x64a: {  	[tilespmem:s25], [sflag:$0x2] =	stream.indirect_vreg.gather [hbm4b:s1+s5], $0x80, v40, vm0, $0xb8;
	[tilespmem:$0x1DA00] =	vst v63  }
0x64b: {  	v46 =	vperm.xlane v19, v10;
	v45 =	vadd.s32 v4, v44;
	s14 =	simm.s32 $0x3C80  }
0x64c: {  	[tilespmem:s14], [sflag:$0x2] =	stream.indirect_vreg.gather [hbm4b:s1+s5], $0x80, v42, vm0, $0xb8;
	[tilespmem:$0x1DA00] =	vst v63  }
0x64d: {  	v48 =	vperm.xlane v19, v11;
	v47 =	vadd.s32 v4, v46;
	s15 =	simm.s32 $0x3D00  }
0x64e: {  	[tilespmem:s15], [sflag:$0x2] =	stream.indirect_vreg.gather [hbm4b:s1+s5], $0x80, v20, vm0, $0xb8;
	[tilespmem:$0x1DA00] =	vst v63  }
0x64f: {  	v49 =	vperm.xlane v19, v12;
	s25 =	simm.s32 $0x3D80;
	v20 =	vadd.s32 v4, v48  }
0x650: {  	[tilespmem:s25], [sflag:$0x2] =	stream.indirect_vreg.gather [hbm4b:s1+s5], $0x80, v45, vm0, $0xb8;
	[tilespmem:$0x1DA00] =	vst v63  }
0x651: {  	v51 =	vperm.xlane v19, v13;
	v50 =	vadd.s32 v4, v49;
	s14 =	simm.s32 $0x3E00  }
0x652: {  	[tilespmem:s14], [sflag:$0x2] =	stream.indirect_vreg.gather [hbm4b:s1+s5], $0x80, v47, vm0, $0xb8;
	[tilespmem:$0x1DA00] =	vst v63  }
0x653: {  	v53 =	vperm.xlane v19, v14;
	v52 =	vadd.s32 v4, v51;
	s15 =	simm.s32 $0x3E80  }
0x654: {  	[tilespmem:s15], [sflag:$0x2] =	stream.indirect_vreg.gather [hbm4b:s1+s5], $0x80, v20, vm0, $0xb8;
	[tilespmem:$0x1DA00] =	vst v63  }
0x655: {  	v54 =	vperm.xlane v19, v15;
	s25 =	simm.s32 $0x3F00;
	v20 =	vadd.s32 v4, v53  }
0x656: {  	[tilespmem:s25], [sflag:$0x2] =	stream.indirect_vreg.gather [hbm4b:s1+s5], $0x80, v50, vm0, $0xb8;
	[tilespmem:$0x1DA00] =	vst v63  }
0x657: {  	v56 =	vperm.xlane v19, v16;
	v55 =	vadd.s32 v4, v54;
	s14 =	simm.s32 $0x3F80  }
0x658: {  	[tilespmem:s14], [sflag:$0x2] =	stream.indirect_vreg.gather [hbm4b:s1+s5], $0x80, v52, vm0, $0xb8;
	[tilespmem:$0x1DA00] =	vst v63  }
0x659: {  	v19 =	vperm.xlane v19, v17;
	v57 =	vadd.s32 v4, v56;
	s15 =	simm.s32 $0x4000  }
0x65a: {  	[tilespmem:s15], [sflag:$0x2] =	stream.indirect_vreg.gather [hbm4b:s1+s5], $0x80, v20, vm0, $0xb8;
	[tilespmem:$0x1DA00] =	vst v63  }
0x65b: {  	v19 =	vadd.s32 v4, v19;
	s25 =	simm.s32 $0x4080  }
0x65c: {  	[tilespmem:s25], [sflag:$0x2] =	stream.indirect_vreg.gather [hbm4b:s1+s5], $0x80, v55, vm0, $0xb8;
	[tilespmem:$0x1DA00] =	vst v63  }
0x65d: {  	s14 =	simm.s32 $0x4100  }
0x65e: {  	[tilespmem:s14], [sflag:$0x2] =	stream.indirect_vreg.gather [hbm4b:s1+s5], $0x80, v57, vm0, $0xb8;
	[tilespmem:$0x1DA00] =	vst v63  }
0x65f: {  	s15 =	simm.s32 $0x4180  }
0x660: {  	[tilespmem:s15], [sflag:$0x2] =	stream.indirect_vreg.gather [hbm4b:s1+s5], $0x80, v19, vm0, $0xb8;
	[tilespmem:$0x1DA00] =	vst v63  }
0x661: {  	v19 =	vld [tilespmem:$0x110];
	_ =	sdelay $0x4  }
0x662: {  	v20 =	vshll.u32 v19, $0x1  }
0x663: {  	v19 =	vand.u32 $0x7, v19;
	v20 =	vand.u32 $0xFFFFFFF0, v20  }
0x664: {  	v19 =	vor.u32 v19, v20  }
0x665: {  	v20 =	vperm.xlane v19, v3;
	_ =	sdelay $0x1  }
0x666: {  	v58 =	vperm.xlane v19, v2;
	v20 =	vadd.s32 v4, v20;
	_ =	sdelay $0x1  }
0x667: {  	v59 =	vperm.xlane v19, v5;
	v21 =	vadd.s32 v4, v58;
	_ =	sdelay $0x1  }
0x668: {  	s25 =	simm.s32 $0x4200;
	v60 =	vperm.xlane v19, v6;
	v22 =	vadd.s32 v4, v59  }
0x669: {  	[tilespmem:s25], [sflag:$0x2] =	stream.indirect_vreg.gather [hbm4b:s1+s5], $0x80, v20, vm0, $0xb8;
	[tilespmem:$0x1DA00] =	vst v63  }
0x66a: {  	s14 =	simm.s32 $0x4280;
	v61 =	vperm.xlane v19, v7;
	v20 =	vadd.s32 v4, v60  }
0x66b: {  	[tilespmem:s14], [sflag:$0x2] =	stream.indirect_vreg.gather [hbm4b:s1+s5], $0x80, v21, vm0, $0xb8;
	[tilespmem:$0x1DA00] =	vst v63  }
0x66c: {  	s15 =	simm.s32 $0x4300;
	v63 =	vperm.xlane v19, v8;
	v62 =	vadd.s32 v4, v61  }
0x66d: {  	[tilespmem:s15], [sflag:$0x2] =	stream.indirect_vreg.gather [hbm4b:s1+s5], $0x80, v22, vm0, $0xb8;
	[tilespmem:$0x1DA00] =	vst v63  }
0x66e: {  	v25 =	vperm.xlane v19, v9;
	v24 =	vadd.s32 v4, v63;
	s25 =	simm.s32 $0x4380  }
0x66f: {  	[tilespmem:s25], [sflag:$0x2] =	stream.indirect_vreg.gather [hbm4b:s1+s5], $0x80, v20, vm0, $0xb8;
	[tilespmem:$0x1DA00] =	vst v63  }
0x670: {  	v26 =	vperm.xlane v19, v1;
	s14 =	simm.s32 $0x4400;
	v20 =	vadd.s32 v4, v25  }
0x671: {  	[tilespmem:s14], [sflag:$0x2] =	stream.indirect_vreg.gather [hbm4b:s1+s5], $0x80, v62, vm0, $0xb8;
	[tilespmem:$0x1DA00] =	vst v63  }
0x672: {  	v28 =	vperm.xlane v19, v10;
	v27 =	vadd.s32 v4, v26;
	s15 =	simm.s32 $0x4480  }
0x673: {  	[tilespmem:s15], [sflag:$0x2] =	stream.indirect_vreg.gather [hbm4b:s1+s5], $0x80, v24, vm0, $0xb8;
	[tilespmem:$0x1DA00] =	vst v63  }
0x674: {  	v30 =	vperm.xlane v19, v11;
	v29 =	vadd.s32 v4, v28;
	s25 =	simm.s32 $0x4500  }
0x675: {  	[tilespmem:s25], [sflag:$0x2] =	stream.indirect_vreg.gather [hbm4b:s1+s5], $0x80, v20, vm0, $0xb8;
	[tilespmem:$0x1DA00] =	vst v63  }
0x676: {  	v31 =	vperm.xlane v19, v12;
	s14 =	simm.s32 $0x4580;
	v20 =	vadd.s32 v4, v30  }
0x677: {  	[tilespmem:s14], [sflag:$0x2] =	stream.indirect_vreg.gather [hbm4b:s1+s5], $0x80, v27, vm0, $0xb8;
	[tilespmem:$0x1DA00] =	vst v63  }
0x678: {  	v33 =	vperm.xlane v19, v13;
	v32 =	vadd.s32 v4, v31;
	s15 =	simm.s32 $0x4600  }
0x679: {  	[tilespmem:s15], [sflag:$0x2] =	stream.indirect_vreg.gather [hbm4b:s1+s5], $0x80, v29, vm0, $0xb8;
	[tilespmem:$0x1DA00] =	vst v63  }
0x67a: {  	v35 =	vperm.xlane v19, v14;
	v34 =	vadd.s32 v4, v33;
	s25 =	simm.s32 $0x4680  }
0x67b: {  	[tilespmem:s25], [sflag:$0x2] =	stream.indirect_vreg.gather [hbm4b:s1+s5], $0x80, v20, vm0, $0xb8;
	[tilespmem:$0x1DA00] =	vst v63  }
0x67c: {  	v36 =	vperm.xlane v19, v15;
	s14 =	simm.s32 $0x4700;
	v20 =	vadd.s32 v4, v35  }
0x67d: {  	[tilespmem:s14], [sflag:$0x2] =	stream.indirect_vreg.gather [hbm4b:s1+s5], $0x80, v32, vm0, $0xb8;
	[tilespmem:$0x1DA00] =	vst v63  }
0x67e: {  	v38 =	vperm.xlane v19, v16;
	v37 =	vadd.s32 v4, v36;
	s15 =	simm.s32 $0x4780  }
0x67f: {  	[tilespmem:s15], [sflag:$0x2] =	stream.indirect_vreg.gather [hbm4b:s1+s5], $0x80, v34, vm0, $0xb8;
	[tilespmem:$0x1DA00] =	vst v63  }
0x680: {  	v19 =	vperm.xlane v19, v17;
	v39 =	vadd.s32 v4, v38;
	s25 =	simm.s32 $0x4800  }
0x681: {  	[tilespmem:s25], [sflag:$0x2] =	stream.indirect_vreg.gather [hbm4b:s1+s5], $0x80, v20, vm0, $0xb8;
	[tilespmem:$0x1DA00] =	vst v63  }
0x682: {  	v19 =	vadd.s32 v4, v19;
	s14 =	simm.s32 $0x4880  }
0x683: {  	[tilespmem:s14], [sflag:$0x2] =	stream.indirect_vreg.gather [hbm4b:s1+s5], $0x80, v37, vm0, $0xb8;
	[tilespmem:$0x1DA00] =	vst v63  }
0x684: {  	s15 =	simm.s32 $0x4900  }
0x685: {  	[tilespmem:s15], [sflag:$0x2] =	stream.indirect_vreg.gather [hbm4b:s1+s5], $0x80, v39, vm0, $0xb8;
	[tilespmem:$0x1DA00] =	vst v63  }
0x686: {  	s25 =	simm.s32 $0x4980  }
0x687: {  	[tilespmem:s25], [sflag:$0x2] =	stream.indirect_vreg.gather [hbm4b:s1+s5], $0x80, v19, vm0, $0xb8;
	[tilespmem:$0x1DA00] =	vst v63  }
0x688: {  	v19 =	vld [tilespmem:$0x120];
	_ =	sdelay $0x4  }
0x689: {  	v20 =	vshll.u32 v19, $0x1  }
0x68a: {  	v19 =	vand.u32 $0x7, v19;
	v20 =	vand.u32 $0xFFFFFFF0, v20  }
0x68b: {  	v19 =	vor.u32 v19, v20  }
0x68c: {  	v20 =	vperm.xlane v19, v3;
	_ =	sdelay $0x1  }
0x68d: {  	v40 =	vperm.xlane v19, v2;
	v20 =	vadd.s32 v4, v20;
	_ =	sdelay $0x1  }
0x68e: {  	v41 =	vperm.xlane v19, v5;
	v21 =	vadd.s32 v4, v40;
	_ =	sdelay $0x1  }
0x68f: {  	s14 =	simm.s32 $0x4A00;
	v42 =	vperm.xlane v19, v6;
	v22 =	vadd.s32 v4, v41  }
0x690: {  	[tilespmem:s14], [sflag:$0x2] =	stream.indirect_vreg.gather [hbm4b:s1+s5], $0x80, v20, vm0, $0xb8;
	[tilespmem:$0x1DA00] =	vst v63  }
0x691: {  	s15 =	simm.s32 $0x4A80;
	v43 =	vperm.xlane v19, v7;
	v20 =	vadd.s32 v4, v42  }
0x692: {  	[tilespmem:s15], [sflag:$0x2] =	stream.indirect_vreg.gather [hbm4b:s1+s5], $0x80, v21, vm0, $0xb8;
	[tilespmem:$0x1DA00] =	vst v63  }
0x693: {  	s25 =	simm.s32 $0x4B00;
	v45 =	vperm.xlane v19, v8;
	v44 =	vadd.s32 v4, v43  }
0x694: {  	[tilespmem:s25], [sflag:$0x2] =	stream.indirect_vreg.gather [hbm4b:s1+s5], $0x80, v22, vm0, $0xb8;
	[tilespmem:$0x1DA00] =	vst v63  }
0x695: {  	v47 =	vperm.xlane v19, v9;
	v46 =	vadd.s32 v4, v45;
	s14 =	simm.s32 $0x4B80  }
0x696: {  	[tilespmem:s14], [sflag:$0x2] =	stream.indirect_vreg.gather [hbm4b:s1+s5], $0x80, v20, vm0, $0xb8;
	[tilespmem:$0x1DA00] =	vst v63  }
0x697: {  	v48 =	vperm.xlane v19, v1;
	s15 =	simm.s32 $0x4C00;
	v20 =	vadd.s32 v4, v47  }
0x698: {  	[tilespmem:s15], [sflag:$0x2] =	stream.indirect_vreg.gather [hbm4b:s1+s5], $0x80, v44, vm0, $0xb8;
	[tilespmem:$0x1DA00] =	vst v63  }
0x699: {  	v50 =	vperm.xlane v19, v10;
	v49 =	vadd.s32 v4, v48;
	s25 =	simm.s32 $0x4C80  }
0x69a: {  	[tilespmem:s25], [sflag:$0x2] =	stream.indirect_vreg.gather [hbm4b:s1+s5], $0x80, v46, vm0, $0xb8;
	[tilespmem:$0x1DA00] =	vst v63  }
0x69b: {  	v52 =	vperm.xlane v19, v11;
	v51 =	vadd.s32 v4, v50;
	s14 =	simm.s32 $0x4D00  }
0x69c: {  	[tilespmem:s14], [sflag:$0x2] =	stream.indirect_vreg.gather [hbm4b:s1+s5], $0x80, v20, vm0, $0xb8;
	[tilespmem:$0x1DA00] =	vst v63  }
0x69d: {  	v53 =	vperm.xlane v19, v12;
	s15 =	simm.s32 $0x4D80;
	v20 =	vadd.s32 v4, v52  }
0x69e: {  	[tilespmem:s15], [sflag:$0x2] =	stream.indirect_vreg.gather [hbm4b:s1+s5], $0x80, v49, vm0, $0xb8;
	[tilespmem:$0x1DA00] =	vst v63  }
0x69f: {  	v55 =	vperm.xlane v19, v13;
	v54 =	vadd.s32 v4, v53;
	s25 =	simm.s32 $0x4E00  }
0x6a0: {  	[tilespmem:s25], [sflag:$0x2] =	stream.indirect_vreg.gather [hbm4b:s1+s5], $0x80, v51, vm0, $0xb8;
	[tilespmem:$0x1DA00] =	vst v63  }
0x6a1: {  	v57 =	vperm.xlane v19, v14;
	v56 =	vadd.s32 v4, v55;
	s14 =	simm.s32 $0x4E80  }
0x6a2: {  	[tilespmem:s14], [sflag:$0x2] =	stream.indirect_vreg.gather [hbm4b:s1+s5], $0x80, v20, vm0, $0xb8;
	[tilespmem:$0x1DA00] =	vst v63  }
0x6a3: {  	v58 =	vperm.xlane v19, v15;
	s15 =	simm.s32 $0x4F00;
	v20 =	vadd.s32 v4, v57  }
0x6a4: {  	[tilespmem:s15], [sflag:$0x2] =	stream.indirect_vreg.gather [hbm4b:s1+s5], $0x80, v54, vm0, $0xb8;
	[tilespmem:$0x1DA00] =	vst v63  }
0x6a5: {  	v60 =	vperm.xlane v19, v16;
	v59 =	vadd.s32 v4, v58;
	s25 =	simm.s32 $0x4F80  }
0x6a6: {  	[tilespmem:s25], [sflag:$0x2] =	stream.indirect_vreg.gather [hbm4b:s1+s5], $0x80, v56, vm0, $0xb8;
	[tilespmem:$0x1DA00] =	vst v63  }
0x6a7: {  	v19 =	vperm.xlane v19, v17;
	v61 =	vadd.s32 v4, v60;
	s14 =	simm.s32 $0x5000  }
0x6a8: {  	[tilespmem:s14], [sflag:$0x2] =	stream.indirect_vreg.gather [hbm4b:s1+s5], $0x80, v20, vm0, $0xb8;
	[tilespmem:$0x1DA00] =	vst v63  }
0x6a9: {  	v19 =	vadd.s32 v4, v19;
	s15 =	simm.s32 $0x5080  }
0x6aa: {  	[tilespmem:s15], [sflag:$0x2] =	stream.indirect_vreg.gather [hbm4b:s1+s5], $0x80, v59, vm0, $0xb8;
	[tilespmem:$0x1DA00] =	vst v63  }
0x6ab: {  	s25 =	simm.s32 $0x5100  }
0x6ac: {  	[tilespmem:s25], [sflag:$0x2] =	stream.indirect_vreg.gather [hbm4b:s1+s5], $0x80, v61, vm0, $0xb8;
	[tilespmem:$0x1DA00] =	vst v63  }
0x6ad: {  	s14 =	simm.s32 $0x5180  }
0x6ae: {  	[tilespmem:s14], [sflag:$0x2] =	stream.indirect_vreg.gather [hbm4b:s1+s5], $0x80, v19, vm0, $0xb8;
	[tilespmem:$0x1DA00] =	vst v63  }
0x6af: {  	v19 =	vld [tilespmem:$0x130];
	_ =	sdelay $0x4  }
0x6b0: {  	v20 =	vshll.u32 v19, $0x1  }
0x6b1: {  	v19 =	vand.u32 $0x7, v19;
	v20 =	vand.u32 $0xFFFFFFF0, v20  }
0x6b2: {  	v19 =	vor.u32 v19, v20  }
0x6b3: {  	v20 =	vperm.xlane v19, v3;
	_ =	sdelay $0x1  }
0x6b4: {  	v62 =	vperm.xlane v19, v2;
	v20 =	vadd.s32 v4, v20;
	_ =	sdelay $0x1  }
0x6b5: {  	v63 =	vperm.xlane v19, v5;
	v21 =	vadd.s32 v4, v62;
	_ =	sdelay $0x1  }
0x6b6: {  	s15 =	simm.s32 $0x5200;
	v24 =	vperm.xlane v19, v6;
	v22 =	vadd.s32 v4, v63  }
0x6b7: {  	[tilespmem:s15], [sflag:$0x2] =	stream.indirect_vreg.gather [hbm4b:s1+s5], $0x80, v20, vm0, $0xb8;
	[tilespmem:$0x1DA00] =	vst v63  }
0x6b8: {  	s25 =	simm.s32 $0x5280;
	v25 =	vperm.xlane v19, v7;
	v20 =	vadd.s32 v4, v24  }
0x6b9: {  	[tilespmem:s25], [sflag:$0x2] =	stream.indirect_vreg.gather [hbm4b:s1+s5], $0x80, v21, vm0, $0xb8;
	[tilespmem:$0x1DA00] =	vst v63  }
0x6ba: {  	s14 =	simm.s32 $0x5300;
	v27 =	vperm.xlane v19, v8;
	v26 =	vadd.s32 v4, v25  }
0x6bb: {  	[tilespmem:s14], [sflag:$0x2] =	stream.indirect_vreg.gather [hbm4b:s1+s5], $0x80, v22, vm0, $0xb8;
	[tilespmem:$0x1DA00] =	vst v63  }
0x6bc: {  	v29 =	vperm.xlane v19, v9;
	v28 =	vadd.s32 v4, v27;
	s15 =	simm.s32 $0x5380  }
0x6bd: {  	[tilespmem:s15], [sflag:$0x2] =	stream.indirect_vreg.gather [hbm4b:s1+s5], $0x80, v20, vm0, $0xb8;
	[tilespmem:$0x1DA00] =	vst v63  }
0x6be: {  	v30 =	vperm.xlane v19, v1;
	s25 =	simm.s32 $0x5400;
	v20 =	vadd.s32 v4, v29  }
0x6bf: {  	[tilespmem:s25], [sflag:$0x2] =	stream.indirect_vreg.gather [hbm4b:s1+s5], $0x80, v26, vm0, $0xb8;
	[tilespmem:$0x1DA00] =	vst v63  }
0x6c0: {  	v32 =	vperm.xlane v19, v10;
	v31 =	vadd.s32 v4, v30;
	s14 =	simm.s32 $0x5480  }
0x6c1: {  	[tilespmem:s14], [sflag:$0x2] =	stream.indirect_vreg.gather [hbm4b:s1+s5], $0x80, v28, vm0, $0xb8;
	[tilespmem:$0x1DA00] =	vst v63  }
0x6c2: {  	v34 =	vperm.xlane v19, v11;
	v33 =	vadd.s32 v4, v32;
	s15 =	simm.s32 $0x5500  }
0x6c3: {  	[tilespmem:s15], [sflag:$0x2] =	stream.indirect_vreg.gather [hbm4b:s1+s5], $0x80, v20, vm0, $0xb8;
	[tilespmem:$0x1DA00] =	vst v63  }
0x6c4: {  	v35 =	vperm.xlane v19, v12;
	s25 =	simm.s32 $0x5580;
	v20 =	vadd.s32 v4, v34  }
0x6c5: {  	[tilespmem:s25], [sflag:$0x2] =	stream.indirect_vreg.gather [hbm4b:s1+s5], $0x80, v31, vm0, $0xb8;
	[tilespmem:$0x1DA00] =	vst v63  }
0x6c6: {  	v37 =	vperm.xlane v19, v13;
	v36 =	vadd.s32 v4, v35;
	s14 =	simm.s32 $0x5600  }
0x6c7: {  	[tilespmem:s14], [sflag:$0x2] =	stream.indirect_vreg.gather [hbm4b:s1+s5], $0x80, v33, vm0, $0xb8;
	[tilespmem:$0x1DA00] =	vst v63  }
0x6c8: {  	v39 =	vperm.xlane v19, v14;
	v38 =	vadd.s32 v4, v37;
	s15 =	simm.s32 $0x5680  }
0x6c9: {  	[tilespmem:s15], [sflag:$0x2] =	stream.indirect_vreg.gather [hbm4b:s1+s5], $0x80, v20, vm0, $0xb8;
	[tilespmem:$0x1DA00] =	vst v63  }
0x6ca: {  	v40 =	vperm.xlane v19, v15;
	s25 =	simm.s32 $0x5700;
	v20 =	vadd.s32 v4, v39  }
0x6cb: {  	[tilespmem:s25], [sflag:$0x2] =	stream.indirect_vreg.gather [hbm4b:s1+s5], $0x80, v36, vm0, $0xb8;
	[tilespmem:$0x1DA00] =	vst v63  }
0x6cc: {  	v42 =	vperm.xlane v19, v16;
	v41 =	vadd.s32 v4, v40;
	s14 =	simm.s32 $0x5780  }
0x6cd: {  	[tilespmem:s14], [sflag:$0x2] =	stream.indirect_vreg.gather [hbm4b:s1+s5], $0x80, v38, vm0, $0xb8;
	[tilespmem:$0x1DA00] =	vst v63  }
0x6ce: {  	v19 =	vperm.xlane v19, v17;
	v43 =	vadd.s32 v4, v42;
	s15 =	simm.s32 $0x5800  }
0x6cf: {  	[tilespmem:s15], [sflag:$0x2] =	stream.indirect_vreg.gather [hbm4b:s1+s5], $0x80, v20, vm0, $0xb8;
	[tilespmem:$0x1DA00] =	vst v63  }
0x6d0: {  	v19 =	vadd.s32 v4, v19;
	s25 =	simm.s32 $0x5880  }
0x6d1: {  	[tilespmem:s25], [sflag:$0x2] =	stream.indirect_vreg.gather [hbm4b:s1+s5], $0x80, v41, vm0, $0xb8;
	[tilespmem:$0x1DA00] =	vst v63  }
0x6d2: {  	s14 =	simm.s32 $0x5900  }
0x6d3: {  	[tilespmem:s14], [sflag:$0x2] =	stream.indirect_vreg.gather [hbm4b:s1+s5], $0x80, v43, vm0, $0xb8;
	[tilespmem:$0x1DA00] =	vst v63  }
0x6d4: {  	s15 =	simm.s32 $0x5980  }
0x6d5: {  	[tilespmem:s15], [sflag:$0x2] =	stream.indirect_vreg.gather [hbm4b:s1+s5], $0x80, v19, vm0, $0xb8;
	[tilespmem:$0x1DA00] =	vst v63  }
0x6d6: {  	v19 =	vld [tilespmem:$0x140];
	_ =	sdelay $0x4  }
0x6d7: {  	v20 =	vshll.u32 v19, $0x1  }
0x6d8: {  	v19 =	vand.u32 $0x7, v19;
	v20 =	vand.u32 $0xFFFFFFF0, v20  }
0x6d9: {  	v19 =	vor.u32 v19, v20  }
0x6da: {  	v20 =	vperm.xlane v19, v3;
	_ =	sdelay $0x1  }
0x6db: {  	v44 =	vperm.xlane v19, v2;
	v20 =	vadd.s32 v4, v20;
	_ =	sdelay $0x1  }
0x6dc: {  	v45 =	vperm.xlane v19, v5;
	v21 =	vadd.s32 v4, v44;
	_ =	sdelay $0x1  }
0x6dd: {  	s25 =	simm.s32 $0x5A00;
	v46 =	vperm.xlane v19, v6;
	v22 =	vadd.s32 v4, v45  }
0x6de: {  	[tilespmem:s25], [sflag:$0x2] =	stream.indirect_vreg.gather [hbm4b:s1+s5], $0x80, v20, vm0, $0xb8;
	[tilespmem:$0x1DA00] =	vst v63  }
0x6df: {  	s14 =	simm.s32 $0x5A80;
	v47 =	vperm.xlane v19, v7;
	v20 =	vadd.s32 v4, v46  }
0x6e0: {  	[tilespmem:s14], [sflag:$0x2] =	stream.indirect_vreg.gather [hbm4b:s1+s5], $0x80, v21, vm0, $0xb8;
	[tilespmem:$0x1DA00] =	vst v63  }
0x6e1: {  	s15 =	simm.s32 $0x5B00;
	v49 =	vperm.xlane v19, v8;
	v48 =	vadd.s32 v4, v47  }
0x6e2: {  	[tilespmem:s15], [sflag:$0x2] =	stream.indirect_vreg.gather [hbm4b:s1+s5], $0x80, v22, vm0, $0xb8;
	[tilespmem:$0x1DA00] =	vst v63  }
0x6e3: {  	v51 =	vperm.xlane v19, v9;
	v50 =	vadd.s32 v4, v49;
	s25 =	simm.s32 $0x5B80  }
0x6e4: {  	[tilespmem:s25], [sflag:$0x2] =	stream.indirect_vreg.gather [hbm4b:s1+s5], $0x80, v20, vm0, $0xb8;
	[tilespmem:$0x1DA00] =	vst v63  }
0x6e5: {  	v52 =	vperm.xlane v19, v1;
	s14 =	simm.s32 $0x5C00;
	v20 =	vadd.s32 v4, v51  }
0x6e6: {  	[tilespmem:s14], [sflag:$0x2] =	stream.indirect_vreg.gather [hbm4b:s1+s5], $0x80, v48, vm0, $0xb8;
	[tilespmem:$0x1DA00] =	vst v63  }
0x6e7: {  	v54 =	vperm.xlane v19, v10;
	v53 =	vadd.s32 v4, v52;
	s15 =	simm.s32 $0x5C80  }
0x6e8: {  	[tilespmem:s15], [sflag:$0x2] =	stream.indirect_vreg.gather [hbm4b:s1+s5], $0x80, v50, vm0, $0xb8;
	[tilespmem:$0x1DA00] =	vst v63  }
0x6e9: {  	v56 =	vperm.xlane v19, v11;
	v55 =	vadd.s32 v4, v54;
	s25 =	simm.s32 $0x5D00  }
0x6ea: {  	[tilespmem:s25], [sflag:$0x2] =	stream.indirect_vreg.gather [hbm4b:s1+s5], $0x80, v20, vm0, $0xb8;
	[tilespmem:$0x1DA00] =	vst v63  }
0x6eb: {  	v57 =	vperm.xlane v19, v12;
	s14 =	simm.s32 $0x5D80;
	v20 =	vadd.s32 v4, v56  }
0x6ec: {  	[tilespmem:s14], [sflag:$0x2] =	stream.indirect_vreg.gather [hbm4b:s1+s5], $0x80, v53, vm0, $0xb8;
	[tilespmem:$0x1DA00] =	vst v63  }
0x6ed: {  	v59 =	vperm.xlane v19, v13;
	v58 =	vadd.s32 v4, v57;
	s15 =	simm.s32 $0x5E00  }
0x6ee: {  	[tilespmem:s15], [sflag:$0x2] =	stream.indirect_vreg.gather [hbm4b:s1+s5], $0x80, v55, vm0, $0xb8;
	[tilespmem:$0x1DA00] =	vst v63  }
0x6ef: {  	v61 =	vperm.xlane v19, v14;
	v60 =	vadd.s32 v4, v59;
	s25 =	simm.s32 $0x5E80  }
0x6f0: {  	[tilespmem:s25], [sflag:$0x2] =	stream.indirect_vreg.gather [hbm4b:s1+s5], $0x80, v20, vm0, $0xb8;
	[tilespmem:$0x1DA00] =	vst v63  }
0x6f1: {  	v62 =	vperm.xlane v19, v15;
	s14 =	simm.s32 $0x5F00;
	v20 =	vadd.s32 v4, v61  }
0x6f2: {  	[tilespmem:s14], [sflag:$0x2] =	stream.indirect_vreg.gather [hbm4b:s1+s5], $0x80, v58, vm0, $0xb8;
	[tilespmem:$0x1DA00] =	vst v63  }
0x6f3: {  	v24 =	vperm.xlane v19, v16;
	v63 =	vadd.s32 v4, v62;
	s15 =	simm.s32 $0x5F80  }
0x6f4: {  	[tilespmem:s15], [sflag:$0x2] =	stream.indirect_vreg.gather [hbm4b:s1+s5], $0x80, v60, vm0, $0xb8;
	[tilespmem:$0x1DA00] =	vst v63  }
0x6f5: {  	v19 =	vperm.xlane v19, v17;
	v25 =	vadd.s32 v4, v24;
	s25 =	simm.s32 $0x6000  }
0x6f6: {  	[tilespmem:s25], [sflag:$0x2] =	stream.indirect_vreg.gather [hbm4b:s1+s5], $0x80, v20, vm0, $0xb8;
	[tilespmem:$0x1DA00] =	vst v63  }
0x6f7: {  	v19 =	vadd.s32 v4, v19;
	s14 =	simm.s32 $0x6080  }
0x6f8: {  	[tilespmem:s14], [sflag:$0x2] =	stream.indirect_vreg.gather [hbm4b:s1+s5], $0x80, v63, vm0, $0xb8;
	[tilespmem:$0x1DA00] =	vst v63  }
0x6f9: {  	s15 =	simm.s32 $0x6100  }
0x6fa: {  	[tilespmem:s15], [sflag:$0x2] =	stream.indirect_vreg.gather [hbm4b:s1+s5], $0x80, v25, vm0, $0xb8;
	[tilespmem:$0x1DA00] =	vst v63  }
0x6fb: {  	s25 =	simm.s32 $0x6180  }
0x6fc: {  	[tilespmem:s25], [sflag:$0x2] =	stream.indirect_vreg.gather [hbm4b:s1+s5], $0x80, v19, vm0, $0xb8;
	[tilespmem:$0x1DA00] =	vst v63  }
0x6fd: {  	v19 =	vld [tilespmem:$0x150];
	_ =	sdelay $0x4  }
0x6fe: {  	v20 =	vshll.u32 v19, $0x1  }
0x6ff: {  	v19 =	vand.u32 $0x7, v19;
	v20 =	vand.u32 $0xFFFFFFF0, v20  }
0x700: {  	v19 =	vor.u32 v19, v20  }
0x701: {  	v20 =	vperm.xlane v19, v3;
	_ =	sdelay $0x1  }
0x702: {  	v26 =	vperm.xlane v19, v2;
	v20 =	vadd.s32 v4, v20;
	_ =	sdelay $0x1  }
0x703: {  	v27 =	vperm.xlane v19, v5;
	v21 =	vadd.s32 v4, v26;
	_ =	sdelay $0x1  }
0x704: {  	s14 =	simm.s32 $0x6200;
	v28 =	vperm.xlane v19, v6;
	v22 =	vadd.s32 v4, v27  }
0x705: {  	[tilespmem:s14], [sflag:$0x2] =	stream.indirect_vreg.gather [hbm4b:s1+s5], $0x80, v20, vm0, $0xb8;
	[tilespmem:$0x1DA00] =	vst v63  }
0x706: {  	s15 =	simm.s32 $0x6280;
	v29 =	vperm.xlane v19, v7;
	v20 =	vadd.s32 v4, v28  }
0x707: {  	[tilespmem:s15], [sflag:$0x2] =	stream.indirect_vreg.gather [hbm4b:s1+s5], $0x80, v21, vm0, $0xb8;
	[tilespmem:$0x1DA00] =	vst v63  }
0x708: {  	s25 =	simm.s32 $0x6300;
	v31 =	vperm.xlane v19, v8;
	v30 =	vadd.s32 v4, v29  }
0x709: {  	[tilespmem:s25], [sflag:$0x2] =	stream.indirect_vreg.gather [hbm4b:s1+s5], $0x80, v22, vm0, $0xb8;
	[tilespmem:$0x1DA00] =	vst v63  }
0x70a: {  	v33 =	vperm.xlane v19, v9;
	v32 =	vadd.s32 v4, v31;
	s14 =	simm.s32 $0x6380  }
0x70b: {  	[tilespmem:s14], [sflag:$0x2] =	stream.indirect_vreg.gather [hbm4b:s1+s5], $0x80, v20, vm0, $0xb8;
	[tilespmem:$0x1DA00] =	vst v63  }
0x70c: {  	v34 =	vperm.xlane v19, v1;
	s15 =	simm.s32 $0x6400;
	v20 =	vadd.s32 v4, v33  }
0x70d: {  	[tilespmem:s15], [sflag:$0x2] =	stream.indirect_vreg.gather [hbm4b:s1+s5], $0x80, v30, vm0, $0xb8;
	[tilespmem:$0x1DA00] =	vst v63  }
0x70e: {  	v36 =	vperm.xlane v19, v10;
	v35 =	vadd.s32 v4, v34;
	s25 =	simm.s32 $0x6480  }
0x70f: {  	[tilespmem:s25], [sflag:$0x2] =	stream.indirect_vreg.gather [hbm4b:s1+s5], $0x80, v32, vm0, $0xb8;
	[tilespmem:$0x1DA00] =	vst v63  }
0x710: {  	v38 =	vperm.xlane v19, v11;
	v37 =	vadd.s32 v4, v36;
	s14 =	simm.s32 $0x6500  }
0x711: {  	[tilespmem:s14], [sflag:$0x2] =	stream.indirect_vreg.gather [hbm4b:s1+s5], $0x80, v20, vm0, $0xb8;
	[tilespmem:$0x1DA00] =	vst v63  }
0x712: {  	v39 =	vperm.xlane v19, v12;
	s15 =	simm.s32 $0x6580;
	v20 =	vadd.s32 v4, v38  }
0x713: {  	[tilespmem:s15], [sflag:$0x2] =	stream.indirect_vreg.gather [hbm4b:s1+s5], $0x80, v35, vm0, $0xb8;
	[tilespmem:$0x1DA00] =	vst v63  }
0x714: {  	v41 =	vperm.xlane v19, v13;
	v40 =	vadd.s32 v4, v39;
	s25 =	simm.s32 $0x6600  }
0x715: {  	[tilespmem:s25], [sflag:$0x2] =	stream.indirect_vreg.gather [hbm4b:s1+s5], $0x80, v37, vm0, $0xb8;
	[tilespmem:$0x1DA00] =	vst v63  }
0x716: {  	v43 =	vperm.xlane v19, v14;
	v42 =	vadd.s32 v4, v41;
	s14 =	simm.s32 $0x6680  }
0x717: {  	[tilespmem:s14], [sflag:$0x2] =	stream.indirect_vreg.gather [hbm4b:s1+s5], $0x80, v20, vm0, $0xb8;
	[tilespmem:$0x1DA00] =	vst v63  }
0x718: {  	v44 =	vperm.xlane v19, v15;
	s15 =	simm.s32 $0x6700;
	v20 =	vadd.s32 v4, v43  }
0x719: {  	[tilespmem:s15], [sflag:$0x2] =	stream.indirect_vreg.gather [hbm4b:s1+s5], $0x80, v40, vm0, $0xb8;
	[tilespmem:$0x1DA00] =	vst v63  }
0x71a: {  	v46 =	vperm.xlane v19, v16;
	v45 =	vadd.s32 v4, v44;
	s25 =	simm.s32 $0x6780  }
0x71b: {  	[tilespmem:s25], [sflag:$0x2] =	stream.indirect_vreg.gather [hbm4b:s1+s5], $0x80, v42, vm0, $0xb8;
	[tilespmem:$0x1DA00] =	vst v63  }
0x71c: {  	v19 =	vperm.xlane v19, v17;
	v47 =	vadd.s32 v4, v46;
	s14 =	simm.s32 $0x6800  }
0x71d: {  	[tilespmem:s14], [sflag:$0x2] =	stream.indirect_vreg.gather [hbm4b:s1+s5], $0x80, v20, vm0, $0xb8;
	[tilespmem:$0x1DA00] =	vst v63  }
0x71e: {  	v19 =	vadd.s32 v4, v19;
	s15 =	simm.s32 $0x6880  }
0x71f: {  	[tilespmem:s15], [sflag:$0x2] =	stream.indirect_vreg.gather [hbm4b:s1+s5], $0x80, v45, vm0, $0xb8;
	[tilespmem:$0x1DA00] =	vst v63  }
0x720: {  	s25 =	simm.s32 $0x6900  }
0x721: {  	[tilespmem:s25], [sflag:$0x2] =	stream.indirect_vreg.gather [hbm4b:s1+s5], $0x80, v47, vm0, $0xb8;
	[tilespmem:$0x1DA00] =	vst v63  }
0x722: {  	s14 =	simm.s32 $0x6980  }
0x723: {  	[tilespmem:s14], [sflag:$0x2] =	stream.indirect_vreg.gather [hbm4b:s1+s5], $0x80, v19, vm0, $0xb8;
	[tilespmem:$0x1DA00] =	vst v63  }
0x724: {  	v19 =	vld [tilespmem:$0x160];
	_ =	sdelay $0x4  }
0x725: {  	v20 =	vshll.u32 v19, $0x1  }
0x726: {  	v19 =	vand.u32 $0x7, v19;
	v20 =	vand.u32 $0xFFFFFFF0, v20  }
0x727: {  	v19 =	vor.u32 v19, v20  }
0x728: {  	v20 =	vperm.xlane v19, v3;
	_ =	sdelay $0x1  }
0x729: {  	v48 =	vperm.xlane v19, v2;
	v20 =	vadd.s32 v4, v20;
	_ =	sdelay $0x1  }
0x72a: {  	v49 =	vperm.xlane v19, v5;
	v21 =	vadd.s32 v4, v48;
	_ =	sdelay $0x1  }
0x72b: {  	s15 =	simm.s32 $0x6A00;
	v50 =	vperm.xlane v19, v6;
	v22 =	vadd.s32 v4, v49  }
0x72c: {  	[tilespmem:s15], [sflag:$0x2] =	stream.indirect_vreg.gather [hbm4b:s1+s5], $0x80, v20, vm0, $0xb8;
	[tilespmem:$0x1DA00] =	vst v63  }
0x72d: {  	s25 =	simm.s32 $0x6A80;
	v51 =	vperm.xlane v19, v7;
	v20 =	vadd.s32 v4, v50  }
0x72e: {  	[tilespmem:s25], [sflag:$0x2] =	stream.indirect_vreg.gather [hbm4b:s1+s5], $0x80, v21, vm0, $0xb8;
	[tilespmem:$0x1DA00] =	vst v63  }
0x72f: {  	s14 =	simm.s32 $0x6B00;
	v53 =	vperm.xlane v19, v8;
	v52 =	vadd.s32 v4, v51  }
0x730: {  	[tilespmem:s14], [sflag:$0x2] =	stream.indirect_vreg.gather [hbm4b:s1+s5], $0x80, v22, vm0, $0xb8;
	[tilespmem:$0x1DA00] =	vst v63  }
0x731: {  	v55 =	vperm.xlane v19, v9;
	v54 =	vadd.s32 v4, v53;
	s15 =	simm.s32 $0x6B80  }
0x732: {  	[tilespmem:s15], [sflag:$0x2] =	stream.indirect_vreg.gather [hbm4b:s1+s5], $0x80, v20, vm0, $0xb8;
	[tilespmem:$0x1DA00] =	vst v63  }
0x733: {  	v56 =	vperm.xlane v19, v1;
	s25 =	simm.s32 $0x6C00;
	v20 =	vadd.s32 v4, v55  }
0x734: {  	[tilespmem:s25], [sflag:$0x2] =	stream.indirect_vreg.gather [hbm4b:s1+s5], $0x80, v52, vm0, $0xb8;
	[tilespmem:$0x1DA00] =	vst v63  }
0x735: {  	v58 =	vperm.xlane v19, v10;
	v57 =	vadd.s32 v4, v56;
	s14 =	simm.s32 $0x6C80  }
0x736: {  	[tilespmem:s14], [sflag:$0x2] =	stream.indirect_vreg.gather [hbm4b:s1+s5], $0x80, v54, vm0, $0xb8;
	[tilespmem:$0x1DA00] =	vst v63  }
0x737: {  	v60 =	vperm.xlane v19, v11;
	v59 =	vadd.s32 v4, v58;
	s15 =	simm.s32 $0x6D00  }
0x738: {  	[tilespmem:s15], [sflag:$0x2] =	stream.indirect_vreg.gather [hbm4b:s1+s5], $0x80, v20, vm0, $0xb8;
	[tilespmem:$0x1DA00] =	vst v63  }
0x739: {  	v61 =	vperm.xlane v19, v12;
	s25 =	simm.s32 $0x6D80;
	v20 =	vadd.s32 v4, v60  }
0x73a: {  	[tilespmem:s25], [sflag:$0x2] =	stream.indirect_vreg.gather [hbm4b:s1+s5], $0x80, v57, vm0, $0xb8;
	[tilespmem:$0x1DA00] =	vst v63  }
0x73b: {  	v63 =	vperm.xlane v19, v13;
	v62 =	vadd.s32 v4, v61;
	s14 =	simm.s32 $0x6E00  }
0x73c: {  	[tilespmem:s14], [sflag:$0x2] =	stream.indirect_vreg.gather [hbm4b:s1+s5], $0x80, v59, vm0, $0xb8;
	[tilespmem:$0x1DA00] =	vst v63  }
0x73d: {  	v25 =	vperm.xlane v19, v14;
	v24 =	vadd.s32 v4, v63;
	s15 =	simm.s32 $0x6E80  }
0x73e: {  	[tilespmem:s15], [sflag:$0x2] =	stream.indirect_vreg.gather [hbm4b:s1+s5], $0x80, v20, vm0, $0xb8;
	[tilespmem:$0x1DA00] =	vst v63  }
0x73f: {  	v26 =	vperm.xlane v19, v15;
	s25 =	simm.s32 $0x6F00;
	v20 =	vadd.s32 v4, v25  }
0x740: {  	[tilespmem:s25], [sflag:$0x2] =	stream.indirect_vreg.gather [hbm4b:s1+s5], $0x80, v62, vm0, $0xb8;
	[tilespmem:$0x1DA00] =	vst v63  }
0x741: {  	v28 =	vperm.xlane v19, v16;
	v27 =	vadd.s32 v4, v26;
	s14 =	simm.s32 $0x6F80  }
0x742: {  	[tilespmem:s14], [sflag:$0x2] =	stream.indirect_vreg.gather [hbm4b:s1+s5], $0x80, v24, vm0, $0xb8;
	[tilespmem:$0x1DA00] =	vst v63  }
0x743: {  	v19 =	vperm.xlane v19, v17;
	v29 =	vadd.s32 v4, v28;
	s15 =	simm.s32 $0x7000  }
0x744: {  	[tilespmem:s15], [sflag:$0x2] =	stream.indirect_vreg.gather [hbm4b:s1+s5], $0x80, v20, vm0, $0xb8;
	[tilespmem:$0x1DA00] =	vst v63  }
0x745: {  	v19 =	vadd.s32 v4, v19;
	s25 =	simm.s32 $0x7080  }
0x746: {  	[tilespmem:s25], [sflag:$0x2] =	stream.indirect_vreg.gather [hbm4b:s1+s5], $0x80, v27, vm0, $0xb8;
	[tilespmem:$0x1DA00] =	vst v63  }
0x747: {  	s14 =	simm.s32 $0x7100  }
0x748: {  	[tilespmem:s14], [sflag:$0x2] =	stream.indirect_vreg.gather [hbm4b:s1+s5], $0x80, v29, vm0, $0xb8;
	[tilespmem:$0x1DA00] =	vst v63  }
0x749: {  	s15 =	simm.s32 $0x7180  }
0x74a: {  	[tilespmem:s15], [sflag:$0x2] =	stream.indirect_vreg.gather [hbm4b:s1+s5], $0x80, v19, vm0, $0xb8;
	[tilespmem:$0x1DA00] =	vst v63  }
0x74b: {  	_ =	swait.ge [sflag:s9], $0x3800  }
0x74c: {  	s13 =	sadd.s32 s7, s23;
	[sflag:s9] =	ssyncset.done $0x0  }
0x74d: {  	s14 =	sadd.s32 $0x5A0, s13;
	[sflag:s9] =	ssyncadd.s32 $0xFFFFC800  }
0x74e: {  	[tilespmem:s5], [sflag:$0x3] =	stream.linear.gather [hbm4b:s14+s5], $0x80, $0x38;
	[tilespmem:$0x1DA00] =	vst v63  }
0x74f: {  	s14 =	sadd.s32 s7, s3  }
0x750: {  	s15 =	sadd.s32 $0x5A0, s14  }
0x751: {  	[tilespmem:s31], [sflag:$0x3] =	stream.linear.gather [hbm4b:s15+s5], $0x80, $0x38;
	[tilespmem:$0x1DA00] =	vst v63  }
0x752: {  	_ =	swait.ge [sflag:s10], $0x3800  }
0x753: {  	[sflag:s10] =	ssyncset.done $0x0  }
0x754: {  	s15 =	simm.s32 $0x180;
	[sflag:s10] =	ssyncadd.s32 $0xFFFFC800  }
0x755: {  	[spmem:s2] =	stream.indirect.scatter.add.f32 [tilespmem:s17], [sflag:$0x6], $0x80, s15, s19, $0xb8;
	[tilespmem:$0x1DA00] =	vst v63  }
0x756: {  	_ =	swait.ge [sflag:s6], $0x80  }
0x757: {  	[sflag:s6] =	ssyncset.done $0x0  }
0x758: {  	[sflag:s6] =	ssyncadd.s32 $0xFFFFFF80  }
0x759: {  	_ =	swait.ge [sflag:s6], $0x80  }
0x75a: {  	[sflag:s6] =	ssyncset.done $0x0  }
0x75b: {  	[sflag:s6] =	ssyncadd.s32 $0xFFFFFF80  }
0x75c: {  	v19 =	vld [tilespmem:$0x0];
	_ =	sdelay $0x4  }
0x75d: {  	v20 =	vshll.u32 v19, $0x1  }
0x75e: {  	v19 =	vand.u32 $0x7, v19;
	v20 =	vand.u32 $0xFFFFFFF0, v20  }
0x75f: {  	v19 =	vor.u32 v19, v20  }
0x760: {  	v20 =	vperm.xlane v19, v3;
	_ =	sdelay $0x1  }
0x761: {  	v30 =	vperm.xlane v19, v2;
	v20 =	vadd.s32 v4, v20;
	_ =	sdelay $0x1  }
0x762: {  	v31 =	vperm.xlane v19, v5;
	v21 =	vadd.s32 v4, v30;
	_ =	sdelay $0x1  }
0x763: {  	v32 =	vperm.xlane v19, v6;
	v22 =	vadd.s32 v4, v31  }
0x764: {  	[tilespmem:s29], [sflag:$0x1] =	stream.indirect_vreg.gather [hbm4b:s1+s5], $0x80, v20, vm0, $0xb8;
	[tilespmem:$0x1DA00] =	vst v63  }
0x765: {  	s25 =	simm.s32 $0x280;
	v33 =	vperm.xlane v19, v7;
	v20 =	vadd.s32 v4, v32  }
0x766: {  	[tilespmem:s25], [sflag:$0x1] =	stream.indirect_vreg.gather [hbm4b:s1+s5], $0x80, v21, vm0, $0xb8;
	[tilespmem:$0x1DA00] =	vst v63  }
0x767: {  	v35 =	vperm.xlane v19, v8;
	v34 =	vadd.s32 v4, v33;
	s25 =	simm.s32 $0x300  }
0x768: {  	[tilespmem:s25], [sflag:$0x1] =	stream.indirect_vreg.gather [hbm4b:s1+s5], $0x80, v22, vm0, $0xb8;
	[tilespmem:$0x1DA00] =	vst v63  }
0x769: {  	v37 =	vperm.xlane v19, v9;
	v36 =	vadd.s32 v4, v35;
	s25 =	simm.s32 $0x380  }
0x76a: {  	[tilespmem:s25], [sflag:$0x1] =	stream.indirect_vreg.gather [hbm4b:s1+s5], $0x80, v20, vm0, $0xb8;
	[tilespmem:$0x1DA00] =	vst v63  }
0x76b: {  	v38 =	vperm.xlane v19, v1;
	v20 =	vadd.s32 v4, v37;
	s25 =	simm.s32 $0x400  }
0x76c: {  	[tilespmem:s25], [sflag:$0x1] =	stream.indirect_vreg.gather [hbm4b:s1+s5], $0x80, v34, vm0, $0xb8;
	[tilespmem:$0x1DA00] =	vst v63  }
0x76d: {  	v40 =	vperm.xlane v19, v10;
	v39 =	vadd.s32 v4, v38;
	s25 =	simm.s32 $0x480  }
0x76e: {  	[tilespmem:s25], [sflag:$0x1] =	stream.indirect_vreg.gather [hbm4b:s1+s5], $0x80, v36, vm0, $0xb8;
	[tilespmem:$0x1DA00] =	vst v63  }
0x76f: {  	v42 =	vperm.xlane v19, v11;
	v41 =	vadd.s32 v4, v40;
	s25 =	simm.s32 $0x500  }
0x770: {  	[tilespmem:s25], [sflag:$0x1] =	stream.indirect_vreg.gather [hbm4b:s1+s5], $0x80, v20, vm0, $0xb8;
	[tilespmem:$0x1DA00] =	vst v63  }
0x771: {  	v43 =	vperm.xlane v19, v12;
	v20 =	vadd.s32 v4, v42;
	s25 =	simm.s32 $0x580  }
0x772: {  	[tilespmem:s25], [sflag:$0x1] =	stream.indirect_vreg.gather [hbm4b:s1+s5], $0x80, v39, vm0, $0xb8;
	[tilespmem:$0x1DA00] =	vst v63  }
0x773: {  	v45 =	vperm.xlane v19, v13;
	v44 =	vadd.s32 v4, v43;
	s25 =	simm.s32 $0x600  }
0x774: {  	[tilespmem:s25], [sflag:$0x1] =	stream.indirect_vreg.gather [hbm4b:s1+s5], $0x80, v41, vm0, $0xb8;
	[tilespmem:$0x1DA00] =	vst v63  }
0x775: {  	v47 =	vperm.xlane v19, v14;
	v46 =	vadd.s32 v4, v45;
	s25 =	simm.s32 $0x680  }
0x776: {  	[tilespmem:s25], [sflag:$0x1] =	stream.indirect_vreg.gather [hbm4b:s1+s5], $0x80, v20, vm0, $0xb8;
	[tilespmem:$0x1DA00] =	vst v63  }
0x777: {  	v48 =	vperm.xlane v19, v15;
	v20 =	vadd.s32 v4, v47;
	s25 =	simm.s32 $0x700  }
0x778: {  	[tilespmem:s25], [sflag:$0x1] =	stream.indirect_vreg.gather [hbm4b:s1+s5], $0x80, v44, vm0, $0xb8;
	[tilespmem:$0x1DA00] =	vst v63  }
0x779: {  	v50 =	vperm.xlane v19, v16;
	v49 =	vadd.s32 v4, v48;
	s25 =	simm.s32 $0x780  }
0x77a: {  	[tilespmem:s25], [sflag:$0x1] =	stream.indirect_vreg.gather [hbm4b:s1+s5], $0x80, v46, vm0, $0xb8;
	[tilespmem:$0x1DA00] =	vst v63  }
0x77b: {  	v19 =	vperm.xlane v19, v17;
	v51 =	vadd.s32 v4, v50;
	s25 =	simm.s32 $0x800  }
0x77c: {  	[tilespmem:s25], [sflag:$0x1] =	stream.indirect_vreg.gather [hbm4b:s1+s5], $0x80, v20, vm0, $0xb8;
	[tilespmem:$0x1DA00] =	vst v63  }
0x77d: {  	v19 =	vadd.s32 v4, v19;
	s25 =	simm.s32 $0x880  }
0x77e: {  	[tilespmem:s25], [sflag:$0x1] =	stream.indirect_vreg.gather [hbm4b:s1+s5], $0x80, v49, vm0, $0xb8;
	[tilespmem:$0x1DA00] =	vst v63  }
0x77f: {  	s25 =	simm.s32 $0x900  }
0x780: {  	[tilespmem:s25], [sflag:$0x1] =	stream.indirect_vreg.gather [hbm4b:s1+s5], $0x80, v51, vm0, $0xb8;
	[tilespmem:$0x1DA00] =	vst v63  }
0x781: {  	s25 =	simm.s32 $0x980  }
0x782: {  	[tilespmem:s25], [sflag:$0x1] =	stream.indirect_vreg.gather [hbm4b:s1+s5], $0x80, v19, vm0, $0xb8;
	[tilespmem:$0x1DA00] =	vst v63  }
0x783: {  	v19 =	vld [tilespmem:$0x10];
	_ =	sdelay $0x4  }
0x784: {  	v20 =	vshll.u32 v19, $0x1  }
0x785: {  	v19 =	vand.u32 $0x7, v19;
	v20 =	vand.u32 $0xFFFFFFF0, v20  }
0x786: {  	v19 =	vor.u32 v19, v20  }
0x787: {  	v20 =	vperm.xlane v19, v3;
	_ =	sdelay $0x1  }
0x788: {  	v52 =	vperm.xlane v19, v2;
	v20 =	vadd.s32 v4, v20;
	_ =	sdelay $0x1  }
0x789: {  	v53 =	vperm.xlane v19, v5;
	v21 =	vadd.s32 v4, v52;
	_ =	sdelay $0x1  }
0x78a: {  	s25 =	simm.s32 $0xA00;
	v54 =	vperm.xlane v19, v6;
	v22 =	vadd.s32 v4, v53  }
0x78b: {  	[tilespmem:s25], [sflag:$0x1] =	stream.indirect_vreg.gather [hbm4b:s1+s5], $0x80, v20, vm0, $0xb8;
	[tilespmem:$0x1DA00] =	vst v63  }
0x78c: {  	v55 =	vperm.xlane v19, v7;
	v20 =	vadd.s32 v4, v54;
	s25 =	simm.s32 $0xA80  }
0x78d: {  	[tilespmem:s25], [sflag:$0x1] =	stream.indirect_vreg.gather [hbm4b:s1+s5], $0x80, v21, vm0, $0xb8;
	[tilespmem:$0x1DA00] =	vst v63  }
0x78e: {  	v57 =	vperm.xlane v19, v8;
	v56 =	vadd.s32 v4, v55;
	s25 =	simm.s32 $0xB00  }
0x78f: {  	[tilespmem:s25], [sflag:$0x1] =	stream.indirect_vreg.gather [hbm4b:s1+s5], $0x80, v22, vm0, $0xb8;
	[tilespmem:$0x1DA00] =	vst v63  }
0x790: {  	v59 =	vperm.xlane v19, v9;
	v58 =	vadd.s32 v4, v57;
	s25 =	simm.s32 $0xB80  }
0x791: {  	[tilespmem:s25], [sflag:$0x1] =	stream.indirect_vreg.gather [hbm4b:s1+s5], $0x80, v20, vm0, $0xb8;
	[tilespmem:$0x1DA00] =	vst v63  }
0x792: {  	v60 =	vperm.xlane v19, v1;
	v20 =	vadd.s32 v4, v59;
	s25 =	simm.s32 $0xC00  }
0x793: {  	[tilespmem:s25], [sflag:$0x1] =	stream.indirect_vreg.gather [hbm4b:s1+s5], $0x80, v56, vm0, $0xb8;
	[tilespmem:$0x1DA00] =	vst v63  }
0x794: {  	v62 =	vperm.xlane v19, v10;
	v61 =	vadd.s32 v4, v60;
	s25 =	simm.s32 $0xC80  }
0x795: {  	[tilespmem:s25], [sflag:$0x1] =	stream.indirect_vreg.gather [hbm4b:s1+s5], $0x80, v58, vm0, $0xb8;
	[tilespmem:$0x1DA00] =	vst v63  }
0x796: {  	v24 =	vperm.xlane v19, v11;
	v63 =	vadd.s32 v4, v62;
	s25 =	simm.s32 $0xD00  }
0x797: {  	[tilespmem:s25], [sflag:$0x1] =	stream.indirect_vreg.gather [hbm4b:s1+s5], $0x80, v20, vm0, $0xb8;
	[tilespmem:$0x1DA00] =	vst v63  }
0x798: {  	v25 =	vperm.xlane v19, v12;
	v20 =	vadd.s32 v4, v24;
	s25 =	simm.s32 $0xD80  }
0x799: {  	[tilespmem:s25], [sflag:$0x1] =	stream.indirect_vreg.gather [hbm4b:s1+s5], $0x80, v61, vm0, $0xb8;
	[tilespmem:$0x1DA00] =	vst v63  }
0x79a: {  	v27 =	vperm.xlane v19, v13;
	v26 =	vadd.s32 v4, v25;
	s25 =	simm.s32 $0xE00  }
0x79b: {  	[tilespmem:s25], [sflag:$0x1] =	stream.indirect_vreg.gather [hbm4b:s1+s5], $0x80, v63, vm0, $0xb8;
	[tilespmem:$0x1DA00] =	vst v63  }
0x79c: {  	v29 =	vperm.xlane v19, v14;
	v28 =	vadd.s32 v4, v27;
	s25 =	simm.s32 $0xE80  }
0x79d: {  	[tilespmem:s25], [sflag:$0x1] =	stream.indirect_vreg.gather [hbm4b:s1+s5], $0x80, v20, vm0, $0xb8;
	[tilespmem:$0x1DA00] =	vst v63  }
0x79e: {  	v30 =	vperm.xlane v19, v15;
	v20 =	vadd.s32 v4, v29;
	s25 =	simm.s32 $0xF00  }
0x79f: {  	[tilespmem:s25], [sflag:$0x1] =	stream.indirect_vreg.gather [hbm4b:s1+s5], $0x80, v26, vm0, $0xb8;
	[tilespmem:$0x1DA00] =	vst v63  }
0x7a0: {  	v32 =	vperm.xlane v19, v16;
	v31 =	vadd.s32 v4, v30;
	s25 =	simm.s32 $0xF80  }
0x7a1: {  	[tilespmem:s25], [sflag:$0x1] =	stream.indirect_vreg.gather [hbm4b:s1+s5], $0x80, v28, vm0, $0xb8;
	[tilespmem:$0x1DA00] =	vst v63  }
0x7a2: {  	v19 =	vperm.xlane v19, v17;
	v33 =	vadd.s32 v4, v32;
	s25 =	simm.s32 $0x1000  }
0x7a3: {  	[tilespmem:s25], [sflag:$0x1] =	stream.indirect_vreg.gather [hbm4b:s1+s5], $0x80, v20, vm0, $0xb8;
	[tilespmem:$0x1DA00] =	vst v63  }
0x7a4: {  	v19 =	vadd.s32 v4, v19;
	s25 =	simm.s32 $0x1080  }
0x7a5: {  	[tilespmem:s25], [sflag:$0x1] =	stream.indirect_vreg.gather [hbm4b:s1+s5], $0x80, v31, vm0, $0xb8;
	[tilespmem:$0x1DA00] =	vst v63  }
0x7a6: {  	s25 =	simm.s32 $0x1100  }
0x7a7: {  	[tilespmem:s25], [sflag:$0x1] =	stream.indirect_vreg.gather [hbm4b:s1+s5], $0x80, v33, vm0, $0xb8;
	[tilespmem:$0x1DA00] =	vst v63  }
0x7a8: {  	s25 =	simm.s32 $0x1180  }
0x7a9: {  	[tilespmem:s25], [sflag:$0x1] =	stream.indirect_vreg.gather [hbm4b:s1+s5], $0x80, v19, vm0, $0xb8;
	[tilespmem:$0x1DA00] =	vst v63  }
0x7aa: {  	v19 =	vld [tilespmem:$0x20];
	_ =	sdelay $0x4  }
0x7ab: {  	v20 =	vshll.u32 v19, $0x1  }
0x7ac: {  	v19 =	vand.u32 $0x7, v19;
	v20 =	vand.u32 $0xFFFFFFF0, v20  }
0x7ad: {  	v19 =	vor.u32 v19, v20  }
0x7ae: {  	v20 =	vperm.xlane v19, v3;
	_ =	sdelay $0x1  }
0x7af: {  	v34 =	vperm.xlane v19, v2;
	v20 =	vadd.s32 v4, v20;
	_ =	sdelay $0x1  }
0x7b0: {  	v35 =	vperm.xlane v19, v5;
	v21 =	vadd.s32 v4, v34;
	_ =	sdelay $0x1  }
0x7b1: {  	s25 =	simm.s32 $0x1200;
	v36 =	vperm.xlane v19, v6;
	v22 =	vadd.s32 v4, v35  }
0x7b2: {  	[tilespmem:s25], [sflag:$0x1] =	stream.indirect_vreg.gather [hbm4b:s1+s5], $0x80, v20, vm0, $0xb8;
	[tilespmem:$0x1DA00] =	vst v63  }
0x7b3: {  	v37 =	vperm.xlane v19, v7;
	v20 =	vadd.s32 v4, v36;
	s25 =	simm.s32 $0x1280  }
0x7b4: {  	[tilespmem:s25], [sflag:$0x1] =	stream.indirect_vreg.gather [hbm4b:s1+s5], $0x80, v21, vm0, $0xb8;
	[tilespmem:$0x1DA00] =	vst v63  }
0x7b5: {  	v39 =	vperm.xlane v19, v8;
	v38 =	vadd.s32 v4, v37;
	s25 =	simm.s32 $0x1300  }
0x7b6: {  	[tilespmem:s25], [sflag:$0x1] =	stream.indirect_vreg.gather [hbm4b:s1+s5], $0x80, v22, vm0, $0xb8;
	[tilespmem:$0x1DA00] =	vst v63  }
0x7b7: {  	v41 =	vperm.xlane v19, v9;
	v40 =	vadd.s32 v4, v39;
	s25 =	simm.s32 $0x1380  }
0x7b8: {  	[tilespmem:s25], [sflag:$0x1] =	stream.indirect_vreg.gather [hbm4b:s1+s5], $0x80, v20, vm0, $0xb8;
	[tilespmem:$0x1DA00] =	vst v63  }
0x7b9: {  	v42 =	vperm.xlane v19, v1;
	v20 =	vadd.s32 v4, v41;
	s25 =	simm.s32 $0x1400  }
0x7ba: {  	[tilespmem:s25], [sflag:$0x1] =	stream.indirect_vreg.gather [hbm4b:s1+s5], $0x80, v38, vm0, $0xb8;
	[tilespmem:$0x1DA00] =	vst v63  }
0x7bb: {  	v44 =	vperm.xlane v19, v10;
	v43 =	vadd.s32 v4, v42;
	s25 =	simm.s32 $0x1480  }
0x7bc: {  	[tilespmem:s25], [sflag:$0x1] =	stream.indirect_vreg.gather [hbm4b:s1+s5], $0x80, v40, vm0, $0xb8;
	[tilespmem:$0x1DA00] =	vst v63  }
0x7bd: {  	v46 =	vperm.xlane v19, v11;
	v45 =	vadd.s32 v4, v44;
	s25 =	simm.s32 $0x1500  }
0x7be: {  	[tilespmem:s25], [sflag:$0x1] =	stream.indirect_vreg.gather [hbm4b:s1+s5], $0x80, v20, vm0, $0xb8;
	[tilespmem:$0x1DA00] =	vst v63  }
0x7bf: {  	v47 =	vperm.xlane v19, v12;
	v20 =	vadd.s32 v4, v46;
	s25 =	simm.s32 $0x1580  }
0x7c0: {  	[tilespmem:s25], [sflag:$0x1] =	stream.indirect_vreg.gather [hbm4b:s1+s5], $0x80, v43, vm0, $0xb8;
	[tilespmem:$0x1DA00] =	vst v63  }
0x7c1: {  	v49 =	vperm.xlane v19, v13;
	v48 =	vadd.s32 v4, v47;
	s25 =	simm.s32 $0x1600  }
0x7c2: {  	[tilespmem:s25], [sflag:$0x1] =	stream.indirect_vreg.gather [hbm4b:s1+s5], $0x80, v45, vm0, $0xb8;
	[tilespmem:$0x1DA00] =	vst v63  }
0x7c3: {  	v51 =	vperm.xlane v19, v14;
	v50 =	vadd.s32 v4, v49;
	s25 =	simm.s32 $0x1680  }
0x7c4: {  	[tilespmem:s25], [sflag:$0x1] =	stream.indirect_vreg.gather [hbm4b:s1+s5], $0x80, v20, vm0, $0xb8;
	[tilespmem:$0x1DA00] =	vst v63  }
0x7c5: {  	v52 =	vperm.xlane v19, v15;
	v20 =	vadd.s32 v4, v51;
	s25 =	simm.s32 $0x1700  }
0x7c6: {  	[tilespmem:s25], [sflag:$0x1] =	stream.indirect_vreg.gather [hbm4b:s1+s5], $0x80, v48, vm0, $0xb8;
	[tilespmem:$0x1DA00] =	vst v63  }
0x7c7: {  	v54 =	vperm.xlane v19, v16;
	v53 =	vadd.s32 v4, v52;
	s25 =	simm.s32 $0x1780  }
0x7c8: {  	[tilespmem:s25], [sflag:$0x1] =	stream.indirect_vreg.gather [hbm4b:s1+s5], $0x80, v50, vm0, $0xb8;
	[tilespmem:$0x1DA00] =	vst v63  }
0x7c9: {  	v19 =	vperm.xlane v19, v17;
	v55 =	vadd.s32 v4, v54;
	s25 =	simm.s32 $0x1800  }
0x7ca: {  	[tilespmem:s25], [sflag:$0x1] =	stream.indirect_vreg.gather [hbm4b:s1+s5], $0x80, v20, vm0, $0xb8;
	[tilespmem:$0x1DA00] =	vst v63  }
0x7cb: {  	v19 =	vadd.s32 v4, v19;
	s25 =	simm.s32 $0x1880  }
0x7cc: {  	[tilespmem:s25], [sflag:$0x1] =	stream.indirect_vreg.gather [hbm4b:s1+s5], $0x80, v53, vm0, $0xb8;
	[tilespmem:$0x1DA00] =	vst v63  }
0x7cd: {  	s25 =	simm.s32 $0x1900  }
0x7ce: {  	[tilespmem:s25], [sflag:$0x1] =	stream.indirect_vreg.gather [hbm4b:s1+s5], $0x80, v55, vm0, $0xb8;
	[tilespmem:$0x1DA00] =	vst v63  }
0x7cf: {  	s25 =	simm.s32 $0x1980  }
0x7d0: {  	[tilespmem:s25], [sflag:$0x1] =	stream.indirect_vreg.gather [hbm4b:s1+s5], $0x80, v19, vm0, $0xb8;
	[tilespmem:$0x1DA00] =	vst v63  }
0x7d1: {  	v19 =	vld [tilespmem:$0x30];
	_ =	sdelay $0x4  }
0x7d2: {  	v20 =	vshll.u32 v19, $0x1  }
0x7d3: {  	v19 =	vand.u32 $0x7, v19;
	v20 =	vand.u32 $0xFFFFFFF0, v20  }
0x7d4: {  	v19 =	vor.u32 v19, v20  }
0x7d5: {  	v20 =	vperm.xlane v19, v3;
	_ =	sdelay $0x1  }
0x7d6: {  	v56 =	vperm.xlane v19, v2;
	v20 =	vadd.s32 v4, v20;
	_ =	sdelay $0x1  }
0x7d7: {  	v57 =	vperm.xlane v19, v5;
	v21 =	vadd.s32 v4, v56;
	_ =	sdelay $0x1  }
0x7d8: {  	s25 =	simm.s32 $0x1A00;
	v58 =	vperm.xlane v19, v6;
	v22 =	vadd.s32 v4, v57  }
0x7d9: {  	[tilespmem:s25], [sflag:$0x1] =	stream.indirect_vreg.gather [hbm4b:s1+s5], $0x80, v20, vm0, $0xb8;
	[tilespmem:$0x1DA00] =	vst v63  }
0x7da: {  	v59 =	vperm.xlane v19, v7;
	v20 =	vadd.s32 v4, v58;
	s25 =	simm.s32 $0x1A80  }
0x7db: {  	[tilespmem:s25], [sflag:$0x1] =	stream.indirect_vreg.gather [hbm4b:s1+s5], $0x80, v21, vm0, $0xb8;
	[tilespmem:$0x1DA00] =	vst v63  }
0x7dc: {  	v61 =	vperm.xlane v19, v8;
	v60 =	vadd.s32 v4, v59;
	s25 =	simm.s32 $0x1B00  }
0x7dd: {  	[tilespmem:s25], [sflag:$0x1] =	stream.indirect_vreg.gather [hbm4b:s1+s5], $0x80, v22, vm0, $0xb8;
	[tilespmem:$0x1DA00] =	vst v63  }
0x7de: {  	v63 =	vperm.xlane v19, v9;
	v62 =	vadd.s32 v4, v61;
	s25 =	simm.s32 $0x1B80  }
0x7df: {  	[tilespmem:s25], [sflag:$0x1] =	stream.indirect_vreg.gather [hbm4b:s1+s5], $0x80, v20, vm0, $0xb8;
	[tilespmem:$0x1DA00] =	vst v63  }
0x7e0: {  	v24 =	vperm.xlane v19, v1;
	v20 =	vadd.s32 v4, v63;
	s25 =	simm.s32 $0x1C00  }
0x7e1: {  	[tilespmem:s25], [sflag:$0x1] =	stream.indirect_vreg.gather [hbm4b:s1+s5], $0x80, v60, vm0, $0xb8;
	[tilespmem:$0x1DA00] =	vst v63  }
0x7e2: {  	v26 =	vperm.xlane v19, v10;
	v25 =	vadd.s32 v4, v24;
	s25 =	simm.s32 $0x1C80  }
0x7e3: {  	[tilespmem:s25], [sflag:$0x1] =	stream.indirect_vreg.gather [hbm4b:s1+s5], $0x80, v62, vm0, $0xb8;
	[tilespmem:$0x1DA00] =	vst v63  }
0x7e4: {  	v28 =	vperm.xlane v19, v11;
	v27 =	vadd.s32 v4, v26;
	s25 =	simm.s32 $0x1D00  }
0x7e5: {  	[tilespmem:s25], [sflag:$0x1] =	stream.indirect_vreg.gather [hbm4b:s1+s5], $0x80, v20, vm0, $0xb8;
	[tilespmem:$0x1DA00] =	vst v63  }
0x7e6: {  	v29 =	vperm.xlane v19, v12;
	v20 =	vadd.s32 v4, v28;
	s25 =	simm.s32 $0x1D80  }
0x7e7: {  	[tilespmem:s25], [sflag:$0x1] =	stream.indirect_vreg.gather [hbm4b:s1+s5], $0x80, v25, vm0, $0xb8;
	[tilespmem:$0x1DA00] =	vst v63  }
0x7e8: {  	v31 =	vperm.xlane v19, v13;
	v30 =	vadd.s32 v4, v29;
	s25 =	simm.s32 $0x1E00  }
0x7e9: {  	[tilespmem:s25], [sflag:$0x1] =	stream.indirect_vreg.gather [hbm4b:s1+s5], $0x80, v27, vm0, $0xb8;
	[tilespmem:$0x1DA00] =	vst v63  }
0x7ea: {  	v33 =	vperm.xlane v19, v14;
	v32 =	vadd.s32 v4, v31;
	s25 =	simm.s32 $0x1E80  }
0x7eb: {  	[tilespmem:s25], [sflag:$0x1] =	stream.indirect_vreg.gather [hbm4b:s1+s5], $0x80, v20, vm0, $0xb8;
	[tilespmem:$0x1DA00] =	vst v63  }
0x7ec: {  	v34 =	vperm.xlane v19, v15;
	v20 =	vadd.s32 v4, v33;
	s25 =	simm.s32 $0x1F00  }
0x7ed: {  	[tilespmem:s25], [sflag:$0x1] =	stream.indirect_vreg.gather [hbm4b:s1+s5], $0x80, v30, vm0, $0xb8;
	[tilespmem:$0x1DA00] =	vst v63  }
0x7ee: {  	v36 =	vperm.xlane v19, v16;
	v35 =	vadd.s32 v4, v34;
	s25 =	simm.s32 $0x1F80  }
0x7ef: {  	[tilespmem:s25], [sflag:$0x1] =	stream.indirect_vreg.gather [hbm4b:s1+s5], $0x80, v32, vm0, $0xb8;
	[tilespmem:$0x1DA00] =	vst v63  }
0x7f0: {  	v19 =	vperm.xlane v19, v17;
	v37 =	vadd.s32 v4, v36;
	s25 =	simm.s32 $0x2000  }
0x7f1: {  	[tilespmem:s25], [sflag:$0x1] =	stream.indirect_vreg.gather [hbm4b:s1+s5], $0x80, v20, vm0, $0xb8;
	[tilespmem:$0x1DA00] =	vst v63  }
0x7f2: {  	v19 =	vadd.s32 v4, v19;
	s25 =	simm.s32 $0x2080  }
0x7f3: {  	[tilespmem:s25], [sflag:$0x1] =	stream.indirect_vreg.gather [hbm4b:s1+s5], $0x80, v35, vm0, $0xb8;
	[tilespmem:$0x1DA00] =	vst v63  }
0x7f4: {  	s25 =	simm.s32 $0x2100  }
0x7f5: {  	[tilespmem:s25], [sflag:$0x1] =	stream.indirect_vreg.gather [hbm4b:s1+s5], $0x80, v37, vm0, $0xb8;
	[tilespmem:$0x1DA00] =	vst v63  }
0x7f6: {  	s25 =	simm.s32 $0x2180  }
0x7f7: {  	[tilespmem:s25], [sflag:$0x1] =	stream.indirect_vreg.gather [hbm4b:s1+s5], $0x80, v19, vm0, $0xb8;
	[tilespmem:$0x1DA00] =	vst v63  }
0x7f8: {  	v19 =	vld [tilespmem:$0x40];
	_ =	sdelay $0x4  }
0x7f9: {  	v20 =	vshll.u32 v19, $0x1  }
0x7fa: {  	v19 =	vand.u32 $0x7, v19;
	v20 =	vand.u32 $0xFFFFFFF0, v20  }
0x7fb: {  	v19 =	vor.u32 v19, v20  }
0x7fc: {  	v20 =	vperm.xlane v19, v3;
	_ =	sdelay $0x1  }
0x7fd: {  	v38 =	vperm.xlane v19, v2;
	v20 =	vadd.s32 v4, v20;
	_ =	sdelay $0x1  }
0x7fe: {  	v39 =	vperm.xlane v19, v5;
	v21 =	vadd.s32 v4, v38;
	_ =	sdelay $0x1  }
0x7ff: {  	s25 =	simm.s32 $0x2200;
	v40 =	vperm.xlane v19, v6;
	v22 =	vadd.s32 v4, v39  }
0x800: {  	[tilespmem:s25], [sflag:$0x1] =	stream.indirect_vreg.gather [hbm4b:s1+s5], $0x80, v20, vm0, $0xb8;
	[tilespmem:$0x1DA00] =	vst v63  }
0x801: {  	v41 =	vperm.xlane v19, v7;
	v20 =	vadd.s32 v4, v40;
	s25 =	simm.s32 $0x2280  }
0x802: {  	[tilespmem:s25], [sflag:$0x1] =	stream.indirect_vreg.gather [hbm4b:s1+s5], $0x80, v21, vm0, $0xb8;
	[tilespmem:$0x1DA00] =	vst v63  }
0x803: {  	v43 =	vperm.xlane v19, v8;
	v42 =	vadd.s32 v4, v41;
	s25 =	simm.s32 $0x2300  }
0x804: {  	[tilespmem:s25], [sflag:$0x1] =	stream.indirect_vreg.gather [hbm4b:s1+s5], $0x80, v22, vm0, $0xb8;
	[tilespmem:$0x1DA00] =	vst v63  }
0x805: {  	v45 =	vperm.xlane v19, v9;
	v44 =	vadd.s32 v4, v43;
	s25 =	simm.s32 $0x2380  }
0x806: {  	[tilespmem:s25], [sflag:$0x1] =	stream.indirect_vreg.gather [hbm4b:s1+s5], $0x80, v20, vm0, $0xb8;
	[tilespmem:$0x1DA00] =	vst v63  }
0x807: {  	v46 =	vperm.xlane v19, v1;
	v20 =	vadd.s32 v4, v45;
	s25 =	simm.s32 $0x2400  }
0x808: {  	[tilespmem:s25], [sflag:$0x1] =	stream.indirect_vreg.gather [hbm4b:s1+s5], $0x80, v42, vm0, $0xb8;
	[tilespmem:$0x1DA00] =	vst v63  }
0x809: {  	v48 =	vperm.xlane v19, v10;
	v47 =	vadd.s32 v4, v46;
	s25 =	simm.s32 $0x2480  }
0x80a: {  	[tilespmem:s25], [sflag:$0x1] =	stream.indirect_vreg.gather [hbm4b:s1+s5], $0x80, v44, vm0, $0xb8;
	[tilespmem:$0x1DA00] =	vst v63  }
0x80b: {  	v50 =	vperm.xlane v19, v11;
	v49 =	vadd.s32 v4, v48;
	s25 =	simm.s32 $0x2500  }
0x80c: {  	[tilespmem:s25], [sflag:$0x1] =	stream.indirect_vreg.gather [hbm4b:s1+s5], $0x80, v20, vm0, $0xb8;
	[tilespmem:$0x1DA00] =	vst v63  }
0x80d: {  	v51 =	vperm.xlane v19, v12;
	v20 =	vadd.s32 v4, v50;
	s25 =	simm.s32 $0x2580  }
0x80e: {  	[tilespmem:s25], [sflag:$0x1] =	stream.indirect_vreg.gather [hbm4b:s1+s5], $0x80, v47, vm0, $0xb8;
	[tilespmem:$0x1DA00] =	vst v63  }
0x80f: {  	v53 =	vperm.xlane v19, v13;
	v52 =	vadd.s32 v4, v51;
	s25 =	simm.s32 $0x2600  }
0x810: {  	[tilespmem:s25], [sflag:$0x1] =	stream.indirect_vreg.gather [hbm4b:s1+s5], $0x80, v49, vm0, $0xb8;
	[tilespmem:$0x1DA00] =	vst v63  }
0x811: {  	v55 =	vperm.xlane v19, v14;
	v54 =	vadd.s32 v4, v53;
	s25 =	simm.s32 $0x2680  }
0x812: {  	[tilespmem:s25], [sflag:$0x1] =	stream.indirect_vreg.gather [hbm4b:s1+s5], $0x80, v20, vm0, $0xb8;
	[tilespmem:$0x1DA00] =	vst v63  }
0x813: {  	v56 =	vperm.xlane v19, v15;
	v20 =	vadd.s32 v4, v55;
	s25 =	simm.s32 $0x2700  }
0x814: {  	[tilespmem:s25], [sflag:$0x1] =	stream.indirect_vreg.gather [hbm4b:s1+s5], $0x80, v52, vm0, $0xb8;
	[tilespmem:$0x1DA00] =	vst v63  }
0x815: {  	v58 =	vperm.xlane v19, v16;
	v57 =	vadd.s32 v4, v56;
	s25 =	simm.s32 $0x2780  }
0x816: {  	[tilespmem:s25], [sflag:$0x1] =	stream.indirect_vreg.gather [hbm4b:s1+s5], $0x80, v54, vm0, $0xb8;
	[tilespmem:$0x1DA00] =	vst v63  }
0x817: {  	v19 =	vperm.xlane v19, v17;
	v59 =	vadd.s32 v4, v58;
	s25 =	simm.s32 $0x2800  }
0x818: {  	[tilespmem:s25], [sflag:$0x1] =	stream.indirect_vreg.gather [hbm4b:s1+s5], $0x80, v20, vm0, $0xb8;
	[tilespmem:$0x1DA00] =	vst v63  }
0x819: {  	v19 =	vadd.s32 v4, v19;
	s25 =	simm.s32 $0x2880  }
0x81a: {  	[tilespmem:s25], [sflag:$0x1] =	stream.indirect_vreg.gather [hbm4b:s1+s5], $0x80, v57, vm0, $0xb8;
	[tilespmem:$0x1DA00] =	vst v63  }
0x81b: {  	s25 =	simm.s32 $0x2900  }
0x81c: {  	[tilespmem:s25], [sflag:$0x1] =	stream.indirect_vreg.gather [hbm4b:s1+s5], $0x80, v59, vm0, $0xb8;
	[tilespmem:$0x1DA00] =	vst v63  }
0x81d: {  	s25 =	simm.s32 $0x2980  }
0x81e: {  	[tilespmem:s25], [sflag:$0x1] =	stream.indirect_vreg.gather [hbm4b:s1+s5], $0x80, v19, vm0, $0xb8;
	[tilespmem:$0x1DA00] =	vst v63  }
0x81f: {  	v19 =	vld [tilespmem:$0x50];
	_ =	sdelay $0x4  }
0x820: {  	v20 =	vshll.u32 v19, $0x1  }
0x821: {  	v19 =	vand.u32 $0x7, v19;
	v20 =	vand.u32 $0xFFFFFFF0, v20  }
0x822: {  	v19 =	vor.u32 v19, v20  }
0x823: {  	v20 =	vperm.xlane v19, v3;
	_ =	sdelay $0x1  }
0x824: {  	v60 =	vperm.xlane v19, v2;
	v20 =	vadd.s32 v4, v20;
	_ =	sdelay $0x1  }
0x825: {  	v61 =	vperm.xlane v19, v5;
	v21 =	vadd.s32 v4, v60;
	_ =	sdelay $0x1  }
0x826: {  	s25 =	simm.s32 $0x2A00;
	v62 =	vperm.xlane v19, v6;
	v22 =	vadd.s32 v4, v61  }
0x827: {  	[tilespmem:s25], [sflag:$0x1] =	stream.indirect_vreg.gather [hbm4b:s1+s5], $0x80, v20, vm0, $0xb8;
	[tilespmem:$0x1DA00] =	vst v63  }
0x828: {  	v63 =	vperm.xlane v19, v7;
	v20 =	vadd.s32 v4, v62;
	s25 =	simm.s32 $0x2A80  }
0x829: {  	[tilespmem:s25], [sflag:$0x1] =	stream.indirect_vreg.gather [hbm4b:s1+s5], $0x80, v21, vm0, $0xb8;
	[tilespmem:$0x1DA00] =	vst v63  }
0x82a: {  	v25 =	vperm.xlane v19, v8;
	v24 =	vadd.s32 v4, v63;
	s25 =	simm.s32 $0x2B00  }
0x82b: {  	[tilespmem:s25], [sflag:$0x1] =	stream.indirect_vreg.gather [hbm4b:s1+s5], $0x80, v22, vm0, $0xb8;
	[tilespmem:$0x1DA00] =	vst v63  }
0x82c: {  	v27 =	vperm.xlane v19, v9;
	v26 =	vadd.s32 v4, v25;
	s25 =	simm.s32 $0x2B80  }
0x82d: {  	[tilespmem:s25], [sflag:$0x1] =	stream.indirect_vreg.gather [hbm4b:s1+s5], $0x80, v20, vm0, $0xb8;
	[tilespmem:$0x1DA00] =	vst v63  }
0x82e: {  	v28 =	vperm.xlane v19, v1;
	v20 =	vadd.s32 v4, v27;
	s25 =	simm.s32 $0x2C00  }
0x82f: {  	[tilespmem:s25], [sflag:$0x1] =	stream.indirect_vreg.gather [hbm4b:s1+s5], $0x80, v24, vm0, $0xb8;
	[tilespmem:$0x1DA00] =	vst v63  }
0x830: {  	v30 =	vperm.xlane v19, v10;
	v29 =	vadd.s32 v4, v28;
	s25 =	simm.s32 $0x2C80  }
0x831: {  	[tilespmem:s25], [sflag:$0x1] =	stream.indirect_vreg.gather [hbm4b:s1+s5], $0x80, v26, vm0, $0xb8;
	[tilespmem:$0x1DA00] =	vst v63  }
0x832: {  	v32 =	vperm.xlane v19, v11;
	v31 =	vadd.s32 v4, v30;
	s25 =	simm.s32 $0x2D00  }
0x833: {  	[tilespmem:s25], [sflag:$0x1] =	stream.indirect_vreg.gather [hbm4b:s1+s5], $0x80, v20, vm0, $0xb8;
	[tilespmem:$0x1DA00] =	vst v63  }
0x834: {  	v33 =	vperm.xlane v19, v12;
	v20 =	vadd.s32 v4, v32;
	s25 =	simm.s32 $0x2D80  }
0x835: {  	[tilespmem:s25], [sflag:$0x1] =	stream.indirect_vreg.gather [hbm4b:s1+s5], $0x80, v29, vm0, $0xb8;
	[tilespmem:$0x1DA00] =	vst v63  }
0x836: {  	v35 =	vperm.xlane v19, v13;
	v34 =	vadd.s32 v4, v33;
	s25 =	simm.s32 $0x2E00  }
0x837: {  	[tilespmem:s25], [sflag:$0x1] =	stream.indirect_vreg.gather [hbm4b:s1+s5], $0x80, v31, vm0, $0xb8;
	[tilespmem:$0x1DA00] =	vst v63  }
0x838: {  	v37 =	vperm.xlane v19, v14;
	v36 =	vadd.s32 v4, v35;
	s25 =	simm.s32 $0x2E80  }
0x839: {  	[tilespmem:s25], [sflag:$0x1] =	stream.indirect_vreg.gather [hbm4b:s1+s5], $0x80, v20, vm0, $0xb8;
	[tilespmem:$0x1DA00] =	vst v63  }
0x83a: {  	v38 =	vperm.xlane v19, v15;
	v20 =	vadd.s32 v4, v37;
	s25 =	simm.s32 $0x2F00  }
0x83b: {  	[tilespmem:s25], [sflag:$0x1] =	stream.indirect_vreg.gather [hbm4b:s1+s5], $0x80, v34, vm0, $0xb8;
	[tilespmem:$0x1DA00] =	vst v63  }
0x83c: {  	v40 =	vperm.xlane v19, v16;
	v39 =	vadd.s32 v4, v38;
	s25 =	simm.s32 $0x2F80  }
0x83d: {  	[tilespmem:s25], [sflag:$0x1] =	stream.indirect_vreg.gather [hbm4b:s1+s5], $0x80, v36, vm0, $0xb8;
	[tilespmem:$0x1DA00] =	vst v63  }
0x83e: {  	v19 =	vperm.xlane v19, v17;
	v41 =	vadd.s32 v4, v40;
	s25 =	simm.s32 $0x3000  }
0x83f: {  	[tilespmem:s25], [sflag:$0x1] =	stream.indirect_vreg.gather [hbm4b:s1+s5], $0x80, v20, vm0, $0xb8;
	[tilespmem:$0x1DA00] =	vst v63  }
0x840: {  	v19 =	vadd.s32 v4, v19;
	s25 =	simm.s32 $0x3080  }
0x841: {  	[tilespmem:s25], [sflag:$0x1] =	stream.indirect_vreg.gather [hbm4b:s1+s5], $0x80, v39, vm0, $0xb8;
	[tilespmem:$0x1DA00] =	vst v63  }
0x842: {  	s25 =	simm.s32 $0x3100  }
0x843: {  	[tilespmem:s25], [sflag:$0x1] =	stream.indirect_vreg.gather [hbm4b:s1+s5], $0x80, v41, vm0, $0xb8;
	[tilespmem:$0x1DA00] =	vst v63  }
0x844: {  	s25 =	simm.s32 $0x3180  }
0x845: {  	[tilespmem:s25], [sflag:$0x1] =	stream.indirect_vreg.gather [hbm4b:s1+s5], $0x80, v19, vm0, $0xb8;
	[tilespmem:$0x1DA00] =	vst v63  }
0x846: {  	v19 =	vld [tilespmem:$0x60];
	_ =	sdelay $0x4  }
0x847: {  	v20 =	vshll.u32 v19, $0x1  }
0x848: {  	v19 =	vand.u32 $0x7, v19;
	v20 =	vand.u32 $0xFFFFFFF0, v20  }
0x849: {  	v19 =	vor.u32 v19, v20  }
0x84a: {  	v20 =	vperm.xlane v19, v3;
	_ =	sdelay $0x1  }
0x84b: {  	v42 =	vperm.xlane v19, v2;
	v20 =	vadd.s32 v4, v20;
	_ =	sdelay $0x1  }
0x84c: {  	v43 =	vperm.xlane v19, v5;
	v21 =	vadd.s32 v4, v42;
	_ =	sdelay $0x1  }
0x84d: {  	s25 =	simm.s32 $0x3200;
	v44 =	vperm.xlane v19, v6;
	v22 =	vadd.s32 v4, v43  }
0x84e: {  	[tilespmem:s25], [sflag:$0x1] =	stream.indirect_vreg.gather [hbm4b:s1+s5], $0x80, v20, vm0, $0xb8;
	[tilespmem:$0x1DA00] =	vst v63  }
0x84f: {  	v45 =	vperm.xlane v19, v7;
	v20 =	vadd.s32 v4, v44;
	s25 =	simm.s32 $0x3280  }
0x850: {  	[tilespmem:s25], [sflag:$0x1] =	stream.indirect_vreg.gather [hbm4b:s1+s5], $0x80, v21, vm0, $0xb8;
	[tilespmem:$0x1DA00] =	vst v63  }
0x851: {  	v47 =	vperm.xlane v19, v8;
	v46 =	vadd.s32 v4, v45;
	s25 =	simm.s32 $0x3300  }
0x852: {  	[tilespmem:s25], [sflag:$0x1] =	stream.indirect_vreg.gather [hbm4b:s1+s5], $0x80, v22, vm0, $0xb8;
	[tilespmem:$0x1DA00] =	vst v63  }
0x853: {  	v49 =	vperm.xlane v19, v9;
	v48 =	vadd.s32 v4, v47;
	s25 =	simm.s32 $0x3380  }
0x854: {  	[tilespmem:s25], [sflag:$0x1] =	stream.indirect_vreg.gather [hbm4b:s1+s5], $0x80, v20, vm0, $0xb8;
	[tilespmem:$0x1DA00] =	vst v63  }
0x855: {  	v50 =	vperm.xlane v19, v1;
	v20 =	vadd.s32 v4, v49;
	s25 =	simm.s32 $0x3400  }
0x856: {  	[tilespmem:s25], [sflag:$0x1] =	stream.indirect_vreg.gather [hbm4b:s1+s5], $0x80, v46, vm0, $0xb8;
	[tilespmem:$0x1DA00] =	vst v63  }
0x857: {  	v52 =	vperm.xlane v19, v10;
	v51 =	vadd.s32 v4, v50;
	s25 =	simm.s32 $0x3480  }
0x858: {  	[tilespmem:s25], [sflag:$0x1] =	stream.indirect_vreg.gather [hbm4b:s1+s5], $0x80, v48, vm0, $0xb8;
	[tilespmem:$0x1DA00] =	vst v63  }
0x859: {  	v54 =	vperm.xlane v19, v11;
	v53 =	vadd.s32 v4, v52;
	s25 =	simm.s32 $0x3500  }
0x85a: {  	[tilespmem:s25], [sflag:$0x1] =	stream.indirect_vreg.gather [hbm4b:s1+s5], $0x80, v20, vm0, $0xb8;
	[tilespmem:$0x1DA00] =	vst v63  }
0x85b: {  	v55 =	vperm.xlane v19, v12;
	v20 =	vadd.s32 v4, v54;
	s25 =	simm.s32 $0x3580  }
0x85c: {  	[tilespmem:s25], [sflag:$0x1] =	stream.indirect_vreg.gather [hbm4b:s1+s5], $0x80, v51, vm0, $0xb8;
	[tilespmem:$0x1DA00] =	vst v63  }
0x85d: {  	v57 =	vperm.xlane v19, v13;
	v56 =	vadd.s32 v4, v55  }
0x85e: {  	[tilespmem:s0], [sflag:$0x1] =	stream.indirect_vreg.gather [hbm4b:s1+s5], $0x80, v53, vm0, $0xb8;
	[tilespmem:$0x1DA00] =	vst v63  }
0x85f: {  	v59 =	vperm.xlane v19, v14;
	v58 =	vadd.s32 v4, v57  }
0x860: {  	[tilespmem:s28], [sflag:$0x1] =	stream.indirect_vreg.gather [hbm4b:s1+s5], $0x80, v20, vm0, $0xb8;
	[tilespmem:$0x1DA00] =	vst v63  }
0x861: {  	v60 =	vperm.xlane v19, v15;
	v20 =	vadd.s32 v4, v59  }
0x862: {  	[tilespmem:s24], [sflag:$0x1] =	stream.indirect_vreg.gather [hbm4b:s1+s5], $0x80, v56, vm0, $0xb8;
	[tilespmem:$0x1DA00] =	vst v63  }
0x863: {  	v62 =	vperm.xlane v19, v16;
	v61 =	vadd.s32 v4, v60  }
0x864: {  	[tilespmem:s20], [sflag:$0x1] =	stream.indirect_vreg.gather [hbm4b:s1+s5], $0x80, v58, vm0, $0xb8;
	[tilespmem:$0x1DA00] =	vst v63  }
0x865: {  	v19 =	vperm.xlane v19, v17;
	v63 =	vadd.s32 v4, v62  }
0x866: {  	[tilespmem:s4], [sflag:$0x1] =	stream.indirect_vreg.gather [hbm4b:s1+s5], $0x80, v20, vm0, $0xb8;
	[tilespmem:$0x1DA00] =	vst v63  }
0x867: {  	v19 =	vadd.s32 v4, v19  }
0x868: {  	[tilespmem:s22], [sflag:$0x1] =	stream.indirect_vreg.gather [hbm4b:s1+s5], $0x80, v61, vm0, $0xb8;
	[tilespmem:$0x1DA00] =	vst v63  }
0x869: {  	_ = 	snop  }
0x86a: {  	[tilespmem:s30], [sflag:$0x1] =	stream.indirect_vreg.gather [hbm4b:s1+s5], $0x80, v63, vm0, $0xb8;
	[tilespmem:$0x1DA00] =	vst v63  }
0x86b: {  	_ = 	snop  }
0x86c: {  	[tilespmem:s8], [sflag:$0x1] =	stream.indirect_vreg.gather [hbm4b:s1+s5], $0x80, v19, vm0, $0xb8;
	[tilespmem:$0x1DA00] =	vst v63  }
0x86d: {  	p1 =	sne.s32 s7, $0xFFFFFFE0;
	_ =	swait.ge [sflag:s12], $0x3800  }
.Ltmp7:
0x86e: {  	[sflag:s12] =	ssyncset.done $0x0;
	(pc) =	sbr.rel @p1 .LBB2_7-.Ltmp7, $4  }
0x86f: {  	s13 =	sadd.s32 $0x5B0, s13;
	[sflag:s12] =	ssyncadd.s32 $0xFFFFC800  }
0x870: {  	[tilespmem:s21], [sflag:$0x4] =	stream.linear.gather [hbm4b:s13+s5], $0x80, $0x38;
	[tilespmem:$0x1DA00] =	vst v63  }
0x871: {  	s7 =	sadd.s32 $0x20, s7;
	s25 =	sadd.s32 $0x5B0, s14;
	s13 =	simm.s32 $0x3A80  }
0x872: {  	[tilespmem:s15], [sflag:$0x4] =	stream.linear.gather [hbm4b:s25+s5], $0x80, $0x38;
	[tilespmem:$0x1DA00] =	vst v63  }
0x873: {  	_ =	swait.ge [sflag:s16], $0x3800  }
0x874: {  	[sflag:s16] =	ssyncset.done $0x0  }
0x875: {  	[sflag:s16] =	ssyncadd.s32 $0xFFFFC800  }
0x876: {  	v19 =	vld [tilespmem:$0x80];
	_ =	sdelay $0x7  }
0x877: {  	[tilespmem:v19+s11+$0x0] =	vst.idx.add.f32.msk $0xffff, v18  }
0x878: {  	v19 =	vld [tilespmem:$0x90];
	_ =	sdelay $0x7  }
0x879: {  	[tilespmem:v19+s11+$0x0] =	vst.idx.add.f32.msk $0xffff, v18  }
0x87a: {  	v19 =	vld [tilespmem:$0xA0];
	_ =	sdelay $0x7  }
0x87b: {  	[tilespmem:v19+s11+$0x0] =	vst.idx.add.f32.msk $0xffff, v18  }
0x87c: {  	v19 =	vld [tilespmem:$0xB0];
	_ =	sdelay $0x7  }
0x87d: {  	[tilespmem:v19+s11+$0x0] =	vst.idx.add.f32.msk $0xffff, v18  }
0x87e: {  	v19 =	vld [tilespmem:$0xC0];
	_ =	sdelay $0x7  }
0x87f: {  	[tilespmem:v19+s11+$0x0] =	vst.idx.add.f32.msk $0xffff, v18  }
0x880: {  	v19 =	vld [tilespmem:$0xD0];
	_ =	sdelay $0x7  }
0x881: {  	[tilespmem:v19+s11+$0x0] =	vst.idx.add.f32.msk $0xffff, v18  }
0x882: {  	v19 =	vld [tilespmem:$0xE0];
	_ =	sdelay $0x7  }
0x883: {  	[tilespmem:v19+s11+$0x0] =	vst.idx.add.f32.msk $0xffff, v18  }
0x884: {  	[spmem:s2] =	stream.indirect.scatter.add.f32 [tilespmem:s29], [sflag:$0x5], $0x80, s31, s19, $0xb8;
	[tilespmem:$0x1DA00] =	vst v63  }
0x885: {  	_ =	swait.ge [sflag:s18], $0x80  }
0x886: {  	[sflag:s18] =	ssyncset.done $0x0  }
0x887: {  	[sflag:s18] =	ssyncadd.s32 $0xFFFFFF80  }
0x888: {  	_ =	swait.ge [sflag:s18], $0x80  }
0x889: {  	[sflag:s18] =	ssyncset.done $0x0  }
0x88a: {  	[sflag:s18] =	ssyncadd.s32 $0xFFFFFF80  }
0x88b: {  	v19 =	vld [tilespmem:$0x100];
	_ =	sdelay $0x4  }
0x88c: {  	v20 =	vshll.u32 v19, $0x1  }
0x88d: {  	v19 =	vand.u32 $0x7, v19;
	v20 =	vand.u32 $0xFFFFFFF0, v20  }
0x88e: {  	v19 =	vor.u32 v19, v20  }
0x88f: {  	v20 =	vperm.xlane v19, v3;
	_ =	sdelay $0x1  }
0x890: {  	v21 =	vperm.xlane v19, v2;
	v20 =	vadd.s32 v4, v20;
	_ =	sdelay $0x1  }
0x891: {  	v22 =	vperm.xlane v19, v5;
	v21 =	vadd.s32 v4, v21;
	_ =	sdelay $0x1  }
0x892: {  	v23 =	vperm.xlane v19, v6;
	v22 =	vadd.s32 v4, v22  }
0x893: {  	[tilespmem:s17], [sflag:$0x2] =	stream.indirect_vreg.gather [hbm4b:s1+s5], $0x80, v20, vm0, $0xb8;
	[tilespmem:$0x1DA00] =	vst v63  }
0x894: {  	v33 =	vperm.xlane v19, v7;
	v20 =	vadd.s32 v4, v23  }
0x895: {  	[tilespmem:s13], [sflag:$0x2] =	stream.indirect_vreg.gather [hbm4b:s1+s5], $0x80, v21, vm0, $0xb8;
	[tilespmem:$0x1DA00] =	vst v63  }
0x896: {  	s0 =	simm.s32 $0x3B00;
	v35 =	vperm.xlane v19, v8;
	v34 =	vadd.s32 v4, v33  }
0x897: {  	[tilespmem:s0], [sflag:$0x2] =	stream.indirect_vreg.gather [hbm4b:s1+s5], $0x80, v22, vm0, $0xb8;
	[tilespmem:$0x1DA00] =	vst v63  }
0x898: {  	s23 =	simm.s32 $0x3B80;
	v37 =	vperm.xlane v19, v9;
	v36 =	vadd.s32 v4, v35  }
0x899: {  	[tilespmem:s23], [sflag:$0x2] =	stream.indirect_vreg.gather [hbm4b:s1+s5], $0x80, v20, vm0, $0xb8;
	[tilespmem:$0x1DA00] =	vst v63  }
0x89a: {  	s24 =	simm.s32 $0x3C00;
	v38 =	vperm.xlane v19, v1;
	v20 =	vadd.s32 v4, v37  }
0x89b: {  	[tilespmem:s24], [sflag:$0x2] =	stream.indirect_vreg.gather [hbm4b:s1+s5], $0x80, v34, vm0, $0xb8;
	[tilespmem:$0x1DA00] =	vst v63  }
0x89c: {  	s25 =	simm.s32 $0x3C80;
	v40 =	vperm.xlane v19, v10;
	v39 =	vadd.s32 v4, v38  }
0x89d: {  	[tilespmem:s25], [sflag:$0x2] =	stream.indirect_vreg.gather [hbm4b:s1+s5], $0x80, v36, vm0, $0xb8;
	[tilespmem:$0x1DA00] =	vst v63  }
0x89e: {  	s28 =	simm.s32 $0x3D00;
	v42 =	vperm.xlane v19, v11;
	v41 =	vadd.s32 v4, v40  }
0x89f: {  	[tilespmem:s28], [sflag:$0x2] =	stream.indirect_vreg.gather [hbm4b:s1+s5], $0x80, v20, vm0, $0xb8;
	[tilespmem:$0x1DA00] =	vst v63  }
0x8a0: {  	s3 =	simm.s32 $0x3D80;
	v43 =	vperm.xlane v19, v12;
	v20 =	vadd.s32 v4, v42  }
0x8a1: {  	[tilespmem:s3], [sflag:$0x2] =	stream.indirect_vreg.gather [hbm4b:s1+s5], $0x80, v39, vm0, $0xb8;
	[tilespmem:$0x1DA00] =	vst v63  }
0x8a2: {  	s4 =	simm.s32 $0x3E00;
	v45 =	vperm.xlane v19, v13;
	v44 =	vadd.s32 v4, v43  }
0x8a3: {  	[tilespmem:s4], [sflag:$0x2] =	stream.indirect_vreg.gather [hbm4b:s1+s5], $0x80, v41, vm0, $0xb8;
	[tilespmem:$0x1DA00] =	vst v63  }
0x8a4: {  	s7 =	simm.s32 $0x3E80;
	v47 =	vperm.xlane v19, v14;
	v46 =	vadd.s32 v4, v45  }
0x8a5: {  	[tilespmem:s7], [sflag:$0x2] =	stream.indirect_vreg.gather [hbm4b:s1+s5], $0x80, v20, vm0, $0xb8;
	[tilespmem:$0x1DA00] =	vst v63  }
0x8a6: {  	s8 =	simm.s32 $0x3F00;
	v48 =	vperm.xlane v19, v15;
	v20 =	vadd.s32 v4, v47  }
0x8a7: {  	[tilespmem:s8], [sflag:$0x2] =	stream.indirect_vreg.gather [hbm4b:s1+s5], $0x80, v44, vm0, $0xb8;
	[tilespmem:$0x1DA00] =	vst v63  }
0x8a8: {  	v50 =	vperm.xlane v19, v16;
	v49 =	vadd.s32 v4, v48;
	s13 =	simm.s32 $0x3F80  }
0x8a9: {  	[tilespmem:s13], [sflag:$0x2] =	stream.indirect_vreg.gather [hbm4b:s1+s5], $0x80, v46, vm0, $0xb8;
	[tilespmem:$0x1DA00] =	vst v63  }
0x8aa: {  	s14 =	simm.s32 $0x4000;
	v19 =	vperm.xlane v19, v17;
	v51 =	vadd.s32 v4, v50  }
0x8ab: {  	[tilespmem:s14], [sflag:$0x2] =	stream.indirect_vreg.gather [hbm4b:s1+s5], $0x80, v20, vm0, $0xb8;
	[tilespmem:$0x1DA00] =	vst v63  }
0x8ac: {  	v19 =	vadd.s32 v4, v19;
	s17 =	simm.s32 $0x4080  }
0x8ad: {  	[tilespmem:s17], [sflag:$0x2] =	stream.indirect_vreg.gather [hbm4b:s1+s5], $0x80, v49, vm0, $0xb8;
	[tilespmem:$0x1DA00] =	vst v63  }
0x8ae: {  	s19 =	simm.s32 $0x4100  }
0x8af: {  	[tilespmem:s19], [sflag:$0x2] =	stream.indirect_vreg.gather [hbm4b:s1+s5], $0x80, v51, vm0, $0xb8;
	[tilespmem:$0x1DA00] =	vst v63  }
0x8b0: {  	s20 =	simm.s32 $0x4180  }
0x8b1: {  	[tilespmem:s20], [sflag:$0x2] =	stream.indirect_vreg.gather [hbm4b:s1+s5], $0x80, v19, vm0, $0xb8;
	[tilespmem:$0x1DA00] =	vst v63  }
0x8b2: {  	v19 =	vld [tilespmem:$0x110];
	_ =	sdelay $0x4  }
0x8b3: {  	v20 =	vshll.u32 v19, $0x1  }
0x8b4: {  	v19 =	vand.u32 $0x7, v19;
	v20 =	vand.u32 $0xFFFFFFF0, v20  }
0x8b5: {  	v19 =	vor.u32 v19, v20  }
0x8b6: {  	v20 =	vperm.xlane v19, v3;
	_ =	sdelay $0x1  }
0x8b7: {  	v52 =	vperm.xlane v19, v2;
	v20 =	vadd.s32 v4, v20;
	_ =	sdelay $0x1  }
0x8b8: {  	v53 =	vperm.xlane v19, v5;
	v21 =	vadd.s32 v4, v52;
	_ =	sdelay $0x1  }
0x8b9: {  	s21 =	simm.s32 $0x4200;
	v54 =	vperm.xlane v19, v6;
	v22 =	vadd.s32 v4, v53  }
0x8ba: {  	[tilespmem:s21], [sflag:$0x2] =	stream.indirect_vreg.gather [hbm4b:s1+s5], $0x80, v20, vm0, $0xb8;
	[tilespmem:$0x1DA00] =	vst v63  }
0x8bb: {  	s22 =	simm.s32 $0x4280;
	v55 =	vperm.xlane v19, v7;
	v20 =	vadd.s32 v4, v54  }
0x8bc: {  	[tilespmem:s22], [sflag:$0x2] =	stream.indirect_vreg.gather [hbm4b:s1+s5], $0x80, v21, vm0, $0xb8;
	[tilespmem:$0x1DA00] =	vst v63  }
0x8bd: {  	s23 =	simm.s32 $0x4300;
	v57 =	vperm.xlane v19, v8;
	v56 =	vadd.s32 v4, v55  }
0x8be: {  	[tilespmem:s23], [sflag:$0x2] =	stream.indirect_vreg.gather [hbm4b:s1+s5], $0x80, v22, vm0, $0xb8;
	[tilespmem:$0x1DA00] =	vst v63  }
0x8bf: {  	s24 =	simm.s32 $0x4380;
	v59 =	vperm.xlane v19, v9;
	v58 =	vadd.s32 v4, v57  }
0x8c0: {  	[tilespmem:s24], [sflag:$0x2] =	stream.indirect_vreg.gather [hbm4b:s1+s5], $0x80, v20, vm0, $0xb8;
	[tilespmem:$0x1DA00] =	vst v63  }
0x8c1: {  	s25 =	simm.s32 $0x4400;
	v60 =	vperm.xlane v19, v1;
	v20 =	vadd.s32 v4, v59  }
0x8c2: {  	[tilespmem:s25], [sflag:$0x2] =	stream.indirect_vreg.gather [hbm4b:s1+s5], $0x80, v56, vm0, $0xb8;
	[tilespmem:$0x1DA00] =	vst v63  }
0x8c3: {  	s28 =	simm.s32 $0x4480;
	v62 =	vperm.xlane v19, v10;
	v61 =	vadd.s32 v4, v60  }
0x8c4: {  	[tilespmem:s28], [sflag:$0x2] =	stream.indirect_vreg.gather [hbm4b:s1+s5], $0x80, v58, vm0, $0xb8;
	[tilespmem:$0x1DA00] =	vst v63  }
0x8c5: {  	s3 =	simm.s32 $0x4500;
	v24 =	vperm.xlane v19, v11;
	v63 =	vadd.s32 v4, v62  }
0x8c6: {  	[tilespmem:s3], [sflag:$0x2] =	stream.indirect_vreg.gather [hbm4b:s1+s5], $0x80, v20, vm0, $0xb8;
	[tilespmem:$0x1DA00] =	vst v63  }
0x8c7: {  	s4 =	simm.s32 $0x4580;
	v25 =	vperm.xlane v19, v12;
	v20 =	vadd.s32 v4, v24  }
0x8c8: {  	[tilespmem:s4], [sflag:$0x2] =	stream.indirect_vreg.gather [hbm4b:s1+s5], $0x80, v61, vm0, $0xb8;
	[tilespmem:$0x1DA00] =	vst v63  }
0x8c9: {  	s7 =	simm.s32 $0x4600;
	v27 =	vperm.xlane v19, v13;
	v26 =	vadd.s32 v4, v25  }
0x8ca: {  	[tilespmem:s7], [sflag:$0x2] =	stream.indirect_vreg.gather [hbm4b:s1+s5], $0x80, v63, vm0, $0xb8;
	[tilespmem:$0x1DA00] =	vst v63  }
0x8cb: {  	s8 =	simm.s32 $0x4680;
	v29 =	vperm.xlane v19, v14;
	v28 =	vadd.s32 v4, v27  }
0x8cc: {  	[tilespmem:s8], [sflag:$0x2] =	stream.indirect_vreg.gather [hbm4b:s1+s5], $0x80, v20, vm0, $0xb8;
	[tilespmem:$0x1DA00] =	vst v63  }
0x8cd: {  	s13 =	simm.s32 $0x4700;
	v30 =	vperm.xlane v19, v15;
	v20 =	vadd.s32 v4, v29  }
0x8ce: {  	[tilespmem:s13], [sflag:$0x2] =	stream.indirect_vreg.gather [hbm4b:s1+s5], $0x80, v26, vm0, $0xb8;
	[tilespmem:$0x1DA00] =	vst v63  }
0x8cf: {  	s14 =	simm.s32 $0x4780;
	v32 =	vperm.xlane v19, v16;
	v31 =	vadd.s32 v4, v30  }
0x8d0: {  	[tilespmem:s14], [sflag:$0x2] =	stream.indirect_vreg.gather [hbm4b:s1+s5], $0x80, v28, vm0, $0xb8;
	[tilespmem:$0x1DA00] =	vst v63  }
0x8d1: {  	s17 =	simm.s32 $0x4800;
	v19 =	vperm.xlane v19, v17;
	v33 =	vadd.s32 v4, v32  }
0x8d2: {  	[tilespmem:s17], [sflag:$0x2] =	stream.indirect_vreg.gather [hbm4b:s1+s5], $0x80, v20, vm0, $0xb8;
	[tilespmem:$0x1DA00] =	vst v63  }
0x8d3: {  	s19 =	simm.s32 $0x4880;
	v19 =	vadd.s32 v4, v19  }
0x8d4: {  	[tilespmem:s19], [sflag:$0x2] =	stream.indirect_vreg.gather [hbm4b:s1+s5], $0x80, v31, vm0, $0xb8;
	[tilespmem:$0x1DA00] =	vst v63  }
0x8d5: {  	s20 =	simm.s32 $0x4900  }
0x8d6: {  	[tilespmem:s20], [sflag:$0x2] =	stream.indirect_vreg.gather [hbm4b:s1+s5], $0x80, v33, vm0, $0xb8;
	[tilespmem:$0x1DA00] =	vst v63  }
0x8d7: {  	s21 =	simm.s32 $0x4980  }
0x8d8: {  	[tilespmem:s21], [sflag:$0x2] =	stream.indirect_vreg.gather [hbm4b:s1+s5], $0x80, v19, vm0, $0xb8;
	[tilespmem:$0x1DA00] =	vst v63  }
0x8d9: {  	v19 =	vld [tilespmem:$0x120];
	_ =	sdelay $0x4  }
0x8da: {  	v20 =	vshll.u32 v19, $0x1  }
0x8db: {  	v19 =	vand.u32 $0x7, v19;
	v20 =	vand.u32 $0xFFFFFFF0, v20  }
0x8dc: {  	v19 =	vor.u32 v19, v20  }
0x8dd: {  	v20 =	vperm.xlane v19, v3;
	_ =	sdelay $0x1  }
0x8de: {  	v34 =	vperm.xlane v19, v2;
	v20 =	vadd.s32 v4, v20;
	_ =	sdelay $0x1  }
0x8df: {  	v35 =	vperm.xlane v19, v5;
	v21 =	vadd.s32 v4, v34;
	_ =	sdelay $0x1  }
0x8e0: {  	s22 =	simm.s32 $0x4A00;
	v36 =	vperm.xlane v19, v6;
	v22 =	vadd.s32 v4, v35  }
0x8e1: {  	[tilespmem:s22], [sflag:$0x2] =	stream.indirect_vreg.gather [hbm4b:s1+s5], $0x80, v20, vm0, $0xb8;
	[tilespmem:$0x1DA00] =	vst v63  }
0x8e2: {  	s23 =	simm.s32 $0x4A80;
	v37 =	vperm.xlane v19, v7;
	v20 =	vadd.s32 v4, v36  }
0x8e3: {  	[tilespmem:s23], [sflag:$0x2] =	stream.indirect_vreg.gather [hbm4b:s1+s5], $0x80, v21, vm0, $0xb8;
	[tilespmem:$0x1DA00] =	vst v63  }
0x8e4: {  	s24 =	simm.s32 $0x4B00;
	v39 =	vperm.xlane v19, v8;
	v38 =	vadd.s32 v4, v37  }
0x8e5: {  	[tilespmem:s24], [sflag:$0x2] =	stream.indirect_vreg.gather [hbm4b:s1+s5], $0x80, v22, vm0, $0xb8;
	[tilespmem:$0x1DA00] =	vst v63  }
0x8e6: {  	s25 =	simm.s32 $0x4B80;
	v41 =	vperm.xlane v19, v9;
	v40 =	vadd.s32 v4, v39  }
0x8e7: {  	[tilespmem:s25], [sflag:$0x2] =	stream.indirect_vreg.gather [hbm4b:s1+s5], $0x80, v20, vm0, $0xb8;
	[tilespmem:$0x1DA00] =	vst v63  }
0x8e8: {  	s28 =	simm.s32 $0x4C00;
	v42 =	vperm.xlane v19, v1;
	v20 =	vadd.s32 v4, v41  }
0x8e9: {  	[tilespmem:s28], [sflag:$0x2] =	stream.indirect_vreg.gather [hbm4b:s1+s5], $0x80, v38, vm0, $0xb8;
	[tilespmem:$0x1DA00] =	vst v63  }
0x8ea: {  	s3 =	simm.s32 $0x4C80;
	v44 =	vperm.xlane v19, v10;
	v43 =	vadd.s32 v4, v42  }
0x8eb: {  	[tilespmem:s3], [sflag:$0x2] =	stream.indirect_vreg.gather [hbm4b:s1+s5], $0x80, v40, vm0, $0xb8;
	[tilespmem:$0x1DA00] =	vst v63  }
0x8ec: {  	s4 =	simm.s32 $0x4D00;
	v46 =	vperm.xlane v19, v11;
	v45 =	vadd.s32 v4, v44  }
0x8ed: {  	[tilespmem:s4], [sflag:$0x2] =	stream.indirect_vreg.gather [hbm4b:s1+s5], $0x80, v20, vm0, $0xb8;
	[tilespmem:$0x1DA00] =	vst v63  }
0x8ee: {  	s7 =	simm.s32 $0x4D80;
	v47 =	vperm.xlane v19, v12;
	v20 =	vadd.s32 v4, v46  }
0x8ef: {  	[tilespmem:s7], [sflag:$0x2] =	stream.indirect_vreg.gather [hbm4b:s1+s5], $0x80, v43, vm0, $0xb8;
	[tilespmem:$0x1DA00] =	vst v63  }
0x8f0: {  	s8 =	simm.s32 $0x4E00;
	v49 =	vperm.xlane v19, v13;
	v48 =	vadd.s32 v4, v47  }
0x8f1: {  	[tilespmem:s8], [sflag:$0x2] =	stream.indirect_vreg.gather [hbm4b:s1+s5], $0x80, v45, vm0, $0xb8;
	[tilespmem:$0x1DA00] =	vst v63  }
0x8f2: {  	s13 =	simm.s32 $0x4E80;
	v51 =	vperm.xlane v19, v14;
	v50 =	vadd.s32 v4, v49  }
0x8f3: {  	[tilespmem:s13], [sflag:$0x2] =	stream.indirect_vreg.gather [hbm4b:s1+s5], $0x80, v20, vm0, $0xb8;
	[tilespmem:$0x1DA00] =	vst v63  }
0x8f4: {  	s14 =	simm.s32 $0x4F00;
	v52 =	vperm.xlane v19, v15;
	v20 =	vadd.s32 v4, v51  }
0x8f5: {  	[tilespmem:s14], [sflag:$0x2] =	stream.indirect_vreg.gather [hbm4b:s1+s5], $0x80, v48, vm0, $0xb8;
	[tilespmem:$0x1DA00] =	vst v63  }
0x8f6: {  	s17 =	simm.s32 $0x4F80;
	v54 =	vperm.xlane v19, v16;
	v53 =	vadd.s32 v4, v52  }
0x8f7: {  	[tilespmem:s17], [sflag:$0x2] =	stream.indirect_vreg.gather [hbm4b:s1+s5], $0x80, v50, vm0, $0xb8;
	[tilespmem:$0x1DA00] =	vst v63  }
0x8f8: {  	s19 =	simm.s32 $0x5000;
	v19 =	vperm.xlane v19, v17;
	v55 =	vadd.s32 v4, v54  }
0x8f9: {  	[tilespmem:s19], [sflag:$0x2] =	stream.indirect_vreg.gather [hbm4b:s1+s5], $0x80, v20, vm0, $0xb8;
	[tilespmem:$0x1DA00] =	vst v63  }
0x8fa: {  	s20 =	simm.s32 $0x5080;
	v19 =	vadd.s32 v4, v19  }
0x8fb: {  	[tilespmem:s20], [sflag:$0x2] =	stream.indirect_vreg.gather [hbm4b:s1+s5], $0x80, v53, vm0, $0xb8;
	[tilespmem:$0x1DA00] =	vst v63  }
0x8fc: {  	s21 =	simm.s32 $0x5100  }
0x8fd: {  	[tilespmem:s21], [sflag:$0x2] =	stream.indirect_vreg.gather [hbm4b:s1+s5], $0x80, v55, vm0, $0xb8;
	[tilespmem:$0x1DA00] =	vst v63  }
0x8fe: {  	s22 =	simm.s32 $0x5180  }
0x8ff: {  	[tilespmem:s22], [sflag:$0x2] =	stream.indirect_vreg.gather [hbm4b:s1+s5], $0x80, v19, vm0, $0xb8;
	[tilespmem:$0x1DA00] =	vst v63  }
0x900: {  	v19 =	vld [tilespmem:$0x130];
	_ =	sdelay $0x4  }
0x901: {  	v20 =	vshll.u32 v19, $0x1  }
0x902: {  	v19 =	vand.u32 $0x7, v19;
	v20 =	vand.u32 $0xFFFFFFF0, v20  }
0x903: {  	v19 =	vor.u32 v19, v20  }
0x904: {  	v20 =	vperm.xlane v19, v3;
	_ =	sdelay $0x1  }
0x905: {  	v56 =	vperm.xlane v19, v2;
	v20 =	vadd.s32 v4, v20;
	_ =	sdelay $0x1  }
0x906: {  	v57 =	vperm.xlane v19, v5;
	v21 =	vadd.s32 v4, v56;
	_ =	sdelay $0x1  }
0x907: {  	s23 =	simm.s32 $0x5200;
	v58 =	vperm.xlane v19, v6;
	v22 =	vadd.s32 v4, v57  }
0x908: {  	[tilespmem:s23], [sflag:$0x2] =	stream.indirect_vreg.gather [hbm4b:s1+s5], $0x80, v20, vm0, $0xb8;
	[tilespmem:$0x1DA00] =	vst v63  }
0x909: {  	s24 =	simm.s32 $0x5280;
	v59 =	vperm.xlane v19, v7;
	v20 =	vadd.s32 v4, v58  }
0x90a: {  	[tilespmem:s24], [sflag:$0x2] =	stream.indirect_vreg.gather [hbm4b:s1+s5], $0x80, v21, vm0, $0xb8;
	[tilespmem:$0x1DA00] =	vst v63  }
0x90b: {  	s25 =	simm.s32 $0x5300;
	v61 =	vperm.xlane v19, v8;
	v60 =	vadd.s32 v4, v59  }
0x90c: {  	[tilespmem:s25], [sflag:$0x2] =	stream.indirect_vreg.gather [hbm4b:s1+s5], $0x80, v22, vm0, $0xb8;
	[tilespmem:$0x1DA00] =	vst v63  }
0x90d: {  	s28 =	simm.s32 $0x5380;
	v63 =	vperm.xlane v19, v9;
	v62 =	vadd.s32 v4, v61  }
0x90e: {  	[tilespmem:s28], [sflag:$0x2] =	stream.indirect_vreg.gather [hbm4b:s1+s5], $0x80, v20, vm0, $0xb8;
	[tilespmem:$0x1DA00] =	vst v63  }
0x90f: {  	s3 =	simm.s32 $0x5400;
	v24 =	vperm.xlane v19, v1;
	v20 =	vadd.s32 v4, v63  }
0x910: {  	[tilespmem:s3], [sflag:$0x2] =	stream.indirect_vreg.gather [hbm4b:s1+s5], $0x80, v60, vm0, $0xb8;
	[tilespmem:$0x1DA00] =	vst v63  }
0x911: {  	s4 =	simm.s32 $0x5480;
	v26 =	vperm.xlane v19, v10;
	v25 =	vadd.s32 v4, v24  }
0x912: {  	[tilespmem:s4], [sflag:$0x2] =	stream.indirect_vreg.gather [hbm4b:s1+s5], $0x80, v62, vm0, $0xb8;
	[tilespmem:$0x1DA00] =	vst v63  }
0x913: {  	s7 =	simm.s32 $0x5500;
	v28 =	vperm.xlane v19, v11;
	v27 =	vadd.s32 v4, v26  }
0x914: {  	[tilespmem:s7], [sflag:$0x2] =	stream.indirect_vreg.gather [hbm4b:s1+s5], $0x80, v20, vm0, $0xb8;
	[tilespmem:$0x1DA00] =	vst v63  }
0x915: {  	s8 =	simm.s32 $0x5580;
	v29 =	vperm.xlane v19, v12;
	v20 =	vadd.s32 v4, v28  }
0x916: {  	[tilespmem:s8], [sflag:$0x2] =	stream.indirect_vreg.gather [hbm4b:s1+s5], $0x80, v25, vm0, $0xb8;
	[tilespmem:$0x1DA00] =	vst v63  }
0x917: {  	s13 =	simm.s32 $0x5600;
	v31 =	vperm.xlane v19, v13;
	v30 =	vadd.s32 v4, v29  }
0x918: {  	[tilespmem:s13], [sflag:$0x2] =	stream.indirect_vreg.gather [hbm4b:s1+s5], $0x80, v27, vm0, $0xb8;
	[tilespmem:$0x1DA00] =	vst v63  }
0x919: {  	s14 =	simm.s32 $0x5680;
	v33 =	vperm.xlane v19, v14;
	v32 =	vadd.s32 v4, v31  }
0x91a: {  	[tilespmem:s14], [sflag:$0x2] =	stream.indirect_vreg.gather [hbm4b:s1+s5], $0x80, v20, vm0, $0xb8;
	[tilespmem:$0x1DA00] =	vst v63  }
0x91b: {  	s17 =	simm.s32 $0x5700;
	v34 =	vperm.xlane v19, v15;
	v20 =	vadd.s32 v4, v33  }
0x91c: {  	[tilespmem:s17], [sflag:$0x2] =	stream.indirect_vreg.gather [hbm4b:s1+s5], $0x80, v30, vm0, $0xb8;
	[tilespmem:$0x1DA00] =	vst v63  }
0x91d: {  	s19 =	simm.s32 $0x5780;
	v36 =	vperm.xlane v19, v16;
	v35 =	vadd.s32 v4, v34  }
0x91e: {  	[tilespmem:s19], [sflag:$0x2] =	stream.indirect_vreg.gather [hbm4b:s1+s5], $0x80, v32, vm0, $0xb8;
	[tilespmem:$0x1DA00] =	vst v63  }
0x91f: {  	s20 =	simm.s32 $0x5800;
	v19 =	vperm.xlane v19, v17;
	v37 =	vadd.s32 v4, v36  }
0x920: {  	[tilespmem:s20], [sflag:$0x2] =	stream.indirect_vreg.gather [hbm4b:s1+s5], $0x80, v20, vm0, $0xb8;
	[tilespmem:$0x1DA00] =	vst v63  }
0x921: {  	s21 =	simm.s32 $0x5880;
	v19 =	vadd.s32 v4, v19  }
0x922: {  	[tilespmem:s21], [sflag:$0x2] =	stream.indirect_vreg.gather [hbm4b:s1+s5], $0x80, v35, vm0, $0xb8;
	[tilespmem:$0x1DA00] =	vst v63  }
0x923: {  	s22 =	simm.s32 $0x5900  }
0x924: {  	[tilespmem:s22], [sflag:$0x2] =	stream.indirect_vreg.gather [hbm4b:s1+s5], $0x80, v37, vm0, $0xb8;
	[tilespmem:$0x1DA00] =	vst v63  }
0x925: {  	s23 =	simm.s32 $0x5980  }
0x926: {  	[tilespmem:s23], [sflag:$0x2] =	stream.indirect_vreg.gather [hbm4b:s1+s5], $0x80, v19, vm0, $0xb8;
	[tilespmem:$0x1DA00] =	vst v63  }
0x927: {  	v19 =	vld [tilespmem:$0x140];
	_ =	sdelay $0x4  }
0x928: {  	v20 =	vshll.u32 v19, $0x1  }
0x929: {  	v19 =	vand.u32 $0x7, v19;
	v20 =	vand.u32 $0xFFFFFFF0, v20  }
0x92a: {  	v19 =	vor.u32 v19, v20  }
0x92b: {  	v20 =	vperm.xlane v19, v3;
	_ =	sdelay $0x1  }
0x92c: {  	v38 =	vperm.xlane v19, v2;
	v20 =	vadd.s32 v4, v20;
	_ =	sdelay $0x1  }
0x92d: {  	v39 =	vperm.xlane v19, v5;
	v21 =	vadd.s32 v4, v38;
	_ =	sdelay $0x1  }
0x92e: {  	s24 =	simm.s32 $0x5A00;
	v40 =	vperm.xlane v19, v6;
	v22 =	vadd.s32 v4, v39  }
0x92f: {  	[tilespmem:s24], [sflag:$0x2] =	stream.indirect_vreg.gather [hbm4b:s1+s5], $0x80, v20, vm0, $0xb8;
	[tilespmem:$0x1DA00] =	vst v63  }
0x930: {  	s25 =	simm.s32 $0x5A80;
	v41 =	vperm.xlane v19, v7;
	v20 =	vadd.s32 v4, v40  }
0x931: {  	[tilespmem:s25], [sflag:$0x2] =	stream.indirect_vreg.gather [hbm4b:s1+s5], $0x80, v21, vm0, $0xb8;
	[tilespmem:$0x1DA00] =	vst v63  }
0x932: {  	s28 =	simm.s32 $0x5B00;
	v43 =	vperm.xlane v19, v8;
	v42 =	vadd.s32 v4, v41  }
0x933: {  	[tilespmem:s28], [sflag:$0x2] =	stream.indirect_vreg.gather [hbm4b:s1+s5], $0x80, v22, vm0, $0xb8;
	[tilespmem:$0x1DA00] =	vst v63  }
0x934: {  	s3 =	simm.s32 $0x5B80;
	v45 =	vperm.xlane v19, v9;
	v44 =	vadd.s32 v4, v43  }
0x935: {  	[tilespmem:s3], [sflag:$0x2] =	stream.indirect_vreg.gather [hbm4b:s1+s5], $0x80, v20, vm0, $0xb8;
	[tilespmem:$0x1DA00] =	vst v63  }
0x936: {  	s4 =	simm.s32 $0x5C00;
	v46 =	vperm.xlane v19, v1;
	v20 =	vadd.s32 v4, v45  }
0x937: {  	[tilespmem:s4], [sflag:$0x2] =	stream.indirect_vreg.gather [hbm4b:s1+s5], $0x80, v42, vm0, $0xb8;
	[tilespmem:$0x1DA00] =	vst v63  }
0x938: {  	s7 =	simm.s32 $0x5C80;
	v48 =	vperm.xlane v19, v10;
	v47 =	vadd.s32 v4, v46  }
0x939: {  	[tilespmem:s7], [sflag:$0x2] =	stream.indirect_vreg.gather [hbm4b:s1+s5], $0x80, v44, vm0, $0xb8;
	[tilespmem:$0x1DA00] =	vst v63  }
0x93a: {  	s8 =	simm.s32 $0x5D00;
	v50 =	vperm.xlane v19, v11;
	v49 =	vadd.s32 v4, v48  }
0x93b: {  	[tilespmem:s8], [sflag:$0x2] =	stream.indirect_vreg.gather [hbm4b:s1+s5], $0x80, v20, vm0, $0xb8;
	[tilespmem:$0x1DA00] =	vst v63  }
0x93c: {  	s13 =	simm.s32 $0x5D80;
	v51 =	vperm.xlane v19, v12;
	v20 =	vadd.s32 v4, v50  }
0x93d: {  	[tilespmem:s13], [sflag:$0x2] =	stream.indirect_vreg.gather [hbm4b:s1+s5], $0x80, v47, vm0, $0xb8;
	[tilespmem:$0x1DA00] =	vst v63  }
0x93e: {  	s14 =	simm.s32 $0x5E00;
	v53 =	vperm.xlane v19, v13;
	v52 =	vadd.s32 v4, v51  }
0x93f: {  	[tilespmem:s14], [sflag:$0x2] =	stream.indirect_vreg.gather [hbm4b:s1+s5], $0x80, v49, vm0, $0xb8;
	[tilespmem:$0x1DA00] =	vst v63  }
0x940: {  	s17 =	simm.s32 $0x5E80;
	v55 =	vperm.xlane v19, v14;
	v54 =	vadd.s32 v4, v53  }
0x941: {  	[tilespmem:s17], [sflag:$0x2] =	stream.indirect_vreg.gather [hbm4b:s1+s5], $0x80, v20, vm0, $0xb8;
	[tilespmem:$0x1DA00] =	vst v63  }
0x942: {  	s19 =	simm.s32 $0x5F00;
	v56 =	vperm.xlane v19, v15;
	v20 =	vadd.s32 v4, v55  }
0x943: {  	[tilespmem:s19], [sflag:$0x2] =	stream.indirect_vreg.gather [hbm4b:s1+s5], $0x80, v52, vm0, $0xb8;
	[tilespmem:$0x1DA00] =	vst v63  }
0x944: {  	s20 =	simm.s32 $0x5F80;
	v58 =	vperm.xlane v19, v16;
	v57 =	vadd.s32 v4, v56  }
0x945: {  	[tilespmem:s20], [sflag:$0x2] =	stream.indirect_vreg.gather [hbm4b:s1+s5], $0x80, v54, vm0, $0xb8;
	[tilespmem:$0x1DA00] =	vst v63  }
0x946: {  	s21 =	simm.s32 $0x6000;
	v19 =	vperm.xlane v19, v17;
	v59 =	vadd.s32 v4, v58  }
0x947: {  	[tilespmem:s21], [sflag:$0x2] =	stream.indirect_vreg.gather [hbm4b:s1+s5], $0x80, v20, vm0, $0xb8;
	[tilespmem:$0x1DA00] =	vst v63  }
0x948: {  	s22 =	simm.s32 $0x6080;
	v19 =	vadd.s32 v4, v19  }
0x949: {  	[tilespmem:s22], [sflag:$0x2] =	stream.indirect_vreg.gather [hbm4b:s1+s5], $0x80, v57, vm0, $0xb8;
	[tilespmem:$0x1DA00] =	vst v63  }
0x94a: {  	s23 =	simm.s32 $0x6100  }
0x94b: {  	[tilespmem:s23], [sflag:$0x2] =	stream.indirect_vreg.gather [hbm4b:s1+s5], $0x80, v59, vm0, $0xb8;
	[tilespmem:$0x1DA00] =	vst v63  }
0x94c: {  	s24 =	simm.s32 $0x6180  }
0x94d: {  	[tilespmem:s24], [sflag:$0x2] =	stream.indirect_vreg.gather [hbm4b:s1+s5], $0x80, v19, vm0, $0xb8;
	[tilespmem:$0x1DA00] =	vst v63  }
0x94e: {  	v19 =	vld [tilespmem:$0x150];
	_ =	sdelay $0x4  }
0x94f: {  	v20 =	vshll.u32 v19, $0x1  }
0x950: {  	v19 =	vand.u32 $0x7, v19;
	v20 =	vand.u32 $0xFFFFFFF0, v20  }
0x951: {  	v19 =	vor.u32 v19, v20  }
0x952: {  	v20 =	vperm.xlane v19, v3;
	_ =	sdelay $0x1  }
0x953: {  	v60 =	vperm.xlane v19, v2;
	v20 =	vadd.s32 v4, v20;
	_ =	sdelay $0x1  }
0x954: {  	v61 =	vperm.xlane v19, v5;
	v21 =	vadd.s32 v4, v60;
	_ =	sdelay $0x1  }
0x955: {  	s25 =	simm.s32 $0x6200;
	v62 =	vperm.xlane v19, v6;
	v22 =	vadd.s32 v4, v61  }
0x956: {  	[tilespmem:s25], [sflag:$0x2] =	stream.indirect_vreg.gather [hbm4b:s1+s5], $0x80, v20, vm0, $0xb8;
	[tilespmem:$0x1DA00] =	vst v63  }
0x957: {  	s28 =	simm.s32 $0x6280;
	v63 =	vperm.xlane v19, v7;
	v20 =	vadd.s32 v4, v62  }
0x958: {  	[tilespmem:s28], [sflag:$0x2] =	stream.indirect_vreg.gather [hbm4b:s1+s5], $0x80, v21, vm0, $0xb8;
	[tilespmem:$0x1DA00] =	vst v63  }
0x959: {  	s3 =	simm.s32 $0x6300;
	v25 =	vperm.xlane v19, v8;
	v24 =	vadd.s32 v4, v63  }
0x95a: {  	[tilespmem:s3], [sflag:$0x2] =	stream.indirect_vreg.gather [hbm4b:s1+s5], $0x80, v22, vm0, $0xb8;
	[tilespmem:$0x1DA00] =	vst v63  }
0x95b: {  	s4 =	simm.s32 $0x6380;
	v27 =	vperm.xlane v19, v9;
	v26 =	vadd.s32 v4, v25  }
0x95c: {  	[tilespmem:s4], [sflag:$0x2] =	stream.indirect_vreg.gather [hbm4b:s1+s5], $0x80, v20, vm0, $0xb8;
	[tilespmem:$0x1DA00] =	vst v63  }
0x95d: {  	s7 =	simm.s32 $0x6400;
	v28 =	vperm.xlane v19, v1;
	v20 =	vadd.s32 v4, v27  }
0x95e: {  	[tilespmem:s7], [sflag:$0x2] =	stream.indirect_vreg.gather [hbm4b:s1+s5], $0x80, v24, vm0, $0xb8;
	[tilespmem:$0x1DA00] =	vst v63  }
0x95f: {  	s8 =	simm.s32 $0x6480;
	v30 =	vperm.xlane v19, v10;
	v29 =	vadd.s32 v4, v28  }
0x960: {  	[tilespmem:s8], [sflag:$0x2] =	stream.indirect_vreg.gather [hbm4b:s1+s5], $0x80, v26, vm0, $0xb8;
	[tilespmem:$0x1DA00] =	vst v63  }
0x961: {  	s13 =	simm.s32 $0x6500;
	v32 =	vperm.xlane v19, v11;
	v31 =	vadd.s32 v4, v30  }
0x962: {  	[tilespmem:s13], [sflag:$0x2] =	stream.indirect_vreg.gather [hbm4b:s1+s5], $0x80, v20, vm0, $0xb8;
	[tilespmem:$0x1DA00] =	vst v63  }
0x963: {  	s14 =	simm.s32 $0x6580;
	v33 =	vperm.xlane v19, v12;
	v20 =	vadd.s32 v4, v32  }
0x964: {  	[tilespmem:s14], [sflag:$0x2] =	stream.indirect_vreg.gather [hbm4b:s1+s5], $0x80, v29, vm0, $0xb8;
	[tilespmem:$0x1DA00] =	vst v63  }
0x965: {  	s17 =	simm.s32 $0x6600;
	v35 =	vperm.xlane v19, v13;
	v34 =	vadd.s32 v4, v33  }
0x966: {  	[tilespmem:s17], [sflag:$0x2] =	stream.indirect_vreg.gather [hbm4b:s1+s5], $0x80, v31, vm0, $0xb8;
	[tilespmem:$0x1DA00] =	vst v63  }
0x967: {  	s19 =	simm.s32 $0x6680;
	v37 =	vperm.xlane v19, v14;
	v36 =	vadd.s32 v4, v35  }
0x968: {  	[tilespmem:s19], [sflag:$0x2] =	stream.indirect_vreg.gather [hbm4b:s1+s5], $0x80, v20, vm0, $0xb8;
	[tilespmem:$0x1DA00] =	vst v63  }
0x969: {  	s20 =	simm.s32 $0x6700;
	v38 =	vperm.xlane v19, v15;
	v20 =	vadd.s32 v4, v37  }
0x96a: {  	[tilespmem:s20], [sflag:$0x2] =	stream.indirect_vreg.gather [hbm4b:s1+s5], $0x80, v34, vm0, $0xb8;
	[tilespmem:$0x1DA00] =	vst v63  }
0x96b: {  	s21 =	simm.s32 $0x6780;
	v40 =	vperm.xlane v19, v16;
	v39 =	vadd.s32 v4, v38  }
0x96c: {  	[tilespmem:s21], [sflag:$0x2] =	stream.indirect_vreg.gather [hbm4b:s1+s5], $0x80, v36, vm0, $0xb8;
	[tilespmem:$0x1DA00] =	vst v63  }
0x96d: {  	s22 =	simm.s32 $0x6800;
	v19 =	vperm.xlane v19, v17;
	v41 =	vadd.s32 v4, v40  }
0x96e: {  	[tilespmem:s22], [sflag:$0x2] =	stream.indirect_vreg.gather [hbm4b:s1+s5], $0x80, v20, vm0, $0xb8;
	[tilespmem:$0x1DA00] =	vst v63  }
0x96f: {  	s23 =	simm.s32 $0x6880;
	v19 =	vadd.s32 v4, v19  }
0x970: {  	[tilespmem:s23], [sflag:$0x2] =	stream.indirect_vreg.gather [hbm4b:s1+s5], $0x80, v39, vm0, $0xb8;
	[tilespmem:$0x1DA00] =	vst v63  }
0x971: {  	s24 =	simm.s32 $0x6900  }
0x972: {  	[tilespmem:s24], [sflag:$0x2] =	stream.indirect_vreg.gather [hbm4b:s1+s5], $0x80, v41, vm0, $0xb8;
	[tilespmem:$0x1DA00] =	vst v63  }
0x973: {  	s25 =	simm.s32 $0x6980  }
0x974: {  	[tilespmem:s25], [sflag:$0x2] =	stream.indirect_vreg.gather [hbm4b:s1+s5], $0x80, v19, vm0, $0xb8;
	[tilespmem:$0x1DA00] =	vst v63  }
0x975: {  	v19 =	vld [tilespmem:$0x160];
	_ =	sdelay $0x4  }
0x976: {  	v20 =	vshll.u32 v19, $0x1  }
0x977: {  	v19 =	vand.u32 $0x7, v19;
	v20 =	vand.u32 $0xFFFFFFF0, v20  }
0x978: {  	v19 =	vor.u32 v19, v20  }
0x979: {  	v20 =	vperm.xlane v19, v3;
	_ =	sdelay $0x1  }
0x97a: {  	v42 =	vperm.xlane v19, v2;
	v20 =	vadd.s32 v4, v20;
	_ =	sdelay $0x1  }
0x97b: {  	v43 =	vperm.xlane v19, v5;
	v21 =	vadd.s32 v4, v42;
	_ =	sdelay $0x1  }
0x97c: {  	s28 =	simm.s32 $0x6A00;
	v44 =	vperm.xlane v19, v6;
	v22 =	vadd.s32 v4, v43  }
0x97d: {  	[tilespmem:s28], [sflag:$0x2] =	stream.indirect_vreg.gather [hbm4b:s1+s5], $0x80, v20, vm0, $0xb8;
	[tilespmem:$0x1DA00] =	vst v63  }
0x97e: {  	s3 =	simm.s32 $0x6A80;
	v45 =	vperm.xlane v19, v7;
	v20 =	vadd.s32 v4, v44  }
0x97f: {  	[tilespmem:s3], [sflag:$0x2] =	stream.indirect_vreg.gather [hbm4b:s1+s5], $0x80, v21, vm0, $0xb8;
	[tilespmem:$0x1DA00] =	vst v63  }
0x980: {  	s4 =	simm.s32 $0x6B00;
	v47 =	vperm.xlane v19, v8;
	v46 =	vadd.s32 v4, v45  }
0x981: {  	[tilespmem:s4], [sflag:$0x2] =	stream.indirect_vreg.gather [hbm4b:s1+s5], $0x80, v22, vm0, $0xb8;
	[tilespmem:$0x1DA00] =	vst v63  }
0x982: {  	s7 =	simm.s32 $0x6B80;
	v49 =	vperm.xlane v19, v9;
	v48 =	vadd.s32 v4, v47  }
0x983: {  	[tilespmem:s7], [sflag:$0x2] =	stream.indirect_vreg.gather [hbm4b:s1+s5], $0x80, v20, vm0, $0xb8;
	[tilespmem:$0x1DA00] =	vst v63  }
0x984: {  	s8 =	simm.s32 $0x6C00;
	v50 =	vperm.xlane v19, v1;
	v20 =	vadd.s32 v4, v49  }
0x985: {  	[tilespmem:s8], [sflag:$0x2] =	stream.indirect_vreg.gather [hbm4b:s1+s5], $0x80, v46, vm0, $0xb8;
	[tilespmem:$0x1DA00] =	vst v63  }
0x986: {  	s13 =	simm.s32 $0x6C80;
	v52 =	vperm.xlane v19, v10;
	v51 =	vadd.s32 v4, v50  }
0x987: {  	[tilespmem:s13], [sflag:$0x2] =	stream.indirect_vreg.gather [hbm4b:s1+s5], $0x80, v48, vm0, $0xb8;
	[tilespmem:$0x1DA00] =	vst v63  }
0x988: {  	s14 =	simm.s32 $0x6D00;
	v54 =	vperm.xlane v19, v11;
	v53 =	vadd.s32 v4, v52  }
0x989: {  	[tilespmem:s14], [sflag:$0x2] =	stream.indirect_vreg.gather [hbm4b:s1+s5], $0x80, v20, vm0, $0xb8;
	[tilespmem:$0x1DA00] =	vst v63  }
0x98a: {  	s17 =	simm.s32 $0x6D80;
	v55 =	vperm.xlane v19, v12;
	v20 =	vadd.s32 v4, v54  }
0x98b: {  	[tilespmem:s17], [sflag:$0x2] =	stream.indirect_vreg.gather [hbm4b:s1+s5], $0x80, v51, vm0, $0xb8;
	[tilespmem:$0x1DA00] =	vst v63  }
0x98c: {  	s19 =	simm.s32 $0x6E00;
	v57 =	vperm.xlane v19, v13;
	v56 =	vadd.s32 v4, v55  }
0x98d: {  	[tilespmem:s19], [sflag:$0x2] =	stream.indirect_vreg.gather [hbm4b:s1+s5], $0x80, v53, vm0, $0xb8;
	[tilespmem:$0x1DA00] =	vst v63  }
0x98e: {  	s20 =	simm.s32 $0x6E80;
	v59 =	vperm.xlane v19, v14;
	v58 =	vadd.s32 v4, v57  }
0x98f: {  	[tilespmem:s20], [sflag:$0x2] =	stream.indirect_vreg.gather [hbm4b:s1+s5], $0x80, v20, vm0, $0xb8;
	[tilespmem:$0x1DA00] =	vst v63  }
0x990: {  	s21 =	simm.s32 $0x6F00;
	v60 =	vperm.xlane v19, v15;
	v20 =	vadd.s32 v4, v59  }
0x991: {  	[tilespmem:s21], [sflag:$0x2] =	stream.indirect_vreg.gather [hbm4b:s1+s5], $0x80, v56, vm0, $0xb8;
	[tilespmem:$0x1DA00] =	vst v63  }
0x992: {  	s22 =	simm.s32 $0x6F80;
	v62 =	vperm.xlane v19, v16;
	v61 =	vadd.s32 v4, v60  }
0x993: {  	[tilespmem:s22], [sflag:$0x2] =	stream.indirect_vreg.gather [hbm4b:s1+s5], $0x80, v58, vm0, $0xb8;
	[tilespmem:$0x1DA00] =	vst v63  }
0x994: {  	s23 =	simm.s32 $0x7000;
	v19 =	vperm.xlane v19, v17;
	v63 =	vadd.s32 v4, v62  }
0x995: {  	[tilespmem:s23], [sflag:$0x2] =	stream.indirect_vreg.gather [hbm4b:s1+s5], $0x80, v20, vm0, $0xb8;
	[tilespmem:$0x1DA00] =	vst v63  }
0x996: {  	s24 =	simm.s32 $0x7080;
	v19 =	vadd.s32 v4, v19  }
0x997: {  	[tilespmem:s24], [sflag:$0x2] =	stream.indirect_vreg.gather [hbm4b:s1+s5], $0x80, v61, vm0, $0xb8;
	[tilespmem:$0x1DA00] =	vst v63  }
0x998: {  	s25 =	simm.s32 $0x7100  }
0x999: {  	[tilespmem:s25], [sflag:$0x2] =	stream.indirect_vreg.gather [hbm4b:s1+s5], $0x80, v63, vm0, $0xb8;
	[tilespmem:$0x1DA00] =	vst v63  }
0x99a: {  	s28 =	simm.s32 $0x7180  }
0x99b: {  	[tilespmem:s28], [sflag:$0x2] =	stream.indirect_vreg.gather [hbm4b:s1+s5], $0x80, v19, vm0, $0xb8;
	[tilespmem:$0x1DA00] =	vst v63  }
0x99c: {  	_ =	swait.ge [sflag:s9], $0x3800  }
0x99d: {  	[sflag:s9] =	ssyncset.done $0x0  }
.Ltmp8:
0x99e: {  	[sflag:s9] =	ssyncadd.s32 $0xFFFFC800;
	(pc) =	sbr.rel .LBB2_12-.Ltmp8, $4  }
0x99f: {  	_ =	swait.ge [sflag:s10], $0x3800  }
0x9a0: {  	s30 =	smov.u32 s2;
	[sflag:s10] =	ssyncset.done $0x0;
	s13 =	rddreg [dreg:$0x13]  }
0x9a1: {  	s31 =	simm.s32 $0x80;
	s19 =	rddreg [dreg:$0x1a];
	[sflag:s10] =	ssyncadd.s32 $0xFFFFC800  }
0x9a2: {  	s2 =	simm.s32 $0x3A00;
	s0 =	simm.s32 $0x70;
	s7 =	rddreg [dreg:$0x2]  }
.LBB2_13:
0x9a3: {  	_ =	sfence.sel $0x180000  }
0x9a4: {  	[bflag:$0x0] =	sbarrier.arrive $0xFFFF  }
0x9a5: {  	_ =	strace $0x90000047  }
0x9a6: {  	s0 =	stileid.u32;
	[bflag:$0x2] =	sbarrier.arrive $0xFFFF  }
0x9a7: {  	p0 =	sne.s32 s0, $0x0;
	s0 =	rddreg [dreg:$0x4]  }
0x9a8: {  	s0 =	sadd.s32 @!p0 $0x100000, s0  }
0x9a9: {  	[sflag:s0] =	ssyncadd.tile.s32 @!p0 $0x1;
	_ =	shalt  }
.Lfunc_end2:
_tile_overlayer_lowered:
.L_overlay_start_2:
0x9aa: {  	(tag) =	ssettag $0x2  }
0x9ab: {  	s0 =	rddreg [dreg:$0x0];
	s2 =	stileid.u32  }
0x9ac: {  	s1 =	rddreg [dreg:$0x1];
	p0 =	sne.s32 s2, $0x0  }
0x9ad: {  	s3 =	rddreg [dreg:$0x2];
	[bflag:$0x3] =	sbarrier.arrive $0xFFFF;
	s2 =	simm.s32 @!p0 $0x1C07  }
0x9ae: {  	[timem:s3], [sflag:s2] =	dma.local @!p0 [hbm:s0], s1  }
0x9af: {  	s0 =	simm.s32 @!p0 $0x7  }
0x9b0: {  	_ =	swait.ge @!p0 [sflag:s0], s1  }
0x9b1: {  	s1 =	ssub.s32 @!p0 $0x0, s1;
	[sflag:s0] =	ssyncset.done @!p0 $0x0  }
0x9b2: {  	[sflag:s0] =	ssyncadd.s32 @!p0 s1  }
0x9b3: {  	[bflag:$0x3] =	sbarrier.arrive $0xFFFF  }
0x9b4: {  	_ =	shalt  }

</sc_bundles>
